<compile_context>
chip_gen: v7x
topology: tpu7x:2x2x1
jax: 0.10.2.dev20260603
libtpu: 0.0.44.dev20260713+nightly
codegen_flags: <defaults>
</compile_context>

<pallas_src>
import functools

import jax
import jax.numpy as jnp
from jax import lax
from jax.experimental import pallas as pl
from jax.experimental.pallas import tpu as pltpu
from jax.experimental.pallas import tpu_sc as plsc

N = 320000
C = 128
S = 10000
NC = 2
NS = 16
NW = NC * NS
RPW = N // NW
R = 80
NCHUNK = RPW // R
NSLOT = 2
W = 144
TPS = S // NS
LANES = 16
_GTR_DNUMS = lax.GatherDimensionNumbers(
    offset_dims=(), collapsed_slice_dims=(0,), start_index_map=(0,))


def _phase1_body(pred_hbm, spx_hbm, out_hbm, table,
                 p0, p1, sbuf, i0, i1, is0, is1):
    P = [p0, p1]
    IB = [i0, i1]
    ISEM = [is0, is1]

    c_ax = lax.axis_index("c")
    s_ax = lax.axis_index("s")
    w = s_ax * NC + c_ax
    row0 = w * RPW

    zeros16 = jnp.zeros((LANES,), jnp.float32)
    ones16 = jnp.ones((LANES,), jnp.float32)
    iota16 = lax.iota(jnp.int32, LANES)
    cnt16 = jnp.where(iota16 == 0, 1.0, 0.0)
    bfly = [(iota16 ^ m)[:, None] for m in (8, 4, 2, 1)]

    def splat_sum(x):
        for idx in bfly:
            x = x + lax.gather(x, idx, _GTR_DNUMS, (1,),
                               mode=lax.GatherScatterMode.PROMISE_IN_BOUNDS)
        return x

    def zrow(i, carry):
        for j in range(W // LANES):
            sbuf[i, pl.ds(j * LANES, LANES)] = zeros16
        return carry

    lax.fori_loop(0, R, zrow, 0)
    for k in range(TPS // R):
        pltpu.sync_copy(sbuf, table.at[pl.ds(s_ax * TPS + k * R, R)])
    pltpu.sync_copy(sbuf.at[pl.ds(0, TPS % R)],
                    table.at[pl.ds(s_ax * TPS + (TPS // R) * R, TPS % R)])

    def crow(i, carry):
        sbuf[i, pl.ds(C, LANES)] = cnt16
        return carry

    lax.fori_loop(0, R, crow, 0)
    plsc.subcore_barrier()

    def start_in(ch, sl):
        base = row0 + ch * R
        pltpu.async_copy(pred_hbm.at[pl.ds(base, R)], P[sl], ISEM[sl])
        pltpu.async_copy(spx_hbm.at[pl.ds(base, R)], IB[sl], ISEM[sl])

    def wait_in(sl):
        pltpu.make_async_copy(pred_hbm.at[pl.ds(0, R)], P[sl], ISEM[sl]).wait()
        pltpu.make_async_copy(spx_hbm.at[pl.ds(0, R)], IB[sl], ISEM[sl]).wait()

    def compute(sl):
        pbuf = P[sl]

        def one_row(r):
            es = []
            acc = None
            for j in range(C // LANES):
                e = jnp.exp(pbuf[r, pl.ds(j * LANES, LANES)])
                es.append(e)
                acc = e if acc is None else acc + e
            inv = ones16 / splat_sum(acc)
            for j in range(C // LANES):
                sbuf[r, pl.ds(j * LANES, LANES)] = es[j] * inv

        @plsc.parallel_loop(0, R, unroll=8)
        def _rows(r):
            one_row(r)

    def scatter(sl):
        pltpu.sync_copy(sbuf, table.at[IB[sl]], add=True)

    start_in(0, 0)
    start_in(1, 1)
    for sl in range(2):
        wait_in(sl)
        compute(sl)
        scatter(sl)
        start_in(2 + sl, sl)

    def ring(k, carry):
        for sl in range(2):
            ch = 2 * k + sl
            wait_in(sl)
            compute(sl)
            scatter(sl)
            start_in(ch + 2, sl)
        return carry

    lax.fori_loop(1, (NCHUNK - 4) // 2 + 1, ring, 0)
    wait_in(0)
    compute(0)
    scatter(0)
    start_in(NCHUNK - 1, 0)
    wait_in(1)
    compute(1)
    scatter(1)
    wait_in(0)
    compute(0)
    scatter(0)

    plsc.subcore_barrier()
    pltpu.sync_copy(table.at[pl.ds(s_ax * TPS, TPS)],
                    out_hbm.at[c_ax, pl.ds(s_ax * TPS, TPS)])


_phase1 = functools.partial(
    pl.kernel,
    out_type=jax.ShapeDtypeStruct((NC, S, W), jnp.float32),
    mesh=plsc.VectorSubcoreMesh(core_axis_name="c", subcore_axis_name="s",
                                num_cores=NC, num_subcores=NS),
    scratch_types=(
        [pltpu.VMEM_SHARED((S, W), jnp.float32)]
        + [pltpu.VMEM((R, C), jnp.float32)] * NSLOT
        + [pltpu.VMEM((R, W), jnp.float32)]
        + [pltpu.VMEM((R,), jnp.int32)] * NSLOT
        + [pltpu.SemaphoreType.DMA] * NSLOT
    ),
    compiler_params=pltpu.CompilerParams(
        use_tc_tiling_on_sc=False, needs_layout_passes=False),
)(_phase1_body)


BS = 1000


def _phase2_body(t_ref, o_ref, acc_ref):
    i = pl.program_id(0)
    a = t_ref[0] + t_ref[1]
    sums = a[:, :C]
    cnt = a[:, C]
    present = cnt > 0.0
    safe = jnp.where(present, cnt, 1.0)
    avg = sums / safe[:, None]
    gini = 1.0 - jnp.sum(avg * avg, axis=1)
    pg = jnp.sum(jnp.where(present, gini, 0.0))
    pc = jnp.sum(jnp.where(present, 1.0, 0.0))

    @pl.when(i == 0)
    def _init():
        acc_ref[0] = pg
        acc_ref[1] = pc

    @pl.when(i > 0)
    def _accum():
        acc_ref[0] += pg
        acc_ref[1] += pc

    @pl.when(i == pl.num_programs(0) - 1)
    def _final():
        o_ref[0] = acc_ref[0] / acc_ref[1]


def _phase2(tables):
    return pl.pallas_call(
        _phase2_body,
        grid=(S // BS,),
        in_specs=[pl.BlockSpec((NC, BS, W), lambda i: (0, i, 0))],
        out_specs=pl.BlockSpec(memory_space=pltpu.SMEM),
        out_shape=jax.ShapeDtypeStruct((1,), jnp.float32),
        scratch_shapes=[pltpu.SMEM((2,), jnp.float32)],
    )(tables)


@jax.jit
def kernel(predictions, spxs):
    tables = _phase1(predictions, spxs)
    return _phase2(tables)[0]

# --- scband reference (transcript-rebuilt; emitter-appended) ---
"""Pipeline reference for scband-superpixel-loss-22728966930581 (READ-ONLY COPY).

The authoritative reference and input builder live on the scoring server;
editing this copy changes nothing except your own understanding.
"""

import jax, jax.numpy as jnp
import numpy as np

N = 320000
C = 128
NUM_SEG = 10000

def setup_inputs(seed: int = 0) -> dict:
    key = jax.random.key(seed)
    k1, k2 = jax.random.split(key)
    predictions = jax.random.normal(k1, (N, C), dtype=jnp.float32)
    spxs = jnp.sort(jax.random.randint(k2, (N,), 0, NUM_SEG, dtype=jnp.int32))
    return {"predictions": predictions, "spxs": spxs}

def reference(predictions, spxs):
    # softmax over classes
    pred = jax.nn.softmax(predictions, axis=1)
    # scatter-add predictions into per-superpixel accumulator of size NUM_SEG
    # (static upper bound on segment ids; rows beyond max(spxs) stay zero)
    seg_sum = jnp.zeros((NUM_SEG, pred.shape[1]), dtype=pred.dtype).at[spxs].add(pred)
    # unique segment ids + counts via fixed-shape histogram and presence mask
    counts = jnp.zeros((NUM_SEG,), dtype=jnp.int32).at[spxs].add(1)
    present = counts > 0
    safe_counts = jnp.where(present, counts, 1).astype(pred.dtype)
    spx_avg = seg_sum / safe_counts[:, None]
    gini = 1.0 - jnp.sum(spx_avg * spx_avg, axis=1)
    num_present = jnp.sum(present).astype(pred.dtype)
    return jnp.sum(jnp.where(present, gini, 0.0)) / num_present

if __name__ == "__main__":
    import jax
    _d = setup_inputs()
    print(jax.jit(kernel)(*tuple(_d.values())))

</pallas_src>

<mosaic_0001>
#map = affine_map<(d0, d1) -> (0, 0)>
#map1 = affine_map<(d0, d1) -> (0)>
#map2 = affine_map<(d0, d1) -> (0, 0, 0)>
module attributes {stable_mosaic.version = 14 : i64} {
  func.func @_phase1_body(%arg0: i32, %arg1: i32, %arg2: memref<320000x128xf32, #tpu.memory_space<hbm>>, %arg3: memref<320000xi32, #tpu.memory_space<hbm>>, %arg4: memref<2x10000x144xf32, #tpu.memory_space<hbm>>, %arg5: memref<10000x144xf32, #tpu.memory_space<vmem_shared>>, %arg6: memref<80x128xf32, #tpu.memory_space<vmem>>, %arg7: memref<80x128xf32, #tpu.memory_space<vmem>>, %arg8: memref<80x144xf32, #tpu.memory_space<vmem>>, %arg9: memref<80xi32, #tpu.memory_space<vmem>>, %arg10: memref<80xi32, #tpu.memory_space<vmem>>, %arg11: memref<!tpu.dma_semaphore, #tpu.memory_space<semaphore_mem>>, %arg12: memref<!tpu.dma_semaphore, #tpu.memory_space<semaphore_mem>>) attributes {dimension_semantics = [#tpu.dimension_semantics<core_parallel>, #tpu.dimension_semantics<subcore_parallel>], iteration_bounds = array<i64: 2, 16>, scalar_prefetch = 0 : i64, scratch_operands = 8 : i64, tpu.core_type = #tpu.core_type<sc_vector_subcore>, window_params = [{transform_indices = #map}, {transform_indices = #map1}, {transform_indices = #map2}]} {
    %mul3A = arith.constant 2 : i32
    %mul3A_0 = arith.muli %arg1, %mul3A : i32
    %add3A = arith.addi %mul3A_0, %arg0 : i32
    %mul3A_1 = arith.constant 10000 : i32
    %mul3A_2 = arith.muli %add3A, %mul3A_1 : i32
    %broadcast_in_dim3A = arith.constant 0.000000e+00 : f32
    %broadcast_in_dim3A_3 = vector.broadcast %broadcast_in_dim3A : f32 to vector<16xf32>
    %broadcast_in_dim3A_4 = arith.constant 1.000000e+00 : f32
    %broadcast_in_dim3A_5 = vector.broadcast %broadcast_in_dim3A_4 : f32 to vector<16xf32>
    %iota3A = tpu.iota {dimensions = array<i32: 0>} : vector<16xi32>
    %eq3A = arith.constant 0 : i32
    %eq3A_6 = vector.broadcast %eq3A : i32 to vector<16xi32>
    %eq3A_7 = arith.cmpi eq, %iota3A, %eq3A_6 : vector<16xi32>
    %jit3A = arith.constant 1.000000e+00 : f32
    %jit3A_8 = arith.constant 0.000000e+00 : f32
    %broadcast_in_dim3A_9 = vector.broadcast %jit3A : f32 to vector<16xf32>
    %broadcast_in_dim3A_10 = vector.broadcast %jit3A_8 : f32 to vector<16xf32>
    %select_n3A = arith.select %eq3A_7, %broadcast_in_dim3A_9, %broadcast_in_dim3A_10 : vector<16xi1>, vector<16xf32>
    %xor3A = arith.constant 8 : i32
    %xor3A_11 = vector.broadcast %xor3A : i32 to vector<16xi32>
    %xor3A_12 = arith.xori %iota3A, %xor3A_11 : vector<16xi32>
    %broadcast_in_dim3A_13 = vector.shape_cast %xor3A_12 : vector<16xi32> to vector<16x1xi32>
    %xor3A_14 = arith.constant 4 : i32
    %xor3A_15 = vector.broadcast %xor3A_14 : i32 to vector<16xi32>
    %xor3A_16 = arith.xori %iota3A, %xor3A_15 : vector<16xi32>
    %broadcast_in_dim3A_17 = vector.shape_cast %xor3A_16 : vector<16xi32> to vector<16x1xi32>
    %xor3A_18 = arith.constant 2 : i32
    %xor3A_19 = vector.broadcast %xor3A_18 : i32 to vector<16xi32>
    %xor3A_20 = arith.xori %iota3A, %xor3A_19 : vector<16xi32>
    %broadcast_in_dim3A_21 = vector.shape_cast %xor3A_20 : vector<16xi32> to vector<16x1xi32>
    %xor3A_22 = arith.constant 1 : i32
    %xor3A_23 = vector.broadcast %xor3A_22 : i32 to vector<16xi32>
    %xor3A_24 = arith.xori %iota3A, %xor3A_23 : vector<16xi32>
    %broadcast_in_dim3A_25 = vector.shape_cast %xor3A_24 : vector<16xi32> to vector<16x1xi32>
    %scan3A = arith.constant 0 : i32
    %scan3A_26 = arith.constant 0 : i32
    %scan3A_27 = arith.constant 80 : i32
    %scan3A_28 = arith.addi %scan3A_26, %scan3A_27 : i32
    %scan3A_29 = arith.constant 1 : i32
    scf.for %scan3A_182 = %scan3A_26 to %scan3A_28 step %scan3A_29  : i32 {
      %swap3A = arith.index_cast %scan3A_182 : i32 to index
      %swap3A_183 = arith.constant 0 : index
      %swap3A_184 = tpu.vector_load %arg8[%swap3A, %swap3A_183] {strides = array<i32>} : memref<80x144xf32, #tpu.memory_space<vmem>>, vector<16xf32>,
      tpu.vector_store %arg8[%swap3A, %swap3A_183], %broadcast_in_dim3A_3 {strides = array<i32>} : memref<80x144xf32, #tpu.memory_space<vmem>>, vector<16xf32>,
      %swap3A_185 = arith.index_cast %scan3A_182 : i32 to index
      %swap3A_186 = arith.constant 16 : index
      %swap3A_187 = tpu.vector_load %arg8[%swap3A_185, %swap3A_186] {strides = array<i32>} : memref<80x144xf32, #tpu.memory_space<vmem>>, vector<16xf32>,
      tpu.vector_store %arg8[%swap3A_185, %swap3A_186], %broadcast_in_dim3A_3 {strides = array<i32>} : memref<80x144xf32, #tpu.memory_space<vmem>>, vector<16xf32>,
      %swap3A_188 = arith.index_cast %scan3A_182 : i32 to index
      %swap3A_189 = arith.constant 32 : index
      %swap3A_190 = tpu.vector_load %arg8[%swap3A_188, %swap3A_189] {strides = array<i32>} : memref<80x144xf32, #tpu.memory_space<vmem>>, vector<16xf32>,
      tpu.vector_store %arg8[%swap3A_188, %swap3A_189], %broadcast_in_dim3A_3 {strides = array<i32>} : memref<80x144xf32, #tpu.memory_space<vmem>>, vector<16xf32>,
      %swap3A_191 = arith.index_cast %scan3A_182 : i32 to index
      %swap3A_192 = arith.constant 48 : index
      %swap3A_193 = tpu.vector_load %arg8[%swap3A_191, %swap3A_192] {strides = array<i32>} : memref<80x144xf32, #tpu.memory_space<vmem>>, vector<16xf32>,
      tpu.vector_store %arg8[%swap3A_191, %swap3A_192], %broadcast_in_dim3A_3 {strides = array<i32>} : memref<80x144xf32, #tpu.memory_space<vmem>>, vector<16xf32>,
      %swap3A_194 = arith.index_cast %scan3A_182 : i32 to index
      %swap3A_195 = arith.constant 64 : index
      %swap3A_196 = tpu.vector_load %arg8[%swap3A_194, %swap3A_195] {strides = array<i32>} : memref<80x144xf32, #tpu.memory_space<vmem>>, vector<16xf32>,
      tpu.vector_store %arg8[%swap3A_194, %swap3A_195], %broadcast_in_dim3A_3 {strides = array<i32>} : memref<80x144xf32, #tpu.memory_space<vmem>>, vector<16xf32>,
      %swap3A_197 = arith.index_cast %scan3A_182 : i32 to index
      %swap3A_198 = arith.constant 80 : index
      %swap3A_199 = tpu.vector_load %arg8[%swap3A_197, %swap3A_198] {strides = array<i32>} : memref<80x144xf32, #tpu.memory_space<vmem>>, vector<16xf32>,
      tpu.vector_store %arg8[%swap3A_197, %swap3A_198], %broadcast_in_dim3A_3 {strides = array<i32>} : memref<80x144xf32, #tpu.memory_space<vmem>>, vector<16xf32>,
      %swap3A_200 = arith.index_cast %scan3A_182 : i32 to index
      %swap3A_201 = arith.constant 96 : index
      %swap3A_202 = tpu.vector_load %arg8[%swap3A_200, %swap3A_201] {strides = array<i32>} : memref<80x144xf32, #tpu.memory_space<vmem>>, vector<16xf32>,
      tpu.vector_store %arg8[%swap3A_200, %swap3A_201], %broadcast_in_dim3A_3 {strides = array<i32>} : memref<80x144xf32, #tpu.memory_space<vmem>>, vector<16xf32>,
      %swap3A_203 = arith.index_cast %scan3A_182 : i32 to index
      %swap3A_204 = arith.constant 112 : index
      %swap3A_205 = tpu.vector_load %arg8[%swap3A_203, %swap3A_204] {strides = array<i32>} : memref<80x144xf32, #tpu.memory_space<vmem>>, vector<16xf32>,
      tpu.vector_store %arg8[%swap3A_203, %swap3A_204], %broadcast_in_dim3A_3 {strides = array<i32>} : memref<80x144xf32, #tpu.memory_space<vmem>>, vector<16xf32>,
      %swap3A_206 = arith.index_cast %scan3A_182 : i32 to index
      %swap3A_207 = arith.constant 128 : index
      %swap3A_208 = tpu.vector_load %arg8[%swap3A_206, %swap3A_207] {strides = array<i32>} : memref<80x144xf32, #tpu.memory_space<vmem>>, vector<16xf32>,
      tpu.vector_store %arg8[%swap3A_206, %swap3A_207], %broadcast_in_dim3A_3 {strides = array<i32>} : memref<80x144xf32, #tpu.memory_space<vmem>>, vector<16xf32>,
    }
    %scan3A_30 = arith.constant 80 : i32
    %mul3A_31 = arith.constant 625 : i32
    %mul3A_32 = arith.muli %arg1, %mul3A_31 : i32
    %add3A_33 = arith.constant 0 : i32
    %add3A_34 = arith.addi %mul3A_32, %add3A_33 : i32
    "tpu.region"() ({
      %run_scoped3A = tpu.sem_alloc : memref<!tpu.dma_semaphore, #tpu.memory_space<semaphore_mem>>
      %dma_start3A_182 = arith.constant 0 : i32
      %dma_start3A_183 = tpu.memref_slice %arg5[%add3A_34, %dma_start3A_182] : memref<10000x144xf32, #tpu.memory_space<vmem_shared>> -> memref<80x144xf32, #tpu.memory_space<vmem_shared>>
      %dma_start3A_184 = arith.constant 0 : i32
      %dma_start3A_185 = tpu.memref_slice %arg5[%add3A_34, %dma_start3A_184] : memref<10000x144xf32, #tpu.memory_space<vmem_shared>> -> memref<80x144xf32, #tpu.memory_space<vmem_shared>>
      tpu.enqueue_dma source(%arg8 : memref<80x144xf32, #tpu.memory_space<vmem>>) target(%dma_start3A_185 : memref<80x144xf32, #tpu.memory_space<vmem_shared>>) target_semaphore(%run_scoped3A : memref<!tpu.dma_semaphore, #tpu.memory_space<semaphore_mem>>)
      %dma_wait3A_186 = arith.constant 0 : i32
      %dma_wait3A_187 = tpu.memref_slice %arg5[%add3A_34, %dma_wait3A_186] : memref<10000x144xf32, #tpu.memory_space<vmem_shared>> -> memref<80x144xf32, #tpu.memory_space<vmem_shared>>
      %dma_wait3A_188 = arith.constant 0 : i32
      %dma_wait3A_189 = tpu.memref_slice %arg5[%add3A_34, %dma_wait3A_188] : memref<10000x144xf32, #tpu.memory_space<vmem_shared>> -> memref<80x144xf32, #tpu.memory_space<vmem_shared>>
      tpu.wait_dma2 semaphore(%run_scoped3A : memref<!tpu.dma_semaphore, #tpu.memory_space<semaphore_mem>>) src(%arg8 : memref<80x144xf32, #tpu.memory_space<vmem>>) dst(%dma_wait3A_189 : memref<80x144xf32, #tpu.memory_space<vmem_shared>>)
      tpu.yield
    }) : () -> ()
    %mul3A_35 = arith.constant 625 : i32
    %mul3A_36 = arith.muli %arg1, %mul3A_35 : i32
    %add3A_37 = arith.constant 80 : i32
    %add3A_38 = arith.addi %mul3A_36, %add3A_37 : i32
    "tpu.region"() ({
      %run_scoped3A = tpu.sem_alloc : memref<!tpu.dma_semaphore, #tpu.memory_space<semaphore_mem>>
      %dma_start3A_182 = arith.constant 0 : i32
      %dma_start3A_183 = tpu.memref_slice %arg5[%add3A_38, %dma_start3A_182] : memref<10000x144xf32, #tpu.memory_space<vmem_shared>> -> memref<80x144xf32, #tpu.memory_space<vmem_shared>>
      %dma_start3A_184 = arith.constant 0 : i32
      %dma_start3A_185 = tpu.memref_slice %arg5[%add3A_38, %dma_start3A_184] : memref<10000x144xf32, #tpu.memory_space<vmem_shared>> -> memref<80x144xf32, #tpu.memory_space<vmem_shared>>
      tpu.enqueue_dma source(%arg8 : memref<80x144xf32, #tpu.memory_space<vmem>>) target(%dma_start3A_185 : memref<80x144xf32, #tpu.memory_space<vmem_shared>>) target_semaphore(%run_scoped3A : memref<!tpu.dma_semaphore, #tpu.memory_space<semaphore_mem>>)
      %dma_wait3A_186 = arith.constant 0 : i32
      %dma_wait3A_187 = tpu.memref_slice %arg5[%add3A_38, %dma_wait3A_186] : memref<10000x144xf32, #tpu.memory_space<vmem_shared>> -> memref<80x144xf32, #tpu.memory_space<vmem_shared>>
      %dma_wait3A_188 = arith.constant 0 : i32
      %dma_wait3A_189 = tpu.memref_slice %arg5[%add3A_38, %dma_wait3A_188] : memref<10000x144xf32, #tpu.memory_space<vmem_shared>> -> memref<80x144xf32, #tpu.memory_space<vmem_shared>>
      tpu.wait_dma2 semaphore(%run_scoped3A : memref<!tpu.dma_semaphore, #tpu.memory_space<semaphore_mem>>) src(%arg8 : memref<80x144xf32, #tpu.memory_space<vmem>>) dst(%dma_wait3A_189 : memref<80x144xf32, #tpu.memory_space<vmem_shared>>)
      tpu.yield
    }) : () -> ()
    %mul3A_39 = arith.constant 625 : i32
    %mul3A_40 = arith.muli %arg1, %mul3A_39 : i32
    %add3A_41 = arith.constant 160 : i32
    %add3A_42 = arith.addi %mul3A_40, %add3A_41 : i32
    "tpu.region"() ({
      %run_scoped3A = tpu.sem_alloc : memref<!tpu.dma_semaphore, #tpu.memory_space<semaphore_mem>>
      %dma_start3A_182 = arith.constant 0 : i32
      %dma_start3A_183 = tpu.memref_slice %arg5[%add3A_42, %dma_start3A_182] : memref<10000x144xf32, #tpu.memory_space<vmem_shared>> -> memref<80x144xf32, #tpu.memory_space<vmem_shared>>
      %dma_start3A_184 = arith.constant 0 : i32
      %dma_start3A_185 = tpu.memref_slice %arg5[%add3A_42, %dma_start3A_184] : memref<10000x144xf32, #tpu.memory_space<vmem_shared>> -> memref<80x144xf32, #tpu.memory_space<vmem_shared>>
      tpu.enqueue_dma source(%arg8 : memref<80x144xf32, #tpu.memory_space<vmem>>) target(%dma_start3A_185 : memref<80x144xf32, #tpu.memory_space<vmem_shared>>) target_semaphore(%run_scoped3A : memref<!tpu.dma_semaphore, #tpu.memory_space<semaphore_mem>>)
      %dma_wait3A_186 = arith.constant 0 : i32
      %dma_wait3A_187 = tpu.memref_slice %arg5[%add3A_42, %dma_wait3A_186] : memref<10000x144xf32, #tpu.memory_space<vmem_shared>> -> memref<80x144xf32, #tpu.memory_space<vmem_shared>>
      %dma_wait3A_188 = arith.constant 0 : i32
      %dma_wait3A_189 = tpu.memref_slice %arg5[%add3A_42, %dma_wait3A_188] : memref<10000x144xf32, #tpu.memory_space<vmem_shared>> -> memref<80x144xf32, #tpu.memory_space<vmem_shared>>
      tpu.wait_dma2 semaphore(%run_scoped3A : memref<!tpu.dma_semaphore, #tpu.memory_space<semaphore_mem>>) src(%arg8 : memref<80x144xf32, #tpu.memory_space<vmem>>) dst(%dma_wait3A_189 : memref<80x144xf32, #tpu.memory_space<vmem_shared>>)
      tpu.yield
    }) : () -> ()
    %mul3A_43 = arith.constant 625 : i32
    %mul3A_44 = arith.muli %arg1, %mul3A_43 : i32
    %add3A_45 = arith.constant 240 : i32
    %add3A_46 = arith.addi %mul3A_44, %add3A_45 : i32
    "tpu.region"() ({
      %run_scoped3A = tpu.sem_alloc : memref<!tpu.dma_semaphore, #tpu.memory_space<semaphore_mem>>
      %dma_start3A_182 = arith.constant 0 : i32
      %dma_start3A_183 = tpu.memref_slice %arg5[%add3A_46, %dma_start3A_182] : memref<10000x144xf32, #tpu.memory_space<vmem_shared>> -> memref<80x144xf32, #tpu.memory_space<vmem_shared>>
      %dma_start3A_184 = arith.constant 0 : i32
      %dma_start3A_185 = tpu.memref_slice %arg5[%add3A_46, %dma_start3A_184] : memref<10000x144xf32, #tpu.memory_space<vmem_shared>> -> memref<80x144xf32, #tpu.memory_space<vmem_shared>>
      tpu.enqueue_dma source(%arg8 : memref<80x144xf32, #tpu.memory_space<vmem>>) target(%dma_start3A_185 : memref<80x144xf32, #tpu.memory_space<vmem_shared>>) target_semaphore(%run_scoped3A : memref<!tpu.dma_semaphore, #tpu.memory_space<semaphore_mem>>)
      %dma_wait3A_186 = arith.constant 0 : i32
      %dma_wait3A_187 = tpu.memref_slice %arg5[%add3A_46, %dma_wait3A_186] : memref<10000x144xf32, #tpu.memory_space<vmem_shared>> -> memref<80x144xf32, #tpu.memory_space<vmem_shared>>
      %dma_wait3A_188 = arith.constant 0 : i32
      %dma_wait3A_189 = tpu.memref_slice %arg5[%add3A_46, %dma_wait3A_188] : memref<10000x144xf32, #tpu.memory_space<vmem_shared>> -> memref<80x144xf32, #tpu.memory_space<vmem_shared>>
      tpu.wait_dma2 semaphore(%run_scoped3A : memref<!tpu.dma_semaphore, #tpu.memory_space<semaphore_mem>>) src(%arg8 : memref<80x144xf32, #tpu.memory_space<vmem>>) dst(%dma_wait3A_189 : memref<80x144xf32, #tpu.memory_space<vmem_shared>>)
      tpu.yield
    }) : () -> ()
    %mul3A_47 = arith.constant 625 : i32
    %mul3A_48 = arith.muli %arg1, %mul3A_47 : i32
    %add3A_49 = arith.constant 320 : i32
    %add3A_50 = arith.addi %mul3A_48, %add3A_49 : i32
    "tpu.region"() ({
      %run_scoped3A = tpu.sem_alloc : memref<!tpu.dma_semaphore, #tpu.memory_space<semaphore_mem>>
      %dma_start3A_182 = arith.constant 0 : i32
      %dma_start3A_183 = tpu.memref_slice %arg5[%add3A_50, %dma_start3A_182] : memref<10000x144xf32, #tpu.memory_space<vmem_shared>> -> memref<80x144xf32, #tpu.memory_space<vmem_shared>>
      %dma_start3A_184 = arith.constant 0 : i32
      %dma_start3A_185 = tpu.memref_slice %arg5[%add3A_50, %dma_start3A_184] : memref<10000x144xf32, #tpu.memory_space<vmem_shared>> -> memref<80x144xf32, #tpu.memory_space<vmem_shared>>
      tpu.enqueue_dma source(%arg8 : memref<80x144xf32, #tpu.memory_space<vmem>>) target(%dma_start3A_185 : memref<80x144xf32, #tpu.memory_space<vmem_shared>>) target_semaphore(%run_scoped3A : memref<!tpu.dma_semaphore, #tpu.memory_space<semaphore_mem>>)
      %dma_wait3A_186 = arith.constant 0 : i32
      %dma_wait3A_187 = tpu.memref_slice %arg5[%add3A_50, %dma_wait3A_186] : memref<10000x144xf32, #tpu.memory_space<vmem_shared>> -> memref<80x144xf32, #tpu.memory_space<vmem_shared>>
      %dma_wait3A_188 = arith.constant 0 : i32
      %dma_wait3A_189 = tpu.memref_slice %arg5[%add3A_50, %dma_wait3A_188] : memref<10000x144xf32, #tpu.memory_space<vmem_shared>> -> memref<80x144xf32, #tpu.memory_space<vmem_shared>>
      tpu.wait_dma2 semaphore(%run_scoped3A : memref<!tpu.dma_semaphore, #tpu.memory_space<semaphore_mem>>) src(%arg8 : memref<80x144xf32, #tpu.memory_space<vmem>>) dst(%dma_wait3A_189 : memref<80x144xf32, #tpu.memory_space<vmem_shared>>)
      tpu.yield
    }) : () -> ()
    %mul3A_51 = arith.constant 625 : i32
    %mul3A_52 = arith.muli %arg1, %mul3A_51 : i32
    %add3A_53 = arith.constant 400 : i32
    %add3A_54 = arith.addi %mul3A_52, %add3A_53 : i32
    "tpu.region"() ({
      %run_scoped3A = tpu.sem_alloc : memref<!tpu.dma_semaphore, #tpu.memory_space<semaphore_mem>>
      %dma_start3A_182 = arith.constant 0 : i32
      %dma_start3A_183 = tpu.memref_slice %arg5[%add3A_54, %dma_start3A_182] : memref<10000x144xf32, #tpu.memory_space<vmem_shared>> -> memref<80x144xf32, #tpu.memory_space<vmem_shared>>
      %dma_start3A_184 = arith.constant 0 : i32
      %dma_start3A_185 = tpu.memref_slice %arg5[%add3A_54, %dma_start3A_184] : memref<10000x144xf32, #tpu.memory_space<vmem_shared>> -> memref<80x144xf32, #tpu.memory_space<vmem_shared>>
      tpu.enqueue_dma source(%arg8 : memref<80x144xf32, #tpu.memory_space<vmem>>) target(%dma_start3A_185 : memref<80x144xf32, #tpu.memory_space<vmem_shared>>) target_semaphore(%run_scoped3A : memref<!tpu.dma_semaphore, #tpu.memory_space<semaphore_mem>>)
      %dma_wait3A_186 = arith.constant 0 : i32
      %dma_wait3A_187 = tpu.memref_slice %arg5[%add3A_54, %dma_wait3A_186] : memref<10000x144xf32, #tpu.memory_space<vmem_shared>> -> memref<80x144xf32, #tpu.memory_space<vmem_shared>>
      %dma_wait3A_188 = arith.constant 0 : i32
      %dma_wait3A_189 = tpu.memref_slice %arg5[%add3A_54, %dma_wait3A_188] : memref<10000x144xf32, #tpu.memory_space<vmem_shared>> -> memref<80x144xf32, #tpu.memory_space<vmem_shared>>
      tpu.wait_dma2 semaphore(%run_scoped3A : memref<!tpu.dma_semaphore, #tpu.memory_space<semaphore_mem>>) src(%arg8 : memref<80x144xf32, #tpu.memory_space<vmem>>) dst(%dma_wait3A_189 : memref<80x144xf32, #tpu.memory_space<vmem_shared>>)
      tpu.yield
    }) : () -> ()
    %mul3A_55 = arith.constant 625 : i32
    %mul3A_56 = arith.muli %arg1, %mul3A_55 : i32
    %add3A_57 = arith.constant 480 : i32
    %add3A_58 = arith.addi %mul3A_56, %add3A_57 : i32
    "tpu.region"() ({
      %run_scoped3A = tpu.sem_alloc : memref<!tpu.dma_semaphore, #tpu.memory_space<semaphore_mem>>
      %dma_start3A_182 = arith.constant 0 : i32
      %dma_start3A_183 = tpu.memref_slice %arg5[%add3A_58, %dma_start3A_182] : memref<10000x144xf32, #tpu.memory_space<vmem_shared>> -> memref<80x144xf32, #tpu.memory_space<vmem_shared>>
      %dma_start3A_184 = arith.constant 0 : i32
      %dma_start3A_185 = tpu.memref_slice %arg5[%add3A_58, %dma_start3A_184] : memref<10000x144xf32, #tpu.memory_space<vmem_shared>> -> memref<80x144xf32, #tpu.memory_space<vmem_shared>>
      tpu.enqueue_dma source(%arg8 : memref<80x144xf32, #tpu.memory_space<vmem>>) target(%dma_start3A_185 : memref<80x144xf32, #tpu.memory_space<vmem_shared>>) target_semaphore(%run_scoped3A : memref<!tpu.dma_semaphore, #tpu.memory_space<semaphore_mem>>)
      %dma_wait3A_186 = arith.constant 0 : i32
      %dma_wait3A_187 = tpu.memref_slice %arg5[%add3A_58, %dma_wait3A_186] : memref<10000x144xf32, #tpu.memory_space<vmem_shared>> -> memref<80x144xf32, #tpu.memory_space<vmem_shared>>
      %dma_wait3A_188 = arith.constant 0 : i32
      %dma_wait3A_189 = tpu.memref_slice %arg5[%add3A_58, %dma_wait3A_188] : memref<10000x144xf32, #tpu.memory_space<vmem_shared>> -> memref<80x144xf32, #tpu.memory_space<vmem_shared>>
      tpu.wait_dma2 semaphore(%run_scoped3A : memref<!tpu.dma_semaphore, #tpu.memory_space<semaphore_mem>>) src(%arg8 : memref<80x144xf32, #tpu.memory_space<vmem>>) dst(%dma_wait3A_189 : memref<80x144xf32, #tpu.memory_space<vmem_shared>>)
      tpu.yield
    }) : () -> ()
    %mul3A_59 = arith.constant 625 : i32
    %mul3A_60 = arith.muli %arg1, %mul3A_59 : i32
    %add3A_61 = arith.constant 560 : i32
    %add3A_62 = arith.addi %mul3A_60, %add3A_61 : i32
    "tpu.region"() ({
      %run_scoped3A = tpu.sem_alloc : memref<!tpu.dma_semaphore, #tpu.memory_space<semaphore_mem>>
      %dma_start3A_182 = arith.constant 0 : i32
      %dma_start3A_183 = arith.constant 0 : i32
      %dma_start3A_184 = tpu.memref_slice %arg8[%dma_start3A_182, %dma_start3A_183] : memref<80x144xf32, #tpu.memory_space<vmem>> -> memref<65x144xf32, #tpu.memory_space<vmem>>
      %dma_start3A_185 = arith.constant 0 : i32
      %dma_start3A_186 = tpu.memref_slice %arg5[%add3A_62, %dma_start3A_185] : memref<10000x144xf32, #tpu.memory_space<vmem_shared>> -> memref<65x144xf32, #tpu.memory_space<vmem_shared>>
      %dma_start3A_187 = arith.constant 0 : i32
      %dma_start3A_188 = tpu.memref_slice %arg5[%add3A_62, %dma_start3A_187] : memref<10000x144xf32, #tpu.memory_space<vmem_shared>> -> memref<65x144xf32, #tpu.memory_space<vmem_shared>>
      %dma_start3A_189 = arith.constant 0 : i32
      %dma_start3A_190 = arith.constant 0 : i32
      %dma_start3A_191 = tpu.memref_slice %arg8[%dma_start3A_189, %dma_start3A_190] : memref<80x144xf32, #tpu.memory_space<vmem>> -> memref<65x144xf32, #tpu.memory_space<vmem>>
      tpu.enqueue_dma source(%dma_start3A_191 : memref<65x144xf32, #tpu.memory_space<vmem>>) target(%dma_start3A_188 : memref<65x144xf32, #tpu.memory_space<vmem_shared>>) target_semaphore(%run_scoped3A : memref<!tpu.dma_semaphore, #tpu.memory_space<semaphore_mem>>)
      %dma_wait3A_192 = arith.constant 0 : i32
      %dma_wait3A_193 = arith.constant 0 : i32
      %dma_wait3A_194 = tpu.memref_slice %arg8[%dma_wait3A_192, %dma_wait3A_193] : memref<80x144xf32, #tpu.memory_space<vmem>> -> memref<65x144xf32, #tpu.memory_space<vmem>>
      %dma_wait3A_195 = arith.constant 0 : i32
      %dma_wait3A_196 = tpu.memref_slice %arg5[%add3A_62, %dma_wait3A_195] : memref<10000x144xf32, #tpu.memory_space<vmem_shared>> -> memref<65x144xf32, #tpu.memory_space<vmem_shared>>
      %dma_wait3A_197 = arith.constant 0 : i32
      %dma_wait3A_198 = tpu.memref_slice %arg5[%add3A_62, %dma_wait3A_197] : memref<10000x144xf32, #tpu.memory_space<vmem_shared>> -> memref<65x144xf32, #tpu.memory_space<vmem_shared>>
      %dma_wait3A_199 = arith.constant 0 : i32
      %dma_wait3A_200 = arith.constant 0 : i32
      %dma_wait3A_201 = tpu.memref_slice %arg8[%dma_wait3A_199, %dma_wait3A_200] : memref<80x144xf32, #tpu.memory_space<vmem>> -> memref<65x144xf32, #tpu.memory_space<vmem>>
      tpu.wait_dma2 semaphore(%run_scoped3A : memref<!tpu.dma_semaphore, #tpu.memory_space<semaphore_mem>>) src(%dma_wait3A_201 : memref<65x144xf32, #tpu.memory_space<vmem>>) dst(%dma_wait3A_198 : memref<65x144xf32, #tpu.memory_space<vmem_shared>>)
      tpu.yield
    }) : () -> ()
    %scan3A_63 = arith.constant 0 : i32
    %scan3A_64 = arith.constant 0 : i32
    %scan3A_65 = arith.constant 80 : i32
    %scan3A_66 = arith.addi %scan3A_64, %scan3A_65 : i32
    %scan3A_67 = arith.constant 1 : i32
    scf.for %scan3A_182 = %scan3A_64 to %scan3A_66 step %scan3A_67  : i32 {
      %swap3A = arith.index_cast %scan3A_182 : i32 to index
      %swap3A_183 = arith.constant 128 : index
      %swap3A_184 = tpu.vector_load %arg8[%swap3A, %swap3A_183] {strides = array<i32>} : memref<80x144xf32, #tpu.memory_space<vmem>>, vector<16xf32>,
      tpu.vector_store %arg8[%swap3A, %swap3A_183], %select_n3A {strides = array<i32>} : memref<80x144xf32, #tpu.memory_space<vmem>>, vector<16xf32>,
    }
    %scan3A_68 = arith.constant 80 : i32
    %barrier3A = arith.constant 0 : index
    tpu.barrier barrier_id(%barrier3A)
    %add3A_69 = arith.constant 0 : i32
    %add3A_70 = arith.addi %mul3A_2, %add3A_69 : i32
    %dma_start3A = arith.constant 0 : i32
    %dma_start3A_71 = tpu.memref_slice %arg2[%add3A_70, %dma_start3A] : memref<320000x128xf32, #tpu.memory_space<hbm>> -> memref<80x128xf32, #tpu.memory_space<hbm>>
    %dma_start3A_72 = arith.constant 0 : i32
    %dma_start3A_73 = tpu.memref_slice %arg2[%add3A_70, %dma_start3A_72] : memref<320000x128xf32, #tpu.memory_space<hbm>> -> memref<80x128xf32, #tpu.memory_space<hbm>>
    tpu.enqueue_dma source(%dma_start3A_73 : memref<80x128xf32, #tpu.memory_space<hbm>>) target(%arg6 : memref<80x128xf32, #tpu.memory_space<vmem>>) target_semaphore(%arg11 : memref<!tpu.dma_semaphore, #tpu.memory_space<semaphore_mem>>)
    %dma_start3A_74 = tpu.memref_slice %arg3[%add3A_70] : memref<320000xi32, #tpu.memory_space<hbm>> -> memref<80xi32, #tpu.memory_space<hbm>>
    %dma_start3A_75 = tpu.memref_slice %arg3[%add3A_70] : memref<320000xi32, #tpu.memory_space<hbm>> -> memref<80xi32, #tpu.memory_space<hbm>>
    tpu.enqueue_dma source(%dma_start3A_75 : memref<80xi32, #tpu.memory_space<hbm>>) target(%arg9 : memref<80xi32, #tpu.memory_space<vmem>>) target_semaphore(%arg11 : memref<!tpu.dma_semaphore, #tpu.memory_space<semaphore_mem>>)
    %add3A_76 = arith.constant 80 : i32
    %add3A_77 = arith.addi %mul3A_2, %add3A_76 : i32
    %dma_start3A_78 = arith.constant 0 : i32
    %dma_start3A_79 = tpu.memref_slice %arg2[%add3A_77, %dma_start3A_78] : memref<320000x128xf32, #tpu.memory_space<hbm>> -> memref<80x128xf32, #tpu.memory_space<hbm>>
    %dma_start3A_80 = arith.constant 0 : i32
    %dma_start3A_81 = tpu.memref_slice %arg2[%add3A_77, %dma_start3A_80] : memref<320000x128xf32, #tpu.memory_space<hbm>> -> memref<80x128xf32, #tpu.memory_space<hbm>>
    tpu.enqueue_dma source(%dma_start3A_81 : memref<80x128xf32, #tpu.memory_space<hbm>>) target(%arg7 : memref<80x128xf32, #tpu.memory_space<vmem>>) target_semaphore(%arg12 : memref<!tpu.dma_semaphore, #tpu.memory_space<semaphore_mem>>)
    %dma_start3A_82 = tpu.memref_slice %arg3[%add3A_77] : memref<320000xi32, #tpu.memory_space<hbm>> -> memref<80xi32, #tpu.memory_space<hbm>>
    %dma_start3A_83 = tpu.memref_slice %arg3[%add3A_77] : memref<320000xi32, #tpu.memory_space<hbm>> -> memref<80xi32, #tpu.memory_space<hbm>>
    tpu.enqueue_dma source(%dma_start3A_83 : memref<80xi32, #tpu.memory_space<hbm>>) target(%arg10 : memref<80xi32, #tpu.memory_space<vmem>>) target_semaphore(%arg12 : memref<!tpu.dma_semaphore, #tpu.memory_space<semaphore_mem>>)
    %dma_wait3A = arith.constant 0 : i32
    %dma_wait3A_84 = arith.constant 0 : i32
    %dma_wait3A_85 = tpu.memref_slice %arg2[%dma_wait3A, %dma_wait3A_84] : memref<320000x128xf32, #tpu.memory_space<hbm>> -> memref<80x128xf32, #tpu.memory_space<hbm>>
    %dma_wait3A_86 = arith.constant 0 : i32
    %dma_wait3A_87 = arith.constant 0 : i32
    %dma_wait3A_88 = tpu.memref_slice %arg2[%dma_wait3A_86, %dma_wait3A_87] : memref<320000x128xf32, #tpu.memory_space<hbm>> -> memref<80x128xf32, #tpu.memory_space<hbm>>
    tpu.wait_dma2 semaphore(%arg11 : memref<!tpu.dma_semaphore, #tpu.memory_space<semaphore_mem>>) src(%dma_wait3A_88 : memref<80x128xf32, #tpu.memory_space<hbm>>) dst(%arg6 : memref<80x128xf32, #tpu.memory_space<vmem>>)
    %dma_wait3A_89 = arith.constant 0 : i32
    %dma_wait3A_90 = tpu.memref_slice %arg3[%dma_wait3A_89] : memref<320000xi32, #tpu.memory_space<hbm>> -> memref<80xi32, #tpu.memory_space<hbm>>
    %dma_wait3A_91 = arith.constant 0 : i32
    %dma_wait3A_92 = tpu.memref_slice %arg3[%dma_wait3A_91] : memref<320000xi32, #tpu.memory_space<hbm>> -> memref<80xi32, #tpu.memory_space<hbm>>
    tpu.wait_dma2 semaphore(%arg11 : memref<!tpu.dma_semaphore, #tpu.memory_space<semaphore_mem>>) src(%dma_wait3A_92 : memref<80xi32, #tpu.memory_space<hbm>>) dst(%arg9 : memref<80xi32, #tpu.memory_space<vmem>>)
    %parallel_loop3A = arith.constant 0 : i32
    %parallel_loop3A_93 = arith.constant 80 : i32
    %parallel_loop3A_94 = arith.constant 1 : i32
    scf.for %parallel_loop3A_182 = %parallel_loop3A to %parallel_loop3A_93 step %parallel_loop3A_94  : i32 {
      %parallel_loop3A_183 = arith.index_cast %parallel_loop3A_182 : i32 to index
      %parallel_loop3A_184 = arith.constant 0 : index
      %parallel_loop3A_185 = tpu.vector_load %arg6[%parallel_loop3A_183, %parallel_loop3A_184] {strides = array<i32>} : memref<80x128xf32, #tpu.memory_space<vmem>>, vector<16xf32>,
      %parallel_loop3A_186 = math.exp %parallel_loop3A_185 : vector<16xf32>
      %parallel_loop3A_187 = arith.index_cast %parallel_loop3A_182 : i32 to index
      %parallel_loop3A_188 = arith.constant 16 : index
      %parallel_loop3A_189 = tpu.vector_load %arg6[%parallel_loop3A_187, %parallel_loop3A_188] {strides = array<i32>} : memref<80x128xf32, #tpu.memory_space<vmem>>, vector<16xf32>,
      %parallel_loop3A_190 = math.exp %parallel_loop3A_189 : vector<16xf32>
      %parallel_loop3A_191 = arith.addf %parallel_loop3A_186, %parallel_loop3A_190 : vector<16xf32>
      %parallel_loop3A_192 = arith.index_cast %parallel_loop3A_182 : i32 to index
      %parallel_loop3A_193 = arith.constant 32 : index
      %parallel_loop3A_194 = tpu.vector_load %arg6[%parallel_loop3A_192, %parallel_loop3A_193] {strides = array<i32>} : memref<80x128xf32, #tpu.memory_space<vmem>>, vector<16xf32>,
      %parallel_loop3A_195 = math.exp %parallel_loop3A_194 : vector<16xf32>
      %parallel_loop3A_196 = arith.addf %parallel_loop3A_191, %parallel_loop3A_195 : vector<16xf32>
      %parallel_loop3A_197 = arith.index_cast %parallel_loop3A_182 : i32 to index
      %parallel_loop3A_198 = arith.constant 48 : index
      %parallel_loop3A_199 = tpu.vector_load %arg6[%parallel_loop3A_197, %parallel_loop3A_198] {strides = array<i32>} : memref<80x128xf32, #tpu.memory_space<vmem>>, vector<16xf32>,
      %parallel_loop3A_200 = math.exp %parallel_loop3A_199 : vector<16xf32>
      %parallel_loop3A_201 = arith.addf %parallel_loop3A_196, %parallel_loop3A_200 : vector<16xf32>
      %parallel_loop3A_202 = arith.index_cast %parallel_loop3A_182 : i32 to index
      %parallel_loop3A_203 = arith.constant 64 : index
      %parallel_loop3A_204 = tpu.vector_load %arg6[%parallel_loop3A_202, %parallel_loop3A_203] {strides = array<i32>} : memref<80x128xf32, #tpu.memory_space<vmem>>, vector<16xf32>,
      %parallel_loop3A_205 = math.exp %parallel_loop3A_204 : vector<16xf32>
      %parallel_loop3A_206 = arith.addf %parallel_loop3A_201, %parallel_loop3A_205 : vector<16xf32>
      %parallel_loop3A_207 = arith.index_cast %parallel_loop3A_182 : i32 to index
      %parallel_loop3A_208 = arith.constant 80 : index
      %parallel_loop3A_209 = tpu.vector_load %arg6[%parallel_loop3A_207, %parallel_loop3A_208] {strides = array<i32>} : memref<80x128xf32, #tpu.memory_space<vmem>>, vector<16xf32>,
      %parallel_loop3A_210 = math.exp %parallel_loop3A_209 : vector<16xf32>
      %parallel_loop3A_211 = arith.addf %parallel_loop3A_206, %parallel_loop3A_210 : vector<16xf32>
      %parallel_loop3A_212 = arith.index_cast %parallel_loop3A_182 : i32 to index
      %parallel_loop3A_213 = arith.constant 96 : index
      %parallel_loop3A_214 = tpu.vector_load %arg6[%parallel_loop3A_212, %parallel_loop3A_213] {strides = array<i32>} : memref<80x128xf32, #tpu.memory_space<vmem>>, vector<16xf32>,
      %parallel_loop3A_215 = math.exp %parallel_loop3A_214 : vector<16xf32>
      %parallel_loop3A_216 = arith.addf %parallel_loop3A_211, %parallel_loop3A_215 : vector<16xf32>
      %parallel_loop3A_217 = arith.index_cast %parallel_loop3A_182 : i32 to index
      %parallel_loop3A_218 = arith.constant 112 : index
      %parallel_loop3A_219 = tpu.vector_load %arg6[%parallel_loop3A_217, %parallel_loop3A_218] {strides = array<i32>} : memref<80x128xf32, #tpu.memory_space<vmem>>, vector<16xf32>,
      %parallel_loop3A_220 = math.exp %parallel_loop3A_219 : vector<16xf32>
      %parallel_loop3A_221 = arith.addf %parallel_loop3A_216, %parallel_loop3A_220 : vector<16xf32>
      %parallel_loop3A_222 = vector.shape_cast %broadcast_in_dim3A_13 : vector<16x1xi32> to vector<16xi32>
      %parallel_loop3A_223 = tpu.dynamic_gather %parallel_loop3A_221[%parallel_loop3A_222] in [0] : vector<16xf32>, vector<16xi32> -> vector<16xf32>
      %parallel_loop3A_224 = arith.addf %parallel_loop3A_221, %parallel_loop3A_223 : vector<16xf32>
      %parallel_loop3A_225 = vector.shape_cast %broadcast_in_dim3A_17 : vector<16x1xi32> to vector<16xi32>
      %parallel_loop3A_226 = tpu.dynamic_gather %parallel_loop3A_224[%parallel_loop3A_225] in [0] : vector<16xf32>, vector<16xi32> -> vector<16xf32>
      %parallel_loop3A_227 = arith.addf %parallel_loop3A_224, %parallel_loop3A_226 : vector<16xf32>
      %parallel_loop3A_228 = vector.shape_cast %broadcast_in_dim3A_21 : vector<16x1xi32> to vector<16xi32>
      %parallel_loop3A_229 = tpu.dynamic_gather %parallel_loop3A_227[%parallel_loop3A_228] in [0] : vector<16xf32>, vector<16xi32> -> vector<16xf32>
      %parallel_loop3A_230 = arith.addf %parallel_loop3A_227, %parallel_loop3A_229 : vector<16xf32>
      %parallel_loop3A_231 = vector.shape_cast %broadcast_in_dim3A_25 : vector<16x1xi32> to vector<16xi32>
      %parallel_loop3A_232 = tpu.dynamic_gather %parallel_loop3A_230[%parallel_loop3A_231] in [0] : vector<16xf32>, vector<16xi32> -> vector<16xf32>
      %parallel_loop3A_233 = arith.addf %parallel_loop3A_230, %parallel_loop3A_232 : vector<16xf32>
      %parallel_loop3A_234 = arith.divf %broadcast_in_dim3A_5, %parallel_loop3A_233 : vector<16xf32>
      %parallel_loop3A_235 = arith.mulf %parallel_loop3A_186, %parallel_loop3A_234 : vector<16xf32>
      %parallel_loop3A_236 = arith.index_cast %parallel_loop3A_182 : i32 to index
      %parallel_loop3A_237 = arith.constant 0 : index
      %parallel_loop3A_238 = tpu.vector_load %arg8[%parallel_loop3A_236, %parallel_loop3A_237] {strides = array<i32>} : memref<80x144xf32, #tpu.memory_space<vmem>>, vector<16xf32>,
      tpu.vector_store %arg8[%parallel_loop3A_236, %parallel_loop3A_237], %parallel_loop3A_235 {strides = array<i32>} : memref<80x144xf32, #tpu.memory_space<vmem>>, vector<16xf32>,
      %parallel_loop3A_239 = arith.mulf %parallel_loop3A_190, %parallel_loop3A_234 : vector<16xf32>
      %parallel_loop3A_240 = arith.index_cast %parallel_loop3A_182 : i32 to index
      %parallel_loop3A_241 = arith.constant 16 : index
      %parallel_loop3A_242 = tpu.vector_load %arg8[%parallel_loop3A_240, %parallel_loop3A_241] {strides = array<i32>} : memref<80x144xf32, #tpu.memory_space<vmem>>, vector<16xf32>,
      tpu.vector_store %arg8[%parallel_loop3A_240, %parallel_loop3A_241], %parallel_loop3A_239 {strides = array<i32>} : memref<80x144xf32, #tpu.memory_space<vmem>>, vector<16xf32>,
      %parallel_loop3A_243 = arith.mulf %parallel_loop3A_195, %parallel_loop3A_234 : vector<16xf32>
      %parallel_loop3A_244 = arith.index_cast %parallel_loop3A_182 : i32 to index
      %parallel_loop3A_245 = arith.constant 32 : index
      %parallel_loop3A_246 = tpu.vector_load %arg8[%parallel_loop3A_244, %parallel_loop3A_245] {strides = array<i32>} : memref<80x144xf32, #tpu.memory_space<vmem>>, vector<16xf32>,
      tpu.vector_store %arg8[%parallel_loop3A_244, %parallel_loop3A_245], %parallel_loop3A_243 {strides = array<i32>} : memref<80x144xf32, #tpu.memory_space<vmem>>, vector<16xf32>,
      %parallel_loop3A_247 = arith.mulf %parallel_loop3A_200, %parallel_loop3A_234 : vector<16xf32>
      %parallel_loop3A_248 = arith.index_cast %parallel_loop3A_182 : i32 to index
      %parallel_loop3A_249 = arith.constant 48 : index
      %parallel_loop3A_250 = tpu.vector_load %arg8[%parallel_loop3A_248, %parallel_loop3A_249] {strides = array<i32>} : memref<80x144xf32, #tpu.memory_space<vmem>>, vector<16xf32>,
      tpu.vector_store %arg8[%parallel_loop3A_248, %parallel_loop3A_249], %parallel_loop3A_247 {strides = array<i32>} : memref<80x144xf32, #tpu.memory_space<vmem>>, vector<16xf32>,
      %parallel_loop3A_251 = arith.mulf %parallel_loop3A_205, %parallel_loop3A_234 : vector<16xf32>
      %parallel_loop3A_252 = arith.index_cast %parallel_loop3A_182 : i32 to index
      %parallel_loop3A_253 = arith.constant 64 : index
      %parallel_loop3A_254 = tpu.vector_load %arg8[%parallel_loop3A_252, %parallel_loop3A_253] {strides = array<i32>} : memref<80x144xf32, #tpu.memory_space<vmem>>, vector<16xf32>,
      tpu.vector_store %arg8[%parallel_loop3A_252, %parallel_loop3A_253], %parallel_loop3A_251 {strides = array<i32>} : memref<80x144xf32, #tpu.memory_space<vmem>>, vector<16xf32>,
      %parallel_loop3A_255 = arith.mulf %parallel_loop3A_210, %parallel_loop3A_234 : vector<16xf32>
      %parallel_loop3A_256 = arith.index_cast %parallel_loop3A_182 : i32 to index
      %parallel_loop3A_257 = arith.constant 80 : index
      %parallel_loop3A_258 = tpu.vector_load %arg8[%parallel_loop3A_256, %parallel_loop3A_257] {strides = array<i32>} : memref<80x144xf32, #tpu.memory_space<vmem>>, vector<16xf32>,
      tpu.vector_store %arg8[%parallel_loop3A_256, %parallel_loop3A_257], %parallel_loop3A_255 {strides = array<i32>} : memref<80x144xf32, #tpu.memory_space<vmem>>, vector<16xf32>,
      %parallel_loop3A_259 = arith.mulf %parallel_loop3A_215, %parallel_loop3A_234 : vector<16xf32>
      %parallel_loop3A_260 = arith.index_cast %parallel_loop3A_182 : i32 to index
      %parallel_loop3A_261 = arith.constant 96 : index
      %parallel_loop3A_262 = tpu.vector_load %arg8[%parallel_loop3A_260, %parallel_loop3A_261] {strides = array<i32>} : memref<80x144xf32, #tpu.memory_space<vmem>>, vector<16xf32>,
      tpu.vector_store %arg8[%parallel_loop3A_260, %parallel_loop3A_261], %parallel_loop3A_259 {strides = array<i32>} : memref<80x144xf32, #tpu.memory_space<vmem>>, vector<16xf32>,
      %parallel_loop3A_263 = arith.mulf %parallel_loop3A_220, %parallel_loop3A_234 : vector<16xf32>
      %parallel_loop3A_264 = arith.index_cast %parallel_loop3A_182 : i32 to index
      %parallel_loop3A_265 = arith.constant 112 : index
      %parallel_loop3A_266 = tpu.vector_load %arg8[%parallel_loop3A_264, %parallel_loop3A_265] {strides = array<i32>} : memref<80x144xf32, #tpu.memory_space<vmem>>, vector<16xf32>,
      tpu.vector_store %arg8[%parallel_loop3A_264, %parallel_loop3A_265], %parallel_loop3A_263 {strides = array<i32>} : memref<80x144xf32, #tpu.memory_space<vmem>>, vector<16xf32>,
    } {sc.loop_unroll_factor = 8 : i64, sc.parallel_access}
    "tpu.region"() ({
      %run_scoped3A = tpu.sem_alloc : memref<!tpu.dma_semaphore, #tpu.memory_space<semaphore_mem>>
      %dma_start3A_182 = arith.constant 0 : i32
      %dma_start3A_183 = arith.constant 0 : i32
      %dma_start3A_184 = tpu.memref_slice %arg5[%dma_start3A_182, %dma_start3A_183] : memref<10000x144xf32, #tpu.memory_space<vmem_shared>> -> memref<10000x144xf32, #tpu.memory_space<vmem_shared>>
      tpu.enqueue_indirect_dma source(%arg8 : memref<80x144xf32, #tpu.memory_space<vmem>>) target(%dma_start3A_184 : memref<10000x144xf32, #tpu.memory_space<vmem_shared>>) offsets(%arg9 : memref<80xi32, #tpu.memory_space<vmem>>) semaphore(%run_scoped3A : memref<!tpu.dma_semaphore, #tpu.memory_space<semaphore_mem>>) {add = true}
      %dma_wait3A_185 = arith.constant 0 : i32
      %dma_wait3A_186 = arith.constant 0 : i32
      %dma_wait3A_187 = tpu.memref_slice %arg5[%dma_wait3A_185, %dma_wait3A_186] : memref<10000x144xf32, #tpu.memory_space<vmem_shared>> -> memref<10000x144xf32, #tpu.memory_space<vmem_shared>>
      tpu.wait_indirect_dma semaphore(%run_scoped3A : memref<!tpu.dma_semaphore, #tpu.memory_space<semaphore_mem>>) src(%arg8 : memref<80x144xf32, #tpu.memory_space<vmem>>) dst(%dma_wait3A_187 : memref<10000x144xf32, #tpu.memory_space<vmem_shared>>)
      tpu.yield
    }) : () -> ()
    %add3A_95 = arith.constant 160 : i32
    %add3A_96 = arith.addi %mul3A_2, %add3A_95 : i32
    %dma_start3A_97 = arith.constant 0 : i32
    %dma_start3A_98 = tpu.memref_slice %arg2[%add3A_96, %dma_start3A_97] : memref<320000x128xf32, #tpu.memory_space<hbm>> -> memref<80x128xf32, #tpu.memory_space<hbm>>
    %dma_start3A_99 = arith.constant 0 : i32
    %dma_start3A_100 = tpu.memref_slice %arg2[%add3A_96, %dma_start3A_99] : memref<320000x128xf32, #tpu.memory_space<hbm>> -> memref<80x128xf32, #tpu.memory_space<hbm>>
    tpu.enqueue_dma source(%dma_start3A_100 : memref<80x128xf32, #tpu.memory_space<hbm>>) target(%arg6 : memref<80x128xf32, #tpu.memory_space<vmem>>) target_semaphore(%arg11 : memref<!tpu.dma_semaphore, #tpu.memory_space<semaphore_mem>>)
    %dma_start3A_101 = tpu.memref_slice %arg3[%add3A_96] : memref<320000xi32, #tpu.memory_space<hbm>> -> memref<80xi32, #tpu.memory_space<hbm>>
    %dma_start3A_102 = tpu.memref_slice %arg3[%add3A_96] : memref<320000xi32, #tpu.memory_space<hbm>> -> memref<80xi32, #tpu.memory_space<hbm>>
    tpu.enqueue_dma source(%dma_start3A_102 : memref<80xi32, #tpu.memory_space<hbm>>) target(%arg9 : memref<80xi32, #tpu.memory_space<vmem>>) target_semaphore(%arg11 : memref<!tpu.dma_semaphore, #tpu.memory_space<semaphore_mem>>)
    %dma_wait3A_103 = arith.constant 0 : i32
    %dma_wait3A_104 = arith.constant 0 : i32
    %dma_wait3A_105 = tpu.memref_slice %arg2[%dma_wait3A_103, %dma_wait3A_104] : memref<320000x128xf32, #tpu.memory_space<hbm>> -> memref<80x128xf32, #tpu.memory_space<hbm>>
    %dma_wait3A_106 = arith.constant 0 : i32
    %dma_wait3A_107 = arith.constant 0 : i32
    %dma_wait3A_108 = tpu.memref_slice %arg2[%dma_wait3A_106, %dma_wait3A_107] : memref<320000x128xf32, #tpu.memory_space<hbm>> -> memref<80x128xf32, #tpu.memory_space<hbm>>
    tpu.wait_dma2 semaphore(%arg12 : memref<!tpu.dma_semaphore, #tpu.memory_space<semaphore_mem>>) src(%dma_wait3A_108 : memref<80x128xf32, #tpu.memory_space<hbm>>) dst(%arg7 : memref<80x128xf32, #tpu.memory_space<vmem>>)
    %dma_wait3A_109 = arith.constant 0 : i32
    %dma_wait3A_110 = tpu.memref_slice %arg3[%dma_wait3A_109] : memref<320000xi32, #tpu.memory_space<hbm>> -> memref<80xi32, #tpu.memory_space<hbm>>
    %dma_wait3A_111 = arith.constant 0 : i32
    %dma_wait3A_112 = tpu.memref_slice %arg3[%dma_wait3A_111] : memref<320000xi32, #tpu.memory_space<hbm>> -> memref<80xi32, #tpu.memory_space<hbm>>
    tpu.wait_dma2 semaphore(%arg12 : memref<!tpu.dma_semaphore, #tpu.memory_space<semaphore_mem>>) src(%dma_wait3A_112 : memref<80xi32, #tpu.memory_space<hbm>>) dst(%arg10 : memref<80xi32, #tpu.memory_space<vmem>>)
    %parallel_loop3A_113 = arith.constant 0 : i32
    %parallel_loop3A_114 = arith.constant 80 : i32
    %parallel_loop3A_115 = arith.constant 1 : i32
    scf.for %parallel_loop3A_182 = %parallel_loop3A_113 to %parallel_loop3A_114 step %parallel_loop3A_115  : i32 {
      %parallel_loop3A_183 = arith.index_cast %parallel_loop3A_182 : i32 to index
      %parallel_loop3A_184 = arith.constant 0 : index
      %parallel_loop3A_185 = tpu.vector_load %arg7[%parallel_loop3A_183, %parallel_loop3A_184] {strides = array<i32>} : memref<80x128xf32, #tpu.memory_space<vmem>>, vector<16xf32>,
      %parallel_loop3A_186 = math.exp %parallel_loop3A_185 : vector<16xf32>
      %parallel_loop3A_187 = arith.index_cast %parallel_loop3A_182 : i32 to index
      %parallel_loop3A_188 = arith.constant 16 : index
      %parallel_loop3A_189 = tpu.vector_load %arg7[%parallel_loop3A_187, %parallel_loop3A_188] {strides = array<i32>} : memref<80x128xf32, #tpu.memory_space<vmem>>, vector<16xf32>,
      %parallel_loop3A_190 = math.exp %parallel_loop3A_189 : vector<16xf32>
      %parallel_loop3A_191 = arith.addf %parallel_loop3A_186, %parallel_loop3A_190 : vector<16xf32>
      %parallel_loop3A_192 = arith.index_cast %parallel_loop3A_182 : i32 to index
      %parallel_loop3A_193 = arith.constant 32 : index
      %parallel_loop3A_194 = tpu.vector_load %arg7[%parallel_loop3A_192, %parallel_loop3A_193] {strides = array<i32>} : memref<80x128xf32, #tpu.memory_space<vmem>>, vector<16xf32>,
      %parallel_loop3A_195 = math.exp %parallel_loop3A_194 : vector<16xf32>
      %parallel_loop3A_196 = arith.addf %parallel_loop3A_191, %parallel_loop3A_195 : vector<16xf32>
      %parallel_loop3A_197 = arith.index_cast %parallel_loop3A_182 : i32 to index
      %parallel_loop3A_198 = arith.constant 48 : index
      %parallel_loop3A_199 = tpu.vector_load %arg7[%parallel_loop3A_197, %parallel_loop3A_198] {strides = array<i32>} : memref<80x128xf32, #tpu.memory_space<vmem>>, vector<16xf32>,
      %parallel_loop3A_200 = math.exp %parallel_loop3A_199 : vector<16xf32>
      %parallel_loop3A_201 = arith.addf %parallel_loop3A_196, %parallel_loop3A_200 : vector<16xf32>
      %parallel_loop3A_202 = arith.index_cast %parallel_loop3A_182 : i32 to index
      %parallel_loop3A_203 = arith.constant 64 : index
      %parallel_loop3A_204 = tpu.vector_load %arg7[%parallel_loop3A_202, %parallel_loop3A_203] {strides = array<i32>} : memref<80x128xf32, #tpu.memory_space<vmem>>, vector<16xf32>,
      %parallel_loop3A_205 = math.exp %parallel_loop3A_204 : vector<16xf32>
      %parallel_loop3A_206 = arith.addf %parallel_loop3A_201, %parallel_loop3A_205 : vector<16xf32>
      %parallel_loop3A_207 = arith.index_cast %parallel_loop3A_182 : i32 to index
      %parallel_loop3A_208 = arith.constant 80 : index
      %parallel_loop3A_209 = tpu.vector_load %arg7[%parallel_loop3A_207, %parallel_loop3A_208] {strides = array<i32>} : memref<80x128xf32, #tpu.memory_space<vmem>>, vector<16xf32>,
      %parallel_loop3A_210 = math.exp %parallel_loop3A_209 : vector<16xf32>
      %parallel_loop3A_211 = arith.addf %parallel_loop3A_206, %parallel_loop3A_210 : vector<16xf32>
      %parallel_loop3A_212 = arith.index_cast %parallel_loop3A_182 : i32 to index
      %parallel_loop3A_213 = arith.constant 96 : index
      %parallel_loop3A_214 = tpu.vector_load %arg7[%parallel_loop3A_212, %parallel_loop3A_213] {strides = array<i32>} : memref<80x128xf32, #tpu.memory_space<vmem>>, vector<16xf32>,
      %parallel_loop3A_215 = math.exp %parallel_loop3A_214 : vector<16xf32>
      %parallel_loop3A_216 = arith.addf %parallel_loop3A_211, %parallel_loop3A_215 : vector<16xf32>
      %parallel_loop3A_217 = arith.index_cast %parallel_loop3A_182 : i32 to index
      %parallel_loop3A_218 = arith.constant 112 : index
      %parallel_loop3A_219 = tpu.vector_load %arg7[%parallel_loop3A_217, %parallel_loop3A_218] {strides = array<i32>} : memref<80x128xf32, #tpu.memory_space<vmem>>, vector<16xf32>,
      %parallel_loop3A_220 = math.exp %parallel_loop3A_219 : vector<16xf32>
      %parallel_loop3A_221 = arith.addf %parallel_loop3A_216, %parallel_loop3A_220 : vector<16xf32>
      %parallel_loop3A_222 = vector.shape_cast %broadcast_in_dim3A_13 : vector<16x1xi32> to vector<16xi32>
      %parallel_loop3A_223 = tpu.dynamic_gather %parallel_loop3A_221[%parallel_loop3A_222] in [0] : vector<16xf32>, vector<16xi32> -> vector<16xf32>
      %parallel_loop3A_224 = arith.addf %parallel_loop3A_221, %parallel_loop3A_223 : vector<16xf32>
      %parallel_loop3A_225 = vector.shape_cast %broadcast_in_dim3A_17 : vector<16x1xi32> to vector<16xi32>
      %parallel_loop3A_226 = tpu.dynamic_gather %parallel_loop3A_224[%parallel_loop3A_225] in [0] : vector<16xf32>, vector<16xi32> -> vector<16xf32>
      %parallel_loop3A_227 = arith.addf %parallel_loop3A_224, %parallel_loop3A_226 : vector<16xf32>
      %parallel_loop3A_228 = vector.shape_cast %broadcast_in_dim3A_21 : vector<16x1xi32> to vector<16xi32>
      %parallel_loop3A_229 = tpu.dynamic_gather %parallel_loop3A_227[%parallel_loop3A_228] in [0] : vector<16xf32>, vector<16xi32> -> vector<16xf32>
      %parallel_loop3A_230 = arith.addf %parallel_loop3A_227, %parallel_loop3A_229 : vector<16xf32>
      %parallel_loop3A_231 = vector.shape_cast %broadcast_in_dim3A_25 : vector<16x1xi32> to vector<16xi32>
      %parallel_loop3A_232 = tpu.dynamic_gather %parallel_loop3A_230[%parallel_loop3A_231] in [0] : vector<16xf32>, vector<16xi32> -> vector<16xf32>
      %parallel_loop3A_233 = arith.addf %parallel_loop3A_230, %parallel_loop3A_232 : vector<16xf32>
      %parallel_loop3A_234 = arith.divf %broadcast_in_dim3A_5, %parallel_loop3A_233 : vector<16xf32>
      %parallel_loop3A_235 = arith.mulf %parallel_loop3A_186, %parallel_loop3A_234 : vector<16xf32>
      %parallel_loop3A_236 = arith.index_cast %parallel_loop3A_182 : i32 to index
      %parallel_loop3A_237 = arith.constant 0 : index
      %parallel_loop3A_238 = tpu.vector_load %arg8[%parallel_loop3A_236, %parallel_loop3A_237] {strides = array<i32>} : memref<80x144xf32, #tpu.memory_space<vmem>>, vector<16xf32>,
      tpu.vector_store %arg8[%parallel_loop3A_236, %parallel_loop3A_237], %parallel_loop3A_235 {strides = array<i32>} : memref<80x144xf32, #tpu.memory_space<vmem>>, vector<16xf32>,
      %parallel_loop3A_239 = arith.mulf %parallel_loop3A_190, %parallel_loop3A_234 : vector<16xf32>
      %parallel_loop3A_240 = arith.index_cast %parallel_loop3A_182 : i32 to index
      %parallel_loop3A_241 = arith.constant 16 : index
      %parallel_loop3A_242 = tpu.vector_load %arg8[%parallel_loop3A_240, %parallel_loop3A_241] {strides = array<i32>} : memref<80x144xf32, #tpu.memory_space<vmem>>, vector<16xf32>,
      tpu.vector_store %arg8[%parallel_loop3A_240, %parallel_loop3A_241], %parallel_loop3A_239 {strides = array<i32>} : memref<80x144xf32, #tpu.memory_space<vmem>>, vector<16xf32>,
      %parallel_loop3A_243 = arith.mulf %parallel_loop3A_195, %parallel_loop3A_234 : vector<16xf32>
      %parallel_loop3A_244 = arith.index_cast %parallel_loop3A_182 : i32 to index
      %parallel_loop3A_245 = arith.constant 32 : index
      %parallel_loop3A_246 = tpu.vector_load %arg8[%parallel_loop3A_244, %parallel_loop3A_245] {strides = array<i32>} : memref<80x144xf32, #tpu.memory_space<vmem>>, vector<16xf32>,
      tpu.vector_store %arg8[%parallel_loop3A_244, %parallel_loop3A_245], %parallel_loop3A_243 {strides = array<i32>} : memref<80x144xf32, #tpu.memory_space<vmem>>, vector<16xf32>,
      %parallel_loop3A_247 = arith.mulf %parallel_loop3A_200, %parallel_loop3A_234 : vector<16xf32>
      %parallel_loop3A_248 = arith.index_cast %parallel_loop3A_182 : i32 to index
      %parallel_loop3A_249 = arith.constant 48 : index
      %parallel_loop3A_250 = tpu.vector_load %arg8[%parallel_loop3A_248, %parallel_loop3A_249] {strides = array<i32>} : memref<80x144xf32, #tpu.memory_space<vmem>>, vector<16xf32>,
      tpu.vector_store %arg8[%parallel_loop3A_248, %parallel_loop3A_249], %parallel_loop3A_247 {strides = array<i32>} : memref<80x144xf32, #tpu.memory_space<vmem>>, vector<16xf32>,
      %parallel_loop3A_251 = arith.mulf %parallel_loop3A_205, %parallel_loop3A_234 : vector<16xf32>
      %parallel_loop3A_252 = arith.index_cast %parallel_loop3A_182 : i32 to index
      %parallel_loop3A_253 = arith.constant 64 : index
      %parallel_loop3A_254 = tpu.vector_load %arg8[%parallel_loop3A_252, %parallel_loop3A_253] {strides = array<i32>} : memref<80x144xf32, #tpu.memory_space<vmem>>, vector<16xf32>,
      tpu.vector_store %arg8[%parallel_loop3A_252, %parallel_loop3A_253], %parallel_loop3A_251 {strides = array<i32>} : memref<80x144xf32, #tpu.memory_space<vmem>>, vector<16xf32>,
      %parallel_loop3A_255 = arith.mulf %parallel_loop3A_210, %parallel_loop3A_234 : vector<16xf32>
      %parallel_loop3A_256 = arith.index_cast %parallel_loop3A_182 : i32 to index
      %parallel_loop3A_257 = arith.constant 80 : index
      %parallel_loop3A_258 = tpu.vector_load %arg8[%parallel_loop3A_256, %parallel_loop3A_257] {strides = array<i32>} : memref<80x144xf32, #tpu.memory_space<vmem>>, vector<16xf32>,
      tpu.vector_store %arg8[%parallel_loop3A_256, %parallel_loop3A_257], %parallel_loop3A_255 {strides = array<i32>} : memref<80x144xf32, #tpu.memory_space<vmem>>, vector<16xf32>,
      %parallel_loop3A_259 = arith.mulf %parallel_loop3A_215, %parallel_loop3A_234 : vector<16xf32>
      %parallel_loop3A_260 = arith.index_cast %parallel_loop3A_182 : i32 to index
      %parallel_loop3A_261 = arith.constant 96 : index
      %parallel_loop3A_262 = tpu.vector_load %arg8[%parallel_loop3A_260, %parallel_loop3A_261] {strides = array<i32>} : memref<80x144xf32, #tpu.memory_space<vmem>>, vector<16xf32>,
      tpu.vector_store %arg8[%parallel_loop3A_260, %parallel_loop3A_261], %parallel_loop3A_259 {strides = array<i32>} : memref<80x144xf32, #tpu.memory_space<vmem>>, vector<16xf32>,
      %parallel_loop3A_263 = arith.mulf %parallel_loop3A_220, %parallel_loop3A_234 : vector<16xf32>
      %parallel_loop3A_264 = arith.index_cast %parallel_loop3A_182 : i32 to index
      %parallel_loop3A_265 = arith.constant 112 : index
      %parallel_loop3A_266 = tpu.vector_load %arg8[%parallel_loop3A_264, %parallel_loop3A_265] {strides = array<i32>} : memref<80x144xf32, #tpu.memory_space<vmem>>, vector<16xf32>,
      tpu.vector_store %arg8[%parallel_loop3A_264, %parallel_loop3A_265], %parallel_loop3A_263 {strides = array<i32>} : memref<80x144xf32, #tpu.memory_space<vmem>>, vector<16xf32>,
    } {sc.loop_unroll_factor = 8 : i64, sc.parallel_access}
    "tpu.region"() ({
      %run_scoped3A = tpu.sem_alloc : memref<!tpu.dma_semaphore, #tpu.memory_space<semaphore_mem>>
      %dma_start3A_182 = arith.constant 0 : i32
      %dma_start3A_183 = arith.constant 0 : i32
      %dma_start3A_184 = tpu.memref_slice %arg5[%dma_start3A_182, %dma_start3A_183] : memref<10000x144xf32, #tpu.memory_space<vmem_shared>> -> memref<10000x144xf32, #tpu.memory_space<vmem_shared>>
      tpu.enqueue_indirect_dma source(%arg8 : memref<80x144xf32, #tpu.memory_space<vmem>>) target(%dma_start3A_184 : memref<10000x144xf32, #tpu.memory_space<vmem_shared>>) offsets(%arg10 : memref<80xi32, #tpu.memory_space<vmem>>) semaphore(%run_scoped3A : memref<!tpu.dma_semaphore, #tpu.memory_space<semaphore_mem>>) {add = true}
      %dma_wait3A_185 = arith.constant 0 : i32
      %dma_wait3A_186 = arith.constant 0 : i32
      %dma_wait3A_187 = tpu.memref_slice %arg5[%dma_wait3A_185, %dma_wait3A_186] : memref<10000x144xf32, #tpu.memory_space<vmem_shared>> -> memref<10000x144xf32, #tpu.memory_space<vmem_shared>>
      tpu.wait_indirect_dma semaphore(%run_scoped3A : memref<!tpu.dma_semaphore, #tpu.memory_space<semaphore_mem>>) src(%arg8 : memref<80x144xf32, #tpu.memory_space<vmem>>) dst(%dma_wait3A_187 : memref<10000x144xf32, #tpu.memory_space<vmem_shared>>)
      tpu.yield
    }) : () -> ()
    %add3A_116 = arith.constant 240 : i32
    %add3A_117 = arith.addi %mul3A_2, %add3A_116 : i32
    %dma_start3A_118 = arith.constant 0 : i32
    %dma_start3A_119 = tpu.memref_slice %arg2[%add3A_117, %dma_start3A_118] : memref<320000x128xf32, #tpu.memory_space<hbm>> -> memref<80x128xf32, #tpu.memory_space<hbm>>
    %dma_start3A_120 = arith.constant 0 : i32
    %dma_start3A_121 = tpu.memref_slice %arg2[%add3A_117, %dma_start3A_120] : memref<320000x128xf32, #tpu.memory_space<hbm>> -> memref<80x128xf32, #tpu.memory_space<hbm>>
    tpu.enqueue_dma source(%dma_start3A_121 : memref<80x128xf32, #tpu.memory_space<hbm>>) target(%arg7 : memref<80x128xf32, #tpu.memory_space<vmem>>) target_semaphore(%arg12 : memref<!tpu.dma_semaphore, #tpu.memory_space<semaphore_mem>>)
    %dma_start3A_122 = tpu.memref_slice %arg3[%add3A_117] : memref<320000xi32, #tpu.memory_space<hbm>> -> memref<80xi32, #tpu.memory_space<hbm>>
    %dma_start3A_123 = tpu.memref_slice %arg3[%add3A_117] : memref<320000xi32, #tpu.memory_space<hbm>> -> memref<80xi32, #tpu.memory_space<hbm>>
    tpu.enqueue_dma source(%dma_start3A_123 : memref<80xi32, #tpu.memory_space<hbm>>) target(%arg10 : memref<80xi32, #tpu.memory_space<vmem>>) target_semaphore(%arg12 : memref<!tpu.dma_semaphore, #tpu.memory_space<semaphore_mem>>)
    %scan3A_124 = arith.constant 0 : i32
    %scan3A_125 = arith.constant 1 : i32
    %scan3A_126 = arith.constant 60 : i32
    %scan3A_127 = arith.addi %scan3A_125, %scan3A_126 : i32
    %scan3A_128 = arith.constant 1 : i32
    scf.for %scan3A_182 = %scan3A_125 to %scan3A_127 step %scan3A_128  : i32 {
      %mul3A_183 = arith.constant 2 : i32
      %mul3A_184 = arith.muli %mul3A_183, %scan3A_182 : i32
      %add3A_185 = arith.constant 0 : i32
      %add3A_186 = arith.addi %mul3A_184, %add3A_185 : i32
      %dma_wait3A_187 = arith.constant 0 : i32
      %dma_wait3A_188 = arith.constant 0 : i32
      %dma_wait3A_189 = tpu.memref_slice %arg2[%dma_wait3A_187, %dma_wait3A_188] : memref<320000x128xf32, #tpu.memory_space<hbm>> -> memref<80x128xf32, #tpu.memory_space<hbm>>
      %dma_wait3A_190 = arith.constant 0 : i32
      %dma_wait3A_191 = arith.constant 0 : i32
      %dma_wait3A_192 = tpu.memref_slice %arg2[%dma_wait3A_190, %dma_wait3A_191] : memref<320000x128xf32, #tpu.memory_space<hbm>> -> memref<80x128xf32, #tpu.memory_space<hbm>>
      tpu.wait_dma2 semaphore(%arg11 : memref<!tpu.dma_semaphore, #tpu.memory_space<semaphore_mem>>) src(%dma_wait3A_192 : memref<80x128xf32, #tpu.memory_space<hbm>>) dst(%arg6 : memref<80x128xf32, #tpu.memory_space<vmem>>)
      %dma_wait3A_193 = arith.constant 0 : i32
      %dma_wait3A_194 = tpu.memref_slice %arg3[%dma_wait3A_193] : memref<320000xi32, #tpu.memory_space<hbm>> -> memref<80xi32, #tpu.memory_space<hbm>>
      %dma_wait3A_195 = arith.constant 0 : i32
      %dma_wait3A_196 = tpu.memref_slice %arg3[%dma_wait3A_195] : memref<320000xi32, #tpu.memory_space<hbm>> -> memref<80xi32, #tpu.memory_space<hbm>>
      tpu.wait_dma2 semaphore(%arg11 : memref<!tpu.dma_semaphore, #tpu.memory_space<semaphore_mem>>) src(%dma_wait3A_196 : memref<80xi32, #tpu.memory_space<hbm>>) dst(%arg9 : memref<80xi32, #tpu.memory_space<vmem>>)
      %parallel_loop3A_197 = arith.constant 0 : i32
      %parallel_loop3A_198 = arith.constant 80 : i32
      %parallel_loop3A_199 = arith.constant 1 : i32
      scf.for %parallel_loop3A_239 = %parallel_loop3A_197 to %parallel_loop3A_198 step %parallel_loop3A_199  : i32 {
        %parallel_loop3A_240 = arith.index_cast %parallel_loop3A_239 : i32 to index
        %parallel_loop3A_241 = arith.constant 0 : index
        %parallel_loop3A_242 = tpu.vector_load %arg6[%parallel_loop3A_240, %parallel_loop3A_241] {strides = array<i32>} : memref<80x128xf32, #tpu.memory_space<vmem>>, vector<16xf32>,
        %parallel_loop3A_243 = math.exp %parallel_loop3A_242 : vector<16xf32>
        %parallel_loop3A_244 = arith.index_cast %parallel_loop3A_239 : i32 to index
        %parallel_loop3A_245 = arith.constant 16 : index
        %parallel_loop3A_246 = tpu.vector_load %arg6[%parallel_loop3A_244, %parallel_loop3A_245] {strides = array<i32>} : memref<80x128xf32, #tpu.memory_space<vmem>>, vector<16xf32>,
        %parallel_loop3A_247 = math.exp %parallel_loop3A_246 : vector<16xf32>
        %parallel_loop3A_248 = arith.addf %parallel_loop3A_243, %parallel_loop3A_247 : vector<16xf32>
        %parallel_loop3A_249 = arith.index_cast %parallel_loop3A_239 : i32 to index
        %parallel_loop3A_250 = arith.constant 32 : index
        %parallel_loop3A_251 = tpu.vector_load %arg6[%parallel_loop3A_249, %parallel_loop3A_250] {strides = array<i32>} : memref<80x128xf32, #tpu.memory_space<vmem>>, vector<16xf32>,
        %parallel_loop3A_252 = math.exp %parallel_loop3A_251 : vector<16xf32>
        %parallel_loop3A_253 = arith.addf %parallel_loop3A_248, %parallel_loop3A_252 : vector<16xf32>
        %parallel_loop3A_254 = arith.index_cast %parallel_loop3A_239 : i32 to index
        %parallel_loop3A_255 = arith.constant 48 : index
        %parallel_loop3A_256 = tpu.vector_load %arg6[%parallel_loop3A_254, %parallel_loop3A_255] {strides = array<i32>} : memref<80x128xf32, #tpu.memory_space<vmem>>, vector<16xf32>,
        %parallel_loop3A_257 = math.exp %parallel_loop3A_256 : vector<16xf32>
        %parallel_loop3A_258 = arith.addf %parallel_loop3A_253, %parallel_loop3A_257 : vector<16xf32>
        %parallel_loop3A_259 = arith.index_cast %parallel_loop3A_239 : i32 to index
        %parallel_loop3A_260 = arith.constant 64 : index
        %parallel_loop3A_261 = tpu.vector_load %arg6[%parallel_loop3A_259, %parallel_loop3A_260] {strides = array<i32>} : memref<80x128xf32, #tpu.memory_space<vmem>>, vector<16xf32>,
        %parallel_loop3A_262 = math.exp %parallel_loop3A_261 : vector<16xf32>
        %parallel_loop3A_263 = arith.addf %parallel_loop3A_258, %parallel_loop3A_262 : vector<16xf32>
        %parallel_loop3A_264 = arith.index_cast %parallel_loop3A_239 : i32 to index
        %parallel_loop3A_265 = arith.constant 80 : index
        %parallel_loop3A_266 = tpu.vector_load %arg6[%parallel_loop3A_264, %parallel_loop3A_265] {strides = array<i32>} : memref<80x128xf32, #tpu.memory_space<vmem>>, vector<16xf32>,
        %parallel_loop3A_267 = math.exp %parallel_loop3A_266 : vector<16xf32>
        %parallel_loop3A_268 = arith.addf %parallel_loop3A_263, %parallel_loop3A_267 : vector<16xf32>
        %parallel_loop3A_269 = arith.index_cast %parallel_loop3A_239 : i32 to index
        %parallel_loop3A_270 = arith.constant 96 : index
        %parallel_loop3A_271 = tpu.vector_load %arg6[%parallel_loop3A_269, %parallel_loop3A_270] {strides = array<i32>} : memref<80x128xf32, #tpu.memory_space<vmem>>, vector<16xf32>,
        %parallel_loop3A_272 = math.exp %parallel_loop3A_271 : vector<16xf32>
        %parallel_loop3A_273 = arith.addf %parallel_loop3A_268, %parallel_loop3A_272 : vector<16xf32>
        %parallel_loop3A_274 = arith.index_cast %parallel_loop3A_239 : i32 to index
        %parallel_loop3A_275 = arith.constant 112 : index
        %parallel_loop3A_276 = tpu.vector_load %arg6[%parallel_loop3A_274, %parallel_loop3A_275] {strides = array<i32>} : memref<80x128xf32, #tpu.memory_space<vmem>>, vector<16xf32>,
        %parallel_loop3A_277 = math.exp %parallel_loop3A_276 : vector<16xf32>
        %parallel_loop3A_278 = arith.addf %parallel_loop3A_273, %parallel_loop3A_277 : vector<16xf32>
        %parallel_loop3A_279 = vector.shape_cast %broadcast_in_dim3A_13 : vector<16x1xi32> to vector<16xi32>
        %parallel_loop3A_280 = tpu.dynamic_gather %parallel_loop3A_278[%parallel_loop3A_279] in [0] : vector<16xf32>, vector<16xi32> -> vector<16xf32>
        %parallel_loop3A_281 = arith.addf %parallel_loop3A_278, %parallel_loop3A_280 : vector<16xf32>
        %parallel_loop3A_282 = vector.shape_cast %broadcast_in_dim3A_17 : vector<16x1xi32> to vector<16xi32>
        %parallel_loop3A_283 = tpu.dynamic_gather %parallel_loop3A_281[%parallel_loop3A_282] in [0] : vector<16xf32>, vector<16xi32> -> vector<16xf32>
        %parallel_loop3A_284 = arith.addf %parallel_loop3A_281, %parallel_loop3A_283 : vector<16xf32>
        %parallel_loop3A_285 = vector.shape_cast %broadcast_in_dim3A_21 : vector<16x1xi32> to vector<16xi32>
        %parallel_loop3A_286 = tpu.dynamic_gather %parallel_loop3A_284[%parallel_loop3A_285] in [0] : vector<16xf32>, vector<16xi32> -> vector<16xf32>
        %parallel_loop3A_287 = arith.addf %parallel_loop3A_284, %parallel_loop3A_286 : vector<16xf32>
        %parallel_loop3A_288 = vector.shape_cast %broadcast_in_dim3A_25 : vector<16x1xi32> to vector<16xi32>
        %parallel_loop3A_289 = tpu.dynamic_gather %parallel_loop3A_287[%parallel_loop3A_288] in [0] : vector<16xf32>, vector<16xi32> -> vector<16xf32>
        %parallel_loop3A_290 = arith.addf %parallel_loop3A_287, %parallel_loop3A_289 : vector<16xf32>
        %parallel_loop3A_291 = arith.divf %broadcast_in_dim3A_5, %parallel_loop3A_290 : vector<16xf32>
        %parallel_loop3A_292 = arith.mulf %parallel_loop3A_243, %parallel_loop3A_291 : vector<16xf32>
        %parallel_loop3A_293 = arith.index_cast %parallel_loop3A_239 : i32 to index
        %parallel_loop3A_294 = arith.constant 0 : index
        %parallel_loop3A_295 = tpu.vector_load %arg8[%parallel_loop3A_293, %parallel_loop3A_294] {strides = array<i32>} : memref<80x144xf32, #tpu.memory_space<vmem>>, vector<16xf32>,
        tpu.vector_store %arg8[%parallel_loop3A_293, %parallel_loop3A_294], %parallel_loop3A_292 {strides = array<i32>} : memref<80x144xf32, #tpu.memory_space<vmem>>, vector<16xf32>,
        %parallel_loop3A_296 = arith.mulf %parallel_loop3A_247, %parallel_loop3A_291 : vector<16xf32>
        %parallel_loop3A_297 = arith.index_cast %parallel_loop3A_239 : i32 to index
        %parallel_loop3A_298 = arith.constant 16 : index
        %parallel_loop3A_299 = tpu.vector_load %arg8[%parallel_loop3A_297, %parallel_loop3A_298] {strides = array<i32>} : memref<80x144xf32, #tpu.memory_space<vmem>>, vector<16xf32>,
        tpu.vector_store %arg8[%parallel_loop3A_297, %parallel_loop3A_298], %parallel_loop3A_296 {strides = array<i32>} : memref<80x144xf32, #tpu.memory_space<vmem>>, vector<16xf32>,
        %parallel_loop3A_300 = arith.mulf %parallel_loop3A_252, %parallel_loop3A_291 : vector<16xf32>
        %parallel_loop3A_301 = arith.index_cast %parallel_loop3A_239 : i32 to index
        %parallel_loop3A_302 = arith.constant 32 : index
        %parallel_loop3A_303 = tpu.vector_load %arg8[%parallel_loop3A_301, %parallel_loop3A_302] {strides = array<i32>} : memref<80x144xf32, #tpu.memory_space<vmem>>, vector<16xf32>,
        tpu.vector_store %arg8[%parallel_loop3A_301, %parallel_loop3A_302], %parallel_loop3A_300 {strides = array<i32>} : memref<80x144xf32, #tpu.memory_space<vmem>>, vector<16xf32>,
        %parallel_loop3A_304 = arith.mulf %parallel_loop3A_257, %parallel_loop3A_291 : vector<16xf32>
        %parallel_loop3A_305 = arith.index_cast %parallel_loop3A_239 : i32 to index
        %parallel_loop3A_306 = arith.constant 48 : index
        %parallel_loop3A_307 = tpu.vector_load %arg8[%parallel_loop3A_305, %parallel_loop3A_306] {strides = array<i32>} : memref<80x144xf32, #tpu.memory_space<vmem>>, vector<16xf32>,
        tpu.vector_store %arg8[%parallel_loop3A_305, %parallel_loop3A_306], %parallel_loop3A_304 {strides = array<i32>} : memref<80x144xf32, #tpu.memory_space<vmem>>, vector<16xf32>,
        %parallel_loop3A_308 = arith.mulf %parallel_loop3A_262, %parallel_loop3A_291 : vector<16xf32>
        %parallel_loop3A_309 = arith.index_cast %parallel_loop3A_239 : i32 to index
        %parallel_loop3A_310 = arith.constant 64 : index
        %parallel_loop3A_311 = tpu.vector_load %arg8[%parallel_loop3A_309, %parallel_loop3A_310] {strides = array<i32>} : memref<80x144xf32, #tpu.memory_space<vmem>>, vector<16xf32>,
        tpu.vector_store %arg8[%parallel_loop3A_309, %parallel_loop3A_310], %parallel_loop3A_308 {strides = array<i32>} : memref<80x144xf32, #tpu.memory_space<vmem>>, vector<16xf32>,
        %parallel_loop3A_312 = arith.mulf %parallel_loop3A_267, %parallel_loop3A_291 : vector<16xf32>
        %parallel_loop3A_313 = arith.index_cast %parallel_loop3A_239 : i32 to index
        %parallel_loop3A_314 = arith.constant 80 : index
        %parallel_loop3A_315 = tpu.vector_load %arg8[%parallel_loop3A_313, %parallel_loop3A_314] {strides = array<i32>} : memref<80x144xf32, #tpu.memory_space<vmem>>, vector<16xf32>,
        tpu.vector_store %arg8[%parallel_loop3A_313, %parallel_loop3A_314], %parallel_loop3A_312 {strides = array<i32>} : memref<80x144xf32, #tpu.memory_space<vmem>>, vector<16xf32>,
        %parallel_loop3A_316 = arith.mulf %parallel_loop3A_272, %parallel_loop3A_291 : vector<16xf32>
        %parallel_loop3A_317 = arith.index_cast %parallel_loop3A_239 : i32 to index
        %parallel_loop3A_318 = arith.constant 96 : index
        %parallel_loop3A_319 = tpu.vector_load %arg8[%parallel_loop3A_317, %parallel_loop3A_318] {strides = array<i32>} : memref<80x144xf32, #tpu.memory_space<vmem>>, vector<16xf32>,
        tpu.vector_store %arg8[%parallel_loop3A_317, %parallel_loop3A_318], %parallel_loop3A_316 {strides = array<i32>} : memref<80x144xf32, #tpu.memory_space<vmem>>, vector<16xf32>,
        %parallel_loop3A_320 = arith.mulf %parallel_loop3A_277, %parallel_loop3A_291 : vector<16xf32>
        %parallel_loop3A_321 = arith.index_cast %parallel_loop3A_239 : i32 to index
        %parallel_loop3A_322 = arith.constant 112 : index
        %parallel_loop3A_323 = tpu.vector_load %arg8[%parallel_loop3A_321, %parallel_loop3A_322] {strides = array<i32>} : memref<80x144xf32, #tpu.memory_space<vmem>>, vector<16xf32>,
        tpu.vector_store %arg8[%parallel_loop3A_321, %parallel_loop3A_322], %parallel_loop3A_320 {strides = array<i32>} : memref<80x144xf32, #tpu.memory_space<vmem>>, vector<16xf32>,
      } {sc.loop_unroll_factor = 8 : i64, sc.parallel_access}
      "tpu.region"() ({
        %run_scoped3A = tpu.sem_alloc : memref<!tpu.dma_semaphore, #tpu.memory_space<semaphore_mem>>
        %dma_start3A_239 = arith.constant 0 : i32
        %dma_start3A_240 = arith.constant 0 : i32
        %dma_start3A_241 = tpu.memref_slice %arg5[%dma_start3A_239, %dma_start3A_240] : memref<10000x144xf32, #tpu.memory_space<vmem_shared>> -> memref<10000x144xf32, #tpu.memory_space<vmem_shared>>
        tpu.enqueue_indirect_dma source(%arg8 : memref<80x144xf32, #tpu.memory_space<vmem>>) target(%dma_start3A_241 : memref<10000x144xf32, #tpu.memory_space<vmem_shared>>) offsets(%arg9 : memref<80xi32, #tpu.memory_space<vmem>>) semaphore(%run_scoped3A : memref<!tpu.dma_semaphore, #tpu.memory_space<semaphore_mem>>) {add = true}
        %dma_wait3A_242 = arith.constant 0 : i32
        %dma_wait3A_243 = arith.constant 0 : i32
        %dma_wait3A_244 = tpu.memref_slice %arg5[%dma_wait3A_242, %dma_wait3A_243] : memref<10000x144xf32, #tpu.memory_space<vmem_shared>> -> memref<10000x144xf32, #tpu.memory_space<vmem_shared>>
        tpu.wait_indirect_dma semaphore(%run_scoped3A : memref<!tpu.dma_semaphore, #tpu.memory_space<semaphore_mem>>) src(%arg8 : memref<80x144xf32, #tpu.memory_space<vmem>>) dst(%dma_wait3A_244 : memref<10000x144xf32, #tpu.memory_space<vmem_shared>>)
        tpu.yield
      }) : () -> ()
      %add3A_200 = arith.constant 2 : i32
      %add3A_201 = arith.addi %add3A_186, %add3A_200 : i32
      %mul3A_202 = arith.constant 80 : i32
      %mul3A_203 = arith.muli %add3A_201, %mul3A_202 : i32
      %add3A_204 = arith.addi %mul3A_2, %mul3A_203 : i32
      %dma_start3A_205 = arith.constant 0 : i32
      %dma_start3A_206 = tpu.memref_slice %arg2[%add3A_204, %dma_start3A_205] : memref<320000x128xf32, #tpu.memory_space<hbm>> -> memref<80x128xf32, #tpu.memory_space<hbm>>
      %dma_start3A_207 = arith.constant 0 : i32
      %dma_start3A_208 = tpu.memref_slice %arg2[%add3A_204, %dma_start3A_207] : memref<320000x128xf32, #tpu.memory_space<hbm>> -> memref<80x128xf32, #tpu.memory_space<hbm>>
      tpu.enqueue_dma source(%dma_start3A_208 : memref<80x128xf32, #tpu.memory_space<hbm>>) target(%arg6 : memref<80x128xf32, #tpu.memory_space<vmem>>) target_semaphore(%arg11 : memref<!tpu.dma_semaphore, #tpu.memory_space<semaphore_mem>>)
      %dma_start3A_209 = tpu.memref_slice %arg3[%add3A_204] : memref<320000xi32, #tpu.memory_space<hbm>> -> memref<80xi32, #tpu.memory_space<hbm>>
      %dma_start3A_210 = tpu.memref_slice %arg3[%add3A_204] : memref<320000xi32, #tpu.memory_space<hbm>> -> memref<80xi32, #tpu.memory_space<hbm>>
      tpu.enqueue_dma source(%dma_start3A_210 : memref<80xi32, #tpu.memory_space<hbm>>) target(%arg9 : memref<80xi32, #tpu.memory_space<vmem>>) target_semaphore(%arg11 : memref<!tpu.dma_semaphore, #tpu.memory_space<semaphore_mem>>)
      %mul3A_211 = arith.constant 2 : i32
      %mul3A_212 = arith.muli %mul3A_211, %scan3A_182 : i32
      %add3A_213 = arith.constant 1 : i32
      %add3A_214 = arith.addi %mul3A_212, %add3A_213 : i32
      %dma_wait3A_215 = arith.constant 0 : i32
      %dma_wait3A_216 = arith.constant 0 : i32
      %dma_wait3A_217 = tpu.memref_slice %arg2[%dma_wait3A_215, %dma_wait3A_216] : memref<320000x128xf32, #tpu.memory_space<hbm>> -> memref<80x128xf32, #tpu.memory_space<hbm>>
      %dma_wait3A_218 = arith.constant 0 : i32
      %dma_wait3A_219 = arith.constant 0 : i32
      %dma_wait3A_220 = tpu.memref_slice %arg2[%dma_wait3A_218, %dma_wait3A_219] : memref<320000x128xf32, #tpu.memory_space<hbm>> -> memref<80x128xf32, #tpu.memory_space<hbm>>
      tpu.wait_dma2 semaphore(%arg12 : memref<!tpu.dma_semaphore, #tpu.memory_space<semaphore_mem>>) src(%dma_wait3A_220 : memref<80x128xf32, #tpu.memory_space<hbm>>) dst(%arg7 : memref<80x128xf32, #tpu.memory_space<vmem>>)
      %dma_wait3A_221 = arith.constant 0 : i32
      %dma_wait3A_222 = tpu.memref_slice %arg3[%dma_wait3A_221] : memref<320000xi32, #tpu.memory_space<hbm>> -> memref<80xi32, #tpu.memory_space<hbm>>
      %dma_wait3A_223 = arith.constant 0 : i32
      %dma_wait3A_224 = tpu.memref_slice %arg3[%dma_wait3A_223] : memref<320000xi32, #tpu.memory_space<hbm>> -> memref<80xi32, #tpu.memory_space<hbm>>
      tpu.wait_dma2 semaphore(%arg12 : memref<!tpu.dma_semaphore, #tpu.memory_space<semaphore_mem>>) src(%dma_wait3A_224 : memref<80xi32, #tpu.memory_space<hbm>>) dst(%arg10 : memref<80xi32, #tpu.memory_space<vmem>>)
      %parallel_loop3A_225 = arith.constant 0 : i32
      %parallel_loop3A_226 = arith.constant 80 : i32
      %parallel_loop3A_227 = arith.constant 1 : i32
      scf.for %parallel_loop3A_239 = %parallel_loop3A_225 to %parallel_loop3A_226 step %parallel_loop3A_227  : i32 {
        %parallel_loop3A_240 = arith.index_cast %parallel_loop3A_239 : i32 to index
        %parallel_loop3A_241 = arith.constant 0 : index
        %parallel_loop3A_242 = tpu.vector_load %arg7[%parallel_loop3A_240, %parallel_loop3A_241] {strides = array<i32>} : memref<80x128xf32, #tpu.memory_space<vmem>>, vector<16xf32>,
        %parallel_loop3A_243 = math.exp %parallel_loop3A_242 : vector<16xf32>
        %parallel_loop3A_244 = arith.index_cast %parallel_loop3A_239 : i32 to index
        %parallel_loop3A_245 = arith.constant 16 : index
        %parallel_loop3A_246 = tpu.vector_load %arg7[%parallel_loop3A_244, %parallel_loop3A_245] {strides = array<i32>} : memref<80x128xf32, #tpu.memory_space<vmem>>, vector<16xf32>,
        %parallel_loop3A_247 = math.exp %parallel_loop3A_246 : vector<16xf32>
        %parallel_loop3A_248 = arith.addf %parallel_loop3A_243, %parallel_loop3A_247 : vector<16xf32>
        %parallel_loop3A_249 = arith.index_cast %parallel_loop3A_239 : i32 to index
        %parallel_loop3A_250 = arith.constant 32 : index
        %parallel_loop3A_251 = tpu.vector_load %arg7[%parallel_loop3A_249, %parallel_loop3A_250] {strides = array<i32>} : memref<80x128xf32, #tpu.memory_space<vmem>>, vector<16xf32>,
        %parallel_loop3A_252 = math.exp %parallel_loop3A_251 : vector<16xf32>
        %parallel_loop3A_253 = arith.addf %parallel_loop3A_248, %parallel_loop3A_252 : vector<16xf32>
        %parallel_loop3A_254 = arith.index_cast %parallel_loop3A_239 : i32 to index
        %parallel_loop3A_255 = arith.constant 48 : index
        %parallel_loop3A_256 = tpu.vector_load %arg7[%parallel_loop3A_254, %parallel_loop3A_255] {strides = array<i32>} : memref<80x128xf32, #tpu.memory_space<vmem>>, vector<16xf32>,
        %parallel_loop3A_257 = math.exp %parallel_loop3A_256 : vector<16xf32>
        %parallel_loop3A_258 = arith.addf %parallel_loop3A_253, %parallel_loop3A_257 : vector<16xf32>
        %parallel_loop3A_259 = arith.index_cast %parallel_loop3A_239 : i32 to index
        %parallel_loop3A_260 = arith.constant 64 : index
        %parallel_loop3A_261 = tpu.vector_load %arg7[%parallel_loop3A_259, %parallel_loop3A_260] {strides = array<i32>} : memref<80x128xf32, #tpu.memory_space<vmem>>, vector<16xf32>,
        %parallel_loop3A_262 = math.exp %parallel_loop3A_261 : vector<16xf32>
        %parallel_loop3A_263 = arith.addf %parallel_loop3A_258, %parallel_loop3A_262 : vector<16xf32>
        %parallel_loop3A_264 = arith.index_cast %parallel_loop3A_239 : i32 to index
        %parallel_loop3A_265 = arith.constant 80 : index
        %parallel_loop3A_266 = tpu.vector_load %arg7[%parallel_loop3A_264, %parallel_loop3A_265] {strides = array<i32>} : memref<80x128xf32, #tpu.memory_space<vmem>>, vector<16xf32>,
        %parallel_loop3A_267 = math.exp %parallel_loop3A_266 : vector<16xf32>
        %parallel_loop3A_268 = arith.addf %parallel_loop3A_263, %parallel_loop3A_267 : vector<16xf32>
        %parallel_loop3A_269 = arith.index_cast %parallel_loop3A_239 : i32 to index
        %parallel_loop3A_270 = arith.constant 96 : index
        %parallel_loop3A_271 = tpu.vector_load %arg7[%parallel_loop3A_269, %parallel_loop3A_270] {strides = array<i32>} : memref<80x128xf32, #tpu.memory_space<vmem>>, vector<16xf32>,
        %parallel_loop3A_272 = math.exp %parallel_loop3A_271 : vector<16xf32>
        %parallel_loop3A_273 = arith.addf %parallel_loop3A_268, %parallel_loop3A_272 : vector<16xf32>
        %parallel_loop3A_274 = arith.index_cast %parallel_loop3A_239 : i32 to index
        %parallel_loop3A_275 = arith.constant 112 : index
        %parallel_loop3A_276 = tpu.vector_load %arg7[%parallel_loop3A_274, %parallel_loop3A_275] {strides = array<i32>} : memref<80x128xf32, #tpu.memory_space<vmem>>, vector<16xf32>,
        %parallel_loop3A_277 = math.exp %parallel_loop3A_276 : vector<16xf32>
        %parallel_loop3A_278 = arith.addf %parallel_loop3A_273, %parallel_loop3A_277 : vector<16xf32>
        %parallel_loop3A_279 = vector.shape_cast %broadcast_in_dim3A_13 : vector<16x1xi32> to vector<16xi32>
        %parallel_loop3A_280 = tpu.dynamic_gather %parallel_loop3A_278[%parallel_loop3A_279] in [0] : vector<16xf32>, vector<16xi32> -> vector<16xf32>
        %parallel_loop3A_281 = arith.addf %parallel_loop3A_278, %parallel_loop3A_280 : vector<16xf32>
        %parallel_loop3A_282 = vector.shape_cast %broadcast_in_dim3A_17 : vector<16x1xi32> to vector<16xi32>
        %parallel_loop3A_283 = tpu.dynamic_gather %parallel_loop3A_281[%parallel_loop3A_282] in [0] : vector<16xf32>, vector<16xi32> -> vector<16xf32>
        %parallel_loop3A_284 = arith.addf %parallel_loop3A_281, %parallel_loop3A_283 : vector<16xf32>
        %parallel_loop3A_285 = vector.shape_cast %broadcast_in_dim3A_21 : vector<16x1xi32> to vector<16xi32>
        %parallel_loop3A_286 = tpu.dynamic_gather %parallel_loop3A_284[%parallel_loop3A_285] in [0] : vector<16xf32>, vector<16xi32> -> vector<16xf32>
        %parallel_loop3A_287 = arith.addf %parallel_loop3A_284, %parallel_loop3A_286 : vector<16xf32>
        %parallel_loop3A_288 = vector.shape_cast %broadcast_in_dim3A_25 : vector<16x1xi32> to vector<16xi32>
        %parallel_loop3A_289 = tpu.dynamic_gather %parallel_loop3A_287[%parallel_loop3A_288] in [0] : vector<16xf32>, vector<16xi32> -> vector<16xf32>
        %parallel_loop3A_290 = arith.addf %parallel_loop3A_287, %parallel_loop3A_289 : vector<16xf32>
        %parallel_loop3A_291 = arith.divf %broadcast_in_dim3A_5, %parallel_loop3A_290 : vector<16xf32>
        %parallel_loop3A_292 = arith.mulf %parallel_loop3A_243, %parallel_loop3A_291 : vector<16xf32>
        %parallel_loop3A_293 = arith.index_cast %parallel_loop3A_239 : i32 to index
        %parallel_loop3A_294 = arith.constant 0 : index
        %parallel_loop3A_295 = tpu.vector_load %arg8[%parallel_loop3A_293, %parallel_loop3A_294] {strides = array<i32>} : memref<80x144xf32, #tpu.memory_space<vmem>>, vector<16xf32>,
        tpu.vector_store %arg8[%parallel_loop3A_293, %parallel_loop3A_294], %parallel_loop3A_292 {strides = array<i32>} : memref<80x144xf32, #tpu.memory_space<vmem>>, vector<16xf32>,
        %parallel_loop3A_296 = arith.mulf %parallel_loop3A_247, %parallel_loop3A_291 : vector<16xf32>
        %parallel_loop3A_297 = arith.index_cast %parallel_loop3A_239 : i32 to index
        %parallel_loop3A_298 = arith.constant 16 : index
        %parallel_loop3A_299 = tpu.vector_load %arg8[%parallel_loop3A_297, %parallel_loop3A_298] {strides = array<i32>} : memref<80x144xf32, #tpu.memory_space<vmem>>, vector<16xf32>,
        tpu.vector_store %arg8[%parallel_loop3A_297, %parallel_loop3A_298], %parallel_loop3A_296 {strides = array<i32>} : memref<80x144xf32, #tpu.memory_space<vmem>>, vector<16xf32>,
        %parallel_loop3A_300 = arith.mulf %parallel_loop3A_252, %parallel_loop3A_291 : vector<16xf32>
        %parallel_loop3A_301 = arith.index_cast %parallel_loop3A_239 : i32 to index
        %parallel_loop3A_302 = arith.constant 32 : index
        %parallel_loop3A_303 = tpu.vector_load %arg8[%parallel_loop3A_301, %parallel_loop3A_302] {strides = array<i32>} : memref<80x144xf32, #tpu.memory_space<vmem>>, vector<16xf32>,
        tpu.vector_store %arg8[%parallel_loop3A_301, %parallel_loop3A_302], %parallel_loop3A_300 {strides = array<i32>} : memref<80x144xf32, #tpu.memory_space<vmem>>, vector<16xf32>,
        %parallel_loop3A_304 = arith.mulf %parallel_loop3A_257, %parallel_loop3A_291 : vector<16xf32>
        %parallel_loop3A_305 = arith.index_cast %parallel_loop3A_239 : i32 to index
        %parallel_loop3A_306 = arith.constant 48 : index
        %parallel_loop3A_307 = tpu.vector_load %arg8[%parallel_loop3A_305, %parallel_loop3A_306] {strides = array<i32>} : memref<80x144xf32, #tpu.memory_space<vmem>>, vector<16xf32>,
        tpu.vector_store %arg8[%parallel_loop3A_305, %parallel_loop3A_306], %parallel_loop3A_304 {strides = array<i32>} : memref<80x144xf32, #tpu.memory_space<vmem>>, vector<16xf32>,
        %parallel_loop3A_308 = arith.mulf %parallel_loop3A_262, %parallel_loop3A_291 : vector<16xf32>
        %parallel_loop3A_309 = arith.index_cast %parallel_loop3A_239 : i32 to index
        %parallel_loop3A_310 = arith.constant 64 : index
        %parallel_loop3A_311 = tpu.vector_load %arg8[%parallel_loop3A_309, %parallel_loop3A_310] {strides = array<i32>} : memref<80x144xf32, #tpu.memory_space<vmem>>, vector<16xf32>,
        tpu.vector_store %arg8[%parallel_loop3A_309, %parallel_loop3A_310], %parallel_loop3A_308 {strides = array<i32>} : memref<80x144xf32, #tpu.memory_space<vmem>>, vector<16xf32>,
        %parallel_loop3A_312 = arith.mulf %parallel_loop3A_267, %parallel_loop3A_291 : vector<16xf32>
        %parallel_loop3A_313 = arith.index_cast %parallel_loop3A_239 : i32 to index
        %parallel_loop3A_314 = arith.constant 80 : index
        %parallel_loop3A_315 = tpu.vector_load %arg8[%parallel_loop3A_313, %parallel_loop3A_314] {strides = array<i32>} : memref<80x144xf32, #tpu.memory_space<vmem>>, vector<16xf32>,
        tpu.vector_store %arg8[%parallel_loop3A_313, %parallel_loop3A_314], %parallel_loop3A_312 {strides = array<i32>} : memref<80x144xf32, #tpu.memory_space<vmem>>, vector<16xf32>,
        %parallel_loop3A_316 = arith.mulf %parallel_loop3A_272, %parallel_loop3A_291 : vector<16xf32>
        %parallel_loop3A_317 = arith.index_cast %parallel_loop3A_239 : i32 to index
        %parallel_loop3A_318 = arith.constant 96 : index
        %parallel_loop3A_319 = tpu.vector_load %arg8[%parallel_loop3A_317, %parallel_loop3A_318] {strides = array<i32>} : memref<80x144xf32, #tpu.memory_space<vmem>>, vector<16xf32>,
        tpu.vector_store %arg8[%parallel_loop3A_317, %parallel_loop3A_318], %parallel_loop3A_316 {strides = array<i32>} : memref<80x144xf32, #tpu.memory_space<vmem>>, vector<16xf32>,
        %parallel_loop3A_320 = arith.mulf %parallel_loop3A_277, %parallel_loop3A_291 : vector<16xf32>
        %parallel_loop3A_321 = arith.index_cast %parallel_loop3A_239 : i32 to index
        %parallel_loop3A_322 = arith.constant 112 : index
        %parallel_loop3A_323 = tpu.vector_load %arg8[%parallel_loop3A_321, %parallel_loop3A_322] {strides = array<i32>} : memref<80x144xf32, #tpu.memory_space<vmem>>, vector<16xf32>,
        tpu.vector_store %arg8[%parallel_loop3A_321, %parallel_loop3A_322], %parallel_loop3A_320 {strides = array<i32>} : memref<80x144xf32, #tpu.memory_space<vmem>>, vector<16xf32>,
      } {sc.loop_unroll_factor = 8 : i64, sc.parallel_access}
      "tpu.region"() ({
        %run_scoped3A = tpu.sem_alloc : memref<!tpu.dma_semaphore, #tpu.memory_space<semaphore_mem>>
        %dma_start3A_239 = arith.constant 0 : i32
        %dma_start3A_240 = arith.constant 0 : i32
        %dma_start3A_241 = tpu.memref_slice %arg5[%dma_start3A_239, %dma_start3A_240] : memref<10000x144xf32, #tpu.memory_space<vmem_shared>> -> memref<10000x144xf32, #tpu.memory_space<vmem_shared>>
        tpu.enqueue_indirect_dma source(%arg8 : memref<80x144xf32, #tpu.memory_space<vmem>>) target(%dma_start3A_241 : memref<10000x144xf32, #tpu.memory_space<vmem_shared>>) offsets(%arg10 : memref<80xi32, #tpu.memory_space<vmem>>) semaphore(%run_scoped3A : memref<!tpu.dma_semaphore, #tpu.memory_space<semaphore_mem>>) {add = true}
        %dma_wait3A_242 = arith.constant 0 : i32
        %dma_wait3A_243 = arith.constant 0 : i32
        %dma_wait3A_244 = tpu.memref_slice %arg5[%dma_wait3A_242, %dma_wait3A_243] : memref<10000x144xf32, #tpu.memory_space<vmem_shared>> -> memref<10000x144xf32, #tpu.memory_space<vmem_shared>>
        tpu.wait_indirect_dma semaphore(%run_scoped3A : memref<!tpu.dma_semaphore, #tpu.memory_space<semaphore_mem>>) src(%arg8 : memref<80x144xf32, #tpu.memory_space<vmem>>) dst(%dma_wait3A_244 : memref<10000x144xf32, #tpu.memory_space<vmem_shared>>)
        tpu.yield
      }) : () -> ()
      %add3A_228 = arith.constant 2 : i32
      %add3A_229 = arith.addi %add3A_214, %add3A_228 : i32
      %mul3A_230 = arith.constant 80 : i32
      %mul3A_231 = arith.muli %add3A_229, %mul3A_230 : i32
      %add3A_232 = arith.addi %mul3A_2, %mul3A_231 : i32
      %dma_start3A_233 = arith.constant 0 : i32
      %dma_start3A_234 = tpu.memref_slice %arg2[%add3A_232, %dma_start3A_233] : memref<320000x128xf32, #tpu.memory_space<hbm>> -> memref<80x128xf32, #tpu.memory_space<hbm>>
      %dma_start3A_235 = arith.constant 0 : i32
      %dma_start3A_236 = tpu.memref_slice %arg2[%add3A_232, %dma_start3A_235] : memref<320000x128xf32, #tpu.memory_space<hbm>> -> memref<80x128xf32, #tpu.memory_space<hbm>>
      tpu.enqueue_dma source(%dma_start3A_236 : memref<80x128xf32, #tpu.memory_space<hbm>>) target(%arg7 : memref<80x128xf32, #tpu.memory_space<vmem>>) target_semaphore(%arg12 : memref<!tpu.dma_semaphore, #tpu.memory_space<semaphore_mem>>)
      %dma_start3A_237 = tpu.memref_slice %arg3[%add3A_232] : memref<320000xi32, #tpu.memory_space<hbm>> -> memref<80xi32, #tpu.memory_space<hbm>>
      %dma_start3A_238 = tpu.memref_slice %arg3[%add3A_232] : memref<320000xi32, #tpu.memory_space<hbm>> -> memref<80xi32, #tpu.memory_space<hbm>>
      tpu.enqueue_dma source(%dma_start3A_238 : memref<80xi32, #tpu.memory_space<hbm>>) target(%arg10 : memref<80xi32, #tpu.memory_space<vmem>>) target_semaphore(%arg12 : memref<!tpu.dma_semaphore, #tpu.memory_space<semaphore_mem>>)
    }
    %scan3A_129 = arith.constant 60 : i32
    %dma_wait3A_130 = arith.constant 0 : i32
    %dma_wait3A_131 = arith.constant 0 : i32
    %dma_wait3A_132 = tpu.memref_slice %arg2[%dma_wait3A_130, %dma_wait3A_131] : memref<320000x128xf32, #tpu.memory_space<hbm>> -> memref<80x128xf32, #tpu.memory_space<hbm>>
    %dma_wait3A_133 = arith.constant 0 : i32
    %dma_wait3A_134 = arith.constant 0 : i32
    %dma_wait3A_135 = tpu.memref_slice %arg2[%dma_wait3A_133, %dma_wait3A_134] : memref<320000x128xf32, #tpu.memory_space<hbm>> -> memref<80x128xf32, #tpu.memory_space<hbm>>
    tpu.wait_dma2 semaphore(%arg11 : memref<!tpu.dma_semaphore, #tpu.memory_space<semaphore_mem>>) src(%dma_wait3A_135 : memref<80x128xf32, #tpu.memory_space<hbm>>) dst(%arg6 : memref<80x128xf32, #tpu.memory_space<vmem>>)
    %dma_wait3A_136 = arith.constant 0 : i32
    %dma_wait3A_137 = tpu.memref_slice %arg3[%dma_wait3A_136] : memref<320000xi32, #tpu.memory_space<hbm>> -> memref<80xi32, #tpu.memory_space<hbm>>
    %dma_wait3A_138 = arith.constant 0 : i32
    %dma_wait3A_139 = tpu.memref_slice %arg3[%dma_wait3A_138] : memref<320000xi32, #tpu.memory_space<hbm>> -> memref<80xi32, #tpu.memory_space<hbm>>
    tpu.wait_dma2 semaphore(%arg11 : memref<!tpu.dma_semaphore, #tpu.memory_space<semaphore_mem>>) src(%dma_wait3A_139 : memref<80xi32, #tpu.memory_space<hbm>>) dst(%arg9 : memref<80xi32, #tpu.memory_space<vmem>>)
    %parallel_loop3A_140 = arith.constant 0 : i32
    %parallel_loop3A_141 = arith.constant 80 : i32
    %parallel_loop3A_142 = arith.constant 1 : i32
    scf.for %parallel_loop3A_182 = %parallel_loop3A_140 to %parallel_loop3A_141 step %parallel_loop3A_142  : i32 {
      %parallel_loop3A_183 = arith.index_cast %parallel_loop3A_182 : i32 to index
      %parallel_loop3A_184 = arith.constant 0 : index
      %parallel_loop3A_185 = tpu.vector_load %arg6[%parallel_loop3A_183, %parallel_loop3A_184] {strides = array<i32>} : memref<80x128xf32, #tpu.memory_space<vmem>>, vector<16xf32>,
      %parallel_loop3A_186 = math.exp %parallel_loop3A_185 : vector<16xf32>
      %parallel_loop3A_187 = arith.index_cast %parallel_loop3A_182 : i32 to index
      %parallel_loop3A_188 = arith.constant 16 : index
      %parallel_loop3A_189 = tpu.vector_load %arg6[%parallel_loop3A_187, %parallel_loop3A_188] {strides = array<i32>} : memref<80x128xf32, #tpu.memory_space<vmem>>, vector<16xf32>,
      %parallel_loop3A_190 = math.exp %parallel_loop3A_189 : vector<16xf32>
      %parallel_loop3A_191 = arith.addf %parallel_loop3A_186, %parallel_loop3A_190 : vector<16xf32>
      %parallel_loop3A_192 = arith.index_cast %parallel_loop3A_182 : i32 to index
      %parallel_loop3A_193 = arith.constant 32 : index
      %parallel_loop3A_194 = tpu.vector_load %arg6[%parallel_loop3A_192, %parallel_loop3A_193] {strides = array<i32>} : memref<80x128xf32, #tpu.memory_space<vmem>>, vector<16xf32>,
      %parallel_loop3A_195 = math.exp %parallel_loop3A_194 : vector<16xf32>
      %parallel_loop3A_196 = arith.addf %parallel_loop3A_191, %parallel_loop3A_195 : vector<16xf32>
      %parallel_loop3A_197 = arith.index_cast %parallel_loop3A_182 : i32 to index
      %parallel_loop3A_198 = arith.constant 48 : index
      %parallel_loop3A_199 = tpu.vector_load %arg6[%parallel_loop3A_197, %parallel_loop3A_198] {strides = array<i32>} : memref<80x128xf32, #tpu.memory_space<vmem>>, vector<16xf32>,
      %parallel_loop3A_200 = math.exp %parallel_loop3A_199 : vector<16xf32>
      %parallel_loop3A_201 = arith.addf %parallel_loop3A_196, %parallel_loop3A_200 : vector<16xf32>
      %parallel_loop3A_202 = arith.index_cast %parallel_loop3A_182 : i32 to index
      %parallel_loop3A_203 = arith.constant 64 : index
      %parallel_loop3A_204 = tpu.vector_load %arg6[%parallel_loop3A_202, %parallel_loop3A_203] {strides = array<i32>} : memref<80x128xf32, #tpu.memory_space<vmem>>, vector<16xf32>,
      %parallel_loop3A_205 = math.exp %parallel_loop3A_204 : vector<16xf32>
      %parallel_loop3A_206 = arith.addf %parallel_loop3A_201, %parallel_loop3A_205 : vector<16xf32>
      %parallel_loop3A_207 = arith.index_cast %parallel_loop3A_182 : i32 to index
      %parallel_loop3A_208 = arith.constant 80 : index
      %parallel_loop3A_209 = tpu.vector_load %arg6[%parallel_loop3A_207, %parallel_loop3A_208] {strides = array<i32>} : memref<80x128xf32, #tpu.memory_space<vmem>>, vector<16xf32>,
      %parallel_loop3A_210 = math.exp %parallel_loop3A_209 : vector<16xf32>
      %parallel_loop3A_211 = arith.addf %parallel_loop3A_206, %parallel_loop3A_210 : vector<16xf32>
      %parallel_loop3A_212 = arith.index_cast %parallel_loop3A_182 : i32 to index
      %parallel_loop3A_213 = arith.constant 96 : index
      %parallel_loop3A_214 = tpu.vector_load %arg6[%parallel_loop3A_212, %parallel_loop3A_213] {strides = array<i32>} : memref<80x128xf32, #tpu.memory_space<vmem>>, vector<16xf32>,
      %parallel_loop3A_215 = math.exp %parallel_loop3A_214 : vector<16xf32>
      %parallel_loop3A_216 = arith.addf %parallel_loop3A_211, %parallel_loop3A_215 : vector<16xf32>
      %parallel_loop3A_217 = arith.index_cast %parallel_loop3A_182 : i32 to index
      %parallel_loop3A_218 = arith.constant 112 : index
      %parallel_loop3A_219 = tpu.vector_load %arg6[%parallel_loop3A_217, %parallel_loop3A_218] {strides = array<i32>} : memref<80x128xf32, #tpu.memory_space<vmem>>, vector<16xf32>,
      %parallel_loop3A_220 = math.exp %parallel_loop3A_219 : vector<16xf32>
      %parallel_loop3A_221 = arith.addf %parallel_loop3A_216, %parallel_loop3A_220 : vector<16xf32>
      %parallel_loop3A_222 = vector.shape_cast %broadcast_in_dim3A_13 : vector<16x1xi32> to vector<16xi32>
      %parallel_loop3A_223 = tpu.dynamic_gather %parallel_loop3A_221[%parallel_loop3A_222] in [0] : vector<16xf32>, vector<16xi32> -> vector<16xf32>
      %parallel_loop3A_224 = arith.addf %parallel_loop3A_221, %parallel_loop3A_223 : vector<16xf32>
      %parallel_loop3A_225 = vector.shape_cast %broadcast_in_dim3A_17 : vector<16x1xi32> to vector<16xi32>
      %parallel_loop3A_226 = tpu.dynamic_gather %parallel_loop3A_224[%parallel_loop3A_225] in [0] : vector<16xf32>, vector<16xi32> -> vector<16xf32>
      %parallel_loop3A_227 = arith.addf %parallel_loop3A_224, %parallel_loop3A_226 : vector<16xf32>
      %parallel_loop3A_228 = vector.shape_cast %broadcast_in_dim3A_21 : vector<16x1xi32> to vector<16xi32>
      %parallel_loop3A_229 = tpu.dynamic_gather %parallel_loop3A_227[%parallel_loop3A_228] in [0] : vector<16xf32>, vector<16xi32> -> vector<16xf32>
      %parallel_loop3A_230 = arith.addf %parallel_loop3A_227, %parallel_loop3A_229 : vector<16xf32>
      %parallel_loop3A_231 = vector.shape_cast %broadcast_in_dim3A_25 : vector<16x1xi32> to vector<16xi32>
      %parallel_loop3A_232 = tpu.dynamic_gather %parallel_loop3A_230[%parallel_loop3A_231] in [0] : vector<16xf32>, vector<16xi32> -> vector<16xf32>
      %parallel_loop3A_233 = arith.addf %parallel_loop3A_230, %parallel_loop3A_232 : vector<16xf32>
      %parallel_loop3A_234 = arith.divf %broadcast_in_dim3A_5, %parallel_loop3A_233 : vector<16xf32>
      %parallel_loop3A_235 = arith.mulf %parallel_loop3A_186, %parallel_loop3A_234 : vector<16xf32>
      %parallel_loop3A_236 = arith.index_cast %parallel_loop3A_182 : i32 to index
      %parallel_loop3A_237 = arith.constant 0 : index
      %parallel_loop3A_238 = tpu.vector_load %arg8[%parallel_loop3A_236, %parallel_loop3A_237] {strides = array<i32>} : memref<80x144xf32, #tpu.memory_space<vmem>>, vector<16xf32>,
      tpu.vector_store %arg8[%parallel_loop3A_236, %parallel_loop3A_237], %parallel_loop3A_235 {strides = array<i32>} : memref<80x144xf32, #tpu.memory_space<vmem>>, vector<16xf32>,
      %parallel_loop3A_239 = arith.mulf %parallel_loop3A_190, %parallel_loop3A_234 : vector<16xf32>
      %parallel_loop3A_240 = arith.index_cast %parallel_loop3A_182 : i32 to index
      %parallel_loop3A_241 = arith.constant 16 : index
      %parallel_loop3A_242 = tpu.vector_load %arg8[%parallel_loop3A_240, %parallel_loop3A_241] {strides = array<i32>} : memref<80x144xf32, #tpu.memory_space<vmem>>, vector<16xf32>,
      tpu.vector_store %arg8[%parallel_loop3A_240, %parallel_loop3A_241], %parallel_loop3A_239 {strides = array<i32>} : memref<80x144xf32, #tpu.memory_space<vmem>>, vector<16xf32>,
      %parallel_loop3A_243 = arith.mulf %parallel_loop3A_195, %parallel_loop3A_234 : vector<16xf32>
      %parallel_loop3A_244 = arith.index_cast %parallel_loop3A_182 : i32 to index
      %parallel_loop3A_245 = arith.constant 32 : index
      %parallel_loop3A_246 = tpu.vector_load %arg8[%parallel_loop3A_244, %parallel_loop3A_245] {strides = array<i32>} : memref<80x144xf32, #tpu.memory_space<vmem>>, vector<16xf32>,
      tpu.vector_store %arg8[%parallel_loop3A_244, %parallel_loop3A_245], %parallel_loop3A_243 {strides = array<i32>} : memref<80x144xf32, #tpu.memory_space<vmem>>, vector<16xf32>,
      %parallel_loop3A_247 = arith.mulf %parallel_loop3A_200, %parallel_loop3A_234 : vector<16xf32>
      %parallel_loop3A_248 = arith.index_cast %parallel_loop3A_182 : i32 to index
      %parallel_loop3A_249 = arith.constant 48 : index
      %parallel_loop3A_250 = tpu.vector_load %arg8[%parallel_loop3A_248, %parallel_loop3A_249] {strides = array<i32>} : memref<80x144xf32, #tpu.memory_space<vmem>>, vector<16xf32>,
      tpu.vector_store %arg8[%parallel_loop3A_248, %parallel_loop3A_249], %parallel_loop3A_247 {strides = array<i32>} : memref<80x144xf32, #tpu.memory_space<vmem>>, vector<16xf32>,
      %parallel_loop3A_251 = arith.mulf %parallel_loop3A_205, %parallel_loop3A_234 : vector<16xf32>
      %parallel_loop3A_252 = arith.index_cast %parallel_loop3A_182 : i32 to index
      %parallel_loop3A_253 = arith.constant 64 : index
      %parallel_loop3A_254 = tpu.vector_load %arg8[%parallel_loop3A_252, %parallel_loop3A_253] {strides = array<i32>} : memref<80x144xf32, #tpu.memory_space<vmem>>, vector<16xf32>,
      tpu.vector_store %arg8[%parallel_loop3A_252, %parallel_loop3A_253], %parallel_loop3A_251 {strides = array<i32>} : memref<80x144xf32, #tpu.memory_space<vmem>>, vector<16xf32>,
      %parallel_loop3A_255 = arith.mulf %parallel_loop3A_210, %parallel_loop3A_234 : vector<16xf32>
      %parallel_loop3A_256 = arith.index_cast %parallel_loop3A_182 : i32 to index
      %parallel_loop3A_257 = arith.constant 80 : index
      %parallel_loop3A_258 = tpu.vector_load %arg8[%parallel_loop3A_256, %parallel_loop3A_257] {strides = array<i32>} : memref<80x144xf32, #tpu.memory_space<vmem>>, vector<16xf32>,
      tpu.vector_store %arg8[%parallel_loop3A_256, %parallel_loop3A_257], %parallel_loop3A_255 {strides = array<i32>} : memref<80x144xf32, #tpu.memory_space<vmem>>, vector<16xf32>,
      %parallel_loop3A_259 = arith.mulf %parallel_loop3A_215, %parallel_loop3A_234 : vector<16xf32>
      %parallel_loop3A_260 = arith.index_cast %parallel_loop3A_182 : i32 to index
      %parallel_loop3A_261 = arith.constant 96 : index
      %parallel_loop3A_262 = tpu.vector_load %arg8[%parallel_loop3A_260, %parallel_loop3A_261] {strides = array<i32>} : memref<80x144xf32, #tpu.memory_space<vmem>>, vector<16xf32>,
      tpu.vector_store %arg8[%parallel_loop3A_260, %parallel_loop3A_261], %parallel_loop3A_259 {strides = array<i32>} : memref<80x144xf32, #tpu.memory_space<vmem>>, vector<16xf32>,
      %parallel_loop3A_263 = arith.mulf %parallel_loop3A_220, %parallel_loop3A_234 : vector<16xf32>
      %parallel_loop3A_264 = arith.index_cast %parallel_loop3A_182 : i32 to index
      %parallel_loop3A_265 = arith.constant 112 : index
      %parallel_loop3A_266 = tpu.vector_load %arg8[%parallel_loop3A_264, %parallel_loop3A_265] {strides = array<i32>} : memref<80x144xf32, #tpu.memory_space<vmem>>, vector<16xf32>,
      tpu.vector_store %arg8[%parallel_loop3A_264, %parallel_loop3A_265], %parallel_loop3A_263 {strides = array<i32>} : memref<80x144xf32, #tpu.memory_space<vmem>>, vector<16xf32>,
    } {sc.loop_unroll_factor = 8 : i64, sc.parallel_access}
    "tpu.region"() ({
      %run_scoped3A = tpu.sem_alloc : memref<!tpu.dma_semaphore, #tpu.memory_space<semaphore_mem>>
      %dma_start3A_182 = arith.constant 0 : i32
      %dma_start3A_183 = arith.constant 0 : i32
      %dma_start3A_184 = tpu.memref_slice %arg5[%dma_start3A_182, %dma_start3A_183] : memref<10000x144xf32, #tpu.memory_space<vmem_shared>> -> memref<10000x144xf32, #tpu.memory_space<vmem_shared>>
      tpu.enqueue_indirect_dma source(%arg8 : memref<80x144xf32, #tpu.memory_space<vmem>>) target(%dma_start3A_184 : memref<10000x144xf32, #tpu.memory_space<vmem_shared>>) offsets(%arg9 : memref<80xi32, #tpu.memory_space<vmem>>) semaphore(%run_scoped3A : memref<!tpu.dma_semaphore, #tpu.memory_space<semaphore_mem>>) {add = true}
      %dma_wait3A_185 = arith.constant 0 : i32
      %dma_wait3A_186 = arith.constant 0 : i32
      %dma_wait3A_187 = tpu.memref_slice %arg5[%dma_wait3A_185, %dma_wait3A_186] : memref<10000x144xf32, #tpu.memory_space<vmem_shared>> -> memref<10000x144xf32, #tpu.memory_space<vmem_shared>>
      tpu.wait_indirect_dma semaphore(%run_scoped3A : memref<!tpu.dma_semaphore, #tpu.memory_space<semaphore_mem>>) src(%arg8 : memref<80x144xf32, #tpu.memory_space<vmem>>) dst(%dma_wait3A_187 : memref<10000x144xf32, #tpu.memory_space<vmem_shared>>)
      tpu.yield
    }) : () -> ()
    %add3A_143 = arith.constant 9920 : i32
    %add3A_144 = arith.addi %mul3A_2, %add3A_143 : i32
    %dma_start3A_145 = arith.constant 0 : i32
    %dma_start3A_146 = tpu.memref_slice %arg2[%add3A_144, %dma_start3A_145] : memref<320000x128xf32, #tpu.memory_space<hbm>> -> memref<80x128xf32, #tpu.memory_space<hbm>>
    %dma_start3A_147 = arith.constant 0 : i32
    %dma_start3A_148 = tpu.memref_slice %arg2[%add3A_144, %dma_start3A_147] : memref<320000x128xf32, #tpu.memory_space<hbm>> -> memref<80x128xf32, #tpu.memory_space<hbm>>
    tpu.enqueue_dma source(%dma_start3A_148 : memref<80x128xf32, #tpu.memory_space<hbm>>) target(%arg6 : memref<80x128xf32, #tpu.memory_space<vmem>>) target_semaphore(%arg11 : memref<!tpu.dma_semaphore, #tpu.memory_space<semaphore_mem>>)
    %dma_start3A_149 = tpu.memref_slice %arg3[%add3A_144] : memref<320000xi32, #tpu.memory_space<hbm>> -> memref<80xi32, #tpu.memory_space<hbm>>
    %dma_start3A_150 = tpu.memref_slice %arg3[%add3A_144] : memref<320000xi32, #tpu.memory_space<hbm>> -> memref<80xi32, #tpu.memory_space<hbm>>
    tpu.enqueue_dma source(%dma_start3A_150 : memref<80xi32, #tpu.memory_space<hbm>>) target(%arg9 : memref<80xi32, #tpu.memory_space<vmem>>) target_semaphore(%arg11 : memref<!tpu.dma_semaphore, #tpu.memory_space<semaphore_mem>>)
    %dma_wait3A_151 = arith.constant 0 : i32
    %dma_wait3A_152 = arith.constant 0 : i32
    %dma_wait3A_153 = tpu.memref_slice %arg2[%dma_wait3A_151, %dma_wait3A_152] : memref<320000x128xf32, #tpu.memory_space<hbm>> -> memref<80x128xf32, #tpu.memory_space<hbm>>
    %dma_wait3A_154 = arith.constant 0 : i32
    %dma_wait3A_155 = arith.constant 0 : i32
    %dma_wait3A_156 = tpu.memref_slice %arg2[%dma_wait3A_154, %dma_wait3A_155] : memref<320000x128xf32, #tpu.memory_space<hbm>> -> memref<80x128xf32, #tpu.memory_space<hbm>>
    tpu.wait_dma2 semaphore(%arg12 : memref<!tpu.dma_semaphore, #tpu.memory_space<semaphore_mem>>) src(%dma_wait3A_156 : memref<80x128xf32, #tpu.memory_space<hbm>>) dst(%arg7 : memref<80x128xf32, #tpu.memory_space<vmem>>)
    %dma_wait3A_157 = arith.constant 0 : i32
    %dma_wait3A_158 = tpu.memref_slice %arg3[%dma_wait3A_157] : memref<320000xi32, #tpu.memory_space<hbm>> -> memref<80xi32, #tpu.memory_space<hbm>>
    %dma_wait3A_159 = arith.constant 0 : i32
    %dma_wait3A_160 = tpu.memref_slice %arg3[%dma_wait3A_159] : memref<320000xi32, #tpu.memory_space<hbm>> -> memref<80xi32, #tpu.memory_space<hbm>>
    tpu.wait_dma2 semaphore(%arg12 : memref<!tpu.dma_semaphore, #tpu.memory_space<semaphore_mem>>) src(%dma_wait3A_160 : memref<80xi32, #tpu.memory_space<hbm>>) dst(%arg10 : memref<80xi32, #tpu.memory_space<vmem>>)
    %parallel_loop3A_161 = arith.constant 0 : i32
    %parallel_loop3A_162 = arith.constant 80 : i32
    %parallel_loop3A_163 = arith.constant 1 : i32
    scf.for %parallel_loop3A_182 = %parallel_loop3A_161 to %parallel_loop3A_162 step %parallel_loop3A_163  : i32 {
      %parallel_loop3A_183 = arith.index_cast %parallel_loop3A_182 : i32 to index
      %parallel_loop3A_184 = arith.constant 0 : index
      %parallel_loop3A_185 = tpu.vector_load %arg7[%parallel_loop3A_183, %parallel_loop3A_184] {strides = array<i32>} : memref<80x128xf32, #tpu.memory_space<vmem>>, vector<16xf32>,
      %parallel_loop3A_186 = math.exp %parallel_loop3A_185 : vector<16xf32>
      %parallel_loop3A_187 = arith.index_cast %parallel_loop3A_182 : i32 to index
      %parallel_loop3A_188 = arith.constant 16 : index
      %parallel_loop3A_189 = tpu.vector_load %arg7[%parallel_loop3A_187, %parallel_loop3A_188] {strides = array<i32>} : memref<80x128xf32, #tpu.memory_space<vmem>>, vector<16xf32>,
      %parallel_loop3A_190 = math.exp %parallel_loop3A_189 : vector<16xf32>
      %parallel_loop3A_191 = arith.addf %parallel_loop3A_186, %parallel_loop3A_190 : vector<16xf32>
      %parallel_loop3A_192 = arith.index_cast %parallel_loop3A_182 : i32 to index
      %parallel_loop3A_193 = arith.constant 32 : index
      %parallel_loop3A_194 = tpu.vector_load %arg7[%parallel_loop3A_192, %parallel_loop3A_193] {strides = array<i32>} : memref<80x128xf32, #tpu.memory_space<vmem>>, vector<16xf32>,
      %parallel_loop3A_195 = math.exp %parallel_loop3A_194 : vector<16xf32>
      %parallel_loop3A_196 = arith.addf %parallel_loop3A_191, %parallel_loop3A_195 : vector<16xf32>
      %parallel_loop3A_197 = arith.index_cast %parallel_loop3A_182 : i32 to index
      %parallel_loop3A_198 = arith.constant 48 : index
      %parallel_loop3A_199 = tpu.vector_load %arg7[%parallel_loop3A_197, %parallel_loop3A_198] {strides = array<i32>} : memref<80x128xf32, #tpu.memory_space<vmem>>, vector<16xf32>,
      %parallel_loop3A_200 = math.exp %parallel_loop3A_199 : vector<16xf32>
      %parallel_loop3A_201 = arith.addf %parallel_loop3A_196, %parallel_loop3A_200 : vector<16xf32>
      %parallel_loop3A_202 = arith.index_cast %parallel_loop3A_182 : i32 to index
      %parallel_loop3A_203 = arith.constant 64 : index
      %parallel_loop3A_204 = tpu.vector_load %arg7[%parallel_loop3A_202, %parallel_loop3A_203] {strides = array<i32>} : memref<80x128xf32, #tpu.memory_space<vmem>>, vector<16xf32>,
      %parallel_loop3A_205 = math.exp %parallel_loop3A_204 : vector<16xf32>
      %parallel_loop3A_206 = arith.addf %parallel_loop3A_201, %parallel_loop3A_205 : vector<16xf32>
      %parallel_loop3A_207 = arith.index_cast %parallel_loop3A_182 : i32 to index
      %parallel_loop3A_208 = arith.constant 80 : index
      %parallel_loop3A_209 = tpu.vector_load %arg7[%parallel_loop3A_207, %parallel_loop3A_208] {strides = array<i32>} : memref<80x128xf32, #tpu.memory_space<vmem>>, vector<16xf32>,
      %parallel_loop3A_210 = math.exp %parallel_loop3A_209 : vector<16xf32>
      %parallel_loop3A_211 = arith.addf %parallel_loop3A_206, %parallel_loop3A_210 : vector<16xf32>
      %parallel_loop3A_212 = arith.index_cast %parallel_loop3A_182 : i32 to index
      %parallel_loop3A_213 = arith.constant 96 : index
      %parallel_loop3A_214 = tpu.vector_load %arg7[%parallel_loop3A_212, %parallel_loop3A_213] {strides = array<i32>} : memref<80x128xf32, #tpu.memory_space<vmem>>, vector<16xf32>,
      %parallel_loop3A_215 = math.exp %parallel_loop3A_214 : vector<16xf32>
      %parallel_loop3A_216 = arith.addf %parallel_loop3A_211, %parallel_loop3A_215 : vector<16xf32>
      %parallel_loop3A_217 = arith.index_cast %parallel_loop3A_182 : i32 to index
      %parallel_loop3A_218 = arith.constant 112 : index
      %parallel_loop3A_219 = tpu.vector_load %arg7[%parallel_loop3A_217, %parallel_loop3A_218] {strides = array<i32>} : memref<80x128xf32, #tpu.memory_space<vmem>>, vector<16xf32>,
      %parallel_loop3A_220 = math.exp %parallel_loop3A_219 : vector<16xf32>
      %parallel_loop3A_221 = arith.addf %parallel_loop3A_216, %parallel_loop3A_220 : vector<16xf32>
      %parallel_loop3A_222 = vector.shape_cast %broadcast_in_dim3A_13 : vector<16x1xi32> to vector<16xi32>
      %parallel_loop3A_223 = tpu.dynamic_gather %parallel_loop3A_221[%parallel_loop3A_222] in [0] : vector<16xf32>, vector<16xi32> -> vector<16xf32>
      %parallel_loop3A_224 = arith.addf %parallel_loop3A_221, %parallel_loop3A_223 : vector<16xf32>
      %parallel_loop3A_225 = vector.shape_cast %broadcast_in_dim3A_17 : vector<16x1xi32> to vector<16xi32>
      %parallel_loop3A_226 = tpu.dynamic_gather %parallel_loop3A_224[%parallel_loop3A_225] in [0] : vector<16xf32>, vector<16xi32> -> vector<16xf32>
      %parallel_loop3A_227 = arith.addf %parallel_loop3A_224, %parallel_loop3A_226 : vector<16xf32>
      %parallel_loop3A_228 = vector.shape_cast %broadcast_in_dim3A_21 : vector<16x1xi32> to vector<16xi32>
      %parallel_loop3A_229 = tpu.dynamic_gather %parallel_loop3A_227[%parallel_loop3A_228] in [0] : vector<16xf32>, vector<16xi32> -> vector<16xf32>
      %parallel_loop3A_230 = arith.addf %parallel_loop3A_227, %parallel_loop3A_229 : vector<16xf32>
      %parallel_loop3A_231 = vector.shape_cast %broadcast_in_dim3A_25 : vector<16x1xi32> to vector<16xi32>
      %parallel_loop3A_232 = tpu.dynamic_gather %parallel_loop3A_230[%parallel_loop3A_231] in [0] : vector<16xf32>, vector<16xi32> -> vector<16xf32>
      %parallel_loop3A_233 = arith.addf %parallel_loop3A_230, %parallel_loop3A_232 : vector<16xf32>
      %parallel_loop3A_234 = arith.divf %broadcast_in_dim3A_5, %parallel_loop3A_233 : vector<16xf32>
      %parallel_loop3A_235 = arith.mulf %parallel_loop3A_186, %parallel_loop3A_234 : vector<16xf32>
      %parallel_loop3A_236 = arith.index_cast %parallel_loop3A_182 : i32 to index
      %parallel_loop3A_237 = arith.constant 0 : index
      %parallel_loop3A_238 = tpu.vector_load %arg8[%parallel_loop3A_236, %parallel_loop3A_237] {strides = array<i32>} : memref<80x144xf32, #tpu.memory_space<vmem>>, vector<16xf32>,
      tpu.vector_store %arg8[%parallel_loop3A_236, %parallel_loop3A_237], %parallel_loop3A_235 {strides = array<i32>} : memref<80x144xf32, #tpu.memory_space<vmem>>, vector<16xf32>,
      %parallel_loop3A_239 = arith.mulf %parallel_loop3A_190, %parallel_loop3A_234 : vector<16xf32>
      %parallel_loop3A_240 = arith.index_cast %parallel_loop3A_182 : i32 to index
      %parallel_loop3A_241 = arith.constant 16 : index
      %parallel_loop3A_242 = tpu.vector_load %arg8[%parallel_loop3A_240, %parallel_loop3A_241] {strides = array<i32>} : memref<80x144xf32, #tpu.memory_space<vmem>>, vector<16xf32>,
      tpu.vector_store %arg8[%parallel_loop3A_240, %parallel_loop3A_241], %parallel_loop3A_239 {strides = array<i32>} : memref<80x144xf32, #tpu.memory_space<vmem>>, vector<16xf32>,
      %parallel_loop3A_243 = arith.mulf %parallel_loop3A_195, %parallel_loop3A_234 : vector<16xf32>
      %parallel_loop3A_244 = arith.index_cast %parallel_loop3A_182 : i32 to index
      %parallel_loop3A_245 = arith.constant 32 : index
      %parallel_loop3A_246 = tpu.vector_load %arg8[%parallel_loop3A_244, %parallel_loop3A_245] {strides = array<i32>} : memref<80x144xf32, #tpu.memory_space<vmem>>, vector<16xf32>,
      tpu.vector_store %arg8[%parallel_loop3A_244, %parallel_loop3A_245], %parallel_loop3A_243 {strides = array<i32>} : memref<80x144xf32, #tpu.memory_space<vmem>>, vector<16xf32>,
      %parallel_loop3A_247 = arith.mulf %parallel_loop3A_200, %parallel_loop3A_234 : vector<16xf32>
      %parallel_loop3A_248 = arith.index_cast %parallel_loop3A_182 : i32 to index
      %parallel_loop3A_249 = arith.constant 48 : index
      %parallel_loop3A_250 = tpu.vector_load %arg8[%parallel_loop3A_248, %parallel_loop3A_249] {strides = array<i32>} : memref<80x144xf32, #tpu.memory_space<vmem>>, vector<16xf32>,
      tpu.vector_store %arg8[%parallel_loop3A_248, %parallel_loop3A_249], %parallel_loop3A_247 {strides = array<i32>} : memref<80x144xf32, #tpu.memory_space<vmem>>, vector<16xf32>,
      %parallel_loop3A_251 = arith.mulf %parallel_loop3A_205, %parallel_loop3A_234 : vector<16xf32>
      %parallel_loop3A_252 = arith.index_cast %parallel_loop3A_182 : i32 to index
      %parallel_loop3A_253 = arith.constant 64 : index
      %parallel_loop3A_254 = tpu.vector_load %arg8[%parallel_loop3A_252, %parallel_loop3A_253] {strides = array<i32>} : memref<80x144xf32, #tpu.memory_space<vmem>>, vector<16xf32>,
      tpu.vector_store %arg8[%parallel_loop3A_252, %parallel_loop3A_253], %parallel_loop3A_251 {strides = array<i32>} : memref<80x144xf32, #tpu.memory_space<vmem>>, vector<16xf32>,
      %parallel_loop3A_255 = arith.mulf %parallel_loop3A_210, %parallel_loop3A_234 : vector<16xf32>
      %parallel_loop3A_256 = arith.index_cast %parallel_loop3A_182 : i32 to index
      %parallel_loop3A_257 = arith.constant 80 : index
      %parallel_loop3A_258 = tpu.vector_load %arg8[%parallel_loop3A_256, %parallel_loop3A_257] {strides = array<i32>} : memref<80x144xf32, #tpu.memory_space<vmem>>, vector<16xf32>,
      tpu.vector_store %arg8[%parallel_loop3A_256, %parallel_loop3A_257], %parallel_loop3A_255 {strides = array<i32>} : memref<80x144xf32, #tpu.memory_space<vmem>>, vector<16xf32>,
      %parallel_loop3A_259 = arith.mulf %parallel_loop3A_215, %parallel_loop3A_234 : vector<16xf32>
      %parallel_loop3A_260 = arith.index_cast %parallel_loop3A_182 : i32 to index
      %parallel_loop3A_261 = arith.constant 96 : index
      %parallel_loop3A_262 = tpu.vector_load %arg8[%parallel_loop3A_260, %parallel_loop3A_261] {strides = array<i32>} : memref<80x144xf32, #tpu.memory_space<vmem>>, vector<16xf32>,
      tpu.vector_store %arg8[%parallel_loop3A_260, %parallel_loop3A_261], %parallel_loop3A_259 {strides = array<i32>} : memref<80x144xf32, #tpu.memory_space<vmem>>, vector<16xf32>,
      %parallel_loop3A_263 = arith.mulf %parallel_loop3A_220, %parallel_loop3A_234 : vector<16xf32>
      %parallel_loop3A_264 = arith.index_cast %parallel_loop3A_182 : i32 to index
      %parallel_loop3A_265 = arith.constant 112 : index
      %parallel_loop3A_266 = tpu.vector_load %arg8[%parallel_loop3A_264, %parallel_loop3A_265] {strides = array<i32>} : memref<80x144xf32, #tpu.memory_space<vmem>>, vector<16xf32>,
      tpu.vector_store %arg8[%parallel_loop3A_264, %parallel_loop3A_265], %parallel_loop3A_263 {strides = array<i32>} : memref<80x144xf32, #tpu.memory_space<vmem>>, vector<16xf32>,
    } {sc.loop_unroll_factor = 8 : i64, sc.parallel_access}
    "tpu.region"() ({
      %run_scoped3A = tpu.sem_alloc : memref<!tpu.dma_semaphore, #tpu.memory_space<semaphore_mem>>
      %dma_start3A_182 = arith.constant 0 : i32
      %dma_start3A_183 = arith.constant 0 : i32
      %dma_start3A_184 = tpu.memref_slice %arg5[%dma_start3A_182, %dma_start3A_183] : memref<10000x144xf32, #tpu.memory_space<vmem_shared>> -> memref<10000x144xf32, #tpu.memory_space<vmem_shared>>
      tpu.enqueue_indirect_dma source(%arg8 : memref<80x144xf32, #tpu.memory_space<vmem>>) target(%dma_start3A_184 : memref<10000x144xf32, #tpu.memory_space<vmem_shared>>) offsets(%arg10 : memref<80xi32, #tpu.memory_space<vmem>>) semaphore(%run_scoped3A : memref<!tpu.dma_semaphore, #tpu.memory_space<semaphore_mem>>) {add = true}
      %dma_wait3A_185 = arith.constant 0 : i32
      %dma_wait3A_186 = arith.constant 0 : i32
      %dma_wait3A_187 = tpu.memref_slice %arg5[%dma_wait3A_185, %dma_wait3A_186] : memref<10000x144xf32, #tpu.memory_space<vmem_shared>> -> memref<10000x144xf32, #tpu.memory_space<vmem_shared>>
      tpu.wait_indirect_dma semaphore(%run_scoped3A : memref<!tpu.dma_semaphore, #tpu.memory_space<semaphore_mem>>) src(%arg8 : memref<80x144xf32, #tpu.memory_space<vmem>>) dst(%dma_wait3A_187 : memref<10000x144xf32, #tpu.memory_space<vmem_shared>>)
      tpu.yield
    }) : () -> ()
    %dma_wait3A_164 = arith.constant 0 : i32
    %dma_wait3A_165 = arith.constant 0 : i32
    %dma_wait3A_166 = tpu.memref_slice %arg2[%dma_wait3A_164, %dma_wait3A_165] : memref<320000x128xf32, #tpu.memory_space<hbm>> -> memref<80x128xf32, #tpu.memory_space<hbm>>
    %dma_wait3A_167 = arith.constant 0 : i32
    %dma_wait3A_168 = arith.constant 0 : i32
    %dma_wait3A_169 = tpu.memref_slice %arg2[%dma_wait3A_167, %dma_wait3A_168] : memref<320000x128xf32, #tpu.memory_space<hbm>> -> memref<80x128xf32, #tpu.memory_space<hbm>>
    tpu.wait_dma2 semaphore(%arg11 : memref<!tpu.dma_semaphore, #tpu.memory_space<semaphore_mem>>) src(%dma_wait3A_169 : memref<80x128xf32, #tpu.memory_space<hbm>>) dst(%arg6 : memref<80x128xf32, #tpu.memory_space<vmem>>)
    %dma_wait3A_170 = arith.constant 0 : i32
    %dma_wait3A_171 = tpu.memref_slice %arg3[%dma_wait3A_170] : memref<320000xi32, #tpu.memory_space<hbm>> -> memref<80xi32, #tpu.memory_space<hbm>>
    %dma_wait3A_172 = arith.constant 0 : i32
    %dma_wait3A_173 = tpu.memref_slice %arg3[%dma_wait3A_172] : memref<320000xi32, #tpu.memory_space<hbm>> -> memref<80xi32, #tpu.memory_space<hbm>>
    tpu.wait_dma2 semaphore(%arg11 : memref<!tpu.dma_semaphore, #tpu.memory_space<semaphore_mem>>) src(%dma_wait3A_173 : memref<80xi32, #tpu.memory_space<hbm>>) dst(%arg9 : memref<80xi32, #tpu.memory_space<vmem>>)
    %parallel_loop3A_174 = arith.constant 0 : i32
    %parallel_loop3A_175 = arith.constant 80 : i32
    %parallel_loop3A_176 = arith.constant 1 : i32
    scf.for %parallel_loop3A_182 = %parallel_loop3A_174 to %parallel_loop3A_175 step %parallel_loop3A_176  : i32 {
      %parallel_loop3A_183 = arith.index_cast %parallel_loop3A_182 : i32 to index
      %parallel_loop3A_184 = arith.constant 0 : index
      %parallel_loop3A_185 = tpu.vector_load %arg6[%parallel_loop3A_183, %parallel_loop3A_184] {strides = array<i32>} : memref<80x128xf32, #tpu.memory_space<vmem>>, vector<16xf32>,
      %parallel_loop3A_186 = math.exp %parallel_loop3A_185 : vector<16xf32>
      %parallel_loop3A_187 = arith.index_cast %parallel_loop3A_182 : i32 to index
      %parallel_loop3A_188 = arith.constant 16 : index
      %parallel_loop3A_189 = tpu.vector_load %arg6[%parallel_loop3A_187, %parallel_loop3A_188] {strides = array<i32>} : memref<80x128xf32, #tpu.memory_space<vmem>>, vector<16xf32>,
      %parallel_loop3A_190 = math.exp %parallel_loop3A_189 : vector<16xf32>
      %parallel_loop3A_191 = arith.addf %parallel_loop3A_186, %parallel_loop3A_190 : vector<16xf32>
      %parallel_loop3A_192 = arith.index_cast %parallel_loop3A_182 : i32 to index
      %parallel_loop3A_193 = arith.constant 32 : index
      %parallel_loop3A_194 = tpu.vector_load %arg6[%parallel_loop3A_192, %parallel_loop3A_193] {strides = array<i32>} : memref<80x128xf32, #tpu.memory_space<vmem>>, vector<16xf32>,
      %parallel_loop3A_195 = math.exp %parallel_loop3A_194 : vector<16xf32>
      %parallel_loop3A_196 = arith.addf %parallel_loop3A_191, %parallel_loop3A_195 : vector<16xf32>
      %parallel_loop3A_197 = arith.index_cast %parallel_loop3A_182 : i32 to index
      %parallel_loop3A_198 = arith.constant 48 : index
      %parallel_loop3A_199 = tpu.vector_load %arg6[%parallel_loop3A_197, %parallel_loop3A_198] {strides = array<i32>} : memref<80x128xf32, #tpu.memory_space<vmem>>, vector<16xf32>,
      %parallel_loop3A_200 = math.exp %parallel_loop3A_199 : vector<16xf32>
      %parallel_loop3A_201 = arith.addf %parallel_loop3A_196, %parallel_loop3A_200 : vector<16xf32>
      %parallel_loop3A_202 = arith.index_cast %parallel_loop3A_182 : i32 to index
      %parallel_loop3A_203 = arith.constant 64 : index
      %parallel_loop3A_204 = tpu.vector_load %arg6[%parallel_loop3A_202, %parallel_loop3A_203] {strides = array<i32>} : memref<80x128xf32, #tpu.memory_space<vmem>>, vector<16xf32>,
      %parallel_loop3A_205 = math.exp %parallel_loop3A_204 : vector<16xf32>
      %parallel_loop3A_206 = arith.addf %parallel_loop3A_201, %parallel_loop3A_205 : vector<16xf32>
      %parallel_loop3A_207 = arith.index_cast %parallel_loop3A_182 : i32 to index
      %parallel_loop3A_208 = arith.constant 80 : index
      %parallel_loop3A_209 = tpu.vector_load %arg6[%parallel_loop3A_207, %parallel_loop3A_208] {strides = array<i32>} : memref<80x128xf32, #tpu.memory_space<vmem>>, vector<16xf32>,
      %parallel_loop3A_210 = math.exp %parallel_loop3A_209 : vector<16xf32>
      %parallel_loop3A_211 = arith.addf %parallel_loop3A_206, %parallel_loop3A_210 : vector<16xf32>
      %parallel_loop3A_212 = arith.index_cast %parallel_loop3A_182 : i32 to index
      %parallel_loop3A_213 = arith.constant 96 : index
      %parallel_loop3A_214 = tpu.vector_load %arg6[%parallel_loop3A_212, %parallel_loop3A_213] {strides = array<i32>} : memref<80x128xf32, #tpu.memory_space<vmem>>, vector<16xf32>,
      %parallel_loop3A_215 = math.exp %parallel_loop3A_214 : vector<16xf32>
      %parallel_loop3A_216 = arith.addf %parallel_loop3A_211, %parallel_loop3A_215 : vector<16xf32>
      %parallel_loop3A_217 = arith.index_cast %parallel_loop3A_182 : i32 to index
      %parallel_loop3A_218 = arith.constant 112 : index
      %parallel_loop3A_219 = tpu.vector_load %arg6[%parallel_loop3A_217, %parallel_loop3A_218] {strides = array<i32>} : memref<80x128xf32, #tpu.memory_space<vmem>>, vector<16xf32>,
      %parallel_loop3A_220 = math.exp %parallel_loop3A_219 : vector<16xf32>
      %parallel_loop3A_221 = arith.addf %parallel_loop3A_216, %parallel_loop3A_220 : vector<16xf32>
      %parallel_loop3A_222 = vector.shape_cast %broadcast_in_dim3A_13 : vector<16x1xi32> to vector<16xi32>
      %parallel_loop3A_223 = tpu.dynamic_gather %parallel_loop3A_221[%parallel_loop3A_222] in [0] : vector<16xf32>, vector<16xi32> -> vector<16xf32>
      %parallel_loop3A_224 = arith.addf %parallel_loop3A_221, %parallel_loop3A_223 : vector<16xf32>
      %parallel_loop3A_225 = vector.shape_cast %broadcast_in_dim3A_17 : vector<16x1xi32> to vector<16xi32>
      %parallel_loop3A_226 = tpu.dynamic_gather %parallel_loop3A_224[%parallel_loop3A_225] in [0] : vector<16xf32>, vector<16xi32> -> vector<16xf32>
      %parallel_loop3A_227 = arith.addf %parallel_loop3A_224, %parallel_loop3A_226 : vector<16xf32>
      %parallel_loop3A_228 = vector.shape_cast %broadcast_in_dim3A_21 : vector<16x1xi32> to vector<16xi32>
      %parallel_loop3A_229 = tpu.dynamic_gather %parallel_loop3A_227[%parallel_loop3A_228] in [0] : vector<16xf32>, vector<16xi32> -> vector<16xf32>
      %parallel_loop3A_230 = arith.addf %parallel_loop3A_227, %parallel_loop3A_229 : vector<16xf32>
      %parallel_loop3A_231 = vector.shape_cast %broadcast_in_dim3A_25 : vector<16x1xi32> to vector<16xi32>
      %parallel_loop3A_232 = tpu.dynamic_gather %parallel_loop3A_230[%parallel_loop3A_231] in [0] : vector<16xf32>, vector<16xi32> -> vector<16xf32>
      %parallel_loop3A_233 = arith.addf %parallel_loop3A_230, %parallel_loop3A_232 : vector<16xf32>
      %parallel_loop3A_234 = arith.divf %broadcast_in_dim3A_5, %parallel_loop3A_233 : vector<16xf32>
      %parallel_loop3A_235 = arith.mulf %parallel_loop3A_186, %parallel_loop3A_234 : vector<16xf32>
      %parallel_loop3A_236 = arith.index_cast %parallel_loop3A_182 : i32 to index
      %parallel_loop3A_237 = arith.constant 0 : index
      %parallel_loop3A_238 = tpu.vector_load %arg8[%parallel_loop3A_236, %parallel_loop3A_237] {strides = array<i32>} : memref<80x144xf32, #tpu.memory_space<vmem>>, vector<16xf32>,
      tpu.vector_store %arg8[%parallel_loop3A_236, %parallel_loop3A_237], %parallel_loop3A_235 {strides = array<i32>} : memref<80x144xf32, #tpu.memory_space<vmem>>, vector<16xf32>,
      %parallel_loop3A_239 = arith.mulf %parallel_loop3A_190, %parallel_loop3A_234 : vector<16xf32>
      %parallel_loop3A_240 = arith.index_cast %parallel_loop3A_182 : i32 to index
      %parallel_loop3A_241 = arith.constant 16 : index
      %parallel_loop3A_242 = tpu.vector_load %arg8[%parallel_loop3A_240, %parallel_loop3A_241] {strides = array<i32>} : memref<80x144xf32, #tpu.memory_space<vmem>>, vector<16xf32>,
      tpu.vector_store %arg8[%parallel_loop3A_240, %parallel_loop3A_241], %parallel_loop3A_239 {strides = array<i32>} : memref<80x144xf32, #tpu.memory_space<vmem>>, vector<16xf32>,
      %parallel_loop3A_243 = arith.mulf %parallel_loop3A_195, %parallel_loop3A_234 : vector<16xf32>
      %parallel_loop3A_244 = arith.index_cast %parallel_loop3A_182 : i32 to index
      %parallel_loop3A_245 = arith.constant 32 : index
      %parallel_loop3A_246 = tpu.vector_load %arg8[%parallel_loop3A_244, %parallel_loop3A_245] {strides = array<i32>} : memref<80x144xf32, #tpu.memory_space<vmem>>, vector<16xf32>,
      tpu.vector_store %arg8[%parallel_loop3A_244, %parallel_loop3A_245], %parallel_loop3A_243 {strides = array<i32>} : memref<80x144xf32, #tpu.memory_space<vmem>>, vector<16xf32>,
      %parallel_loop3A_247 = arith.mulf %parallel_loop3A_200, %parallel_loop3A_234 : vector<16xf32>
      %parallel_loop3A_248 = arith.index_cast %parallel_loop3A_182 : i32 to index
      %parallel_loop3A_249 = arith.constant 48 : index
      %parallel_loop3A_250 = tpu.vector_load %arg8[%parallel_loop3A_248, %parallel_loop3A_249] {strides = array<i32>} : memref<80x144xf32, #tpu.memory_space<vmem>>, vector<16xf32>,
      tpu.vector_store %arg8[%parallel_loop3A_248, %parallel_loop3A_249], %parallel_loop3A_247 {strides = array<i32>} : memref<80x144xf32, #tpu.memory_space<vmem>>, vector<16xf32>,
      %parallel_loop3A_251 = arith.mulf %parallel_loop3A_205, %parallel_loop3A_234 : vector<16xf32>
      %parallel_loop3A_252 = arith.index_cast %parallel_loop3A_182 : i32 to index
      %parallel_loop3A_253 = arith.constant 64 : index
      %parallel_loop3A_254 = tpu.vector_load %arg8[%parallel_loop3A_252, %parallel_loop3A_253] {strides = array<i32>} : memref<80x144xf32, #tpu.memory_space<vmem>>, vector<16xf32>,
      tpu.vector_store %arg8[%parallel_loop3A_252, %parallel_loop3A_253], %parallel_loop3A_251 {strides = array<i32>} : memref<80x144xf32, #tpu.memory_space<vmem>>, vector<16xf32>,
      %parallel_loop3A_255 = arith.mulf %parallel_loop3A_210, %parallel_loop3A_234 : vector<16xf32>
      %parallel_loop3A_256 = arith.index_cast %parallel_loop3A_182 : i32 to index
      %parallel_loop3A_257 = arith.constant 80 : index
      %parallel_loop3A_258 = tpu.vector_load %arg8[%parallel_loop3A_256, %parallel_loop3A_257] {strides = array<i32>} : memref<80x144xf32, #tpu.memory_space<vmem>>, vector<16xf32>,
      tpu.vector_store %arg8[%parallel_loop3A_256, %parallel_loop3A_257], %parallel_loop3A_255 {strides = array<i32>} : memref<80x144xf32, #tpu.memory_space<vmem>>, vector<16xf32>,
      %parallel_loop3A_259 = arith.mulf %parallel_loop3A_215, %parallel_loop3A_234 : vector<16xf32>
      %parallel_loop3A_260 = arith.index_cast %parallel_loop3A_182 : i32 to index
      %parallel_loop3A_261 = arith.constant 96 : index
      %parallel_loop3A_262 = tpu.vector_load %arg8[%parallel_loop3A_260, %parallel_loop3A_261] {strides = array<i32>} : memref<80x144xf32, #tpu.memory_space<vmem>>, vector<16xf32>,
      tpu.vector_store %arg8[%parallel_loop3A_260, %parallel_loop3A_261], %parallel_loop3A_259 {strides = array<i32>} : memref<80x144xf32, #tpu.memory_space<vmem>>, vector<16xf32>,
      %parallel_loop3A_263 = arith.mulf %parallel_loop3A_220, %parallel_loop3A_234 : vector<16xf32>
      %parallel_loop3A_264 = arith.index_cast %parallel_loop3A_182 : i32 to index
      %parallel_loop3A_265 = arith.constant 112 : index
      %parallel_loop3A_266 = tpu.vector_load %arg8[%parallel_loop3A_264, %parallel_loop3A_265] {strides = array<i32>} : memref<80x144xf32, #tpu.memory_space<vmem>>, vector<16xf32>,
      tpu.vector_store %arg8[%parallel_loop3A_264, %parallel_loop3A_265], %parallel_loop3A_263 {strides = array<i32>} : memref<80x144xf32, #tpu.memory_space<vmem>>, vector<16xf32>,
    } {sc.loop_unroll_factor = 8 : i64, sc.parallel_access}
    "tpu.region"() ({
      %run_scoped3A = tpu.sem_alloc : memref<!tpu.dma_semaphore, #tpu.memory_space<semaphore_mem>>
      %dma_start3A_182 = arith.constant 0 : i32
      %dma_start3A_183 = arith.constant 0 : i32
      %dma_start3A_184 = tpu.memref_slice %arg5[%dma_start3A_182, %dma_start3A_183] : memref<10000x144xf32, #tpu.memory_space<vmem_shared>> -> memref<10000x144xf32, #tpu.memory_space<vmem_shared>>
      tpu.enqueue_indirect_dma source(%arg8 : memref<80x144xf32, #tpu.memory_space<vmem>>) target(%dma_start3A_184 : memref<10000x144xf32, #tpu.memory_space<vmem_shared>>) offsets(%arg9 : memref<80xi32, #tpu.memory_space<vmem>>) semaphore(%run_scoped3A : memref<!tpu.dma_semaphore, #tpu.memory_space<semaphore_mem>>) {add = true}
      %dma_wait3A_185 = arith.constant 0 : i32
      %dma_wait3A_186 = arith.constant 0 : i32
      %dma_wait3A_187 = tpu.memref_slice %arg5[%dma_wait3A_185, %dma_wait3A_186] : memref<10000x144xf32, #tpu.memory_space<vmem_shared>> -> memref<10000x144xf32, #tpu.memory_space<vmem_shared>>
      tpu.wait_indirect_dma semaphore(%run_scoped3A : memref<!tpu.dma_semaphore, #tpu.memory_space<semaphore_mem>>) src(%arg8 : memref<80x144xf32, #tpu.memory_space<vmem>>) dst(%dma_wait3A_187 : memref<10000x144xf32, #tpu.memory_space<vmem_shared>>)
      tpu.yield
    }) : () -> ()
    %barrier3A_177 = arith.constant 0 : index
    tpu.barrier barrier_id(%barrier3A_177)
    %mul3A_178 = arith.constant 625 : i32
    %mul3A_179 = arith.muli %arg1, %mul3A_178 : i32
    %mul3A_180 = arith.constant 625 : i32
    %mul3A_181 = arith.muli %arg1, %mul3A_180 : i32
    "tpu.region"() ({
      %run_scoped3A = tpu.sem_alloc : memref<!tpu.dma_semaphore, #tpu.memory_space<semaphore_mem>>
      %dma_start3A_182 = arith.constant 0 : i32
      %dma_start3A_183 = tpu.memref_slice %arg4[%arg0, %mul3A_181, %dma_start3A_182] : memref<2x10000x144xf32, #tpu.memory_space<hbm>> -> memref<1x625x144xf32, #tpu.memory_space<hbm>>
      %dma_start3A_184 = tpu.memref_squeeze %dma_start3A_183 : memref<1x625x144xf32, #tpu.memory_space<hbm>> -> memref<625x144xf32, #tpu.memory_space<hbm>>
      %dma_start3A_185 = arith.constant 0 : i32
      %dma_start3A_186 = tpu.memref_slice %arg5[%mul3A_179, %dma_start3A_185] : memref<10000x144xf32, #tpu.memory_space<vmem_shared>> -> memref<625x144xf32, #tpu.memory_space<vmem_shared>>
      tpu.enqueue_dma source(%dma_start3A_186 : memref<625x144xf32, #tpu.memory_space<vmem_shared>>) target(%dma_start3A_184 : memref<625x144xf32, #tpu.memory_space<hbm>>) target_semaphore(%run_scoped3A : memref<!tpu.dma_semaphore, #tpu.memory_space<semaphore_mem>>)
      %dma_wait3A_187 = arith.constant 0 : i32
      %dma_wait3A_188 = tpu.memref_slice %arg4[%arg0, %mul3A_181, %dma_wait3A_187] : memref<2x10000x144xf32, #tpu.memory_space<hbm>> -> memref<1x625x144xf32, #tpu.memory_space<hbm>>
      %dma_wait3A_189 = tpu.memref_squeeze %dma_wait3A_188 : memref<1x625x144xf32, #tpu.memory_space<hbm>> -> memref<625x144xf32, #tpu.memory_space<hbm>>
      %dma_wait3A_190 = arith.constant 0 : i32
      %dma_wait3A_191 = tpu.memref_slice %arg5[%mul3A_179, %dma_wait3A_190] : memref<10000x144xf32, #tpu.memory_space<vmem_shared>> -> memref<625x144xf32, #tpu.memory_space<vmem_shared>>
      tpu.wait_dma2 semaphore(%run_scoped3A : memref<!tpu.dma_semaphore, #tpu.memory_space<semaphore_mem>>) src(%dma_wait3A_191 : memref<625x144xf32, #tpu.memory_space<vmem_shared>>) dst(%dma_wait3A_189 : memref<625x144xf32, #tpu.memory_space<hbm>>)
      tpu.yield
    }) : () -> ()
    return
  }
}

module attributes {stable_mosaic.version = 14 : i64} {
  func.func @_phase2_body(%arg0: i32, %arg1: memref<2x1000x144xf32, #tpu.memory_space<vmem>>, %arg2: memref<1xf32, #tpu.memory_space<smem>>, %arg3: memref<2xf32, #tpu.memory_space<smem>>) attributes {dimension_semantics = [#tpu.dimension_semantics<arbitrary>], iteration_bounds = array<i64: 10>, scalar_prefetch = 0 : i64, scratch_operands = 1 : i64, tpu.core_type = #tpu.core_type<tc>, window_params = [{transform_indices = @transform_0, window_bounds = array<i64: 2, 1000, 144>}, {transform_indices = @transform_1, window_bounds = array<i64: 1>}]} {
    %get3A = arith.constant 0 : index
    %get3A_0 = arith.constant 0 : index
    %get3A_1 = arith.constant 0 : index
    %get3A_2 = vector.load %arg1[%get3A, %get3A_0, %get3A_1] : memref<2x1000x144xf32, #tpu.memory_space<vmem>>, vector<1x1000x144xf32>
    %get3A_3 = vector.shape_cast %get3A_2 : vector<1x1000x144xf32> to vector<1000x144xf32>
    %get3A_4 = arith.constant 1 : index
    %get3A_5 = arith.constant 0 : index
    %get3A_6 = arith.constant 0 : index
    %get3A_7 = vector.load %arg1[%get3A_4, %get3A_5, %get3A_6] : memref<2x1000x144xf32, #tpu.memory_space<vmem>>, vector<1x1000x144xf32>
    %get3A_8 = vector.shape_cast %get3A_7 : vector<1x1000x144xf32> to vector<1000x144xf32>
    %add3A = arith.addf %get3A_3, %get3A_8 : vector<1000x144xf32>
    %slice3A = vector.extract_strided_slice %add3A {offsets = [0, 0], sizes = [1000, 128], strides = [1, 1]} : vector<1000x144xf32> to vector<1000x128xf32>
    %slice3A_9 = vector.extract_strided_slice %add3A {offsets = [0, 128], sizes = [1000, 1], strides = [1, 1]} : vector<1000x144xf32> to vector<1000x1xf32>
    %squeeze3A = vector.shape_cast %slice3A_9 : vector<1000x1xf32> to vector<1000xf32>
    %gt3A = arith.constant 0.000000e+00 : f32
    %gt3A_10 = vector.broadcast %gt3A : f32 to vector<1000xf32>
    %gt3A_11 = arith.cmpf ogt, %squeeze3A, %gt3A_10 : vector<1000xf32>
    %jit3A = arith.constant 1.000000e+00 : f32
    %broadcast_in_dim3A = vector.broadcast %jit3A : f32 to vector<1000xf32>
    %select_n3A = arith.select %gt3A_11, %squeeze3A, %broadcast_in_dim3A : vector<1000xi1>, vector<1000xf32>
    %broadcast_in_dim3A_12 = vector.shape_cast %select_n3A : vector<1000xf32> to vector<1000x1xf32>
    %div3A = vector.broadcast %broadcast_in_dim3A_12 : vector<1000x1xf32> to vector<1000x128xf32>
    %div3A_13 = arith.divf %slice3A, %div3A : vector<1000x128xf32>
    %mul3A = arith.mulf %div3A_13, %div3A_13 : vector<1000x128xf32>
    %reduce_sum3A = arith.constant dense<0.000000e+00> : vector<1000xf32>
    %reduce_sum3A_14 = vector.multi_reduction <add>, %mul3A, %reduce_sum3A [1] : vector<1000x128xf32> to vector<1000xf32>
    %sub3A = arith.constant 1.000000e+00 : f32
    %sub3A_15 = vector.broadcast %sub3A : f32 to vector<1000xf32>
    %sub3A_16 = arith.subf %sub3A_15, %reduce_sum3A_14 : vector<1000xf32>
    %jit3A_17 = arith.constant 0.000000e+00 : f32
    %broadcast_in_dim3A_18 = vector.broadcast %jit3A_17 : f32 to vector<1000xf32>
    %select_n3A_19 = arith.select %gt3A_11, %sub3A_16, %broadcast_in_dim3A_18 : vector<1000xi1>, vector<1000xf32>
    %reduce_sum3A_20 = vector.shape_cast %select_n3A_19 : vector<1000xf32> to vector<1x1000xf32>
    %reduce_sum3A_21 = arith.constant dense<0.000000e+00> : vector<1xf32>
    %reduce_sum3A_22 = vector.multi_reduction <add>, %reduce_sum3A_20, %reduce_sum3A_21 [1] : vector<1x1000xf32> to vector<1xf32>
    %reduce_sum3A_23 = vector.shape_cast %reduce_sum3A_22 : vector<1xf32> to vector<1x1xf32>
    %reduce_sum3A_24 = vector.extract %reduce_sum3A_23[0, 0] : f32 from vector<1x1xf32>
    %jit3A_25 = arith.constant 1.000000e+00 : f32
    %jit3A_26 = arith.constant 0.000000e+00 : f32
    %broadcast_in_dim3A_27 = vector.broadcast %jit3A_25 : f32 to vector<1000xf32>
    %broadcast_in_dim3A_28 = vector.broadcast %jit3A_26 : f32 to vector<1000xf32>
    %select_n3A_29 = arith.select %gt3A_11, %broadcast_in_dim3A_27, %broadcast_in_dim3A_28 : vector<1000xi1>, vector<1000xf32>
    %reduce_sum3A_30 = vector.shape_cast %select_n3A_29 : vector<1000xf32> to vector<1x1000xf32>
    %reduce_sum3A_31 = arith.constant dense<0.000000e+00> : vector<1xf32>
    %reduce_sum3A_32 = vector.multi_reduction <add>, %reduce_sum3A_30, %reduce_sum3A_31 [1] : vector<1x1000xf32> to vector<1xf32>
    %reduce_sum3A_33 = vector.shape_cast %reduce_sum3A_32 : vector<1xf32> to vector<1x1xf32>
    %reduce_sum3A_34 = vector.extract %reduce_sum3A_33[0, 0] : f32 from vector<1x1xf32>
    %eq3A = arith.constant 0 : i32
    %eq3A_35 = arith.cmpi eq, %arg0, %eq3A : i32
    %convert_element_type3A = arith.extui %eq3A_35 : i1 to i32
    %cond3A = arith.constant 0 : i32
    %cond3A_36 = arith.cmpi ne, %convert_element_type3A, %cond3A : i32
    scf.if %cond3A_36 {
      %swap3A = arith.constant 0 : index
      %swap3A_47 = memref.load %arg3[%swap3A] : memref<2xf32, #tpu.memory_space<smem>>
      memref.store %reduce_sum3A_24, %arg3[%swap3A] : memref<2xf32, #tpu.memory_space<smem>>
      %swap3A_48 = arith.constant 1 : index
      %swap3A_49 = memref.load %arg3[%swap3A_48] : memref<2xf32, #tpu.memory_space<smem>>
      memref.store %reduce_sum3A_34, %arg3[%swap3A_48] : memref<2xf32, #tpu.memory_space<smem>>
    } else {
    }
    %gt3A_37 = arith.constant 0 : i32
    %gt3A_38 = arith.cmpi sgt, %arg0, %gt3A_37 : i32
    %convert_element_type3A_39 = arith.extui %gt3A_38 : i1 to i32
    %cond3A_40 = arith.constant 0 : i32
    %cond3A_41 = arith.cmpi ne, %convert_element_type3A_39, %cond3A_40 : i32
    scf.if %cond3A_41 {
      %get3A_47 = arith.constant 0 : index
      %get3A_48 = memref.load %arg3[%get3A_47] : memref<2xf32, #tpu.memory_space<smem>>
      %add3A_49 = arith.addf %get3A_48, %reduce_sum3A_24 : f32
      %swap3A = arith.constant 0 : index
      %swap3A_50 = memref.load %arg3[%swap3A] : memref<2xf32, #tpu.memory_space<smem>>
      memref.store %add3A_49, %arg3[%swap3A] : memref<2xf32, #tpu.memory_space<smem>>
      %get3A_51 = arith.constant 1 : index
      %get3A_52 = memref.load %arg3[%get3A_51] : memref<2xf32, #tpu.memory_space<smem>>
      %add3A_53 = arith.addf %get3A_52, %reduce_sum3A_34 : f32
      %swap3A_54 = arith.constant 1 : index
      %swap3A_55 = memref.load %arg3[%swap3A_54] : memref<2xf32, #tpu.memory_space<smem>>
      memref.store %add3A_53, %arg3[%swap3A_54] : memref<2xf32, #tpu.memory_space<smem>>
    } else {
    }
    %eq3A_42 = arith.constant 9 : i32
    %eq3A_43 = arith.cmpi eq, %arg0, %eq3A_42 : i32
    %convert_element_type3A_44 = arith.extui %eq3A_43 : i1 to i32
    %cond3A_45 = arith.constant 0 : i32
    %cond3A_46 = arith.cmpi ne, %convert_element_type3A_44, %cond3A_45 : i32
    scf.if %cond3A_46 {
      %get3A_47 = arith.constant 0 : index
      %get3A_48 = memref.load %arg3[%get3A_47] : memref<2xf32, #tpu.memory_space<smem>>
      %get3A_49 = arith.constant 1 : index
      %get3A_50 = memref.load %arg3[%get3A_49] : memref<2xf32, #tpu.memory_space<smem>>
      %div3A_51 = arith.divf %get3A_48, %get3A_50 : f32
      %swap3A = arith.constant 0 : index
      %swap3A_52 = memref.load %arg2[%swap3A] : memref<1xf32, #tpu.memory_space<smem>>
      memref.store %div3A_51, %arg2[%swap3A] : memref<1xf32, #tpu.memory_space<smem>>
    } else {
    }
    return
  }
  func.func @transform_0(%arg0: i32) -> (i32, i32, i32) {
    %c0_i32 = arith.constant 0 : i32
    %c0_i32_0 = arith.constant 0 : i32
    %c0_i32_1 = arith.constant 0 : i32
    return %c0_i32, %arg0, %c0_i32_0 : i32, i32, i32
  }
  func.func @transform_1(%arg0: i32) -> i32 {
    %c0_i32 = arith.constant 0 : i32
    %c0_i32_0 = arith.constant 0 : i32
    return %c0_i32 : i32
  }
}

</mosaic_0001>

<sc_bundles>
// kernel: kernel.4.cloned.1.call-start
scs
__scs_entry_jumppad:
0x0: {  	(pc) =	sbr.rel $0x88, $3  }
0x1: {  	(tag) =	ssettag $0x0;
	lr =	simm.s32 $0x1  }
0x2: {  	[smem:$0x3F9F] =	sst lr;
	_ =	strace $0xD0000000  }
0x3: {  	_ = 	snop  }
0x4: {  	_ = 	snop  }
0x5: {  	_ = 	snop  }
0x6: {  	_ = 	snop  }
0x7: {  	_ = 	snop  }
__scs_overlays_trampoline_lowered:
0x8: {  	[smem:$0x3FAE] =	sst s0  }
0x9: {  	[smem:$0x3FAF] =	sst s1  }
0xa: {  	[smem:$0x3FB0] =	sst s2  }
0xb: {  	[smem:$0x3FB1] =	sst s3  }
0xc: {  	[smem:$0x3FB2] =	sst s4  }
0xd: {  	[smem:$0x3FB3] =	sst s5  }
0xe: {  	[smem:$0x3FB4] =	sst s6  }
0xf: {  	[smem:$0x3FB5] =	sst s7  }
0x10: {  	[smem:$0x3FB6] =	sst s8  }
0x11: {  	[smem:$0x3FB7] =	sst s9;
	s0 =	simm.s32 @!p0 $0x0  }
0x12: {  	s1 =	sld [smem:$0x3F9D];
	s0 =	simm.s32 @p0 $0x1  }
0x13: {  	[smem:$0x3FB8] =	sst s0;
	s0 =	simm.s32 @!p1 $0x0  }
0x14: {  	s2 =	sld [smem:$0x3F9C];
	s0 =	simm.s32 @p1 $0x1  }
0x15: {  	[smem:$0x3FB9] =	sst s0;
	s0 =	simm.s32 @!p2 $0x0  }
0x16: {  	s3 =	sld [smem:$0x3FDB];
	s0 =	simm.s32 @p2 $0x1  }
0x17: {  	s4 =	simm.s32 $0x1BF5;
	[smem:$0x3FBB] =	sst s0  }
0x18: {  	s0 =	sld [smem:$0x3F9E];
	_ =	swait.ge [sflag:s4], $0x0  }
0x19: {  	s7 =	sld [smem:$0x3F9F]  }
0x1a: {  	s8 =	sadd.s32 $0xFFFFE003, lr  }
0x1b: {  	s9 =	sadd.s32 $0xFFFFFEF7, lr;
	s5 =	simm.s32 $0xFFFFFFFF;
	p2 =	slt.u32 s8, $0xFFFFF086  }
0x1c: {  	p1 =	slt.u32 s9, $0xF7A;
	s5 =	simm.s32 @!p2 $0x0  }
0x1d: {  	s5 =	simm.s32 @p1 $0x1;
	p0 =	seq.s32 s7, s2  }
0x1e: {  	s7 =	smul.u32 @!p0 $0xF7A, s2;
	p2 =	seq.s32 @!p0 s5, $0x0  }
0x1f: {  	s9 =	smul.u32 $0xF7A, s1;
	s8 =	simm.s32 @!p0 $0x1BF5;
	p2 =	por !p2, p0  }
0x20: {  	[sflag:s8] =	ssyncset.s32 @!p0 $0xFFFFF086;
	s6 =	sadd.s32 @!p0 s3, s7;
	s7 =	simm.s32 @!p0 $0x108  }
0x21: {  	s3 =	sadd.s32 s3, s9;
	s6 =	sadd.s32 @!p0 $0x88, s6;
	s7 =	simm.s32 @p2 $0x1082  }
0x22: {  	[simem:s7], [sflag:s8] =	dma.local @!p0 [hbm:s6], $0xF7A  }
0x23: {  	s9 =	sor.u32 $0xD0000000, s2;
	s6 =	simm.s32 $0x108;
	_ =	swait.ge @!p0 [sflag:s8], $0x0  }
0x24: {  	s3 =	sadd.s32 $0x88, s3;
	s6 =	simm.s32 @!p1 $0x1082;
	[sflag:s4] =	ssyncset.s32 $0xFFFFF086  }
0x25: {  	[simem:s6], [sflag:s4] =	dma.local [hbm:s3], $0xF7A  }
0x26: {  	[smem:$0x3F9F] =	sst s1;
	(tag) =	ssettag s2;
	_ =	strace s9  }
0x27: {  	s1 =	sld [smem:$0x3FAF]  }
0x28: {  	s2 =	sld [smem:$0x3FB0]  }
0x29: {  	s4 =	sld [smem:$0x3FB2]  }
0x2a: {  	p0 =	seq.s32 s5, $0x0;
	s5 =	sld [smem:$0x3FB3]  }
0x2b: {  	s6 =	sld [smem:$0x3FB4]  }
0x2c: {  	s7 =	sld [smem:$0x3FB5]  }
0x2d: {  	s3 =	simm.s32 $0x108;
	s8 =	sld [smem:$0x3FB6]  }
0x2e: {  	s3 =	simm.s32 @!p0 $0x1082;
	s9 =	sld [smem:$0x3FB7]  }
0x2f: {  	lr =	sadd.s32 s0, s3;
	s0 =	sld [smem:$0x3FAE]  }
0x30: {  	s3 =	sld [smem:$0x3FB1]  }
0x31: {  	[smem:$0x3FBA] =	sst s10  }
0x32: {  	s10 =	sld [smem:$0x3FB8];
	_ =	sdelay $0x3  }
0x33: {  	p0 =	seq.s32 s10, $0x1;
	s10 =	sld [smem:$0x3FBA];
	_ =	sdelay $0x3  }
0x34: {  	[smem:$0x3FBA] =	sst s10  }
0x35: {  	s10 =	sld [smem:$0x3FB9];
	_ =	sdelay $0x3  }
0x36: {  	p1 =	seq.s32 s10, $0x1;
	s10 =	sld [smem:$0x3FBA];
	_ =	sdelay $0x3  }
0x37: {  	[smem:$0x3FBA] =	sst s10  }
0x38: {  	s10 =	sld [smem:$0x3FBB]  }
0x39: {  	_ = 	snop;
	(pc) =	sbr.ind lr, $3  }
0x3a: {  	_ = 	snop  }
0x3b: {  	_ = 	snop  }
0x3c: {  	p2 =	seq.s32 s10, $0x1;
	s10 =	sld [smem:$0x3FBA]  }
0x3d: {  	_ =	shalt  }
0x3e: {  	_ =	shalt  }
0x3f: {  	_ =	shalt  }
0x40: {  	_ =	shalt  }
0x41: {  	_ =	shalt  }
0x42: {  	_ =	shalt  }
0x43: {  	_ =	shalt  }
0x44: {  	_ =	shalt  }
0x45: {  	_ =	shalt  }
0x46: {  	_ =	shalt  }
0x47: {  	_ =	shalt  }
0x48: {  	_ =	shalt  }
0x49: {  	_ =	shalt  }
0x4a: {  	_ =	shalt  }
0x4b: {  	_ =	shalt  }
0x4c: {  	_ =	shalt  }
0x4d: {  	_ =	shalt  }
0x4e: {  	_ =	shalt  }
0x4f: {  	_ =	shalt  }
0x50: {  	_ =	shalt  }
0x51: {  	_ =	shalt  }
0x52: {  	_ =	shalt  }
0x53: {  	_ =	shalt  }
0x54: {  	_ =	shalt  }
0x55: {  	_ =	shalt  }
0x56: {  	_ =	shalt  }
0x57: {  	_ =	shalt  }
0x58: {  	_ =	shalt  }
0x59: {  	_ =	shalt  }
0x5a: {  	_ =	shalt  }
0x5b: {  	_ =	shalt  }
0x5c: {  	_ =	shalt  }
0x5d: {  	_ =	shalt  }
0x5e: {  	_ =	shalt  }
0x5f: {  	_ =	shalt  }
0x60: {  	_ =	shalt  }
0x61: {  	_ =	shalt  }
0x62: {  	_ =	shalt  }
0x63: {  	_ =	shalt  }
0x64: {  	_ =	shalt  }
0x65: {  	_ =	shalt  }
0x66: {  	_ =	shalt  }
0x67: {  	_ =	shalt  }
0x68: {  	_ =	shalt  }
0x69: {  	_ =	shalt  }
0x6a: {  	_ =	shalt  }
0x6b: {  	_ =	shalt  }
0x6c: {  	_ =	shalt  }
0x6d: {  	_ =	shalt  }
0x6e: {  	_ =	shalt  }
0x6f: {  	_ =	shalt  }
0x70: {  	_ =	shalt  }
0x71: {  	_ =	shalt  }
0x72: {  	_ =	shalt  }
0x73: {  	_ =	shalt  }
0x74: {  	_ =	shalt  }
0x75: {  	_ =	shalt  }
0x76: {  	_ =	shalt  }
0x77: {  	_ =	shalt  }
0x78: {  	_ =	shalt  }
0x79: {  	_ =	shalt  }
0x7a: {  	_ =	shalt  }
0x7b: {  	_ =	shalt  }
0x7c: {  	_ =	shalt  }
0x7d: {  	_ =	shalt  }
0x7e: {  	_ =	shalt  }
0x7f: {  	_ =	shalt  }
0x80: {  	_ =	shalt  }
0x81: {  	_ =	shalt  }
0x82: {  	_ =	shalt  }
0x83: {  	_ =	shalt  }
0x84: {  	_ =	shalt  }
0x85: {  	_ =	shalt  }
0x86: {  	_ =	shalt  }
0x87: {  	_ =	shalt  }
.Lfunc_end0:
.L_simem_size_0:
called_computation_lowered:
.L_overlay_start_0:
0x88: {  	s2 =	sld [smem:$0x3FD9]  }
0x89: {  	s3 =	sld [smem:$0x3FFE];
	_ =	sdelay $0x1  }
0x8a: {  	s1 =	srdreg.scid  }
0x8b: {  	s0 =	sand.u32 $0x1, s1  }
0x8c: {  	s17 =	sshll.u32 s0, $0xA;
	s2 =	sadd.s32 s3, s2  }
0x8d: {  	s2 =	sadd.s32 s2, s17  }
0x8e: {  	[smem:$0x3FC6] =	sst s2  }
0x8f: {  	_ = 	snop  }
0x90: {  	s2 =	sld [smem:$0x3FC9]  }
0x91: {  	s18 =	sld [smem:$0x3FC8];
	(tm) =	ssettm $0x1  }
0x92: {  	s4 =	sld [smem:$0x3FFB];
	_ =	sdelay $0x3  }
0x93: {  	_ =	strace s4  }
0x94: {  	s4 =	sld [smem:$0x3FFC];
	_ =	sdelay $0x3  }
0x95: {  	_ =	strace s4  }
0x96: {  	s4 =	sld [smem:$0x3FFD];
	_ =	sdelay $0x3  }
0x97: {  	_ =	strace s4  }
0x98: {  	_ =	strace $0x8FFFFFFF  }
0x99: {  	s19 =	sld [smem:$0x3FDB];
	_ =	sdelay $0x1  }
0x9a: {  	s5 =	simm.s32 $_scs_section_size  }
0x9b: {  	s6 =	simm.s32 $_size__tile_overlayer_lowered;
	s7 =	simm.s32 $_tile_overlayer_lowered  }
0x9c: {  	s22 =	simm.s32 $0x1BFF;
	s21 =	sshll.u32 s7, $0x1;
	s4 =	sadd.s32 s5, s19  }
0x9d: {  	s8 =	simm.s32 $0x0;
	s20 =	sshll.u32 s6, $0x1;
	s6 =	sadd.s32 s21, s4  }
0x9e: {  	[timem:s8], [sflag:s22] =	dma.local [hbm:s6], s20  }
0x9f: {  	_ =	swait.ge [sflag:s22], s20  }
0xa0: {  	s5 =	ssub.s32 $0x0, s20;
	[sflag:s22] =	ssyncset.done $0x0  }
0xa1: {  	[sflag:s22] =	ssyncadd.s32 s5;
	_ =	sdelay $0x1  }
0xa2: {  	s23 =	simm.s32 $0x1B8B  }
0xa3: {  	_ =	swait.ge [sflag:s23], $0x1  }
0xa4: {  	[sflag:s23] =	ssyncset.done $0x0  }
0xa5: {  	s25 =	simm.s32 $0x1B8E;
	s24 =	sld [smem:$0x3FFE];
	[sflag:s23] =	ssyncadd.s32 $0xFFFFFFFF  }
0xa6: {  	s26 =	simm.s32 $execute0_lowered;
	[smem:$0x3FD2] =	sst s25  }
0xa7: {  	s6 =	sshll.u32 s26, $0x1;
	_ =	strace $0x80000046;
	[dreg:$0x1] =	wrdreg $0xFFFFFFFF  }
0xa8: {  	s28 =	simm.s32 $_size_execute0_lowered;
	s4 =	sadd.s32 s4, s6;
	[dreg:$0x0] =	wrdreg $0x0  }
0xa9: {  	s6 =	sshll.u32 s28, $0x1;
	[dreg:$0x2] =	wrdreg s4  }
0xaa: {  	[dreg:$0x3] =	wrdreg s6  }
0xab: {  	[dreg:$0x4] =	wrdreg $0xC0  }
0xac: {  	_ =	task [dreg:s8], $0x5FFFF  }
0xad: {  	[dreg:$0x1] =	wrdreg $0xFFFFFFFF  }
0xae: {  	[dreg:$0x0] =	wrdreg $0x60  }
0xaf: {  	[dreg:$0x2] =	wrdreg s2  }
0xb0: {  	[dreg:$0x3] =	wrdreg s18  }
0xb1: {  	[dreg:$0x4] =	wrdreg s24  }
0xb2: {  	[dreg:$0x5] =	wrdreg $0x0  }
0xb3: {  	[dreg:$0x6] =	wrdreg $0x9  }
0xb4: {  	_ =	task.clear_ibuf [dreg:s8], $0x7FFFF;
	_ =	strace $0x90000046  }
0xb5: {  	s29 =	simm.s32 $0x9;
	_ =	strace $0x80000048  }
0xb6: {  	_ =	swait.ge [sflag:s29], $0x1  }
0xb7: {  	[sflag:s29] =	ssyncadd.s32 $0xFFFFFFFF  }
0xb8: {  	_ =	strace $0x90000048  }
0xb9: {  	_ =	sfence  }
0xba: {  	s30 =	sld [smem:$0x0];
	_ =	sdelay $0x2  }
0xbb: {  	s31 =	sshll.u32 s1, $0xD;
	s1 =	sshrl.u32 s1, $0x2  }
0xbc: {  	s3 =	sand.u32 $0x4000, s31;
	s1 =	sadd.s32 s1, s30  }
0xbd: {  	s0 =	sor.u32 s3, s0;
	s1 =	sshll.u32 s1, $0x11  }
0xbe: {  	s0 =	sor.u32 s1, s0  }
0xbf: {  	s0 =	sadd.s32 $0x8F2B, s0  }
0xc0: {  	[sflag:s0] =	ssyncadd.remote.s32 $0x1  }
0xc1: {  	_ =	sfence.sel $0xFFFF  }
0xc2: {  	[dreg:$0x0] =	wrdreg $0xFFFFFFFF;
	(pc) =	sbr.abs _section_cstart, $3  }
0xc3: {  	[dreg:$0x1] =	wrdreg $0xFFFFFFFF  }
0xc4: {  	_ =	task.clear_ibuf [dreg:s8], $0x2FFFF;
	_ =	strace $0x9FFFFFFF  }
0xc5: {  	(tm) =	ssettm $0x7FFFFFFF  }
tec
execute0_lowered:
.L_overlay_start_1:
0x0: {  	(tag) =	ssettag $0x1  }
0x1: {  	s1 =	rddreg [dreg:$0x0]  }
0x2: {  	s3 =	rddreg [dreg:$0x1]  }
0x3: {  	s0 =	srdreg.scid;
	s24 =	rddreg [dreg:$0x2]  }
0x4: {  	s10 =	stileid.u32;
	s4 =	rddreg [dreg:$0x3];
	s5 =	simm.s32 $0x0  }
0x5: {  	s29 =	simm.s32 $0x1AF90;
	s30 =	simm.s32 $0x3;
	s6 =	smul.u32 $0x15F90, s10  }
0x6: {  	s31 =	simm.s32 $0x15F90;
	s2 =	sand.u32 $0x1, s0;
	s8 =	smul.u32 $0x57E40, s10  }
0x7: {  	[smem:$0x7FF] =	sst s5;
	s10 =	sshll.u32 s10, $0x1;
	s7 =	smul.u32 $0x15F900, s2  }
0x8: {  	s25 =	ssub.s32 $0x2, s2;
	s2 =	sor.u32 s2, s10;
	s8 =	sshrl.u32 s8, $0x2  }
0x9: {  	_ =	strace $0x80000047;
	s10 =	smul.u32 $0x2710, s2;
	s26 =	sadd.s32 s8, s4  }
0xa: {  	s9 =	sshrl.u32 s25, $0x1;
	s2 =	smul.u32 $0x27100, s2;
	s8 =	sadd.s32 $0x2D00, s26  }
0xb: {  	s7 =	sadd.s32 s6, s7;
	s11 =	sadd.s32 $0x5A00, s26;
	[dreg:$0x5] =	wrdreg s8  }
0xc: {  	s7 =	sshrl.u32 s7, $0x3;
	s12 =	sadd.s32 $0x8700, s26;
	[dreg:$0x6] =	wrdreg s11  }
0xd: {  	v0 =	vimm.s32 $0xBA98FEDC;
	v1 =	vimm.s32 $0x32107654;
	s13 =	sadd.s32 $0xB400, s26;
	s14 =	sadd.s32 $0xE100, s26;
	[dreg:$0x7] =	wrdreg s12  }
0xe: {  	v2 =	vimm.s32 $0x76543210;
	v3 =	vimm.s32 $0xFEDCBA98;
	s15 =	sadd.s32 $0x10E00, s26;
	s16 =	sadd.s32 $0x13B00, s26;
	[dreg:$0x8] =	wrdreg s13  }
0xf: {  	v4 =	vimm.s32 $0xDCFE98BA;
	v5 =	vimm.s32 $0xEFCDAB89;
	s2 =	sadd.s32 s1, s2;
	s17 =	sadd.s32 $0x50, s10;
	[dreg:$0x9] =	wrdreg s14  }
0x10: {  	v6 =	vimm.s32 $0x67452301;
	v7 =	vimm.f32 $0.0e+00;
	v0 =	vunpack.c.l.s4.s8 v0;
	s18 =	sshrl.u32 s10, $0x3;
	s0 =	sadd.s32 s7, s24;
	[dreg:$0xa] =	wrdreg s15  }
0x11: {  	v1 =	vunpack.c.l.s4.s8 v1;
	v62 =	vunpack.c.l.s4.s8 v4;
	v4 =	vimm.s32 $0x54761032;
	s7 =	ssub.s32 s25, s9;
	s8 =	sadd.s32 s6, s4;
	[dreg:$0xb] =	wrdreg s16  }
0x12: {  	v3 =	vunpack.c.l.s4.s8 v3;
	v5 =	vunpack.c.l.s4.s8 v5;
	v6 =	vunpack.c.l.s4.s8 v6;
	[dreg:$0xc] =	wrdreg s2;
	s19 =	sshll.u32 s17, $0x4;
	s15 =	sadd.s32 $0xA0, s10  }
0x13: {  	v2 =	vunpack.c.l.s4.s8 v2;
	v0 =	vunpack.c.0.s8.s32 v0;
	v1 =	vunpack.c.0.s8.s32 v1;
	s6 =	sadd.s32 s3, s18;
	s2 =	sshrl.u32 s17, $0x3;
	s24 =	sadd.s32 $0x26C0, s10  }
0x14: {  	v4 =	vunpack.c.l.s4.s8 v4;
	v3 =	vunpack.c.0.s8.s32 v3;
	v5 =	vunpack.c.0.s8.s32 v5;
	s9 =	simm.s32 $0x50;
	s11 =	simm.s32 $0x0;
	[dreg:$0xd] =	wrdreg s6  }
0x15: {  	v6 =	vunpack.c.0.s8.s32 v6;
	v2 =	vunpack.c.0.s8.s32 v2;
	v0 =	vcombine.low v1, v0;
	s20 =	sadd.s32 s1, s19;
	s2 =	sadd.s32 s3, s2;
	s21 =	sshll.u32 s15, $0x4  }
0x16: {  	v4 =	vunpack.c.0.s8.s32 v4;
	v1 =	vunpack.c.0.s8.s32 v62;
	v3 =	vand.u32 $0xF, v3;
	s19 =	sadd.s32 $0xF0, s10;
	s22 =	sshrl.u32 s15, $0x3;
	s25 =	sshll.u32 s24, $0x4  }
0x17: {  	vm0 =	vcmask $0x300;
	v32 =	vcombine.low v3, v2;
	s28 =	smax.u32 s7, $0x1;
	s6 =	simm.s32 $0x1DCE0;
	v0 =	vand.u32 $0xF, v0;
	[dreg:$0xe] =	wrdreg s20  }
0x18: {  	v1 =	vcombine.low v4, v1;
	v4 =	vcombine.low v6, v5;
	v5 =	vsel vm0, $0x3F800000, v7;
	s7 =	simm.s32 $0x1;
	s10 =	simm.s32 $0x2;
	[dreg:$0xf] =	wrdreg s2;
	[tilespmem:$0x1FFB0] =	vst v0  }
0x19: {  	s20 =	sadd.s32 s1, s21;
	s23 =	sshll.u32 s19, $0x4;
	s21 =	sadd.s32 s3, s22;
	[tilespmem:$0x1FFD0] =	vst v5  }
0x1a: {  	s2 =	sshrl.u32 s24, $0x3;
	s26 =	sshrl.u32 s19, $0x3;
	s24 =	sadd.s32 s1, s25;
	[tilespmem:$0x1FFE0] =	vst v32;
	v63 =	vand.u32 $0xF, v1  }
0x1b: {  	s22 =	sadd.s32 s1, s23;
	s23 =	sadd.s32 s3, s26;
	s25 =	sadd.s32 s3, s2;
	v40 =	vand.u32 $0xF, v4;
	[tilespmem:$0x1FFC0] =	vst v63  }
0x1c: {  	s26 =	sadd.s32 $0x400, s0;
	s2 =	simm.s32 $0x1DC90;
	s0 =	simm.s32 $0x18790;
	[tilespmem:$0x1FFF0] =	vst v40  }
.LBB2_1:
0x1d: {  	s12 =	simm.s32 $0x0;
	s13 =	simm.s32 $0x240  }
.LBB2_2:
0x1e: {  	p0 =	sne.s32 s13, $0xB1C0;
	[tilespmem:s12+$0x1B010] =	vst v7  }
0x1f: {  	[tilespmem:s12+$0x1AF90] =	vst v7  }
0x20: {  	[tilespmem:s12+$0x1AFA0] =	vst v7  }
0x21: {  	[tilespmem:s12+$0x1AFB0] =	vst v7  }
.Ltmp0:
0x22: {  	[tilespmem:s12+$0x1AFC0] =	vst v7;
	(pc) =	sbr.rel @p0 .LBB2_2-.Ltmp0, $4  }
0x23: {  	[tilespmem:s12+$0x1AFD0] =	vst v7  }
0x24: {  	[tilespmem:s12+$0x1AFE0] =	vst v7  }
0x25: {  	[tilespmem:s12+$0x1AFF0] =	vst v7  }
0x26: {  	[tilespmem:s12+$0x1B000] =	vst v7;
	s12 =	sshra.s32 s13, $0x2;
	s13 =	sadd.s32 $0x240, s13  }
0x27: {  	[tilespmem:s12+$0x1B010] =	vst v7  }
0x28: {  	[tilespmem:s12+$0x1AF90] =	vst v7  }
0x29: {  	[tilespmem:s12+$0x1AFA0] =	vst v7  }
0x2a: {  	[tilespmem:s12+$0x1AFB0] =	vst v7  }
0x2b: {  	[tilespmem:s12+$0x1AFC0] =	vst v7  }
0x2c: {  	[tilespmem:s12+$0x1AFD0] =	vst v7  }
0x2d: {  	[tilespmem:s12+$0x1AFE0] =	vst v7  }
0x2e: {  	[tilespmem:s12+$0x1AFF0] =	vst v7  }
0x2f: {  	[tilespmem:s12+$0x1B000] =	vst v7  }
0x30: {  	[spmem:s8] =	stream.linear.scatter [tilespmem:s29], [sflag:$0x3], $0x2D00, $0x38;
	[tilespmem:$0x1DD30] =	vst v63  }
0x31: {  	_ =	swait.ge [sflag:s30], $0x2D00  }
0x32: {  	[sflag:s30] =	ssyncset.done $0x0  }
0x33: {  	s17 =	rddreg [dreg:$0x5];
	[sflag:s30] =	ssyncadd.s32 $0xFFFFD300  }
0x34: {  	[spmem:s17] =	stream.linear.scatter [tilespmem:s29], [sflag:$0x3], $0x2D00, $0x38;
	[tilespmem:$0x1DD30] =	vst v63  }
0x35: {  	_ =	swait.ge [sflag:s30], $0x2D00  }
0x36: {  	[sflag:s30] =	ssyncset.done $0x0  }
0x37: {  	s18 =	rddreg [dreg:$0x6];
	[sflag:s30] =	ssyncadd.s32 $0xFFFFD300  }
0x38: {  	[spmem:s18] =	stream.linear.scatter [tilespmem:s29], [sflag:$0x3], $0x2D00, $0x38;
	[tilespmem:$0x1DD30] =	vst v63  }
0x39: {  	_ =	swait.ge [sflag:s30], $0x2D00  }
0x3a: {  	[sflag:s30] =	ssyncset.done $0x0  }
0x3b: {  	s13 =	rddreg [dreg:$0x7];
	[sflag:s30] =	ssyncadd.s32 $0xFFFFD300  }
0x3c: {  	[spmem:s13] =	stream.linear.scatter [tilespmem:s29], [sflag:$0x3], $0x2D00, $0x38;
	[tilespmem:$0x1DD30] =	vst v63  }
0x3d: {  	_ =	swait.ge [sflag:s30], $0x2D00  }
0x3e: {  	[sflag:s30] =	ssyncset.done $0x0  }
0x3f: {  	s14 =	rddreg [dreg:$0x8];
	[sflag:s30] =	ssyncadd.s32 $0xFFFFD300  }
0x40: {  	[spmem:s14] =	stream.linear.scatter [tilespmem:s29], [sflag:$0x3], $0x2D00, $0x38;
	[tilespmem:$0x1DD30] =	vst v63  }
0x41: {  	_ =	swait.ge [sflag:s30], $0x2D00  }
0x42: {  	[sflag:s30] =	ssyncset.done $0x0  }
0x43: {  	s16 =	rddreg [dreg:$0x9];
	[sflag:s30] =	ssyncadd.s32 $0xFFFFD300  }
0x44: {  	[spmem:s16] =	stream.linear.scatter [tilespmem:s29], [sflag:$0x3], $0x2D00, $0x38;
	[tilespmem:$0x1DD30] =	vst v63  }
0x45: {  	_ =	swait.ge [sflag:s30], $0x2D00  }
0x46: {  	[sflag:s30] =	ssyncset.done $0x0  }
0x47: {  	s17 =	rddreg [dreg:$0xa];
	[sflag:s30] =	ssyncadd.s32 $0xFFFFD300  }
0x48: {  	[spmem:s17] =	stream.linear.scatter [tilespmem:s29], [sflag:$0x3], $0x2D00, $0x38;
	[tilespmem:$0x1DD30] =	vst v63  }
0x49: {  	_ =	swait.ge [sflag:s30], $0x2D00  }
0x4a: {  	[sflag:s30] =	ssyncset.done $0x0  }
0x4b: {  	s18 =	rddreg [dreg:$0xb];
	[sflag:s30] =	ssyncadd.s32 $0xFFFFD300  }
0x4c: {  	[spmem:s18] =	stream.linear.scatter [tilespmem:s29], [sflag:$0x3], $0x2490, $0x38;
	[tilespmem:$0x1DD30] =	vst v63  }
0x4d: {  	_ =	swait.ge [sflag:s30], $0x2490  }
0x4e: {  	[sflag:s30] =	ssyncset.done $0x0  }
0x4f: {  	s12 =	simm.s32 $0x440;
	s13 =	simm.s32 $0x80;
	[sflag:s30] =	ssyncadd.s32 $0xFFFFDB70  }
.LBB2_4:
0x50: {  	p0 =	sne.s32 s12, $0xB3C0;
	[tilespmem:s13+$0x1AF90] =	vst v5;
	s13 =	smov.u32 s12;
	s12 =	sadd.s32 $0x240, s12  }
.Ltmp1:
0x51: {  	(pc) =	sbr.rel @p0 .LBB2_4-.Ltmp1, $2  }
0x52: {  	_ =	sdelay $0x2  }
0x53: {  	s13 =	sshra.s32 s13, $0x2  }
0x54: {  	[tilespmem:s13+$0x1AF90] =	vst v5  }
0x55: {  	[bflag:$0x0] =	sbarrier.arrive $0xFFFF  }
0x56: {  	s12 =	rddreg [dreg:$0xc]  }
0x57: {  	[tilespmem:s31], [sflag:$0x1] =	stream.linear.gather [hbm4b:s12+s5], $0x2800, $0x38;
	[tilespmem:$0x1DD30] =	vst v63  }
0x58: {  	s14 =	rddreg [dreg:$0xd]  }
0x59: {  	[tilespmem:s2], [sflag:$0x1] =	stream.linear.gather [hbm4b:s14+s5], $0x50, $0x38;
	[tilespmem:$0x1DD30] =	vst v63  }
0x5a: {  	s16 =	rddreg [dreg:$0xe]  }
0x5b: {  	[tilespmem:s0], [sflag:$0x2] =	stream.linear.gather [hbm4b:s16+s5], $0x2800, $0x38;
	[tilespmem:$0x1DD30] =	vst v63  }
0x5c: {  	s17 =	rddreg [dreg:$0xf]  }
0x5d: {  	[tilespmem:s6], [sflag:$0x2] =	stream.linear.gather [hbm4b:s17+s5], $0x50, $0x38;
	[tilespmem:$0x1DD30] =	vst v63  }
0x5e: {  	_ =	swait.ge [sflag:s7], $0x2800  }
0x5f: {  	[sflag:s7] =	ssyncset.done $0x0  }
0x60: {  	[sflag:s7] =	ssyncadd.s32 $0xFFFFD800  }
0x61: {  	_ =	swait.ge [sflag:s7], $0x50  }
0x62: {  	[sflag:s7] =	ssyncset.done $0x0  }
0x63: {  	s18 =	simm.s32 $0x16190;
	[sflag:s7] =	ssyncadd.s32 $0xFFFFFFB0  }
0x64: {  	v0 =	vld [tilespmem:s18+$0x180]  }
0x65: {  	v1 =	vld [tilespmem:s18+$0x190]  }
0x66: {  	v2 =	vld [tilespmem:s18+$0xFFFFFE10]  }
0x67: {  	v3 =	vld [tilespmem:s18+$0x1A0]  }
0x68: {  	v4 =	vld [tilespmem:s18+$0xFFFFFE80]  }
0x69: {  	v5 =	vld [tilespmem:s18+$0x1B0];
	v0 =	vmul.f32 $1.442695020e+00, v0  }
0x6a: {  	v7 =	vld [tilespmem:s18+$0x1C0];
	v1 =	vmul.f32 $1.442695020e+00, v1  }
0x6b: {  	v6 =	vld [tilespmem:s18+$0xFFFFFE90];
	v2 =	vmul.f32 $1.442695020e+00, v2;
	(erf) = vpow2.f32 v0  }
0x6c: {  	v3 =	vmul.f32 $1.442695020e+00, v3;
	(erf) = vpow2.f32 v1  }
0x6d: {  	v0 =	vld [tilespmem:s18+$0xFFFFFF00];
	v1 =	vmul.f32 $1.442695020e+00, v4;
	(erf) = vpow2.f32 v2  }
0x6e: {  	v5 =	vmul.f32 $1.442695020e+00, v5;
	v4 =	vld [tilespmem:s18+$0x1D0];
	(erf) = vpow2.f32 v3  }
0x6f: {  	v7 =	vmul.f32 $1.442695020e+00, v7;
	v2 =	vld [tilespmem:s18+$0xFFFFFF10];
	(erf) = vpow2.f32 v1  }
0x70: {  	v3 =	vmul.f32 $1.442695020e+00, v6;
	v6 =	vld [tilespmem:s18+$0x1E0];
	(erf) = vpow2.f32 v5  }
0x71: {  	v1 =	vld [tilespmem:s18+$0xFFFFFF80]  }
0x72: {  	v0 =	vmul.f32 $1.442695020e+00, v0;
	v5 =	vld [tilespmem:s18+$0x1F0];
	(erf) = vpow2.f32 v3  }
0x73: {  	v3 =	vmul.f32 $1.442695020e+00, v4;
	(erf) = vpow2.f32 v7  }
0x74: {  	v2 =	vmul.f32 $1.442695020e+00, v2;
	(erf) = vpow2.f32 v0;
	v0 =	vld [tilespmem:s18+$0xFFFFFF90];
	v7 =	vpop (erf)  }
0x75: {  	v32 =	vld [tilespmem:$0x1FFE0];
	v4 =	vmul.f32 $1.442695020e+00, v6;
	(erf) = vpow2.f32 v3;
	[tilespmem:$0x1FF40] =	vst v7;
	v6 =	vpop (erf)  }
0x76: {  	v1 =	vmul.f32 $1.442695020e+00, v1;
	(erf) = vpow2.f32 v2;
	v3 =	vld [tilespmem:s18+$0x0];
	[tilespmem:$0x1FF50] =	vst v6;
	v6 =	vadd.f32 v6, v7;
	v36 =	vpop (erf)  }
0x77: {  	v5 =	vmul.f32 $1.442695020e+00, v5;
	(erf) = vpow2.f32 v4;
	v4 =	vld [tilespmem:s18+$0x80];
	v7 =	vpop (erf)  }
0x78: {  	v2 =	vld [tilespmem:s18+$0x10];
	(erf) = vpow2.f32 v1;
	v6 =	vadd.f32 v7, v6;
	v27 =	vpop (erf)  }
0x79: {  	v43 =	vld [tilespmem:$0x1FFB0];
	[tilespmem:$0x1FF60] =	vst v7;
	(erf) = vpow2.f32 v5;
	v0 =	vmul.f32 $1.442695020e+00, v0;
	v8 =	vpop (erf)  }
0x7a: {  	v1 =	vld [tilespmem:s18+$0x90];
	v6 =	vadd.f32 v8, v6  }
0x7b: {  	v5 =	vld [tilespmem:s18+$0x100];
	[tilespmem:$0x1FF70] =	vst v8;
	v17 =	vpop (erf);
	(erf) = vpow2.f32 v0  }
0x7c: {  	v3 =	vmul.f32 $1.442695020e+00, v3;
	v7 =	vld [tilespmem:s18+$0x110];
	v10 =	vpop (erf);
	v0 =	vmul.f32 $1.442695020e+00, v4  }
0x7d: {  	v8 =	vld [tilespmem:s18+$0xFFFFFE00];
	v2 =	vmul.f32 $1.442695020e+00, v2;
	[tilespmem:$0x1FF80] =	vst v10;
	v18 =	vpop (erf)  }
0x7e: {  	v9 =	vld [tilespmem:s18+$0xFFFFFE20];
	(erf) = vpow2.f32 v3;
	v3 =	vadd.f32 v10, v6;
	v6 =	vpop (erf)  }
0x7f: {  	v4 =	vld [tilespmem:s18+$0xFFFFFEA0];
	v1 =	vmul.f32 $1.442695020e+00, v1;
	(erf) = vpow2.f32 v2;
	[tilespmem:$0x1FF90] =	vst v6;
	v29 =	vpop (erf)  }
0x80: {  	v5 =	vmul.f32 $1.442695020e+00, v5;
	(erf) = vpow2.f32 v0;
	v3 =	vadd.f32 v6, v3;
	v2 =	vld [tilespmem:s18+$0xFFFFFF20];
	v0 =	vpop (erf)  }
0x81: {  	v6 =	vld [tilespmem:s18+$0xFFFFFFA0];
	v7 =	vmul.f32 $1.442695020e+00, v7;
	(erf) = vpow2.f32 v1;
	[tilespmem:$0x1FFA0] =	vst v0;
	v63 =	vpop (erf)  }
0x82: {  	v8 =	vmul.f32 $1.442695020e+00, v8;
	(erf) = vpow2.f32 v5;
	v3 =	vadd.f32 v0, v3;
	v10 =	vld [tilespmem:s18+$0x20];
	v0 =	vpop (erf)  }
0x83: {  	v5 =	vmul.f32 $1.442695020e+00, v9;
	v9 =	vld [tilespmem:s18+$0xA0];
	(erf) = vpow2.f32 v7;
	[tilespmem:$0x1FF30] =	vst v0  }
0x84: {  	v4 =	vmul.f32 $1.442695020e+00, v4;
	(erf) = vpow2.f32 v8;
	v3 =	vadd.f32 v0, v3;
	v7 =	vld [tilespmem:s18+$0x120]  }
0x85: {  	v8 =	vld [tilespmem:s18+$0xFFFFFE30];
	(erf) = vpow2.f32 v5;
	v2 =	vmul.f32 $1.442695020e+00, v2  }
0x86: {  	v5 =	vld [tilespmem:s18+$0xFFFFFEB0];
	v6 =	vmul.f32 $1.442695020e+00, v6;
	v11 =	vperm.xlane v3, v32  }
0x87: {  	(erf) = vpow2.f32 v4;
	v4 =	vld [tilespmem:s18+$0xFFFFFF30];
	v10 =	vmul.f32 $1.442695020e+00, v10  }
0x88: {  	v42 =	vpop (erf);
	(erf) = vpow2.f32 v2;
	v2 =	vld [tilespmem:s18+$0xFFFFFFB0];
	v9 =	vmul.f32 $1.442695020e+00, v9;
	v3 =	vadd.f32 v3, v11  }
0x89: {  	v54 =	vld [tilespmem:$0x1FFC0];
	v48 =	vpop (erf);
	(erf) = vpow2.f32 v6;
	v7 =	vmul.f32 $1.442695020e+00, v7  }
0x8a: {  	v49 =	vpop (erf);
	v11 =	vld [tilespmem:s18+$0xB0];
	(erf) = vpow2.f32 v10;
	v10 =	vperm.xlane v3, v43  }
0x8b: {  	v6 =	vld [tilespmem:s18+$0x30];
	v31 =	vpop (erf);
	v8 =	vmul.f32 $1.442695020e+00, v8;
	(erf) = vpow2.f32 v9  }
0x8c: {  	v23 =	vpop (erf);
	v5 =	vmul.f32 $1.442695020e+00, v5;
	v9 =	vld [tilespmem:s18+$0x130];
	(erf) = vpow2.f32 v7;
	v3 =	vadd.f32 v3, v10  }
0x8d: {  	v46 =	vpop (erf);
	v7 =	vmul.f32 $1.442695020e+00, v4;
	v2 =	vmul.f32 $1.442695020e+00, v2  }
0x8e: {  	v10 =	vld [tilespmem:s18+$0xFFFFFE40];
	v62 =	vpop (erf);
	(erf) = vpow2.f32 v8;
	v8 =	vperm.xlane v3, v54  }
0x8f: {  	v39 =	vpop (erf);
	v11 =	vmul.f32 $1.442695020e+00, v11;
	(erf) = vpow2.f32 v5  }
0x90: {  	v12 =	vld [tilespmem:s18+$0xFFFFFEC0];
	v6 =	vmul.f32 $1.442695020e+00, v6;
	v38 =	vpop (erf);
	(erf) = vpow2.f32 v7;
	v7 =	vadd.f32 v3, v8  }
0x91: {  	v41 =	vpop (erf);
	v8 =	vld [tilespmem:s18+$0xFFFFFF40];
	v9 =	vmul.f32 $1.442695020e+00, v9;
	(erf) = vpow2.f32 v2  }
0x92: {  	v13 =	vld [tilespmem:s18+$0xFFFFFFC0];
	v44 =	vpop (erf);
	(erf) = vpow2.f32 v6;
	v6 =	vperm.xlane v7, v40  }
0x93: {  	v14 =	vld [tilespmem:s18+$0x40];
	v10 =	vmul.f32 $1.442695020e+00, v10;
	v4 =	vpop (erf);
	(erf) = vpow2.f32 v11  }
0x94: {  	v11 =	vld [tilespmem:s18+$0xC0];
	v52 =	vpop (erf);
	(erf) = vpow2.f32 v9;
	v6 =	vadd.f32 v7, v6  }
0x95: {  	v9 =	vld [tilespmem:s18+$0x140];
	v7 =	vmul.f32 $1.442695020e+00, v12;
	v57 =	vpop (erf);
	(erf) = vpow2.f32 v10  }
0x96: {  	v10 =	vld [tilespmem:s18+$0xFFFFFE50];
	v12 =	vmul.f32 $1.442695020e+00, v8;
	v55 =	vpop (erf);
	(erf) = vrcp.f32 v6  }
0x97: {  	v15 =	vld [tilespmem:s18+$0xFFFFFED0];
	v13 =	vmul.f32 $1.442695020e+00, v13;
	v8 =	vpop (erf);
	(erf) = vpow2.f32 v7  }
0x98: {  	v16 =	vld [tilespmem:s18+$0xFFFFFF50];
	v14 =	vmul.f32 $1.442695020e+00, v14;
	v19 =	vpop (erf);
	(erf) = vpow2.f32 v12  }
0x99: {  	v11 =	vmul.f32 $1.442695020e+00, v11;
	v12 =	vld [tilespmem:s18+$0xFFFFFFD0];
	v33 =	vpop (erf);
	(erf) = vpow2.f32 v13  }
0x9a: {  	v9 =	vmul.f32 $1.442695020e+00, v9;
	v13 =	vld [tilespmem:s18+$0x50];
	v34 =	vpop (erf);
	(erf) = vpow2.f32 v14  }
0x9b: {  	v10 =	vmul.f32 $1.442695020e+00, v10;
	v14 =	vld [tilespmem:s18+$0xD0];
	v5 =	vpop (erf);
	(erf) = vpow2.f32 v11  }
0x9c: {  	v20 =	vld [tilespmem:s18+$0x150];
	v15 =	vmul.f32 $1.442695020e+00, v15;
	v60 =	vpop (erf);
	(erf) = vpow2.f32 v9  }
0x9d: {  	v21 =	vld [tilespmem:s18+$0xFFFFFE60];
	v9 =	vmul.f32 $1.442695020e+00, v16;
	v59 =	vpop (erf);
	(erf) = vpow2.f32 v10  }
0x9e: {  	v16 =	vld [tilespmem:s18+$0xFFFFFEE0];
	v12 =	vmul.f32 $1.442695020e+00, v12;
	v11 =	vpop (erf);
	(erf) = vpow2.f32 v15  }
0x9f: {  	v15 =	vld [tilespmem:s18+$0xFFFFFF60];
	v22 =	vmul.f32 $1.442695020e+00, v13;
	(erf) = vpow2.f32 v9;
	v13 =	vpop (erf)  }
0xa0: {  	v24 =	vld [tilespmem:s18+$0xFFFFFFE0];
	v14 =	vmul.f32 $1.442695020e+00, v14;
	v10 =	vpop (erf);
	(erf) = vpow2.f32 v12  }
0xa1: {  	v20 =	vmul.f32 $1.442695020e+00, v20;
	v12 =	vld [tilespmem:s18+$0x60];
	v9 =	vpop (erf);
	(erf) = vpow2.f32 v22  }
0xa2: {  	v21 =	vmul.f32 $1.442695020e+00, v21;
	v22 =	vld [tilespmem:s18+$0xE0];
	v35 =	vpop (erf);
	(erf) = vpow2.f32 v14  }
0xa3: {  	v14 =	vmul.f32 $1.442695020e+00, v16;
	v16 =	vld [tilespmem:s18+$0x160];
	v3 =	vpop (erf);
	(erf) = vpow2.f32 v20  }
0xa4: {  	v20 =	vld [tilespmem:s18+$0xFFFFFE70];
	v25 =	vmul.f32 $1.442695020e+00, v15;
	(erf) = vpow2.f32 v21;
	v2 =	vpop (erf)  }
0xa5: {  	v21 =	vmul.f32 $1.442695020e+00, v24;
	(erf) = vpow2.f32 v14;
	v50 =	vpop (erf)  }
0xa6: {  	v24 =	vmul.f32 $1.442695020e+00, v12;
	v15 =	vpop (erf);
	(erf) = vpow2.f32 v25  }
0xa7: {  	v22 =	vmul.f32 $1.442695020e+00, v22;
	v14 =	vpop (erf);
	(erf) = vpow2.f32 v21  }
0xa8: {  	v16 =	vmul.f32 $1.442695020e+00, v16;
	v12 =	vpop (erf);
	(erf) = vpow2.f32 v24  }
0xa9: {  	v21 =	vadd.f32 v36, v39;
	v20 =	vmul.f32 $1.442695020e+00, v20;
	v37 =	vpop (erf);
	(erf) = vpow2.f32 v22  }
0xaa: {  	v1 =	vpop (erf);
	(erf) = vpow2.f32 v16  }
0xab: {  	v16 =	vadd.f32 v38, v21;
	(erf) = vpow2.f32 v20;
	v45 =	vpop (erf)  }
0xac: {  	v53 =	vpop (erf)  }
0xad: {  	v16 =	vadd.f32 v8, v16;
	v21 =	vpop (erf)  }
0xae: {  	v20 =	vpop (erf)  }
0xaf: {  	v16 =	vadd.f32 v11, v16;
	v51 =	vpop (erf)  }
0xb0: {  	v47 =	vpop (erf)  }
0xb1: {  	v26 =	vadd.f32 v17, v27;
	v24 =	vld [tilespmem:s18+$0xFFFFFEF0];
	v16 =	vadd.f32 v15, v16;
	v61 =	vpop (erf)  }
0xb2: {  	v30 =	vld [tilespmem:s18+$0x70];
	v0 =	vpop (erf)  }
0xb3: {  	v26 =	vadd.f32 v41, v26;
	v7 =	vmov v27;
	v27 =	vld [tilespmem:s18+$0xFFFFFFF0];
	v16 =	vadd.f32 v21, v16;
	v56 =	vpop (erf)  }
0xb4: {  	v25 =	vld [tilespmem:s18+$0xFFFFFF70];
	[tilespmem:$0x1FE10] =	vst v42;
	v22 =	vpop (erf)  }
0xb5: {  	v26 =	vadd.f32 v19, v26;
	[tilespmem:$0x1FE20] =	vst v48;
	v16 =	vadd.f32 v22, v16  }
0xb6: {  	v6 =	vmov v29;
	v29 =	vadd.f32 v29, v18;
	[tilespmem:$0x1FE30] =	vst v49;
	v24 =	vmul.f32 $1.442695020e+00, v24  }
0xb7: {  	v30 =	vmul.f32 $1.442695020e+00, v30;
	v26 =	vadd.f32 v10, v26;
	[tilespmem:$0x1FE40] =	vst v31;
	v28 =	vperm.xlane v16, v32  }
0xb8: {  	(erf) = vpow2.f32 v24;
	v24 =	vadd.f32 v44, v29;
	v29 =	vadd.f32 v23, v31;
	v31 =	vld [tilespmem:s18+$0xF0];
	[tilespmem:$0x1FE50] =	vst v4  }
0xb9: {  	v26 =	vadd.f32 v14, v26;
	v25 =	vmul.f32 $1.442695020e+00, v25;
	[tilespmem:$0x1FE60] =	vst v46;
	v16 =	vadd.f32 v16, v28  }
0xba: {  	v27 =	vmul.f32 $1.442695020e+00, v27;
	v28 =	vadd.f32 v42, v63;
	v42 =	vadd.f32 v62, v46;
	v46 =	vld [tilespmem:s18+$0x170]  }
0xbb: {  	(erf) = vpow2.f32 v25;
	v25 =	vadd.f32 v49, v48;
	v29 =	vadd.f32 v57, v29  }
0xbc: {  	v26 =	vadd.f32 v20, v26;
	(erf) = vpow2.f32 v27;
	v24 =	vadd.f32 v33, v24  }
0xbd: {  	v25 =	vadd.f32 v52, v25;
	(erf) = vpow2.f32 v30;
	v29 =	vadd.f32 v60, v29  }
0xbe: {  	v24 =	vadd.f32 v9, v24;
	v30 =	vmul.f32 $1.442695020e+00, v31;
	v28 =	vadd.f32 v4, v28  }
0xbf: {  	v25 =	vadd.f32 v5, v25;
	v27 =	vadd.f32 v55, v42;
	v31 =	vmul.f32 $1.442695020e+00, v46  }
0xc0: {  	v29 =	vadd.f32 v2, v29;
	(erf) = vpow2.f32 v30;
	v28 =	vadd.f32 v34, v28  }
0xc1: {  	v24 =	vadd.f32 v12, v24;
	v27 =	vadd.f32 v59, v27;
	(erf) = vpow2.f32 v31  }
0xc2: {  	v25 =	vadd.f32 v3, v25;
	v28 =	vadd.f32 v35, v28  }
0xc3: {  	v29 =	vadd.f32 v45, v29;
	v27 =	vadd.f32 v50, v27  }
0xc4: {  	v24 =	vadd.f32 v51, v24;
	v28 =	vadd.f32 v37, v28  }
0xc5: {  	[tilespmem:$0x1FE70] =	vst v52;
	v25 =	vadd.f32 v1, v25;
	v30 =	vadd.f32 v53, v27;
	v31 =	vpop (erf)  }
0xc6: {  	[tilespmem:$0x1FEA0] =	vst v60;
	v28 =	vadd.f32 v47, v28;
	v60 =	vpop (erf);
	v26 =	vadd.f32 v31, v26  }
0xc7: {  	[tilespmem:$0x1FE80] =	vst v57;
	v52 =	vmov v0;
	v25 =	vadd.f32 v61, v25;
	v57 =	vpop (erf);
	v24 =	vadd.f32 v60, v24  }
0xc8: {  	[tilespmem:$0x1FEF0] =	vst v56;
	v30 =	vadd.f32 v56, v30;
	v27 =	vpop (erf);
	v28 =	vadd.f32 v57, v28;
	v56 =	vperm.xlane v26, v32  }
0xc9: {  	v29 =	vadd.f32 v0, v29;
	v0 =	vpop (erf);
	[tilespmem:$0x1FF00] =	vst v27;
	v25 =	vadd.f32 v27, v25;
	v27 =	vperm.xlane v24, v32  }
0xca: {  	[tilespmem:$0x1FEB0] =	vst v59;
	v26 =	vadd.f32 v26, v56;
	v59 =	vperm.xlane v28, v32;
	v58 =	vpop (erf)  }
0xcb: {  	v24 =	vadd.f32 v24, v27;
	v27 =	vperm.xlane v25, v32;
	v30 =	vadd.f32 v58, v30  }
0xcc: {  	v29 =	vadd.f32 v0, v29;
	v56 =	vperm.xlane v16, v43;
	v28 =	vadd.f32 v28, v59  }
0xcd: {  	[tilespmem:$0x1FF20] =	vst v58;
	v25 =	vadd.f32 v25, v27;
	v27 =	vperm.xlane v26, v43;
	v58 =	vperm.xlane v30, v32  }
0xce: {  	[tilespmem:$0x1FEE0] =	vst v61;
	v61 =	vperm.xlane v29, v32;
	v16 =	vadd.f32 v16, v56;
	v59 =	vperm.xlane v24, v43  }
0xcf: {  	v26 =	vadd.f32 v26, v27;
	v27 =	vperm.xlane v28, v43;
	v30 =	vadd.f32 v30, v58  }
0xd0: {  	v29 =	vadd.f32 v29, v61;
	v61 =	vperm.xlane v25, v43;
	v58 =	vperm.xlane v16, v54  }
0xd1: {  	v24 =	vadd.f32 v24, v59;
	v28 =	vadd.f32 v28, v27;
	v27 =	vperm.xlane v30, v43  }
0xd2: {  	[tilespmem:$0x1FF10] =	vst v0;
	v0 =	vld [tilespmem:$0x1FF30];
	v56 =	vperm.xlane v29, v43;
	v59 =	vperm.xlane v26, v54;
	v16 =	vadd.f32 v16, v58  }
0xd3: {  	v25 =	vadd.f32 v25, v61;
	v30 =	vadd.f32 v30, v27;
	v27 =	vperm.xlane v24, v54  }
0xd4: {  	[tilespmem:$0x1FED0] =	vst v53;
	v61 =	vperm.xlane v28, v54;
	v26 =	vadd.f32 v26, v59;
	v53 =	vperm.xlane v16, v40  }
0xd5: {  	v29 =	vadd.f32 v29, v56;
	v56 =	vperm.xlane v25, v54;
	v24 =	vadd.f32 v24, v27  }
0xd6: {  	v28 =	vadd.f32 v28, v61;
	v58 =	vperm.xlane v26, v40;
	v16 =	vadd.f32 v16, v53  }
0xd7: {  	v42 =	vmovc v1;
	v1 =	vmul.f32 v13, v0;
	v25 =	vadd.f32 v25, v56;
	v59 =	vperm.xlane v24, v40  }
0xd8: {  	v0 =	vld [tilespmem:$0x1FF40];
	v26 =	vadd.f32 v26, v58;
	(erf) = vrcp.f32 v16;
	v16 =	vperm.xlane v28, v40  }
0xd9: {  	v61 =	vperm.xlane v25, v40;
	v24 =	vadd.f32 v24, v59  }
0xda: {  	[tilespmem:$0x1FE90] =	vst v55;
	(erf) = vrcp.f32 v26;
	v16 =	vadd.f32 v28, v16  }
0xdb: {  	s12 =	simm.s32 $0x1B1D0;
	[tilespmem:$0x1FEC0] =	vst v2;
	v25 =	vadd.f32 v25, v61;
	(erf) = vrcp.f32 v24  }
0xdc: {  	[tilespmem:s12+$0x220] =	vst v1;
	v27 =	vperm.xlane v29, v54;
	(erf) = vrcp.f32 v16  }
0xdd: {  	(erf) = vrcp.f32 v25;
	v25 =	vmul.f32 v13, v0;
	v0 =	vld [tilespmem:$0x1FF50];
	_ =	sdelay $0x1  }
0xde: {  	v29 =	vadd.f32 v29, v27;
	v27 =	vperm.xlane v30, v54;
	_ =	sdelay $0x1  }
0xdf: {  	v30 =	vadd.f32 v30, v27;
	[tilespmem:s12+$0x1B0] =	vst v25  }
0xe0: {  	v26 =	vperm.xlane v29, v40;
	v1 =	vmul.f32 v13, v0;
	v0 =	vld [tilespmem:$0x1FF60]  }
0xe1: {  	v28 =	vperm.xlane v30, v40  }
0xe2: {  	v26 =	vadd.f32 v29, v26  }
0xe3: {  	v16 =	vadd.f32 v30, v28  }
0xe4: {  	(erf) = vrcp.f32 v26;
	[tilespmem:s12+$0x1C0] =	vst v1  }
0xe5: {  	(erf) = vrcp.f32 v16;
	v16 =	vmul.f32 v13, v0;
	v0 =	vld [tilespmem:$0x1FF70];
	_ =	sdelay $0x4  }
0xe6: {  	v25 =	vmul.f32 v13, v0;
	v0 =	vld [tilespmem:$0x1FF80];
	_ =	sdelay $0x3  }
0xe7: {  	[tilespmem:s12+$0x1D0] =	vst v16  }
0xe8: {  	v26 =	vmul.f32 v13, v0;
	v0 =	vld [tilespmem:$0x1FF90];
	_ =	sdelay $0x4  }
0xe9: {  	v1 =	vmul.f32 v13, v0;
	v0 =	vld [tilespmem:$0x1FFA0];
	_ =	sdelay $0x4  }
0xea: {  	v0 =	vmul.f32 v13, v0;
	v13 =	vpop (erf)  }
0xeb: {  	[tilespmem:s12+$0x1E0] =	vst v25;
	v4 =	vmul.f32 v13, v39;
	v16 =	vmul.f32 v13, v36  }
0xec: {  	v27 =	vmov v5;
	[tilespmem:s12+$0x1F0] =	vst v26;
	v5 =	vmul.f32 v13, v38;
	v8 =	vmul.f32 v13, v8  }
0xed: {  	v26 =	vmul.f32 v13, v22;
	[tilespmem:s12+$0xFFFFFDC0] =	vst v4;
	v4 =	vmul.f32 v13, v11  }
0xee: {  	v11 =	vmul.f32 v13, v15;
	[tilespmem:s12+$0xFFFFFDD0] =	vst v16;
	v15 =	vmul.f32 v13, v21;
	v13 =	vpop (erf)  }
0xef: {  	[tilespmem:s12+$0xFFFFFDE0] =	vst v5;
	v29 =	vmul.f32 v13, v7;
	v28 =	vmul.f32 v13, v17  }
0xf0: {  	[tilespmem:s12+$0xFFFFFDF0] =	vst v8;
	v25 =	vmul.f32 v13, v41;
	v21 =	vmul.f32 v13, v19  }
0xf1: {  	v22 =	vmul.f32 v13, v10;
	v16 =	vmul.f32 v13, v14;
	[tilespmem:s12+$0xFFFFFE00] =	vst v4;
	v4 =	vpop (erf)  }
0xf2: {  	v46 =	vmov v3;
	v14 =	vmul.f32 v13, v20;
	[tilespmem:s12+$0xFFFFFE10] =	vst v11;
	v11 =	vmul.f32 v13, v31;
	v3 =	vpop (erf)  }
0xf3: {  	[tilespmem:s12+$0xFFFFFE30] =	vst v26;
	v13 =	vmul.f32 v4, v18;
	v7 =	vmul.f32 v4, v6;
	v38 =	vpop (erf)  }
0xf4: {  	[tilespmem:s12+$0xFFFFFE20] =	vst v15;
	v10 =	vmul.f32 v4, v44;
	v5 =	vmul.f32 v4, v33;
	v36 =	vpop (erf)  }
0xf5: {  	s13 =	simm.s32 $0x1B1D0;
	s14 =	simm.s32 $0x0;
	s16 =	simm.s32 $0x16590;
	v43 =	vmov v23;
	[tilespmem:s12+$0xFFFFFE50] =	vst v29;
	v6 =	vmul.f32 v4, v9;
	v2 =	vmul.f32 v4, v12;
	v33 =	vpop (erf)  }
.LBB2_6:
0xf6: {  	v8 =	vld [tilespmem:s16+$0x180]  }
0xf7: {  	v12 =	vld [tilespmem:s16+$0x190]  }
0xf8: {  	v17 =	vld [tilespmem:$0x1FE10];
	[tilespmem:s12+$0xFFFFFE90] =	vst v22  }
0xf9: {  	v20 =	vld [tilespmem:s16+$0xFFFFFE10];
	[tilespmem:s12+$0xFFFFFEE0] =	vst v13  }
0xfa: {  	v18 =	vld [tilespmem:$0x1FE50];
	[tilespmem:s12+$0xFFFFFE60] =	vst v28  }
0xfb: {  	v29 =	vld [tilespmem:s16+$0x1B0];
	[tilespmem:s12+$0xFFFFFE70] =	vst v25  }
0xfc: {  	[tilespmem:s12+$0xFFFFFE80] =	vst v21;
	v25 =	vld [tilespmem:s16+$0x1A0]  }
0xfd: {  	v28 =	vld [tilespmem:s16+$0xFFFFFE80];
	[tilespmem:s12+$0xFFFFFEA0] =	vst v16  }
0xfe: {  	v9 =	vmul.f32 v4, v51;
	[tilespmem:s12+$0xFFFFFEB0] =	vst v14;
	v14 =	vld [tilespmem:$0x1FE20];
	v8 =	vmul.f32 $1.442695020e+00, v8  }
0xff: {  	v4 =	vmul.f32 v4, v60;
	v21 =	vmul.f32 v3, v18;
	v18 =	vld [tilespmem:s16+$0xFFFFFE90];
	[tilespmem:s12+$0xFFFFFEC0] =	vst v11  }
0x100: {  	v23 =	vmul.f32 v3, v34;
	(erf) = vpow2.f32 v8;
	v8 =	vld [tilespmem:s16+$0xFFFFFF00];
	[tilespmem:s12+$0xFFFFFEF0] =	vst v7  }
0x101: {  	v15 =	vmul.f32 v3, v63;
	v12 =	vmul.f32 $1.442695020e+00, v12;
	v11 =	vld [tilespmem:$0x1FE30];
	[tilespmem:s12+$0xFFFFFF00] =	vst v10  }
0x102: {  	v17 =	vmul.f32 v3, v17;
	v19 =	vmul.f32 $1.442695020e+00, v20;
	v10 =	vld [tilespmem:s16+$0xFFFFFF10];
	[tilespmem:s12+$0xFFFFFF10] =	vst v5  }
0x103: {  	v20 =	vld [tilespmem:s16+$0x1C0];
	v13 =	vmul.f32 $1.442695020e+00, v25;
	(erf) = vpow2.f32 v12;
	[tilespmem:s12+$0xFFFFFF20] =	vst v6  }
0x104: {  	v7 =	vmul.f32 $1.442695020e+00, v28;
	v12 =	vld [tilespmem:s16+$0x1D0];
	[tilespmem:s12+$0xFFFFFF30] =	vst v2;
	(erf) = vpow2.f32 v19  }
0x105: {  	v6 =	vld [tilespmem:s16+$0xFFFFFF80];
	[tilespmem:s12+$0xFFFFFF40] =	vst v9;
	v19 =	vmul.f32 $1.442695020e+00, v29;
	(erf) = vpow2.f32 v13  }
0x106: {  	[tilespmem:s12+$0xFFFFFF50] =	vst v4;
	v5 =	vmul.f32 $1.442695020e+00, v18;
	v13 =	vld [tilespmem:s16+$0x1E0];
	(erf) = vpow2.f32 v7  }
0x107: {  	(erf) = vpow2.f32 v19;
	v2 =	vmul.f32 $1.442695020e+00, v8;
	v8 =	vld [tilespmem:s16+$0x1F0];
	[tilespmem:s12+$0x200] =	vst v1  }
0x108: {  	v22 =	vmul.f32 v3, v35;
	(erf) = vpow2.f32 v5;
	v5 =	vld [tilespmem:s16+$0xFFFFFF90];
	[tilespmem:s12+$0xFFFFFF70] =	vst v15  }
0x109: {  	v26 =	vmul.f32 v3, v37;
	v16 =	vmul.f32 v3, v47;
	[tilespmem:s12+$0xFFFFFF80] =	vst v17  }
0x10a: {  	v3 =	vmul.f32 v3, v57;
	v7 =	vmul.f32 $1.442695020e+00, v20;
	[tilespmem:s12+$0xFFFFFF90] =	vst v21  }
0x10b: {  	v44 =	vld [tilespmem:$0x1FFC0];
	v14 =	vmul.f32 v38, v14;
	v11 =	vmul.f32 v38, v11;
	[tilespmem:s12+$0xFFFFFFA0] =	vst v23  }
0x10c: {  	v24 =	vld [tilespmem:$0x1FFB0];
	v9 =	vmul.f32 $1.442695020e+00, v12;
	[tilespmem:s12+$0xFFFFFFB0] =	vst v22;
	(erf) = vpow2.f32 v7  }
0x10d: {  	v4 =	vmul.f32 $1.442695020e+00, v10;
	[tilespmem:s12+$0xFFFFFFC0] =	vst v26;
	v7 =	vld [tilespmem:s16+$0x0];
	(erf) = vpow2.f32 v2  }
0x10e: {  	[tilespmem:s12+$0xFFFFFFD0] =	vst v16;
	v2 =	vld [tilespmem:s16+$0x10];
	v10 =	vmul.f32 $1.442695020e+00, v13;
	v13 =	vpop (erf);
	(erf) = vpow2.f32 v9  }
0x10f: {  	v6 =	vmul.f32 $1.442695020e+00, v6;
	[tilespmem:s12+$0xFFFFFFE0] =	vst v3;
	v9 =	vld [tilespmem:s16+$0x80];
	(erf) = vpow2.f32 v4;
	v12 =	vpop (erf)  }
0x110: {  	v4 =	vld [tilespmem:s16+$0x90];
	v8 =	vmul.f32 $1.442695020e+00, v8;
	[tilespmem:$0x1FD60] =	vst v12;
	v12 =	vadd.f32 v12, v13;
	v17 =	vpop (erf);
	(erf) = vpow2.f32 v10  }
0x111: {  	[tilespmem:$0x1FD50] =	vst v13;
	v5 =	vmul.f32 $1.442695020e+00, v5;
	v10 =	vld [tilespmem:s16+$0x100];
	(erf) = vpow2.f32 v6;
	v13 =	vpop (erf)  }
0x112: {  	v6 =	vmul.f32 $1.442695020e+00, v7;
	v7 =	vld [tilespmem:s16+$0x110];
	[tilespmem:$0x1FD70] =	vst v13;
	v12 =	vadd.f32 v13, v12;
	v13 =	vpop (erf);
	(erf) = vpow2.f32 v8  }
0x113: {  	[tilespmem:s12+$0x0] =	vst v14;
	v8 =	vld [tilespmem:s16+$0xFFFFFE00];
	v2 =	vmul.f32 $1.442695020e+00, v2;
	(erf) = vpow2.f32 v5;
	v15 =	vpop (erf)  }
0x114: {  	v5 =	vld [tilespmem:s16+$0xFFFFFE20];
	v9 =	vmul.f32 $1.442695020e+00, v9;
	[tilespmem:$0x1FD80] =	vst v15;
	v12 =	vadd.f32 v15, v12;
	v15 =	vpop (erf);
	(erf) = vpow2.f32 v6  }
0x115: {  	[tilespmem:$0x1FDC0] =	vst v13;
	v6 =	vld [tilespmem:s16+$0xFFFFFEA0];
	v4 =	vmul.f32 $1.442695020e+00, v4;
	v3 =	vadd.f32 v15, v13;
	(erf) = vpow2.f32 v2;
	v13 =	vpop (erf)  }
0x116: {  	v2 =	vld [tilespmem:s16+$0xFFFFFF20];
	v10 =	vmul.f32 $1.442695020e+00, v10;
	[tilespmem:$0x1FD90] =	vst v13;
	v12 =	vadd.f32 v13, v12;
	v13 =	vpop (erf);
	(erf) = vpow2.f32 v9  }
0x117: {  	[tilespmem:s12+$0x10] =	vst v11;
	v9 =	vld [tilespmem:s16+$0xFFFFFFA0];
	v7 =	vmul.f32 $1.442695020e+00, v7;
	(erf) = vpow2.f32 v4;
	v11 =	vpop (erf)  }
0x118: {  	v1 =	vmul.f32 $1.442695020e+00, v8;
	v4 =	vld [tilespmem:s16+$0x20];
	[tilespmem:$0x1FDA0] =	vst v11;
	v8 =	vadd.f32 v11, v12;
	v11 =	vpop (erf);
	(erf) = vpow2.f32 v10  }
0x119: {  	[tilespmem:s12+$0x210] =	vst v0;
	v0 =	vmul.f32 $1.442695020e+00, v5;
	v10 =	vld [tilespmem:s16+$0xA0];
	v5 =	vadd.f32 v11, v13;
	(erf) = vpow2.f32 v7;
	v49 =	vpop (erf)  }
0x11a: {  	[tilespmem:$0x1FDE0] =	vst v13;
	v12 =	vmul.f32 $1.442695020e+00, v6;
	v7 =	vld [tilespmem:s16+$0x120];
	v8 =	vadd.f32 v49, v8;
	(erf) = vpow2.f32 v1;
	v13 =	vpop (erf)  }
0x11b: {  	[tilespmem:$0x1FDF0] =	vst v11;
	v1 =	vld [tilespmem:s16+$0xFFFFFE30];
	v11 =	vmul.f32 $1.442695020e+00, v2;
	(erf) = vpow2.f32 v0;
	v2 =	vpop (erf)  }
0x11c: {  	v0 =	vld [tilespmem:s16+$0xFFFFFEB0];
	v9 =	vmul.f32 $1.442695020e+00, v9;
	v8 =	vadd.f32 v2, v8;
	(erf) = vpow2.f32 v12;
	v6 =	vpop (erf)  }
0x11d: {  	v30 =	vld [tilespmem:s16+$0x140];
	v4 =	vmul.f32 $1.442695020e+00, v4;
	(erf) = vpow2.f32 v11;
	v14 =	vpop (erf)  }
0x11e: {  	v29 =	vld [tilespmem:s16+$0xC0];
	[tilespmem:$0x1FDD0] =	vst v15;
	v18 =	vmul.f32 $1.442695020e+00, v10;
	v10 =	vperm.xlane v8, v32;
	v15 =	vpop (erf)  }
0x11f: {  	v48 =	vmov v62;
	v16 =	vld [tilespmem:s16+$0xB0];
	[tilespmem:$0x1FE00] =	vst v13;
	v7 =	vmul.f32 $1.442695020e+00, v7;
	(erf) = vpow2.f32 v9;
	v62 =	vpop (erf)  }
0x120: {  	v12 =	vld [tilespmem:s16+$0xFFFFFF30];
	[tilespmem:$0x1FE10] =	vst v6;
	v9 =	vmul.f32 $1.442695020e+00, v1;
	(erf) = vpow2.f32 v4;
	v8 =	vadd.f32 v8, v10;
	v1 =	vpop (erf)  }
0x121: {  	v13 =	vadd.f32 v6, v13;
	v11 =	vld [tilespmem:s16+$0xFFFFFFB0];
	[tilespmem:$0x1FE20] =	vst v14;
	v4 =	vmul.f32 $1.442695020e+00, v0;
	(erf) = vpow2.f32 v18;
	v6 =	vpop (erf)  }
0x122: {  	[tilespmem:$0x1FE30] =	vst v15;
	v14 =	vadd.f32 v15, v14;
	v15 =	vld [tilespmem:s16+$0x30];
	v22 =	vperm.xlane v8, v24;
	v0 =	vpop (erf);
	(erf) = vpow2.f32 v7  }
0x123: {  	v30 =	vmul.f32 $1.442695020e+00, v30;
	v29 =	vmul.f32 $1.442695020e+00, v29;
	v7 =	vld [tilespmem:s16+$0xFFFFFEC0];
	v55 =	vpop (erf)  }
0x124: {  	v20 =	vld [tilespmem:s16+$0x130];
	v16 =	vmul.f32 $1.442695020e+00, v16;
	v8 =	vadd.f32 v8, v22;
	v56 =	vpop (erf);
	(erf) = vpow2.f32 v9  }
0x125: {  	v21 =	vld [tilespmem:s16+$0xFFFFFE40];
	v12 =	vmul.f32 $1.442695020e+00, v12;
	v54 =	vpop (erf);
	(erf) = vpow2.f32 v4  }
0x126: {  	v26 =	vld [tilespmem:s16+$0xFFFFFF40];
	[tilespmem:$0x1FDB0] =	vst v17;
	v11 =	vmul.f32 $1.442695020e+00, v11;
	v9 =	vadd.f32 v17, v55;
	v17 =	vperm.xlane v8, v44  }
0x127: {  	v28 =	vld [tilespmem:s16+$0x40];
	v15 =	vmul.f32 $1.442695020e+00, v15;
	v53 =	vpop (erf);
	(erf) = vpow2.f32 v12  }
0x128: {  	v51 =	vld [tilespmem:s16+$0x50];
	v12 =	vmul.f32 $1.442695020e+00, v7;
	v7 =	vpop (erf);
	(erf) = vpow2.f32 v11;
	v8 =	vadd.f32 v8, v17  }
0x129: {  	v20 =	vmul.f32 $1.442695020e+00, v20;
	v4 =	vpop (erf);
	(erf) = vpow2.f32 v15  }
0x12a: {  	v22 =	vld [tilespmem:s16+$0xFFFFFFC0];
	v31 =	vadd.f32 v53, v5;
	v5 =	vpop (erf);
	(erf) = vpow2.f32 v16;
	v47 =	vperm.xlane v8, v40  }
0x12b: {  	v21 =	vmul.f32 $1.442695020e+00, v21;
	v11 =	vld [tilespmem:s16+$0xFFFFFE50];
	[tilespmem:$0x1FE50] =	vst v7;
	v13 =	vadd.f32 v7, v13;
	v7 =	vpop (erf);
	(erf) = vpow2.f32 v20  }
0x12c: {  	v26 =	vmul.f32 $1.442695020e+00, v26;
	v28 =	vmul.f32 $1.442695020e+00, v28;
	v15 =	vld [tilespmem:s16+$0xFFFFFED0];
	v8 =	vadd.f32 v8, v47  }
0x12d: {  	v35 =	vmul.f32 $1.442695020e+00, v51;
	v16 =	vld [tilespmem:s16+$0xFFFFFF50];
	v61 =	vpop (erf);
	(erf) = vpow2.f32 v21  }
0x12e: {  	v3 =	vadd.f32 v54, v3;
	v9 =	vadd.f32 v56, v9;
	v59 =	vpop (erf);
	(erf) = vrcp.f32 v8  }
0x12f: {  	v22 =	vmul.f32 $1.442695020e+00, v22;
	v14 =	vadd.f32 v4, v14;
	v20 =	vld [tilespmem:s16+$0xFFFFFFD0];
	(erf) = vpow2.f32 v12  }
0x130: {  	v11 =	vmul.f32 $1.442695020e+00, v11;
	v21 =	vld [tilespmem:s16+$0xD0];
	v8 =	vadd.f32 v61, v9;
	v58 =	vpop (erf);
	(erf) = vpow2.f32 v26  }
0x131: {  	v9 =	vmul.f32 $1.442695020e+00, v15;
	v41 =	vadd.f32 v59, v3;
	v3 =	vld [tilespmem:s16+$0xFFFFFEE0];
	v34 =	vpop (erf);
	(erf) = vpow2.f32 v22  }
0x132: {  	v25 =	vadd.f32 v0, v6;
	v16 =	vmul.f32 $1.442695020e+00, v16;
	v22 =	vld [tilespmem:s16+$0xFFFFFF60];
	v12 =	vpop (erf);
	(erf) = vpow2.f32 v28  }
0x133: {  	v26 =	vadd.f32 v58, v31;
	v31 =	vadd.f32 v34, v13;
	v13 =	vpop (erf);
	(erf) = vpow2.f32 v29  }
0x134: {  	v20 =	vmul.f32 $1.442695020e+00, v20;
	v51 =	vadd.f32 v12, v14;
	v14 =	vpop (erf);
	(erf) = vpow2.f32 v30  }
0x135: {  	v15 =	vld [tilespmem:s16+$0x150];
	v21 =	vmul.f32 $1.442695020e+00, v21;
	(erf) = vpow2.f32 v11  }
0x136: {  	v40 =	vld [tilespmem:s16+$0xFFFFFE60];
	v25 =	vadd.f32 v7, v25;
	v11 =	vmul.f32 $1.442695020e+00, v3;
	v3 =	vpop (erf);
	(erf) = vpow2.f32 v9  }
0x137: {  	v10 =	vadd.f32 v1, v62;
	v28 =	vld [tilespmem:s16+$0xFFFFFFE0];
	v17 =	vmul.f32 $1.442695020e+00, v22;
	(erf) = vpow2.f32 v16;
	v9 =	vpop (erf)  }
0x138: {  	v57 =	vadd.f32 v14, v25;
	v25 =	vld [tilespmem:s16+$0x160];
	v22 =	vmul.f32 v9, v2;
	v2 =	vpop (erf);
	(erf) = vpow2.f32 v20  }
0x139: {  	v10 =	vadd.f32 v5, v10;
	v29 =	vld [tilespmem:s16+$0x60];
	v63 =	vpop (erf);
	(erf) = vpow2.f32 v35  }
0x13a: {  	v60 =	vld [tilespmem:s16+$0xFFFFFE70];
	v15 =	vmul.f32 $1.442695020e+00, v15;
	v35 =	vpop (erf)  }
0x13b: {  	v37 =	vld [tilespmem:s16+$0xE0];
	s12 =	sadd.s32 $0x480, s12;
	v10 =	vadd.f32 v13, v10;
	v30 =	vmul.f32 $1.442695020e+00, v40;
	(erf) = vpow2.f32 v21;
	v21 =	vpop (erf)  }
0x13c: {  	v8 =	vadd.f32 v3, v8;
	v28 =	vmul.f32 $1.442695020e+00, v28;
	[tilespmem:s12+$0x220] =	vst v22;
	(erf) = vpow2.f32 v15;
	v22 =	vpop (erf)  }
0x13d: {  	v19 =	vmul.f32 $1.442695020e+00, v25;
	(erf) = vpow2.f32 v30;
	v25 =	vpop (erf)  }
0x13e: {  	v29 =	vmul.f32 $1.442695020e+00, v29;
	(erf) = vpow2.f32 v11;
	v11 =	vpop (erf)  }
0x13f: {  	v30 =	vmul.f32 $1.442695020e+00, v60;
	v60 =	vadd.f32 v22, v10;
	(erf) = vpow2.f32 v17;
	v10 =	vpop (erf)  }
0x140: {  	v40 =	vmul.f32 $1.442695020e+00, v37;
	v17 =	vadd.f32 v11, v8;
	(erf) = vpow2.f32 v28;
	v8 =	vpop (erf)  }
0x141: {  	v16 =	vld [tilespmem:s16+$0xFFFFFEF0];
	v15 =	vadd.f32 v21, v51;
	(erf) = vpow2.f32 v29;
	v37 =	vpop (erf)  }
0x142: {  	(erf) = vpow2.f32 v40;
	v28 =	vpop (erf)  }
0x143: {  	(erf) = vpow2.f32 v19;
	v19 =	vadd.f32 v28, v15;
	v15 =	vld [tilespmem:$0x1FE70];
	_ =	sdelay $0x2  }
0x144: {  	v16 =	vmul.f32 $1.442695020e+00, v16  }
0x145: {  	v47 =	vld [tilespmem:s16+$0xFFFFFF70];
	(erf) = vpow2.f32 v30  }
0x146: {  	v39 =	vld [tilespmem:s16+$0xFFFFFFF0];
	v29 =	vpop (erf);
	(erf) = vpow2.f32 v16;
	v16 =	vmul.f32 v38, v15  }
0x147: {  	v18 =	vld [tilespmem:s16+$0x70]  }
0x148: {  	v20 =	vadd.f32 v2, v41;
	v51 =	vld [tilespmem:s16+$0xF0];
	[tilespmem:s13+$0x20] =	vst v16;
	v16 =	vmul.f32 v38, v46;
	_ =	sdelay $0x1  }
0x149: {  	v47 =	vmul.f32 $1.442695020e+00, v47;
	[tilespmem:s13+$0x40] =	vst v16;
	v16 =	vld [tilespmem:$0x1FEE0]  }
0x14a: {  	v39 =	vmul.f32 $1.442695020e+00, v39;
	v30 =	vpop (erf)  }
0x14b: {  	v18 =	vmul.f32 $1.442695020e+00, v18;
	v41 =	vadd.f32 v10, v20;
	v20 =	vpop (erf);
	(erf) = vpow2.f32 v47  }
0x14c: {  	v40 =	vmul.f32 $1.442695020e+00, v51;
	v15 =	vpop (erf);
	(erf) = vpow2.f32 v39  }
0x14d: {  	v51 =	vpop (erf);
	(erf) = vpow2.f32 v18;
	v18 =	vmul.f32 v38, v42  }
0x14e: {  	v23 =	vld [tilespmem:s16+$0x170];
	v16 =	vmul.f32 v38, v16  }
0x14f: {  	v24 =	vmul.f32 v38, v27;
	[tilespmem:s13+$0x50] =	vst v18;
	v18 =	vld [tilespmem:$0x1FF00]  }
0x150: {  	v31 =	vadd.f32 v35, v31;
	[tilespmem:s13+$0x60] =	vst v16;
	v16 =	vld [tilespmem:$0x1FE40];
	_ =	sdelay $0x1  }
0x151: {  	v31 =	vadd.f32 v37, v31;
	v47 =	vpop (erf)  }
0x152: {  	v23 =	vmul.f32 $1.442695020e+00, v23;
	[tilespmem:s13+$0x30] =	vst v24;
	v26 =	vadd.f32 v63, v26;
	v57 =	vadd.f32 v25, v57;
	v24 =	vpop (erf)  }
0x153: {  	(erf) = vpow2.f32 v40;
	[tilespmem:$0x1FEE0] =	vst v24;
	v19 =	vadd.f32 v24, v19;
	v24 =	vld [tilespmem:$0x1FEA0];
	v18 =	vmul.f32 v38, v18  }
0x154: {  	v26 =	vadd.f32 v8, v26;
	(erf) = vpow2.f32 v23;
	v23 =	vmul.f32 v36, v16  }
0x155: {  	v27 =	vmul.f32 v36, v43;
	v40 =	vadd.f32 v47, v31;
	v31 =	vpop (erf);
	[tilespmem:s13+$0x70] =	vst v18;
	v18 =	vld [tilespmem:$0x1FE80]  }
0x156: {  	v60 =	vadd.f32 v29, v60;
	v57 =	vadd.f32 v30, v57;
	v16 =	vpop (erf);
	[tilespmem:s13+$0x90] =	vst v23;
	v23 =	vld [tilespmem:$0x1FEC0]  }
0x157: {  	[tilespmem:s13+$0xA0] =	vst v27;
	v27 =	vld [tilespmem:$0x1FF10];
	v17 =	vadd.f32 v20, v17;
	v39 =	vadd.f32 v15, v41;
	v38 =	vpop (erf)  }
0x158: {  	v41 =	vadd.f32 v51, v26;
	v43 =	vmul.f32 v36, v24;
	v24 =	vmul.f32 v36, v52;
	v52 =	vld [tilespmem:$0x1FE90];
	v26 =	vpop (erf)  }
0x159: {  	v45 =	vmul.f32 v36, v45;
	v46 =	vmul.f32 v33, v48;
	v39 =	vadd.f32 v26, v39  }
0x15a: {  	v42 =	vadd.f32 v31, v60;
	v18 =	vmul.f32 v36, v18;
	v17 =	vadd.f32 v38, v17  }
0x15b: {  	v44 =	vadd.f32 v16, v57;
	v60 =	vpop (erf);
	v48 =	vperm.xlane v39, v32;
	v23 =	vmul.f32 v36, v23  }
0x15c: {  	[tilespmem:s13+$0xB0] =	vst v18;
	v18 =	vld [tilespmem:$0x1FE60];
	v41 =	vadd.f32 v60, v41;
	v57 =	vpop (erf);
	v36 =	vmul.f32 v36, v27;
	v27 =	vperm.xlane v17, v32  }
0x15d: {  	[tilespmem:s13+$0xC0] =	vst v43;
	v43 =	vmul.f32 v33, v52;
	v40 =	vadd.f32 v57, v40;
	v52 =	vpop (erf)  }
0x15e: {  	[tilespmem:$0x1FF00] =	vst v52;
	v19 =	vadd.f32 v52, v19;
	v52 =	vpop (erf);
	v17 =	vadd.f32 v17, v27;
	v27 =	vperm.xlane v41, v32  }
0x15f: {  	v39 =	vadd.f32 v39, v48;
	[tilespmem:$0x1FF10] =	vst v52;
	v42 =	vadd.f32 v52, v42;
	v52 =	vld [tilespmem:$0x1FFB0];
	v48 =	vpop (erf)  }
0x160: {  	[tilespmem:s13+$0xF0] =	vst v24;
	v24 =	vadd.f32 v41, v27;
	v41 =	vadd.f32 v48, v44;
	v44 =	vld [tilespmem:$0x1FFB0]  }
0x161: {  	[tilespmem:s13+$0xE0] =	vst v45;
	v18 =	vmul.f32 v33, v18  }
0x162: {  	[tilespmem:s13+$0x140] =	vst v43;
	v43 =	vld [tilespmem:$0x1FFB0];
	v45 =	vperm.xlane v40, v32  }
0x163: {  	[tilespmem:s13+$0x120] =	vst v18;
	v18 =	vld [tilespmem:$0x1FFB0]  }
0x164: {  	[tilespmem:s13+$0xD0] =	vst v23;
	v23 =	vld [tilespmem:$0x1FEB0];
	v40 =	vadd.f32 v40, v45;
	v27 =	vperm.xlane v19, v32;
	v45 =	vperm.xlane v24, v52  }
0x165: {  	[tilespmem:s13+$0x100] =	vst v36;
	v52 =	vld [tilespmem:$0x1FFB0];
	v36 =	vperm.xlane v17, v44;
	v44 =	vperm.xlane v42, v32  }
0x166: {  	v19 =	vadd.f32 v19, v27;
	v27 =	vperm.xlane v41, v32  }
0x167: {  	v42 =	vadd.f32 v42, v44;
	v44 =	vld [tilespmem:$0x1FFC0]  }
0x168: {  	v18 =	vperm.xlane v39, v18;
	v27 =	vadd.f32 v41, v27  }
0x169: {  	v23 =	vmul.f32 v33, v23;
	v17 =	vadd.f32 v17, v36;
	v36 =	vperm.xlane v19, v43  }
0x16a: {  	[tilespmem:s13+$0x130] =	vst v46;
	v46 =	vperm.xlane v40, v52;
	v52 =	vmov v62;
	v62 =	vperm.xlane v27, v43  }
0x16b: {  	v18 =	vadd.f32 v39, v18;
	[tilespmem:s13+$0x150] =	vst v23;
	v23 =	vadd.f32 v24, v45;
	v45 =	vld [tilespmem:$0x1FFF0];
	v24 =	vperm.xlane v42, v43  }
0x16c: {  	v39 =	vadd.f32 v40, v46;
	v19 =	vadd.f32 v19, v36;
	v43 =	vmovc v1;
	v1 =	vperm.xlane v17, v44  }
0x16d: {  	v27 =	vadd.f32 v27, v62;
	v36 =	vmovc v6;
	v40 =	vperm.xlane v18, v44;
	v6 =	vperm.xlane v23, v44  }
0x16e: {  	[tilespmem:$0x1FE40] =	vst v52;
	v62 =	vmovc v0;
	v46 =	vmov v4;
	v52 =	vperm.xlane v39, v44;
	v0 =	vadd.f32 v17, v1  }
0x16f: {  	v1 =	vperm.xlane v19, v44;
	v4 =	vadd.f32 v18, v40;
	v6 =	vadd.f32 v23, v6;
	v23 =	vmovc v5  }
0x170: {  	v18 =	vperm.xlane v27, v44;
	[tilespmem:$0x1FE80] =	vst v23;
	v5 =	vperm.xlane v0, v45  }
0x171: {  	v23 =	vadd.f32 v39, v52;
	v1 =	vadd.f32 v19, v1;
	v19 =	vmovc v7;
	v7 =	vperm.xlane v4, v45  }
0x172: {  	v52 =	vadd.f32 v0, v5;
	v5 =	vperm.xlane v6, v45  }
0x173: {  	v18 =	vadd.f32 v27, v18;
	v27 =	vmovc v12;
	v12 =	vperm.xlane v23, v45;
	v4 =	vadd.f32 v4, v7  }
0x174: {  	v7 =	vperm.xlane v1, v45;
	v5 =	vadd.f32 v6, v5;
	(erf) = vrcp.f32 v52  }
0x175: {  	v6 =	vadd.f32 v23, v12;
	(erf) = vrcp.f32 v4  }
0x176: {  	v1 =	vadd.f32 v1, v7;
	(erf) = vrcp.f32 v5  }
0x177: {  	(erf) = vrcp.f32 v6  }
0x178: {  	(erf) = vrcp.f32 v1;
	v1 =	vld [tilespmem:$0x1FF20];
	_ =	sdelay $0x1  }
0x179: {  	v24 =	vadd.f32 v42, v24;
	_ =	sdelay $0x1  }
0x17a: {  	v17 =	vperm.xlane v24, v44  }
0x17b: {  	v5 =	vld [tilespmem:$0x1FED0];
	v1 =	vmul.f32 v33, v1  }
0x17c: {  	[tilespmem:$0x1FE60] =	vst v36;
	v17 =	vadd.f32 v24, v17;
	v4 =	vmul.f32 v33, v50  }
0x17d: {  	[tilespmem:s13+$0x190] =	vst v1;
	v1 =	vld [tilespmem:$0x1FD80]  }
0x17e: {  	v24 =	vmov v13;
	v13 =	vperm.xlane v17, v45;
	[tilespmem:s13+$0x160] =	vst v4;
	v4 =	vld [tilespmem:$0x1FEF0]  }
0x17f: {  	[tilespmem:$0x1FE90] =	vst v19;
	v0 =	vmov v22;
	v19 =	vmov v14;
	v14 =	vperm.xlane v18, v45  }
0x180: {  	[tilespmem:$0x1FEC0] =	vst v0;
	v7 =	vadd.f32 v17, v13;
	v13 =	vmul.f32 v33, v5;
	v5 =	vmov v48  }
0x181: {  	v12 =	vmov v30;
	[tilespmem:$0x1FF20] =	vst v5;
	v5 =	vld [tilespmem:$0x1FD50]  }
0x182: {  	v0 =	vadd.f32 v18, v14;
	[tilespmem:$0x1FED0] =	vst v12;
	v12 =	vmul.f32 v9, v1;
	v1 =	vld [tilespmem:$0x1FD90]  }
0x183: {  	[tilespmem:$0x1FE70] =	vst v46;
	v6 =	vmov v16;
	(erf) = vrcp.f32 v7;
	v4 =	vmul.f32 v33, v4  }
0x184: {  	[tilespmem:$0x1FEA0] =	vst v24;
	(erf) = vrcp.f32 v0;
	v0 =	vld [tilespmem:$0x1FD70]  }
0x185: {  	[tilespmem:s13+$0x180] =	vst v4;
	v4 =	vld [tilespmem:$0x1FD60]  }
0x186: {  	[tilespmem:$0x1FEF0] =	vst v6;
	v6 =	vpop (erf);
	v5 =	vmul.f32 v9, v5  }
0x187: {  	[tilespmem:$0x1FEB0] =	vst v19;
	v7 =	vmul.f32 v6, v55;
	v14 =	vmul.f32 v9, v1;
	v1 =	vld [tilespmem:$0x1FDA0]  }
0x188: {  	[tilespmem:s13+$0x170] =	vst v13  }
0x189: {  	[tilespmem:s12+$0xFFFFFDC0] =	vst v7  }
0x18a: {  	v0 =	vmul.f32 v9, v0;
	v4 =	vmul.f32 v9, v4;
	[tilespmem:s12+$0x1B0] =	vst v5;
	v5 =	vpop (erf)  }
0x18b: {  	[tilespmem:s12+$0x1E0] =	vst v12;
	v12 =	vmul.f32 v6, v56;
	v22 =	vmul.f32 v5, v2;
	v2 =	vld [tilespmem:$0x1FDE0]  }
0x18c: {  	[tilespmem:s12+$0x1D0] =	vst v0;
	v0 =	vmul.f32 v9, v49;
	v1 =	vmul.f32 v9, v1;
	v9 =	vld [tilespmem:$0x1FDB0]  }
0x18d: {  	v13 =	vmul.f32 v6, v61;
	[tilespmem:s12+$0xFFFFFDE0] =	vst v12;
	v12 =	vld [tilespmem:$0x1FDC0]  }
0x18e: {  	v46 =	vmov v21;
	v11 =	vmul.f32 v6, v11;
	v7 =	vmul.f32 v6, v3;
	[tilespmem:s12+$0x1F0] =	vst v14;
	v14 =	vld [tilespmem:$0x1FDD0]  }
0x18f: {  	v50 =	vmov v25;
	[tilespmem:s12+$0x1C0] =	vst v4;
	v25 =	vmul.f32 v5, v54;
	v21 =	vmul.f32 v5, v59;
	v4 =	vpop (erf)  }
0x190: {  	s14 =	sadd.s32 $0x8, s14;
	[tilespmem:s12+$0xFFFFFDF0] =	vst v13;
	v16 =	vmul.f32 v5, v10;
	v13 =	vmul.f32 v4, v2;
	v2 =	vld [tilespmem:$0x1FDF0]  }
0x191: {  	p0 =	slt.u32 s14, $0x48;
	[tilespmem:s12+$0xFFFFFE10] =	vst v11;
	v11 =	vmul.f32 v5, v26;
	v9 =	vmul.f32 v6, v9  }
.Ltmp2:
0x192: {  	[tilespmem:s12+$0xFFFFFE00] =	vst v7;
	v10 =	vmul.f32 v4, v53;
	v12 =	vmul.f32 v5, v12;
	(pc) =	sbr.rel @p0 .LBB2_6-.Ltmp2, $4  }
0x193: {  	v42 =	vmov v28;
	v3 =	vpop (erf);
	v28 =	vmul.f32 v5, v14;
	[tilespmem:s12+$0xFFFFFDD0] =	vst v9;
	v9 =	vmul.f32 v6, v20  }
0x194: {  	v40 =	vmov v45;
	[tilespmem:s12+$0xFFFFFE50] =	vst v12;
	v14 =	vmul.f32 v5, v15;
	v6 =	vmul.f32 v6, v38;
	v38 =	vpop (erf)  }
0x195: {  	v45 =	vmov v29;
	v7 =	vmul.f32 v4, v2;
	v5 =	vmul.f32 v4, v58;
	v36 =	vpop (erf);
	[tilespmem:s12+$0xFFFFFE20] =	vst v9  }
0x196: {  	s16 =	sadd.s32 $0x400, s16;
	v52 =	vmov v31;
	s13 =	smov.u32 s12;
	v2 =	vmul.f32 v4, v8;
	v33 =	vpop (erf);
	[tilespmem:s12+$0xFFFFFE30] =	vst v6;
	v6 =	vmul.f32 v4, v63;
	v63 =	vld [tilespmem:$0x1FE00]  }
0x197: {  	[tilespmem:s12+$0xFFFFFE60] =	vst v28  }
0x198: {  	[tilespmem:s12+$0xFFFFFE70] =	vst v25  }
0x199: {  	[tilespmem:s12+$0xFFFFFE80] =	vst v21  }
0x19a: {  	[tilespmem:s12+$0xFFFFFE90] =	vst v22  }
0x19b: {  	[tilespmem:s12+$0xFFFFFEA0] =	vst v16  }
0x19c: {  	[tilespmem:s12+$0xFFFFFEB0] =	vst v14  }
0x19d: {  	[tilespmem:s12+$0xFFFFFEC0] =	vst v11  }
0x19e: {  	[tilespmem:s12+$0xFFFFFEE0] =	vst v13  }
0x19f: {  	[tilespmem:s12+$0xFFFFFEF0] =	vst v7  }
0x1a0: {  	[tilespmem:s12+$0xFFFFFF00] =	vst v10  }
0x1a1: {  	[tilespmem:s12+$0xFFFFFF10] =	vst v5  }
0x1a2: {  	v5 =	vmul.f32 v4, v51;
	[tilespmem:s12+$0xFFFFFF20] =	vst v6  }
0x1a3: {  	v4 =	vmul.f32 v4, v60;
	[tilespmem:s12+$0xFFFFFF30] =	vst v2  }
0x1a4: {  	[tilespmem:s12+$0xFFFFFF40] =	vst v5  }
0x1a5: {  	v5 =	vld [tilespmem:$0x1FE10];
	[tilespmem:s12+$0xFFFFFF50] =	vst v4  }
0x1a6: {  	v4 =	vld [tilespmem:$0x1FE50]  }
0x1a7: {  	v2 =	vmul.f32 v3, v63;
	_ =	sdelay $0x1  }
0x1a8: {  	[tilespmem:s12+$0xFFFFFF70] =	vst v2;
	v2 =	vmul.f32 v3, v34  }
0x1a9: {  	v5 =	vmul.f32 v3, v5  }
0x1aa: {  	[tilespmem:s12+$0xFFFFFFA0] =	vst v2;
	v4 =	vmul.f32 v3, v4  }
0x1ab: {  	[tilespmem:s12+$0xFFFFFF80] =	vst v5;
	v5 =	vmul.f32 v3, v35  }
0x1ac: {  	[tilespmem:s12+$0xFFFFFF90] =	vst v4;
	v4 =	vmul.f32 v3, v37  }
0x1ad: {  	v2 =	vmul.f32 v3, v47;
	[tilespmem:s12+$0xFFFFFFB0] =	vst v5  }
0x1ae: {  	[tilespmem:s12+$0xFFFFFFC0] =	vst v4  }
0x1af: {  	v4 =	vld [tilespmem:$0x1FE20];
	[tilespmem:s12+$0xFFFFFFD0] =	vst v2  }
0x1b0: {  	v2 =	vld [tilespmem:$0x1FE30];
	_ =	sdelay $0x1  }
0x1b1: {  	v3 =	vmul.f32 v3, v57;
	_ =	sdelay $0x1  }
0x1b2: {  	[tilespmem:s12+$0xFFFFFFE0] =	vst v3;
	v4 =	vmul.f32 v38, v4  }
0x1b3: {  	[tilespmem:s12+$0x200] =	vst v1;
	v2 =	vmul.f32 v38, v2  }
0x1b4: {  	[tilespmem:s12+$0x0] =	vst v4  }
0x1b5: {  	[tilespmem:s12+$0x10] =	vst v2  }
0x1b6: {  	v1 =	vld [tilespmem:$0x1FE70];
	_ =	sdelay $0x4  }
0x1b7: {  	v1 =	vmul.f32 v38, v1  }
0x1b8: {  	[tilespmem:s12+$0x210] =	vst v0;
	v0 =	vmul.f32 v38, v27  }
0x1b9: {  	[tilespmem:s13+$0x20] =	vst v1;
	v1 =	vmul.f32 v38, v46  }
0x1ba: {  	[tilespmem:s13+$0x30] =	vst v0  }
0x1bb: {  	[tilespmem:s13+$0x40] =	vst v1  }
0x1bc: {  	v1 =	vld [tilespmem:$0x1FEE0];
	_ =	sdelay $0x3  }
0x1bd: {  	v0 =	vmul.f32 v38, v42  }
0x1be: {  	v1 =	vmul.f32 v38, v1  }
0x1bf: {  	[tilespmem:s13+$0x50] =	vst v0  }
0x1c0: {  	v0 =	vld [tilespmem:$0x1FF00];
	[tilespmem:s13+$0x60] =	vst v1  }
0x1c1: {  	v1 =	vld [tilespmem:$0x1FE40];
	_ =	sdelay $0x3  }
0x1c2: {  	v0 =	vmul.f32 v38, v0  }
0x1c3: {  	v1 =	vmul.f32 v36, v1  }
0x1c4: {  	v2 =	vmul.f32 v36, v43;
	[tilespmem:s13+$0x70] =	vst v0  }
0x1c5: {  	v0 =	vld [tilespmem:$0x1FE80];
	[tilespmem:s13+$0x90] =	vst v1  }
0x1c6: {  	v1 =	vld [tilespmem:$0x1FEA0];
	[tilespmem:s13+$0xA0] =	vst v2  }
0x1c7: {  	v2 =	vld [tilespmem:$0x1FEC0];
	_ =	sdelay $0x2  }
0x1c8: {  	v0 =	vmul.f32 v36, v0  }
0x1c9: {  	v1 =	vmul.f32 v36, v1  }
0x1ca: {  	[tilespmem:s13+$0xB0] =	vst v0;
	v2 =	vmul.f32 v36, v2  }
0x1cb: {  	v0 =	vmul.f32 v36, v45;
	[tilespmem:s13+$0xC0] =	vst v1  }
0x1cc: {  	[tilespmem:s13+$0xD0] =	vst v2  }
0x1cd: {  	v2 =	vld [tilespmem:$0x1FF10];
	[tilespmem:s13+$0xE0] =	vst v0  }
0x1ce: {  	v0 =	vld [tilespmem:$0x1FE60];
	_ =	sdelay $0x2  }
0x1cf: {  	v1 =	vmul.f32 v36, v52  }
0x1d0: {  	v2 =	vmul.f32 v36, v2  }
0x1d1: {  	[tilespmem:s13+$0xF0] =	vst v1;
	v0 =	vmul.f32 v33, v0  }
0x1d2: {  	[tilespmem:s13+$0x100] =	vst v2  }
0x1d3: {  	v2 =	vld [tilespmem:$0x1FE90];
	[tilespmem:s13+$0x120] =	vst v0  }
0x1d4: {  	v0 =	vld [tilespmem:$0x1FEB0];
	_ =	sdelay $0x2  }
0x1d5: {  	v1 =	vmul.f32 v33, v62  }
0x1d6: {  	v2 =	vmul.f32 v33, v2  }
0x1d7: {  	[tilespmem:s13+$0x130] =	vst v1;
	v0 =	vmul.f32 v33, v0  }
0x1d8: {  	[tilespmem:s13+$0x140] =	vst v2  }
0x1d9: {  	[tilespmem:s13+$0x150] =	vst v0  }
0x1da: {  	v0 =	vld [tilespmem:$0x1FED0];
	_ =	sdelay $0x3  }
0x1db: {  	v1 =	vmul.f32 v33, v50  }
0x1dc: {  	v0 =	vmul.f32 v33, v0  }
0x1dd: {  	[tilespmem:s13+$0x160] =	vst v1  }
0x1de: {  	v1 =	vld [tilespmem:$0x1FEF0];
	[tilespmem:s13+$0x170] =	vst v0  }
0x1df: {  	v0 =	vld [tilespmem:$0x1FF20];
	_ =	sdelay $0x3  }
0x1e0: {  	v1 =	vmul.f32 v33, v1  }
0x1e1: {  	v0 =	vmul.f32 v33, v0  }
0x1e2: {  	[tilespmem:s13+$0x180] =	vst v1  }
0x1e3: {  	[tilespmem:s13+$0x190] =	vst v0  }
0x1e4: {  	[spmem:s4] =	stream.indirect.scatter.add.f32 [tilespmem:s29], [sflag:$0x3], $0x90, s2, s9, $0xb8;
	[tilespmem:$0x1DD30] =	vst v63  }
0x1e5: {  	_ =	swait.ge [sflag:s30], $0x2D00  }
0x1e6: {  	[sflag:s30] =	ssyncset.done $0x0  }
0x1e7: {  	[sflag:s30] =	ssyncadd.s32 $0xFFFFD300  }
0x1e8: {  	[tilespmem:s31], [sflag:$0x1] =	stream.linear.gather [hbm4b:s20+s5], $0x2800, $0x38;
	[tilespmem:$0x1DD30] =	vst v63  }
0x1e9: {  	_ = 	snop  }
0x1ea: {  	[tilespmem:s2], [sflag:$0x1] =	stream.linear.gather [hbm4b:s21+s5], $0x50, $0x38;
	[tilespmem:$0x1DD30] =	vst v63  }
0x1eb: {  	_ =	swait.ge [sflag:s10], $0x2800  }
0x1ec: {  	[sflag:s10] =	ssyncset.done $0x0  }
0x1ed: {  	[sflag:s10] =	ssyncadd.s32 $0xFFFFD800  }
0x1ee: {  	_ =	swait.ge [sflag:s10], $0x50  }
0x1ef: {  	[sflag:s10] =	ssyncset.done $0x0  }
0x1f0: {  	s18 =	simm.s32 $0x18990;
	[sflag:s10] =	ssyncadd.s32 $0xFFFFFFB0  }
0x1f1: {  	v0 =	vld [tilespmem:s18+$0x180]  }
0x1f2: {  	v1 =	vld [tilespmem:s18+$0x190]  }
0x1f3: {  	v2 =	vld [tilespmem:s18+$0xFFFFFE10]  }
0x1f4: {  	v3 =	vld [tilespmem:s18+$0x1A0]  }
0x1f5: {  	v4 =	vld [tilespmem:s18+$0xFFFFFE80]  }
0x1f6: {  	v5 =	vld [tilespmem:s18+$0x1B0];
	v0 =	vmul.f32 $1.442695020e+00, v0  }
0x1f7: {  	v7 =	vld [tilespmem:s18+$0x1C0];
	v1 =	vmul.f32 $1.442695020e+00, v1  }
0x1f8: {  	v6 =	vld [tilespmem:s18+$0xFFFFFE90];
	v2 =	vmul.f32 $1.442695020e+00, v2;
	(erf) = vpow2.f32 v0  }
0x1f9: {  	(erf) = vpow2.f32 v1  }
0x1fa: {  	v3 =	vmul.f32 $1.442695020e+00, v3;
	v0 =	vld [tilespmem:s18+$0xFFFFFF00];
	(erf) = vpow2.f32 v2  }
0x1fb: {  	v5 =	vmul.f32 $1.442695020e+00, v5;
	v1 =	vmul.f32 $1.442695020e+00, v4;
	v4 =	vld [tilespmem:s18+$0x1D0]  }
0x1fc: {  	v7 =	vmul.f32 $1.442695020e+00, v7;
	v2 =	vld [tilespmem:s18+$0xFFFFFF10];
	(erf) = vpow2.f32 v3  }
0x1fd: {  	v3 =	vmul.f32 $1.442695020e+00, v6;
	v6 =	vld [tilespmem:s18+$0x1E0];
	(erf) = vpow2.f32 v1  }
0x1fe: {  	(erf) = vpow2.f32 v5  }
0x1ff: {  	v0 =	vmul.f32 $1.442695020e+00, v0  }
0x200: {  	v1 =	vld [tilespmem:s18+$0xFFFFFF80];
	(erf) = vpow2.f32 v3;
	v3 =	vmul.f32 $1.442695020e+00, v4  }
0x201: {  	v5 =	vld [tilespmem:s18+$0x1F0];
	(erf) = vpow2.f32 v7;
	v2 =	vmul.f32 $1.442695020e+00, v2;
	v7 =	vpop (erf)  }
0x202: {  	(erf) = vpow2.f32 v0;
	v0 =	vld [tilespmem:s18+$0xFFFFFF90];
	v4 =	vmul.f32 $1.442695020e+00, v6;
	[tilespmem:$0x1FCD0] =	vst v7;
	v6 =	vpop (erf)  }
0x203: {  	(erf) = vpow2.f32 v3;
	v3 =	vld [tilespmem:s18+$0x0];
	[tilespmem:$0x1FCE0] =	vst v6;
	v18 =	vpop (erf)  }
0x204: {  	(erf) = vpow2.f32 v2;
	v6 =	vadd.f32 v6, v7;
	v2 =	vld [tilespmem:s18+$0x10];
	[tilespmem:$0x1FD40] =	vst v18  }
0x205: {  	v1 =	vmul.f32 $1.442695020e+00, v1;
	(erf) = vpow2.f32 v4;
	v7 =	vpop (erf);
	v4 =	vld [tilespmem:s18+$0x80]  }
0x206: {  	v5 =	vmul.f32 $1.442695020e+00, v5;
	v6 =	vadd.f32 v7, v6;
	v27 =	vpop (erf)  }
0x207: {  	v43 =	vld [tilespmem:$0x1FFB0];
	(erf) = vpow2.f32 v1;
	[tilespmem:$0x1FCF0] =	vst v7;
	v0 =	vmul.f32 $1.442695020e+00, v0;
	v8 =	vpop (erf)  }
0x208: {  	(erf) = vpow2.f32 v5;
	v1 =	vld [tilespmem:s18+$0x90];
	v6 =	vadd.f32 v8, v6  }
0x209: {  	v5 =	vld [tilespmem:s18+$0x100];
	[tilespmem:$0x1FD00] =	vst v8;
	v19 =	vpop (erf);
	(erf) = vpow2.f32 v0  }
0x20a: {  	v3 =	vmul.f32 $1.442695020e+00, v3;
	v7 =	vld [tilespmem:s18+$0x110];
	v10 =	vpop (erf);
	v0 =	vmul.f32 $1.442695020e+00, v4  }
0x20b: {  	v8 =	vld [tilespmem:s18+$0xFFFFFE00];
	v2 =	vmul.f32 $1.442695020e+00, v2;
	[tilespmem:$0x1FD10] =	vst v10;
	v39 =	vpop (erf)  }
0x20c: {  	v9 =	vld [tilespmem:s18+$0xFFFFFE20];
	(erf) = vpow2.f32 v3;
	v3 =	vadd.f32 v10, v6;
	v6 =	vpop (erf)  }
0x20d: {  	v4 =	vld [tilespmem:s18+$0xFFFFFEA0];
	v1 =	vmul.f32 $1.442695020e+00, v1;
	(erf) = vpow2.f32 v2;
	[tilespmem:$0x1FD20] =	vst v6;
	v29 =	vpop (erf)  }
0x20e: {  	v5 =	vmul.f32 $1.442695020e+00, v5;
	(erf) = vpow2.f32 v0;
	v3 =	vadd.f32 v6, v3;
	v2 =	vld [tilespmem:s18+$0xFFFFFF20];
	v0 =	vpop (erf)  }
0x20f: {  	v6 =	vld [tilespmem:s18+$0xFFFFFFA0];
	v7 =	vmul.f32 $1.442695020e+00, v7;
	(erf) = vpow2.f32 v1;
	[tilespmem:$0x1FD30] =	vst v0  }
0x210: {  	v8 =	vmul.f32 $1.442695020e+00, v8;
	(erf) = vpow2.f32 v5;
	v3 =	vadd.f32 v0, v3;
	v61 =	vpop (erf);
	v10 =	vld [tilespmem:s18+$0x20]  }
0x211: {  	v5 =	vmul.f32 $1.442695020e+00, v9;
	(erf) = vpow2.f32 v7;
	v9 =	vld [tilespmem:s18+$0xA0];
	v44 =	vpop (erf)  }
0x212: {  	v4 =	vmul.f32 $1.442695020e+00, v4;
	v7 =	vld [tilespmem:s18+$0x120];
	(erf) = vpow2.f32 v8;
	v3 =	vadd.f32 v44, v3  }
0x213: {  	v8 =	vld [tilespmem:s18+$0xFFFFFE30];
	(erf) = vpow2.f32 v5;
	v2 =	vmul.f32 $1.442695020e+00, v2  }
0x214: {  	v12 =	vld [tilespmem:s18+$0x130];
	(erf) = vpow2.f32 v4;
	v11 =	vperm.xlane v3, v32  }
0x215: {  	v52 =	vpop (erf);
	v6 =	vmul.f32 $1.442695020e+00, v6;
	v4 =	vld [tilespmem:s18+$0xFFFFFF30];
	(erf) = vpow2.f32 v2  }
0x216: {  	v5 =	vld [tilespmem:s18+$0xFFFFFEB0];
	v10 =	vmul.f32 $1.442695020e+00, v10;
	v9 =	vmul.f32 $1.442695020e+00, v9;
	v3 =	vadd.f32 v3, v11  }
0x217: {  	v54 =	vld [tilespmem:$0x1FFC0];
	v48 =	vpop (erf);
	v7 =	vmul.f32 $1.442695020e+00, v7;
	(erf) = vpow2.f32 v6  }
0x218: {  	v2 =	vld [tilespmem:s18+$0xFFFFFFB0];
	v49 =	vpop (erf);
	(erf) = vpow2.f32 v10;
	v10 =	vperm.xlane v3, v43  }
0x219: {  	v6 =	vld [tilespmem:s18+$0x30];
	v31 =	vpop (erf);
	v8 =	vmul.f32 $1.442695020e+00, v8;
	v12 =	vmul.f32 $1.442695020e+00, v12  }
0x21a: {  	v11 =	vld [tilespmem:s18+$0xB0];
	v50 =	vpop (erf);
	v4 =	vmul.f32 $1.442695020e+00, v4;
	(erf) = vpow2.f32 v9;
	v3 =	vadd.f32 v3, v10  }
0x21b: {  	v46 =	vpop (erf);
	v9 =	vmul.f32 $1.442695020e+00, v5;
	(erf) = vpow2.f32 v7  }
0x21c: {  	v62 =	vpop (erf);
	v7 =	vld [tilespmem:s18+$0xFFFFFE40];
	(erf) = vpow2.f32 v8;
	v8 =	vperm.xlane v3, v54  }
0x21d: {  	v13 =	vld [tilespmem:s18+$0xFFFFFFC0];
	v2 =	vmul.f32 $1.442695020e+00, v2;
	v38 =	vpop (erf);
	(erf) = vpow2.f32 v9  }
0x21e: {  	v10 =	vmul.f32 $1.442695020e+00, v6;
	v36 =	vpop (erf);
	v9 =	vld [tilespmem:s18+$0xFFFFFEC0];
	(erf) = vpow2.f32 v4;
	v4 =	vadd.f32 v3, v8  }
0x21f: {  	v11 =	vmul.f32 $1.442695020e+00, v11;
	v17 =	vpop (erf);
	v8 =	vld [tilespmem:s18+$0xFFFFFF40];
	(erf) = vpow2.f32 v2  }
0x220: {  	v14 =	vld [tilespmem:s18+$0x40];
	v23 =	vpop (erf);
	(erf) = vpow2.f32 v10;
	v10 =	vperm.xlane v4, v40  }
0x221: {  	v16 =	vld [tilespmem:s18+$0xFFFFFFD0];
	v7 =	vmul.f32 $1.442695020e+00, v7;
	v5 =	vpop (erf);
	(erf) = vpow2.f32 v11  }
0x222: {  	v13 =	vmul.f32 $1.442695020e+00, v13;
	v11 =	vld [tilespmem:s18+$0xC0];
	v60 =	vpop (erf);
	(erf) = vpow2.f32 v12;
	v4 =	vadd.f32 v4, v10  }
0x223: {  	v12 =	vld [tilespmem:s18+$0x140];
	v10 =	vmul.f32 $1.442695020e+00, v9;
	v56 =	vpop (erf);
	(erf) = vpow2.f32 v7  }
0x224: {  	v15 =	vld [tilespmem:s18+$0xFFFFFE50];
	v7 =	vmul.f32 $1.442695020e+00, v8;
	v53 =	vpop (erf);
	(erf) = vrcp.f32 v4  }
0x225: {  	v14 =	vmul.f32 $1.442695020e+00, v14;
	v4 =	vld [tilespmem:s18+$0xFFFFFED0];
	v9 =	vpop (erf);
	(erf) = vpow2.f32 v10  }
0x226: {  	v16 =	vmul.f32 $1.442695020e+00, v16;
	v10 =	vld [tilespmem:s18+$0xFFFFFF50];
	v33 =	vpop (erf);
	(erf) = vpow2.f32 v7  }
0x227: {  	v20 =	vld [tilespmem:s18+$0x150];
	v11 =	vmul.f32 $1.442695020e+00, v11;
	v41 =	vpop (erf);
	(erf) = vpow2.f32 v13  }
0x228: {  	v12 =	vmul.f32 $1.442695020e+00, v12;
	v13 =	vld [tilespmem:s18+$0x50];
	v34 =	vpop (erf);
	(erf) = vpow2.f32 v14  }
0x229: {  	v14 =	vmul.f32 $1.442695020e+00, v15;
	v15 =	vld [tilespmem:s18+$0xD0];
	v8 =	vpop (erf);
	(erf) = vpow2.f32 v11  }
0x22a: {  	v21 =	vld [tilespmem:s18+$0xFFFFFE60];
	v4 =	vmul.f32 $1.442695020e+00, v4;
	v45 =	vpop (erf);
	(erf) = vpow2.f32 v12  }
0x22b: {  	v22 =	vld [tilespmem:s18+$0xFFFFFEE0];
	v10 =	vmul.f32 $1.442695020e+00, v10;
	v57 =	vpop (erf);
	(erf) = vpow2.f32 v14  }
0x22c: {  	v20 =	vmul.f32 $1.442695020e+00, v20;
	v12 =	vpop (erf);
	(erf) = vpow2.f32 v4;
	v4 =	vld [tilespmem:s18+$0xFFFFFF60]  }
0x22d: {  	v24 =	vld [tilespmem:s18+$0xFFFFFFE0];
	v13 =	vmul.f32 $1.442695020e+00, v13;
	(erf) = vpow2.f32 v10;
	v14 =	vpop (erf)  }
0x22e: {  	v15 =	vmul.f32 $1.442695020e+00, v15;
	v11 =	vpop (erf);
	(erf) = vpow2.f32 v16  }
0x22f: {  	v16 =	vld [tilespmem:s18+$0x60];
	v10 =	vpop (erf);
	(erf) = vpow2.f32 v13;
	v13 =	vmul.f32 $1.442695020e+00, v21  }
0x230: {  	v21 =	vld [tilespmem:s18+$0xE0];
	v35 =	vpop (erf);
	(erf) = vpow2.f32 v15;
	v15 =	vmul.f32 $1.442695020e+00, v22  }
0x231: {  	v22 =	vld [tilespmem:s18+$0x160];
	v3 =	vpop (erf);
	(erf) = vpow2.f32 v20;
	v4 =	vmul.f32 $1.442695020e+00, v4  }
0x232: {  	v25 =	vld [tilespmem:s18+$0xFFFFFE70];
	(erf) = vpow2.f32 v13;
	v2 =	vpop (erf);
	v13 =	vmul.f32 $1.442695020e+00, v24  }
0x233: {  	(erf) = vpow2.f32 v15;
	v42 =	vpop (erf)  }
0x234: {  	v16 =	vmul.f32 $1.442695020e+00, v16;
	v20 =	vpop (erf);
	(erf) = vpow2.f32 v4  }
0x235: {  	v4 =	vmul.f32 $1.442695020e+00, v21;
	v15 =	vpop (erf);
	(erf) = vpow2.f32 v13  }
0x236: {  	v21 =	vmul.f32 $1.442695020e+00, v22;
	v13 =	vpop (erf);
	(erf) = vpow2.f32 v16  }
0x237: {  	v22 =	vmul.f32 $1.442695020e+00, v25;
	v16 =	vadd.f32 v18, v38;
	v37 =	vpop (erf);
	(erf) = vpow2.f32 v4  }
0x238: {  	v6 =	vpop (erf);
	(erf) = vpow2.f32 v21  }
0x239: {  	v4 =	vadd.f32 v36, v16;
	(erf) = vpow2.f32 v22;
	v0 =	vpop (erf)  }
0x23a: {  	v30 =	vld [tilespmem:s18+$0x70];
	v63 =	vpop (erf)  }
0x23b: {  	v26 =	vadd.f32 v19, v27;
	v16 =	vld [tilespmem:s18+$0xFFFFFEF0];
	v4 =	vadd.f32 v9, v4;
	v22 =	vpop (erf)  }
0x23c: {  	v24 =	vld [tilespmem:s18+$0xFFFFFF70];
	v21 =	vpop (erf)  }
0x23d: {  	v26 =	vadd.f32 v17, v26;
	v4 =	vadd.f32 v12, v4;
	v51 =	vpop (erf)  }
0x23e: {  	v18 =	vmov v27;
	v27 =	vld [tilespmem:s18+$0xFFFFFFF0];
	[tilespmem:$0x1FBD0] =	vst v52;
	v47 =	vpop (erf)  }
0x23f: {  	v30 =	vmul.f32 $1.442695020e+00, v30;
	v26 =	vadd.f32 v33, v26;
	[tilespmem:$0x1FBE0] =	vst v48;
	v4 =	vadd.f32 v20, v4;
	v59 =	vpop (erf)  }
0x240: {  	v7 =	vmov v29;
	v29 =	vadd.f32 v29, v39;
	[tilespmem:$0x1FBF0] =	vst v49;
	v16 =	vmul.f32 $1.442695020e+00, v16;
	v1 =	vpop (erf)  }
0x241: {  	v26 =	vadd.f32 v11, v26;
	v24 =	vmul.f32 $1.442695020e+00, v24;
	[tilespmem:$0x1FC00] =	vst v31;
	v4 =	vadd.f32 v22, v4;
	v55 =	vpop (erf)  }
0x242: {  	(erf) = vpow2.f32 v16;
	v16 =	vadd.f32 v23, v29;
	v29 =	vadd.f32 v50, v31;
	v31 =	vld [tilespmem:s18+$0xF0];
	[tilespmem:$0x1FC10] =	vst v5;
	v25 =	vpop (erf)  }
0x243: {  	v26 =	vadd.f32 v15, v26;
	v27 =	vmul.f32 $1.442695020e+00, v27;
	[tilespmem:$0x1FC20] =	vst v46;
	v4 =	vadd.f32 v25, v4  }
0x244: {  	(erf) = vpow2.f32 v24;
	v24 =	vadd.f32 v49, v48;
	v58 =	vld [tilespmem:s18+$0x170];
	v29 =	vadd.f32 v56, v29  }
0x245: {  	v26 =	vadd.f32 v21, v26;
	v16 =	vadd.f32 v41, v16;
	v28 =	vperm.xlane v4, v32  }
0x246: {  	(erf) = vpow2.f32 v27;
	v24 =	vadd.f32 v60, v24;
	v29 =	vadd.f32 v45, v29  }
0x247: {  	(erf) = vpow2.f32 v30;
	v16 =	vadd.f32 v10, v16;
	v4 =	vadd.f32 v4, v28  }
0x248: {  	v30 =	vmul.f32 $1.442695020e+00, v31;
	v28 =	vadd.f32 v52, v61;
	v52 =	vadd.f32 v62, v46  }
0x249: {  	v24 =	vadd.f32 v8, v24;
	v31 =	vmul.f32 $1.442695020e+00, v58;
	v29 =	vadd.f32 v2, v29  }
0x24a: {  	(erf) = vpow2.f32 v30;
	v28 =	vadd.f32 v5, v28;
	v27 =	vadd.f32 v53, v52  }
0x24b: {  	v16 =	vadd.f32 v13, v16;
	v24 =	vadd.f32 v3, v24;
	(erf) = vpow2.f32 v31  }
0x24c: {  	v28 =	vadd.f32 v34, v28;
	v27 =	vadd.f32 v57, v27  }
0x24d: {  	v29 =	vadd.f32 v0, v29;
	v16 =	vadd.f32 v51, v16  }
0x24e: {  	v31 =	vpop (erf);
	v28 =	vadd.f32 v35, v28;
	v27 =	vadd.f32 v42, v27  }
0x24f: {  	[tilespmem:$0x1FC30] =	vst v60;
	v24 =	vadd.f32 v6, v24;
	v26 =	vadd.f32 v31, v26  }
0x250: {  	[tilespmem:$0x1FC50] =	vst v57;
	v29 =	vadd.f32 v1, v29;
	v60 =	vpop (erf);
	v28 =	vadd.f32 v37, v28  }
0x251: {  	[tilespmem:$0x1FC80] =	vst v59;
	v24 =	vadd.f32 v59, v24;
	v57 =	vpop (erf);
	v59 =	vperm.xlane v26, v32;
	v30 =	vadd.f32 v63, v27  }
0x252: {  	[tilespmem:$0x1FC40] =	vst v53;
	v16 =	vadd.f32 v60, v16;
	v28 =	vadd.f32 v47, v28;
	v27 =	vpop (erf)  }
0x253: {  	[tilespmem:$0x1FC70] =	vst v0;
	v26 =	vadd.f32 v26, v59;
	v30 =	vadd.f32 v55, v30;
	v0 =	vpop (erf)  }
0x254: {  	[tilespmem:$0x1FCA0] =	vst v27;
	v24 =	vadd.f32 v27, v24;
	v27 =	vperm.xlane v16, v32;
	v28 =	vadd.f32 v57, v28;
	v53 =	vpop (erf)  }
0x255: {  	v58 =	vperm.xlane v4, v43;
	v29 =	vadd.f32 v0, v29;
	v30 =	vadd.f32 v53, v30  }
0x256: {  	[tilespmem:$0x1FC90] =	vst v55;
	v16 =	vadd.f32 v16, v27;
	v27 =	vperm.xlane v24, v32;
	v55 =	vperm.xlane v28, v32  }
0x257: {  	v48 =	vperm.xlane v29, v32;
	v59 =	vperm.xlane v30, v32  }
0x258: {  	v24 =	vadd.f32 v24, v27;
	v27 =	vperm.xlane v26, v43;
	v28 =	vadd.f32 v28, v55  }
0x259: {  	v4 =	vadd.f32 v4, v58;
	v29 =	vadd.f32 v29, v48;
	v55 =	vperm.xlane v16, v43  }
0x25a: {  	v30 =	vadd.f32 v30, v59;
	v26 =	vadd.f32 v26, v27;
	v27 =	vperm.xlane v28, v43  }
0x25b: {  	v59 =	vperm.xlane v4, v54;
	v16 =	vadd.f32 v16, v55  }
0x25c: {  	v58 =	vperm.xlane v29, v43;
	v28 =	vadd.f32 v28, v27;
	v27 =	vperm.xlane v30, v43  }
0x25d: {  	v4 =	vadd.f32 v4, v59;
	v55 =	vperm.xlane v26, v54  }
0x25e: {  	v29 =	vadd.f32 v29, v58;
	v30 =	vadd.f32 v30, v27;
	v27 =	vperm.xlane v16, v54  }
0x25f: {  	[tilespmem:$0x1FCC0] =	vst v53;
	v26 =	vadd.f32 v26, v55;
	v53 =	vperm.xlane v4, v40;
	v58 =	vperm.xlane v28, v54  }
0x260: {  	v16 =	vadd.f32 v16, v27;
	v27 =	vperm.xlane v29, v54  }
0x261: {  	v4 =	vadd.f32 v4, v53;
	v55 =	vperm.xlane v26, v40;
	v28 =	vadd.f32 v28, v58  }
0x262: {  	v29 =	vadd.f32 v29, v27;
	v27 =	vperm.xlane v30, v54;
	v58 =	vperm.xlane v16, v40  }
0x263: {  	[tilespmem:$0x1FCB0] =	vst v0;
	v0 =	vld [tilespmem:$0x1FCD0];
	v48 =	vperm.xlane v24, v43;
	v26 =	vadd.f32 v26, v55;
	(erf) = vrcp.f32 v4  }
0x264: {  	v4 =	vperm.xlane v28, v40;
	v30 =	vadd.f32 v30, v27;
	v16 =	vadd.f32 v16, v58  }
0x265: {  	v46 =	vmovc v1;
	v1 =	vmul.f32 v14, v44;
	v24 =	vadd.f32 v24, v48;
	(erf) = vrcp.f32 v26  }
0x266: {  	s12 =	simm.s32 $0x1B1D0;
	[tilespmem:$0x1FC60] =	vst v2;
	v4 =	vadd.f32 v28, v4;
	(erf) = vrcp.f32 v16;
	v16 =	vperm.xlane v30, v40  }
0x267: {  	[tilespmem:s12+$0x220] =	vst v1;
	v59 =	vperm.xlane v24, v54  }
0x268: {  	(erf) = vrcp.f32 v4;
	v4 =	vadd.f32 v30, v16;
	v16 =	vmul.f32 v14, v0;
	v0 =	vld [tilespmem:$0x1FCE0];
	_ =	sdelay $0x1  }
0x269: {  	v24 =	vadd.f32 v24, v59;
	_ =	sdelay $0x1  }
0x26a: {  	v59 =	vperm.xlane v24, v40;
	[tilespmem:s12+$0x1B0] =	vst v16  }
0x26b: {  	v26 =	vperm.xlane v29, v40;
	v1 =	vmul.f32 v14, v0;
	v0 =	vld [tilespmem:$0x1FCF0]  }
0x26c: {  	v28 =	vadd.f32 v24, v59  }
0x26d: {  	v26 =	vadd.f32 v29, v26  }
0x26e: {  	(erf) = vrcp.f32 v28  }
0x26f: {  	(erf) = vrcp.f32 v26;
	[tilespmem:s12+$0x1C0] =	vst v1  }
0x270: {  	(erf) = vrcp.f32 v4;
	v4 =	vmul.f32 v14, v0;
	v0 =	vld [tilespmem:$0x1FD00];
	_ =	sdelay $0x4  }
0x271: {  	v16 =	vmul.f32 v14, v0;
	v0 =	vld [tilespmem:$0x1FD10];
	_ =	sdelay $0x3  }
0x272: {  	[tilespmem:s12+$0x1D0] =	vst v4  }
0x273: {  	v26 =	vmul.f32 v14, v0;
	v0 =	vld [tilespmem:$0x1FD20];
	_ =	sdelay $0x4  }
0x274: {  	v4 =	vmul.f32 v14, v0;
	v0 =	vld [tilespmem:$0x1FD30];
	[tilespmem:s12+$0x1E0] =	vst v16  }
0x275: {  	v2 =	vld [tilespmem:$0x1FD40];
	_ =	sdelay $0x3  }
0x276: {  	v1 =	vmul.f32 v14, v0;
	v0 =	vpop (erf)  }
0x277: {  	v5 =	vmul.f32 v0, v38;
	v14 =	vmul.f32 v0, v2  }
0x278: {  	v24 =	vmov v6;
	[tilespmem:s12+$0x1F0] =	vst v26;
	v6 =	vmul.f32 v0, v36;
	v9 =	vmul.f32 v0, v9;
	v26 =	vpop (erf)  }
0x279: {  	v28 =	vmul.f32 v26, v19;
	[tilespmem:s12+$0xFFFFFDC0] =	vst v5;
	v5 =	vmul.f32 v0, v12  }
0x27a: {  	v16 =	vmul.f32 v26, v15;
	v15 =	vmul.f32 v26, v21;
	[tilespmem:s12+$0xFFFFFDD0] =	vst v14  }
0x27b: {  	v12 =	vmul.f32 v0, v20;
	v14 =	vmul.f32 v0, v22;
	[tilespmem:s12+$0xFFFFFDE0] =	vst v6  }
0x27c: {  	v0 =	vmul.f32 v0, v25;
	v6 =	vmul.f32 v26, v18;
	[tilespmem:s12+$0xFFFFFDF0] =	vst v9  }
0x27d: {  	v25 =	vmul.f32 v26, v17;
	v20 =	vmul.f32 v26, v33;
	[tilespmem:s12+$0xFFFFFE00] =	vst v5;
	v5 =	vpop (erf)  }
0x27e: {  	v52 =	vmov v3;
	v22 =	vmul.f32 v26, v11;
	[tilespmem:s12+$0xFFFFFE10] =	vst v12;
	v12 =	vmul.f32 v26, v31;
	v3 =	vpop (erf)  }
0x27f: {  	v44 =	vmov v56;
	[tilespmem:s12+$0xFFFFFE20] =	vst v14;
	v14 =	vmul.f32 v5, v39;
	v9 =	vmul.f32 v5, v7;
	v38 =	vpop (erf)  }
0x280: {  	v43 =	vmov v50;
	[tilespmem:s12+$0xFFFFFE30] =	vst v0;
	v11 =	vmul.f32 v5, v23;
	v2 =	vmul.f32 v5, v41;
	v36 =	vpop (erf)  }
0x281: {  	s14 =	simm.s32 $0x0;
	s16 =	simm.s32 $0x18D90;
	s13 =	simm.s32 $0x1B1D0;
	v27 =	vmov v8;
	[tilespmem:s12+$0xFFFFFE50] =	vst v6;
	v6 =	vmul.f32 v5, v10;
	v0 =	vmul.f32 v5, v13;
	v33 =	vpop (erf)  }
.LBB2_8:
0x282: {  	v7 =	vld [tilespmem:s16+$0x180]  }
0x283: {  	v10 =	vld [tilespmem:s16+$0x190];
	[tilespmem:s12+$0xFFFFFE90] =	vst v22  }
0x284: {  	v17 =	vld [tilespmem:$0x1FBD0];
	[tilespmem:s12+$0xFFFFFEE0] =	vst v14  }
0x285: {  	v18 =	vld [tilespmem:$0x1FC10];
	[tilespmem:s12+$0xFFFFFE60] =	vst v28  }
0x286: {  	v21 =	vld [tilespmem:s16+$0xFFFFFE10];
	[tilespmem:s12+$0xFFFFFE70] =	vst v25  }
0x287: {  	v29 =	vld [tilespmem:s16+$0x1B0];
	[tilespmem:s12+$0xFFFFFE80] =	vst v20  }
0x288: {  	v28 =	vld [tilespmem:s16+$0xFFFFFE80];
	[tilespmem:s12+$0xFFFFFEA0] =	vst v16  }
0x289: {  	v25 =	vld [tilespmem:s16+$0x1A0];
	[tilespmem:s12+$0xFFFFFEB0] =	vst v15;
	v7 =	vmul.f32 $1.442695020e+00, v7  }
0x28a: {  	v20 =	vmul.f32 v3, v18;
	v18 =	vld [tilespmem:s16+$0xFFFFFE90];
	[tilespmem:s12+$0xFFFFFEC0] =	vst v12  }
0x28b: {  	v8 =	vmul.f32 v5, v51;
	(erf) = vpow2.f32 v7;
	v7 =	vld [tilespmem:s16+$0xFFFFFF00];
	[tilespmem:s12+$0xFFFFFEF0] =	vst v9  }
0x28c: {  	v5 =	vmul.f32 v5, v60;
	v13 =	vmul.f32 v3, v61;
	v15 =	vld [tilespmem:$0x1FBE0];
	[tilespmem:s12+$0xFFFFFF00] =	vst v11  }
0x28d: {  	v23 =	vmul.f32 v3, v34;
	v10 =	vmul.f32 $1.442695020e+00, v10;
	v11 =	vld [tilespmem:s16+$0xFFFFFF10];
	[tilespmem:s12+$0xFFFFFF10] =	vst v2  }
0x28e: {  	v12 =	vld [tilespmem:$0x1FBF0];
	v19 =	vmul.f32 $1.442695020e+00, v21;
	v14 =	vmul.f32 $1.442695020e+00, v25;
	[tilespmem:s12+$0xFFFFFF20] =	vst v6  }
0x28f: {  	v21 =	vld [tilespmem:s16+$0x1C0];
	v9 =	vmul.f32 $1.442695020e+00, v28;
	(erf) = vpow2.f32 v10;
	[tilespmem:s12+$0xFFFFFF30] =	vst v0  }
0x290: {  	v10 =	vld [tilespmem:s16+$0x1D0];
	[tilespmem:s12+$0xFFFFFF40] =	vst v8;
	(erf) = vpow2.f32 v19;
	v19 =	vmul.f32 $1.442695020e+00, v29  }
0x291: {  	[tilespmem:s12+$0xFFFFFF50] =	vst v5;
	(erf) = vpow2.f32 v14;
	v2 =	vmul.f32 $1.442695020e+00, v18;
	v14 =	vld [tilespmem:s16+$0x1E0]  }
0x292: {  	(erf) = vpow2.f32 v9;
	v0 =	vmul.f32 $1.442695020e+00, v7;
	v7 =	vld [tilespmem:s16+$0x1F0];
	[tilespmem:s12+$0x200] =	vst v4  }
0x293: {  	v17 =	vmul.f32 v3, v17;
	v6 =	vld [tilespmem:s16+$0xFFFFFF80];
	(erf) = vpow2.f32 v19;
	[tilespmem:s12+$0x210] =	vst v1  }
0x294: {  	v22 =	vmul.f32 v3, v35;
	(erf) = vpow2.f32 v2;
	v2 =	vld [tilespmem:s16+$0xFFFFFF90];
	[tilespmem:s12+$0xFFFFFF70] =	vst v13  }
0x295: {  	v26 =	vmul.f32 v3, v37;
	v16 =	vmul.f32 v3, v47;
	[tilespmem:s12+$0xFFFFFF80] =	vst v17  }
0x296: {  	v3 =	vmul.f32 v3, v57;
	v9 =	vmul.f32 $1.442695020e+00, v21;
	[tilespmem:s12+$0xFFFFFF90] =	vst v20  }
0x297: {  	v15 =	vmul.f32 v38, v15;
	v12 =	vmul.f32 v38, v12;
	[tilespmem:s12+$0xFFFFFFA0] =	vst v23  }
0x298: {  	v8 =	vmul.f32 $1.442695020e+00, v10;
	[tilespmem:s12+$0xFFFFFFB0] =	vst v22;
	(erf) = vpow2.f32 v9  }
0x299: {  	v5 =	vmul.f32 $1.442695020e+00, v11;
	[tilespmem:s12+$0xFFFFFFC0] =	vst v26;
	v9 =	vld [tilespmem:s16+$0x0];
	(erf) = vpow2.f32 v0  }
0x29a: {  	[tilespmem:s12+$0xFFFFFFD0] =	vst v16;
	v0 =	vld [tilespmem:s16+$0x10];
	v10 =	vmul.f32 $1.442695020e+00, v14;
	v13 =	vpop (erf);
	(erf) = vpow2.f32 v8  }
0x29b: {  	v6 =	vmul.f32 $1.442695020e+00, v6;
	[tilespmem:s12+$0xFFFFFFE0] =	vst v3;
	v8 =	vld [tilespmem:s16+$0x80];
	(erf) = vpow2.f32 v5;
	v11 =	vpop (erf)  }
0x29c: {  	v5 =	vld [tilespmem:s16+$0x90];
	v7 =	vmul.f32 $1.442695020e+00, v7;
	[tilespmem:$0x1FB20] =	vst v11;
	v11 =	vadd.f32 v11, v13;
	v18 =	vpop (erf);
	(erf) = vpow2.f32 v10  }
0x29d: {  	[tilespmem:$0x1FB10] =	vst v13;
	v2 =	vmul.f32 $1.442695020e+00, v2;
	v10 =	vld [tilespmem:s16+$0x100];
	(erf) = vpow2.f32 v6;
	v13 =	vpop (erf)  }
0x29e: {  	v6 =	vmul.f32 $1.442695020e+00, v9;
	v9 =	vld [tilespmem:s16+$0x110];
	[tilespmem:$0x1FB30] =	vst v13;
	v11 =	vadd.f32 v13, v11;
	v13 =	vpop (erf);
	(erf) = vpow2.f32 v7  }
0x29f: {  	v7 =	vld [tilespmem:s16+$0xFFFFFE00];
	v0 =	vmul.f32 $1.442695020e+00, v0;
	[tilespmem:$0x1FB90] =	vst v13;
	(erf) = vpow2.f32 v2;
	v14 =	vpop (erf)  }
0x2a0: {  	v2 =	vld [tilespmem:s16+$0xFFFFFE20];
	v8 =	vmul.f32 $1.442695020e+00, v8;
	[tilespmem:$0x1FB40] =	vst v14;
	v11 =	vadd.f32 v14, v11;
	v14 =	vpop (erf);
	(erf) = vpow2.f32 v6  }
0x2a1: {  	v6 =	vld [tilespmem:s16+$0xFFFFFEA0];
	v5 =	vmul.f32 $1.442695020e+00, v5;
	[tilespmem:$0x1FBA0] =	vst v14;
	v3 =	vadd.f32 v14, v13;
	(erf) = vpow2.f32 v0;
	v13 =	vpop (erf)  }
0x2a2: {  	v0 =	vld [tilespmem:s16+$0xFFFFFF20];
	v10 =	vmul.f32 $1.442695020e+00, v10;
	[tilespmem:$0x1FB50] =	vst v13;
	v14 =	vadd.f32 v13, v11;
	v13 =	vpop (erf);
	(erf) = vpow2.f32 v8  }
0x2a3: {  	[tilespmem:s12+$0x10] =	vst v12;
	v8 =	vld [tilespmem:s16+$0xFFFFFFA0];
	v9 =	vmul.f32 $1.442695020e+00, v9;
	(erf) = vpow2.f32 v5;
	v12 =	vpop (erf)  }
0x2a4: {  	[tilespmem:s12+$0x0] =	vst v15;
	v4 =	vmul.f32 $1.442695020e+00, v7;
	v7 =	vadd.f32 v12, v14;
	v11 =	vpop (erf);
	(erf) = vpow2.f32 v10  }
0x2a5: {  	v5 =	vld [tilespmem:s16+$0x20];
	v1 =	vmul.f32 $1.442695020e+00, v2;
	[tilespmem:$0x1FBC0] =	vst v11;
	v2 =	vadd.f32 v11, v13;
	(erf) = vpow2.f32 v9;
	v11 =	vpop (erf)  }
0x2a6: {  	[tilespmem:$0x1FBB0] =	vst v13;
	v10 =	vld [tilespmem:s16+$0xA0];
	v13 =	vmul.f32 $1.442695020e+00, v6;
	(erf) = vpow2.f32 v4;
	v49 =	vpop (erf)  }
0x2a7: {  	[tilespmem:$0x1FB70] =	vst v11;
	v7 =	vadd.f32 v11, v7;
	v11 =	vmul.f32 $1.442695020e+00, v0;
	(erf) = vpow2.f32 v1;
	v0 =	vpop (erf)  }
0x2a8: {  	v9 =	vld [tilespmem:s16+$0x120];
	v1 =	vmul.f32 $1.442695020e+00, v8;
	(erf) = vpow2.f32 v13;
	v6 =	vpop (erf)  }
0x2a9: {  	v4 =	vld [tilespmem:s16+$0xFFFFFE30];
	v14 =	vpop (erf)  }
0x2aa: {  	[tilespmem:$0x1FB60] =	vst v12;
	v12 =	vld [tilespmem:s16+$0xFFFFFEB0];
	v5 =	vmul.f32 $1.442695020e+00, v5;
	(erf) = vpow2.f32 v11;
	v15 =	vpop (erf)  }
0x2ab: {  	v48 =	vmov v62;
	v17 =	vmul.f32 $1.442695020e+00, v10;
	(erf) = vpow2.f32 v1;
	v62 =	vpop (erf)  }
0x2ac: {  	v25 =	vld [tilespmem:s16+$0xFFFFFF40];
	v7 =	vadd.f32 v0, v7;
	(erf) = vpow2.f32 v5;
	v1 =	vpop (erf)  }
0x2ad: {  	[tilespmem:$0x1FBD0] =	vst v6;
	v13 =	vadd.f32 v6, v49;
	v9 =	vmul.f32 $1.442695020e+00, v9;
	(erf) = vpow2.f32 v17;
	v17 =	vld [tilespmem:$0x1FFB0];
	v6 =	vpop (erf)  }
0x2ae: {  	[tilespmem:$0x1FB00] =	vst v63;
	v16 =	vld [tilespmem:s16+$0xB0];
	v10 =	vperm.xlane v7, v32;
	v4 =	vmul.f32 $1.442695020e+00, v4;
	v63 =	vpop (erf)  }
0x2af: {  	v8 =	vld [tilespmem:s16+$0xFFFFFF30];
	v5 =	vmul.f32 $1.442695020e+00, v12;
	(erf) = vpow2.f32 v9;
	v55 =	vpop (erf)  }
0x2b0: {  	v11 =	vld [tilespmem:s16+$0xFFFFFFB0];
	v7 =	vadd.f32 v7, v10;
	v56 =	vpop (erf);
	(erf) = vpow2.f32 v4  }
0x2b1: {  	[tilespmem:$0x1FBE0] =	vst v14;
	v54 =	vpop (erf);
	(erf) = vpow2.f32 v5;
	v5 =	vld [tilespmem:$0x1FFC0]  }
0x2b2: {  	[tilespmem:$0x1FBF0] =	vst v15;
	v14 =	vadd.f32 v15, v14;
	v15 =	vld [tilespmem:s16+$0x30];
	v21 =	vperm.xlane v7, v17  }
0x2b3: {  	v12 =	vld [tilespmem:s16+$0x130]  }
0x2b4: {  	v25 =	vmul.f32 $1.442695020e+00, v25;
	v9 =	vld [tilespmem:s16+$0xFFFFFEC0];
	v7 =	vadd.f32 v7, v21  }
0x2b5: {  	v29 =	vld [tilespmem:s16+$0xC0];
	v16 =	vmul.f32 $1.442695020e+00, v16;
	v8 =	vmul.f32 $1.442695020e+00, v8;
	v4 =	vadd.f32 v18, v55  }
0x2b6: {  	v20 =	vld [tilespmem:s16+$0xFFFFFE40];
	v11 =	vmul.f32 $1.442695020e+00, v11;
	v17 =	vperm.xlane v7, v5  }
0x2b7: {  	v26 =	vld [tilespmem:s16+$0x40];
	v15 =	vmul.f32 $1.442695020e+00, v15;
	v53 =	vpop (erf);
	(erf) = vpow2.f32 v8  }
0x2b8: {  	v12 =	vmul.f32 $1.442695020e+00, v12;
	v21 =	vld [tilespmem:s16+$0xFFFFFFC0];
	v5 =	vpop (erf);
	(erf) = vpow2.f32 v11;
	v30 =	vadd.f32 v7, v17  }
0x2b9: {  	v28 =	vadd.f32 v56, v4;
	v8 =	vmul.f32 $1.442695020e+00, v9;
	v9 =	vld [tilespmem:s16+$0x140];
	v4 =	vpop (erf);
	(erf) = vpow2.f32 v15  }
0x2ba: {  	v11 =	vld [tilespmem:s16+$0xFFFFFE50];
	[tilespmem:$0x1FC10] =	vst v5;
	v13 =	vadd.f32 v5, v13;
	v5 =	vpop (erf);
	(erf) = vpow2.f32 v16;
	v31 =	vperm.xlane v30, v40  }
0x2bb: {  	v20 =	vmul.f32 $1.442695020e+00, v20;
	v15 =	vld [tilespmem:s16+$0xFFFFFED0];
	v7 =	vpop (erf);
	(erf) = vpow2.f32 v12  }
0x2bc: {  	v29 =	vmul.f32 $1.442695020e+00, v29;
	v26 =	vmul.f32 $1.442695020e+00, v26;
	v16 =	vld [tilespmem:s16+$0xFFFFFF50];
	v30 =	vadd.f32 v30, v31  }
0x2bd: {  	v21 =	vmul.f32 $1.442695020e+00, v21;
	v12 =	vld [tilespmem:s16+$0xFFFFFFD0];
	v61 =	vpop (erf);
	(erf) = vpow2.f32 v20  }
0x2be: {  	v3 =	vadd.f32 v54, v3;
	v9 =	vmul.f32 $1.442695020e+00, v9;
	v59 =	vpop (erf);
	(erf) = vrcp.f32 v30  }
0x2bf: {  	v2 =	vadd.f32 v53, v2;
	v20 =	vld [tilespmem:s16+$0xD0];
	v11 =	vmul.f32 $1.442695020e+00, v11;
	(erf) = vpow2.f32 v8  }
0x2c0: {  	v14 =	vadd.f32 v4, v14;
	v31 =	vld [tilespmem:s16+$0x50];
	v15 =	vmul.f32 $1.442695020e+00, v15;
	v58 =	vpop (erf);
	(erf) = vpow2.f32 v25  }
0x2c1: {  	v40 =	vadd.f32 v59, v3;
	v3 =	vld [tilespmem:s16+$0xFFFFFEE0];
	v16 =	vmul.f32 $1.442695020e+00, v16;
	v34 =	vpop (erf);
	(erf) = vpow2.f32 v21  }
0x2c2: {  	v22 =	vadd.f32 v63, v6;
	v30 =	vld [tilespmem:s16+$0x150];
	v41 =	vmul.f32 $1.442695020e+00, v12;
	v12 =	vpop (erf);
	(erf) = vpow2.f32 v26  }
0x2c3: {  	v25 =	vadd.f32 v58, v2;
	v2 =	vld [tilespmem:s16+$0xFFFFFF60];
	v21 =	vadd.f32 v34, v13;
	v13 =	vpop (erf);
	(erf) = vpow2.f32 v29  }
0x2c4: {  	v20 =	vmul.f32 $1.442695020e+00, v20;
	v47 =	vadd.f32 v12, v14;
	v14 =	vpop (erf);
	(erf) = vpow2.f32 v9  }
0x2c5: {  	v22 =	vadd.f32 v7, v22;
	v8 =	vld [tilespmem:s16+$0xFFFFFE60];
	v31 =	vmul.f32 $1.442695020e+00, v31;
	(erf) = vpow2.f32 v11  }
0x2c6: {  	v10 =	vadd.f32 v1, v62;
	v11 =	vmul.f32 $1.442695020e+00, v3;
	v3 =	vpop (erf);
	(erf) = vpow2.f32 v15  }
0x2c7: {  	v30 =	vmul.f32 $1.442695020e+00, v30;
	v57 =	vadd.f32 v14, v22;
	v22 =	vld [tilespmem:s16+$0x160];
	(erf) = vpow2.f32 v16;
	v9 =	vpop (erf)  }
0x2c8: {  	v10 =	vadd.f32 v5, v10;
	v26 =	vld [tilespmem:s16+$0xFFFFFFE0];
	v60 =	vmul.f32 $1.442695020e+00, v2;
	v2 =	vpop (erf);
	(erf) = vpow2.f32 v41  }
0x2c9: {  	v28 =	vadd.f32 v61, v28;
	v29 =	vld [tilespmem:s16+$0x60];
	v17 =	vmul.f32 v9, v0;
	v0 =	vpop (erf);
	(erf) = vpow2.f32 v31  }
0x2ca: {  	v51 =	vld [tilespmem:s16+$0xE0];
	s12 =	sadd.s32 $0x480, s12;
	v10 =	vadd.f32 v13, v10;
	v8 =	vmul.f32 $1.442695020e+00, v8;
	v35 =	vpop (erf);
	(erf) = vpow2.f32 v20  }
0x2cb: {  	v15 =	vadd.f32 v3, v28;
	[tilespmem:s12+$0x220] =	vst v17;
	v17 =	vadd.f32 v35, v21;
	v21 =	vpop (erf);
	(erf) = vpow2.f32 v30  }
0x2cc: {  	v28 =	vld [tilespmem:s16+$0xFFFFFE70];
	v37 =	vadd.f32 v2, v40;
	v40 =	vmul.f32 $1.442695020e+00, v22;
	(erf) = vpow2.f32 v8;
	v22 =	vpop (erf)  }
0x2cd: {  	v16 =	vld [tilespmem:s16+$0xFFFFFEF0];
	v26 =	vmul.f32 $1.442695020e+00, v26;
	v31 =	vadd.f32 v0, v25;
	(erf) = vpow2.f32 v11;
	v25 =	vpop (erf)  }
0x2ce: {  	v29 =	vmul.f32 $1.442695020e+00, v29;
	v11 =	vpop (erf);
	(erf) = vpow2.f32 v60  }
0x2cf: {  	v51 =	vmul.f32 $1.442695020e+00, v51;
	v23 =	vadd.f32 v22, v10;
	v10 =	vpop (erf);
	(erf) = vpow2.f32 v26  }
0x2d0: {  	v8 =	vpop (erf);
	(erf) = vpow2.f32 v29  }
0x2d1: {  	v19 =	vmul.f32 $1.442695020e+00, v28;
	v26 =	vadd.f32 v10, v37;
	v37 =	vpop (erf);
	(erf) = vpow2.f32 v51  }
0x2d2: {  	v16 =	vmul.f32 $1.442695020e+00, v16;
	v28 =	vpop (erf);
	(erf) = vpow2.f32 v40  }
0x2d3: {  	(erf) = vpow2.f32 v19  }
0x2d4: {  	v29 =	vpop (erf);
	(erf) = vpow2.f32 v16;
	v16 =	vld [tilespmem:$0x1FC30];
	_ =	sdelay $0x4  }
0x2d5: {  	v39 =	vld [tilespmem:s16+$0xFFFFFF70];
	v16 =	vmul.f32 v38, v16  }
0x2d6: {  	v30 =	vadd.f32 v21, v47;
	v47 =	vld [tilespmem:s16+$0xF0]  }
0x2d7: {  	v20 =	vld [tilespmem:s16+$0x70];
	[tilespmem:s13+$0x20] =	vst v16;
	v16 =	vmul.f32 v38, v52  }
0x2d8: {  	[tilespmem:$0x1FB80] =	vst v18;
	v18 =	vld [tilespmem:s16+$0xFFFFFFF0]  }
0x2d9: {  	v15 =	vadd.f32 v11, v15;
	[tilespmem:s13+$0x40] =	vst v16;
	v16 =	vld [tilespmem:$0x1FC80]  }
0x2da: {  	v50 =	vmov v42;
	v57 =	vadd.f32 v25, v57  }
0x2db: {  	v42 =	vmul.f32 $1.442695020e+00, v47;
	v47 =	vmul.f32 v38, v27;
	v40 =	vadd.f32 v28, v30;
	v30 =	vpop (erf)  }
0x2dc: {  	v60 =	vmul.f32 $1.442695020e+00, v20;
	v19 =	vadd.f32 v29, v23;
	v20 =	vpop (erf)  }
0x2dd: {  	v39 =	vmul.f32 $1.442695020e+00, v39;
	v23 =	vadd.f32 v30, v57;
	v57 =	vadd.f32 v20, v15;
	v15 =	vpop (erf)  }
0x2de: {  	v18 =	vmul.f32 $1.442695020e+00, v18;
	v51 =	vpop (erf);
	v16 =	vmul.f32 v38, v16  }
0x2df: {  	[tilespmem:s13+$0x30] =	vst v47;
	(erf) = vpow2.f32 v39;
	v47 =	vpop (erf)  }
0x2e0: {  	(erf) = vpow2.f32 v18;
	v18 =	vadd.f32 v15, v26;
	v26 =	vmul.f32 v38, v24;
	v24 =	vpop (erf);
	[tilespmem:s13+$0x60] =	vst v16;
	v16 =	vld [tilespmem:$0x1FC00]  }
0x2e1: {  	v40 =	vadd.f32 v24, v40;
	[tilespmem:$0x1FC80] =	vst v24;
	v24 =	vld [tilespmem:$0x1FC60];
	_ =	sdelay $0x1  }
0x2e2: {  	v41 =	vld [tilespmem:s16+$0x170]  }
0x2e3: {  	(erf) = vpow2.f32 v60;
	[tilespmem:s13+$0x50] =	vst v26;
	v26 =	vld [tilespmem:$0x1FCA0]  }
0x2e4: {  	(erf) = vpow2.f32 v42;
	v27 =	vmul.f32 v36, v16  }
0x2e5: {  	v31 =	vadd.f32 v8, v31;
	v42 =	vmul.f32 v36, v44;
	v44 =	vmul.f32 v36, v24;
	v24 =	vld [tilespmem:$0x1FC70]  }
0x2e6: {  	[tilespmem:s13+$0x90] =	vst v27;
	v27 =	vld [tilespmem:$0x1FCB0]  }
0x2e7: {  	v41 =	vmul.f32 $1.442695020e+00, v41  }
0x2e8: {  	v26 =	vmul.f32 v38, v26  }
0x2e9: {  	v60 =	vmul.f32 v36, v43;
	v39 =	vadd.f32 v51, v31;
	(erf) = vpow2.f32 v41;
	v31 =	vpop (erf)  }
0x2ea: {  	v41 =	vmul.f32 v36, v46;
	v52 =	vmul.f32 v36, v45;
	v16 =	vpop (erf)  }
0x2eb: {  	v17 =	vadd.f32 v37, v17;
	[tilespmem:s13+$0xA0] =	vst v60;
	v45 =	vmul.f32 v36, v24;
	v38 =	vpop (erf);
	v36 =	vmul.f32 v36, v27;
	v27 =	vld [tilespmem:$0x1FC20]  }
0x2ec: {  	[tilespmem:s13+$0x70] =	vst v26;
	v26 =	vpop (erf)  }
0x2ed: {  	v17 =	vadd.f32 v47, v17;
	[tilespmem:s13+$0xB0] =	vst v42;
	v60 =	vpop (erf)  }
0x2ee: {  	v46 =	vmul.f32 v33, v48;
	v48 =	vld [tilespmem:$0x1FC40];
	v19 =	vadd.f32 v31, v19;
	[tilespmem:s13+$0xC0] =	vst v52;
	v24 =	vadd.f32 v38, v57;
	v57 =	vpop (erf)  }
0x2ef: {  	[tilespmem:s13+$0xD0] =	vst v44;
	v39 =	vadd.f32 v60, v39;
	v17 =	vadd.f32 v57, v17;
	v52 =	vpop (erf)  }
0x2f0: {  	[tilespmem:$0x1FCA0] =	vst v52;
	v40 =	vadd.f32 v52, v40;
	v52 =	vpop (erf);
	v42 =	vmul.f32 v33, v27;
	v27 =	vperm.xlane v24, v32  }
0x2f1: {  	[tilespmem:s13+$0xE0] =	vst v45;
	v18 =	vadd.f32 v26, v18;
	v45 =	vperm.xlane v17, v32;
	v19 =	vadd.f32 v52, v19  }
0x2f2: {  	v44 =	vld [tilespmem:$0x1FC50];
	[tilespmem:$0x1FCB0] =	vst v52;
	v52 =	vperm.xlane v40, v32;
	v24 =	vadd.f32 v24, v27;
	v27 =	vperm.xlane v39, v32  }
0x2f3: {  	v43 =	vmul.f32 v33, v48;
	v17 =	vadd.f32 v17, v45;
	v45 =	vld [tilespmem:$0x1FFB0]  }
0x2f4: {  	v48 =	vperm.xlane v18, v32;
	v27 =	vadd.f32 v39, v27;
	v39 =	vadd.f32 v40, v52;
	v52 =	vld [tilespmem:$0x1FFB0]  }
0x2f5: {  	[tilespmem:s13+$0xF0] =	vst v41;
	v41 =	vld [tilespmem:$0x1FFB0];
	_ =	sdelay $0x1  }
0x2f6: {  	v23 =	vadd.f32 v16, v23;
	v18 =	vadd.f32 v18, v48  }
0x2f7: {  	[tilespmem:s13+$0x140] =	vst v43;
	v43 =	vld [tilespmem:$0x1FFB0];
	v44 =	vmul.f32 v33, v44;
	v48 =	vpop (erf)  }
0x2f8: {  	v23 =	vadd.f32 v48, v23;
	[tilespmem:s13+$0x120] =	vst v42;
	v42 =	vperm.xlane v18, v45;
	v45 =	vperm.xlane v27, v52;
	v52 =	vld [tilespmem:$0x1FFB0]  }
0x2f9: {  	[tilespmem:s13+$0x100] =	vst v36;
	v36 =	vperm.xlane v24, v41;
	v41 =	vperm.xlane v19, v32  }
0x2fa: {  	v40 =	vperm.xlane v23, v32  }
0x2fb: {  	[tilespmem:s13+$0x150] =	vst v44;
	v44 =	vld [tilespmem:$0x1FFC0];
	v19 =	vadd.f32 v19, v41  }
0x2fc: {  	v23 =	vadd.f32 v23, v40  }
0x2fd: {  	[tilespmem:s13+$0x130] =	vst v46;
	v27 =	vadd.f32 v27, v45;
	v45 =	vperm.xlane v19, v43;
	v46 =	vperm.xlane v17, v52  }
0x2fe: {  	v18 =	vadd.f32 v18, v42;
	v24 =	vadd.f32 v24, v36;
	v36 =	vperm.xlane v39, v43  }
0x2ff: {  	v42 =	vld [tilespmem:$0x1FFF0];
	v19 =	vadd.f32 v19, v45;
	v52 =	vmovc v62;
	v62 =	vperm.xlane v23, v43;
	v17 =	vadd.f32 v17, v46  }
0x300: {  	v41 =	vperm.xlane v18, v44;
	v43 =	vmov v1;
	v1 =	vperm.xlane v24, v44  }
0x301: {  	v36 =	vadd.f32 v39, v36;
	[tilespmem:$0x1FC00] =	vst v52;
	v39 =	vperm.xlane v19, v44;
	v52 =	vperm.xlane v17, v44  }
0x302: {  	v23 =	vadd.f32 v23, v62;
	v1 =	vadd.f32 v24, v1;
	v46 =	vmovc v6;
	v6 =	vperm.xlane v27, v44  }
0x303: {  	v24 =	vperm.xlane v36, v44;
	v62 =	vmovc v63;
	v63 =	vmov v4;
	v4 =	vadd.f32 v18, v41  }
0x304: {  	v18 =	vperm.xlane v23, v44;
	v44 =	vmovc v5;
	v5 =	vperm.xlane v1, v42;
	v6 =	vadd.f32 v27, v6  }
0x305: {  	v17 =	vadd.f32 v17, v52;
	v52 =	vmov v7;
	v7 =	vperm.xlane v4, v42  }
0x306: {  	[tilespmem:$0x1FC30] =	vst v63;
	v63 =	vadd.f32 v1, v5;
	v5 =	vperm.xlane v6, v42  }
0x307: {  	v4 =	vadd.f32 v4, v7  }
0x308: {  	(erf) = vrcp.f32 v63;
	v5 =	vadd.f32 v6, v5  }
0x309: {  	(erf) = vrcp.f32 v4;
	v4 =	vmul.f32 v33, v50  }
0x30a: {  	(erf) = vrcp.f32 v5;
	v5 =	vld [tilespmem:$0x1FB00]  }
0x30b: {  	[tilespmem:s13+$0x160] =	vst v4;
	v4 =	vld [tilespmem:$0x1FC90]  }
0x30c: {  	v18 =	vadd.f32 v23, v18;
	v27 =	vmov v12;
	v12 =	vperm.xlane v17, v42;
	_ =	sdelay $0x1  }
0x30d: {  	v24 =	vadd.f32 v36, v24;
	v6 =	vadd.f32 v17, v12;
	v12 =	vperm.xlane v18, v42  }
0x30e: {  	v19 =	vadd.f32 v19, v39;
	v1 =	vmov v22;
	v5 =	vmul.f32 v33, v5  }
0x30f: {  	[tilespmem:$0x1FC60] =	vst v1;
	v7 =	vperm.xlane v24, v42;
	v4 =	vmul.f32 v33, v4  }
0x310: {  	v45 =	vmov v13;
	v13 =	vperm.xlane v19, v42;
	[tilespmem:s13+$0x170] =	vst v5;
	v5 =	vld [tilespmem:$0x1FCC0]  }
0x311: {  	v7 =	vadd.f32 v24, v7;
	v1 =	vadd.f32 v18, v12;
	v12 =	vmov v16;
	[tilespmem:s13+$0x180] =	vst v4;
	v4 =	vld [tilespmem:$0x1FB20]  }
0x312: {  	v13 =	vadd.f32 v19, v13;
	(erf) = vrcp.f32 v6;
	[tilespmem:$0x1FC90] =	vst v12;
	v12 =	vld [tilespmem:$0x1FB80]  }
0x313: {  	(erf) = vrcp.f32 v7  }
0x314: {  	(erf) = vrcp.f32 v13  }
0x315: {  	[tilespmem:$0x1FC20] =	vst v46;
	v6 =	vmov v48;
	(erf) = vrcp.f32 v1;
	v1 =	vld [tilespmem:$0x1FB30];
	v5 =	vmul.f32 v33, v5  }
0x316: {  	v7 =	vpop (erf);
	[tilespmem:$0x1FCC0] =	vst v6;
	v6 =	vld [tilespmem:$0x1FB10];
	v4 =	vmul.f32 v9, v4  }
0x317: {  	v12 =	vmul.f32 v7, v12;
	[tilespmem:s13+$0x190] =	vst v5;
	v5 =	vld [tilespmem:$0x1FB40]  }
0x318: {  	[tilespmem:s12+$0x1C0] =	vst v4;
	v4 =	vld [tilespmem:$0x1FB50]  }
0x319: {  	v23 =	vmov v14;
	[tilespmem:s12+$0xFFFFFDD0] =	vst v12;
	v12 =	vld [tilespmem:$0x1FB90]  }
0x31a: {  	v14 =	vmov v29;
	[tilespmem:$0x1FC50] =	vst v23;
	v13 =	vpop (erf);
	v1 =	vmul.f32 v9, v1  }
0x31b: {  	[tilespmem:$0x1FC70] =	vst v14;
	v22 =	vmul.f32 v13, v2;
	v2 =	vld [tilespmem:$0x1FBB0];
	v6 =	vmul.f32 v9, v6  }
0x31c: {  	[tilespmem:s12+$0x1D0] =	vst v1;
	v1 =	vld [tilespmem:$0x1FB70];
	v5 =	vmul.f32 v9, v5  }
0x31d: {  	v16 =	vmul.f32 v7, v61;
	[tilespmem:s12+$0x1B0] =	vst v6;
	v6 =	vmul.f32 v9, v4;
	v4 =	vld [tilespmem:$0x1FB60]  }
0x31e: {  	[tilespmem:$0x1FC40] =	vst v52;
	v17 =	vmul.f32 v13, v12;
	v12 =	vld [tilespmem:$0x1FBA0]  }
0x31f: {  	v40 =	vmovc v42;
	v42 =	vmov v25;
	v14 =	vmul.f32 v7, v56;
	[tilespmem:s12+$0xFFFFFDF0] =	vst v16;
	v25 =	vmul.f32 v13, v54  }
0x320: {  	v16 =	vmul.f32 v13, v10;
	v15 =	vmul.f32 v13, v15;
	[tilespmem:s12+$0x1E0] =	vst v5;
	v5 =	vpop (erf)  }
0x321: {  	[tilespmem:s12+$0xFFFFFDE0] =	vst v14;
	v1 =	vmul.f32 v9, v1;
	v14 =	vmul.f32 v5, v2  }
0x322: {  	s14 =	sadd.s32 $0x8, s14;
	[tilespmem:s12+$0xFFFFFE50] =	vst v17;
	v2 =	vld [tilespmem:$0x1FBC0];
	v4 =	vmul.f32 v9, v4;
	v9 =	vmul.f32 v7, v55  }
0x323: {  	p0 =	slt.u32 s14, $0x48;
	v24 =	vmov v28;
	v28 =	vmul.f32 v13, v12;
	[tilespmem:s12+$0x1F0] =	vst v6;
	v6 =	vmul.f32 v7, v3  }
.Ltmp3:
0x324: {  	v12 =	vmul.f32 v13, v26;
	[tilespmem:s12+$0xFFFFFDC0] =	vst v9;
	v9 =	vmul.f32 v7, v11;
	(pc) =	sbr.rel @p0 .LBB2_8-.Ltmp3, $4  }
0x325: {  	v46 =	vmov v31;
	v3 =	vpop (erf);
	[tilespmem:s12+$0xFFFFFE00] =	vst v6;
	v6 =	vmul.f32 v5, v0;
	v11 =	vmul.f32 v7, v20  }
0x326: {  	v63 =	vmov v30;
	v0 =	vmul.f32 v5, v8;
	v7 =	vmul.f32 v7, v38;
	v38 =	vpop (erf);
	[tilespmem:s12+$0xFFFFFE10] =	vst v9  }
0x327: {  	v52 =	vmov v21;
	v20 =	vmul.f32 v13, v59;
	v36 =	vpop (erf);
	[tilespmem:s12+$0xFFFFFE20] =	vst v11;
	v9 =	vmul.f32 v5, v2  }
0x328: {  	s16 =	sadd.s32 $0x400, s16;
	v61 =	vmov v49;
	s13 =	smov.u32 s12;
	v33 =	vpop (erf);
	[tilespmem:s12+$0xFFFFFE30] =	vst v7;
	v11 =	vmul.f32 v5, v53;
	v2 =	vmul.f32 v5, v58  }
0x329: {  	[tilespmem:s12+$0xFFFFFE60] =	vst v28  }
0x32a: {  	[tilespmem:s12+$0xFFFFFE70] =	vst v25  }
0x32b: {  	[tilespmem:s12+$0xFFFFFE80] =	vst v20  }
0x32c: {  	[tilespmem:s12+$0xFFFFFE90] =	vst v22  }
0x32d: {  	[tilespmem:s12+$0xFFFFFEA0] =	vst v16  }
0x32e: {  	[tilespmem:s12+$0xFFFFFEB0] =	vst v15  }
0x32f: {  	[tilespmem:s12+$0xFFFFFEC0] =	vst v12  }
0x330: {  	[tilespmem:s12+$0xFFFFFEE0] =	vst v14  }
0x331: {  	[tilespmem:s12+$0xFFFFFEF0] =	vst v9  }
0x332: {  	[tilespmem:s12+$0xFFFFFF20] =	vst v6  }
0x333: {  	[tilespmem:s12+$0xFFFFFF30] =	vst v0  }
0x334: {  	v31 =	vmul.f32 v5, v51;
	[tilespmem:s12+$0xFFFFFF00] =	vst v11  }
0x335: {  	v32 =	vmul.f32 v5, v60;
	[tilespmem:s12+$0xFFFFFF10] =	vst v2  }
0x336: {  	[tilespmem:s12+$0xFFFFFF40] =	vst v31  }
0x337: {  	v2 =	vld [tilespmem:$0x1FBD0];
	[tilespmem:s12+$0xFFFFFF50] =	vst v32  }
0x338: {  	v39 =	vmul.f32 v3, v61;
	v5 =	vld [tilespmem:$0x1FC10]  }
0x339: {  	v41 =	vmul.f32 v3, v34  }
0x33a: {  	v48 =	vmul.f32 v3, v35;
	[tilespmem:s12+$0xFFFFFF70] =	vst v39  }
0x33b: {  	v49 =	vmul.f32 v3, v37;
	[tilespmem:s12+$0xFFFFFFA0] =	vst v41  }
0x33c: {  	[tilespmem:s12+$0xFFFFFFB0] =	vst v48;
	v2 =	vmul.f32 v3, v2  }
0x33d: {  	[tilespmem:s12+$0xFFFFFFC0] =	vst v49;
	v5 =	vmul.f32 v3, v5  }
0x33e: {  	v50 =	vmul.f32 v3, v47;
	[tilespmem:s12+$0xFFFFFF80] =	vst v2  }
0x33f: {  	[tilespmem:s12+$0xFFFFFF90] =	vst v5  }
0x340: {  	v53 =	vld [tilespmem:$0x1FBE0];
	[tilespmem:s12+$0xFFFFFFD0] =	vst v50  }
0x341: {  	v0 =	vld [tilespmem:$0x1FBF0];
	_ =	sdelay $0x1  }
0x342: {  	v51 =	vmul.f32 v3, v57;
	_ =	sdelay $0x1  }
0x343: {  	[tilespmem:s12+$0xFFFFFFE0] =	vst v51;
	v3 =	vmul.f32 v38, v53  }
0x344: {  	[tilespmem:s12+$0x200] =	vst v4;
	v0 =	vmul.f32 v38, v0  }
0x345: {  	[tilespmem:s12+$0x0] =	vst v3  }
0x346: {  	[tilespmem:s12+$0x10] =	vst v0  }
0x347: {  	v0 =	vld [tilespmem:$0x1FC30];
	_ =	sdelay $0x2  }
0x348: {  	v54 =	vmul.f32 v38, v27  }
0x349: {  	v55 =	vmul.f32 v38, v52;
	[tilespmem:s12+$0x210] =	vst v1  }
0x34a: {  	[tilespmem:s13+$0x30] =	vst v54;
	v0 =	vmul.f32 v38, v0  }
0x34b: {  	[tilespmem:s13+$0x40] =	vst v55  }
0x34c: {  	[tilespmem:s13+$0x20] =	vst v0  }
0x34d: {  	v0 =	vld [tilespmem:$0x1FC80];
	_ =	sdelay $0x2  }
0x34e: {  	v56 =	vmul.f32 v38, v24;
	_ =	sdelay $0x1  }
0x34f: {  	[tilespmem:s13+$0x50] =	vst v56;
	v0 =	vmul.f32 v38, v0  }
0x350: {  	v1 =	vld [tilespmem:$0x1FCA0]  }
0x351: {  	[tilespmem:s13+$0x60] =	vst v0  }
0x352: {  	v0 =	vld [tilespmem:$0x1FC00];
	_ =	sdelay $0x2  }
0x353: {  	v1 =	vmul.f32 v38, v1  }
0x354: {  	v57 =	vmul.f32 v36, v43  }
0x355: {  	[tilespmem:s13+$0x70] =	vst v1;
	v0 =	vmul.f32 v36, v0  }
0x356: {  	v58 =	vmul.f32 v36, v44;
	[tilespmem:s13+$0xA0] =	vst v57  }
0x357: {  	[tilespmem:s13+$0x90] =	vst v0  }
0x358: {  	v2 =	vld [tilespmem:$0x1FC60];
	[tilespmem:s13+$0xB0] =	vst v58  }
0x359: {  	v1 =	vld [tilespmem:$0x1FC70];
	_ =	sdelay $0x2  }
0x35a: {  	v59 =	vmul.f32 v36, v45  }
0x35b: {  	v2 =	vmul.f32 v36, v2  }
0x35c: {  	[tilespmem:s13+$0xC0] =	vst v59;
	v1 =	vmul.f32 v36, v1  }
0x35d: {  	[tilespmem:s13+$0xD0] =	vst v2  }
0x35e: {  	v2 =	vld [tilespmem:$0x1FCB0];
	[tilespmem:s13+$0xE0] =	vst v1  }
0x35f: {  	v1 =	vld [tilespmem:$0x1FC20];
	_ =	sdelay $0x2  }
0x360: {  	v60 =	vmul.f32 v36, v46  }
0x361: {  	v2 =	vmul.f32 v36, v2  }
0x362: {  	[tilespmem:s13+$0xF0] =	vst v60;
	v1 =	vmul.f32 v33, v1  }
0x363: {  	[tilespmem:s13+$0x100] =	vst v2  }
0x364: {  	v2 =	vld [tilespmem:$0x1FC40];
	[tilespmem:s13+$0x120] =	vst v1  }
0x365: {  	v1 =	vld [tilespmem:$0x1FC50];
	_ =	sdelay $0x1  }
0x366: {  	v61 =	vmul.f32 v33, v62  }
0x367: {  	v62 =	vmul.f32 v33, v42  }
0x368: {  	[tilespmem:s13+$0x130] =	vst v61;
	v2 =	vmul.f32 v33, v2  }
0x369: {  	[tilespmem:s13+$0x160] =	vst v62;
	v1 =	vmul.f32 v33, v1  }
0x36a: {  	v63 =	vmul.f32 v33, v63;
	[tilespmem:s13+$0x140] =	vst v2  }
0x36b: {  	[tilespmem:s13+$0x150] =	vst v1  }
0x36c: {  	v0 =	vld [tilespmem:$0x1FC90];
	[tilespmem:s13+$0x170] =	vst v63  }
0x36d: {  	v1 =	vld [tilespmem:$0x1FCC0];
	_ =	sdelay $0x3  }
0x36e: {  	v0 =	vmul.f32 v33, v0  }
0x36f: {  	v1 =	vmul.f32 v33, v1  }
0x370: {  	[tilespmem:s13+$0x180] =	vst v0  }
0x371: {  	[tilespmem:s13+$0x190] =	vst v1  }
0x372: {  	[spmem:s4] =	stream.indirect.scatter.add.f32 [tilespmem:s29], [sflag:$0x3], $0x90, s6, s9, $0xb8;
	[tilespmem:$0x1DD30] =	vst v63  }
0x373: {  	_ =	swait.ge [sflag:s30], $0x2D00  }
0x374: {  	[sflag:s30] =	ssyncset.done $0x0  }
0x375: {  	[sflag:s30] =	ssyncadd.s32 $0xFFFFD300  }
0x376: {  	[tilespmem:s0], [sflag:$0x2] =	stream.linear.gather [hbm4b:s22+s5], $0x2800, $0x38;
	[tilespmem:$0x1DD30] =	vst v63  }
0x377: {  	s12 =	simm.s32 $0x1  }
0x378: {  	[tilespmem:s6], [sflag:$0x2] =	stream.linear.gather [hbm4b:s23+s5], $0x50, $0x38;
	[tilespmem:$0x1DD30] =	vst v63  }
.LBB2_10:
0x379: {  	_ =	swait.ge [sflag:s7], $0x2800  }
0x37a: {  	[sflag:s7] =	ssyncset.done $0x0  }
0x37b: {  	[sflag:s7] =	ssyncadd.s32 $0xFFFFD800  }
0x37c: {  	_ =	swait.ge [sflag:s7], $0x50  }
0x37d: {  	[sflag:s7] =	ssyncset.done $0x0  }
0x37e: {  	s13 =	simm.s32 $0x16190;
	[sflag:s7] =	ssyncadd.s32 $0xFFFFFFB0  }
0x37f: {  	v0 =	vld [tilespmem:s13+$0x180]  }
0x380: {  	v1 =	vld [tilespmem:s13+$0x190]  }
0x381: {  	v2 =	vld [tilespmem:s13+$0xFFFFFE10]  }
0x382: {  	v3 =	vld [tilespmem:s13+$0x1A0]  }
0x383: {  	v4 =	vld [tilespmem:s13+$0xFFFFFE80]  }
0x384: {  	v5 =	vld [tilespmem:s13+$0x1B0];
	v0 =	vmul.f32 $1.442695020e+00, v0  }
0x385: {  	v7 =	vld [tilespmem:s13+$0x1C0];
	v1 =	vmul.f32 $1.442695020e+00, v1  }
0x386: {  	v6 =	vld [tilespmem:s13+$0xFFFFFE90];
	v2 =	vmul.f32 $1.442695020e+00, v2;
	(erf) = vpow2.f32 v0  }
0x387: {  	v3 =	vmul.f32 $1.442695020e+00, v3;
	(erf) = vpow2.f32 v1  }
0x388: {  	v0 =	vld [tilespmem:s13+$0xFFFFFF00];
	v1 =	vmul.f32 $1.442695020e+00, v4;
	(erf) = vpow2.f32 v2  }
0x389: {  	v5 =	vmul.f32 $1.442695020e+00, v5;
	v4 =	vld [tilespmem:s13+$0x1D0];
	(erf) = vpow2.f32 v3  }
0x38a: {  	v7 =	vmul.f32 $1.442695020e+00, v7;
	v2 =	vld [tilespmem:s13+$0xFFFFFF10];
	(erf) = vpow2.f32 v1  }
0x38b: {  	v3 =	vmul.f32 $1.442695020e+00, v6;
	v6 =	vld [tilespmem:s13+$0x1E0];
	(erf) = vpow2.f32 v5  }
0x38c: {  	v1 =	vld [tilespmem:s13+$0xFFFFFF80]  }
0x38d: {  	v0 =	vmul.f32 $1.442695020e+00, v0;
	v5 =	vld [tilespmem:s13+$0x1F0];
	(erf) = vpow2.f32 v3  }
0x38e: {  	v3 =	vmul.f32 $1.442695020e+00, v4;
	(erf) = vpow2.f32 v7  }
0x38f: {  	v2 =	vmul.f32 $1.442695020e+00, v2;
	(erf) = vpow2.f32 v0;
	v0 =	vld [tilespmem:s13+$0xFFFFFF90];
	v7 =	vpop (erf)  }
0x390: {  	v32 =	vld [tilespmem:$0x1FFE0];
	v4 =	vmul.f32 $1.442695020e+00, v6;
	(erf) = vpow2.f32 v3;
	[tilespmem:$0x1FA90] =	vst v7;
	v6 =	vpop (erf)  }
0x391: {  	v1 =	vmul.f32 $1.442695020e+00, v1;
	(erf) = vpow2.f32 v2;
	v3 =	vld [tilespmem:s13+$0x0];
	[tilespmem:$0x1FAA0] =	vst v6;
	v6 =	vadd.f32 v6, v7;
	v38 =	vpop (erf)  }
0x392: {  	v5 =	vmul.f32 $1.442695020e+00, v5;
	(erf) = vpow2.f32 v4;
	v4 =	vld [tilespmem:s13+$0x80];
	v7 =	vpop (erf)  }
0x393: {  	v2 =	vld [tilespmem:s13+$0x10];
	(erf) = vpow2.f32 v1;
	v6 =	vadd.f32 v7, v6;
	v17 =	vpop (erf)  }
0x394: {  	v54 =	vld [tilespmem:$0x1FFB0];
	[tilespmem:$0x1FAB0] =	vst v7;
	(erf) = vpow2.f32 v5;
	v0 =	vmul.f32 $1.442695020e+00, v0;
	v8 =	vpop (erf)  }
0x395: {  	v1 =	vld [tilespmem:s13+$0x90];
	v6 =	vadd.f32 v8, v6  }
0x396: {  	v5 =	vld [tilespmem:s13+$0x100];
	[tilespmem:$0x1FAC0] =	vst v8;
	v19 =	vpop (erf);
	(erf) = vpow2.f32 v0  }
0x397: {  	v3 =	vmul.f32 $1.442695020e+00, v3;
	v7 =	vld [tilespmem:s13+$0x110];
	v10 =	vpop (erf);
	v0 =	vmul.f32 $1.442695020e+00, v4  }
0x398: {  	v8 =	vld [tilespmem:s13+$0xFFFFFE00];
	v2 =	vmul.f32 $1.442695020e+00, v2;
	[tilespmem:$0x1FAD0] =	vst v10;
	v33 =	vpop (erf)  }
0x399: {  	v9 =	vld [tilespmem:s13+$0xFFFFFE20];
	(erf) = vpow2.f32 v3;
	v3 =	vadd.f32 v10, v6;
	v6 =	vpop (erf)  }
0x39a: {  	v4 =	vld [tilespmem:s13+$0xFFFFFEA0];
	v1 =	vmul.f32 $1.442695020e+00, v1;
	(erf) = vpow2.f32 v2;
	[tilespmem:$0x1FAE0] =	vst v6;
	v36 =	vpop (erf)  }
0x39b: {  	v5 =	vmul.f32 $1.442695020e+00, v5;
	(erf) = vpow2.f32 v0;
	v3 =	vadd.f32 v6, v3;
	v2 =	vld [tilespmem:s13+$0xFFFFFF20];
	v0 =	vpop (erf)  }
0x39c: {  	v6 =	vld [tilespmem:s13+$0xFFFFFFA0];
	v7 =	vmul.f32 $1.442695020e+00, v7;
	(erf) = vpow2.f32 v1;
	[tilespmem:$0x1FAF0] =	vst v0;
	v43 =	vpop (erf)  }
0x39d: {  	v8 =	vmul.f32 $1.442695020e+00, v8;
	(erf) = vpow2.f32 v5;
	v3 =	vadd.f32 v0, v3;
	v10 =	vld [tilespmem:s13+$0x20];
	v0 =	vpop (erf)  }
0x39e: {  	v5 =	vmul.f32 $1.442695020e+00, v9;
	v9 =	vld [tilespmem:s13+$0xA0];
	(erf) = vpow2.f32 v7;
	[tilespmem:$0x1FA80] =	vst v0  }
0x39f: {  	v4 =	vmul.f32 $1.442695020e+00, v4;
	(erf) = vpow2.f32 v8;
	v3 =	vadd.f32 v0, v3;
	v7 =	vld [tilespmem:s13+$0x120]  }
0x3a0: {  	v8 =	vld [tilespmem:s13+$0xFFFFFE30];
	(erf) = vpow2.f32 v5;
	v2 =	vmul.f32 $1.442695020e+00, v2  }
0x3a1: {  	v12 =	vld [tilespmem:s13+$0x130];
	v6 =	vmul.f32 $1.442695020e+00, v6;
	v11 =	vperm.xlane v3, v32  }
0x3a2: {  	v5 =	vld [tilespmem:s13+$0xFFFFFEB0];
	(erf) = vpow2.f32 v4;
	v10 =	vmul.f32 $1.442695020e+00, v10  }
0x3a3: {  	v49 =	vpop (erf);
	v4 =	vld [tilespmem:s13+$0xFFFFFF30];
	(erf) = vpow2.f32 v2;
	v9 =	vmul.f32 $1.442695020e+00, v9;
	v3 =	vadd.f32 v3, v11  }
0x3a4: {  	v55 =	vld [tilespmem:$0x1FFC0];
	v50 =	vpop (erf);
	(erf) = vpow2.f32 v6;
	v7 =	vmul.f32 $1.442695020e+00, v7  }
0x3a5: {  	v2 =	vld [tilespmem:s13+$0xFFFFFFB0];
	v48 =	vpop (erf);
	(erf) = vpow2.f32 v10;
	v10 =	vperm.xlane v3, v54  }
0x3a6: {  	v6 =	vld [tilespmem:s13+$0x30];
	v31 =	vpop (erf);
	v8 =	vmul.f32 $1.442695020e+00, v8;
	v12 =	vmul.f32 $1.442695020e+00, v12  }
0x3a7: {  	v11 =	vld [tilespmem:s13+$0xB0];
	v44 =	vpop (erf);
	(erf) = vpow2.f32 v9;
	v9 =	vmul.f32 $1.442695020e+00, v5;
	v3 =	vadd.f32 v3, v10  }
0x3a8: {  	v46 =	vpop (erf);
	v4 =	vmul.f32 $1.442695020e+00, v4;
	(erf) = vpow2.f32 v7  }
0x3a9: {  	v7 =	vld [tilespmem:s13+$0xFFFFFE40];
	v62 =	vpop (erf);
	(erf) = vpow2.f32 v8;
	v8 =	vperm.xlane v3, v55  }
0x3aa: {  	v14 =	vld [tilespmem:s13+$0x40];
	v2 =	vmul.f32 $1.442695020e+00, v2;
	v56 =	vpop (erf);
	(erf) = vpow2.f32 v9  }
0x3ab: {  	v10 =	vmul.f32 $1.442695020e+00, v6;
	v9 =	vld [tilespmem:s13+$0xFFFFFEC0];
	v41 =	vpop (erf);
	(erf) = vpow2.f32 v4;
	v8 =	vadd.f32 v3, v8  }
0x3ac: {  	v13 =	vld [tilespmem:s13+$0xFFFFFF40];
	v11 =	vmul.f32 $1.442695020e+00, v11;
	v58 =	vpop (erf);
	(erf) = vpow2.f32 v2  }
0x3ad: {  	v2 =	vld [tilespmem:s13+$0xFFFFFFC0];
	v23 =	vpop (erf);
	(erf) = vpow2.f32 v10;
	v10 =	vperm.xlane v8, v40  }
0x3ae: {  	v7 =	vmul.f32 $1.442695020e+00, v7;
	v5 =	vpop (erf);
	(erf) = vpow2.f32 v11;
	v11 =	vld [tilespmem:s13+$0xC0]  }
0x3af: {  	v14 =	vmul.f32 $1.442695020e+00, v14;
	v6 =	vpop (erf);
	(erf) = vpow2.f32 v12;
	v12 =	vld [tilespmem:s13+$0x140];
	v8 =	vadd.f32 v8, v10  }
0x3b0: {  	v15 =	vld [tilespmem:s13+$0xFFFFFE50];
	v10 =	vmul.f32 $1.442695020e+00, v9;
	v45 =	vpop (erf);
	(erf) = vpow2.f32 v7  }
0x3b1: {  	v7 =	vmul.f32 $1.442695020e+00, v13;
	v13 =	vld [tilespmem:s13+$0xFFFFFED0];
	v42 =	vpop (erf);
	(erf) = vrcp.f32 v8  }
0x3b2: {  	v16 =	vld [tilespmem:s13+$0xFFFFFFD0];
	v2 =	vmul.f32 $1.442695020e+00, v2;
	v9 =	vpop (erf);
	(erf) = vpow2.f32 v10  }
0x3b3: {  	v10 =	vld [tilespmem:s13+$0xFFFFFF50];
	v18 =	vpop (erf);
	v11 =	vmul.f32 $1.442695020e+00, v11;
	(erf) = vpow2.f32 v7  }
0x3b4: {  	v39 =	vpop (erf);
	v12 =	vmul.f32 $1.442695020e+00, v12;
	(erf) = vpow2.f32 v2;
	v2 =	vld [tilespmem:s13+$0x50]  }
0x3b5: {  	v53 =	vpop (erf);
	(erf) = vpow2.f32 v14;
	v14 =	vmul.f32 $1.442695020e+00, v15;
	v15 =	vld [tilespmem:s13+$0xD0]  }
0x3b6: {  	v8 =	vpop (erf);
	(erf) = vpow2.f32 v11;
	v11 =	vmul.f32 $1.442695020e+00, v13;
	v13 =	vld [tilespmem:s13+$0x150]  }
0x3b7: {  	v20 =	vld [tilespmem:s13+$0xFFFFFE60];
	v16 =	vmul.f32 $1.442695020e+00, v16;
	v60 =	vpop (erf);
	(erf) = vpow2.f32 v12  }
0x3b8: {  	v21 =	vld [tilespmem:s13+$0xFFFFFEE0];
	v10 =	vmul.f32 $1.442695020e+00, v10;
	v61 =	vpop (erf);
	(erf) = vpow2.f32 v14  }
0x3b9: {  	v22 =	vld [tilespmem:s13+$0xFFFFFF60];
	v12 =	vpop (erf);
	(erf) = vpow2.f32 v11;
	v2 =	vmul.f32 $1.442695020e+00, v2  }
0x3ba: {  	v25 =	vld [tilespmem:s13+$0xE0];
	(erf) = vpow2.f32 v10;
	v14 =	vpop (erf);
	v15 =	vmul.f32 $1.442695020e+00, v15  }
0x3bb: {  	v24 =	vld [tilespmem:s13+$0xFFFFFFE0];
	v11 =	vpop (erf);
	(erf) = vpow2.f32 v16;
	v13 =	vmul.f32 $1.442695020e+00, v13  }
0x3bc: {  	v16 =	vld [tilespmem:s13+$0x60];
	v10 =	vpop (erf);
	(erf) = vpow2.f32 v2;
	v2 =	vmul.f32 $1.442695020e+00, v20  }
0x3bd: {  	v35 =	vpop (erf);
	(erf) = vpow2.f32 v15;
	v15 =	vmul.f32 $1.442695020e+00, v21;
	v21 =	vld [tilespmem:s13+$0x160]  }
0x3be: {  	v26 =	vld [tilespmem:s13+$0xFFFFFE70];
	v7 =	vpop (erf);
	(erf) = vpow2.f32 v13;
	v13 =	vmul.f32 $1.442695020e+00, v22  }
0x3bf: {  	v22 =	vmul.f32 $1.442695020e+00, v25;
	(erf) = vpow2.f32 v2;
	v4 =	vpop (erf)  }
0x3c0: {  	v2 =	vmul.f32 $1.442695020e+00, v24;
	(erf) = vpow2.f32 v15;
	v52 =	vpop (erf)  }
0x3c1: {  	v16 =	vmul.f32 $1.442695020e+00, v16;
	v20 =	vpop (erf);
	(erf) = vpow2.f32 v13  }
0x3c2: {  	v15 =	vpop (erf);
	(erf) = vpow2.f32 v2;
	v2 =	vmul.f32 $1.442695020e+00, v21  }
0x3c3: {  	v21 =	vmul.f32 $1.442695020e+00, v26;
	v13 =	vpop (erf);
	(erf) = vpow2.f32 v16  }
0x3c4: {  	v26 =	vadd.f32 v19, v17;
	v16 =	vadd.f32 v38, v56;
	v37 =	vpop (erf);
	(erf) = vpow2.f32 v22  }
0x3c5: {  	v3 =	vpop (erf);
	(erf) = vpow2.f32 v2  }
0x3c6: {  	v27 =	vld [tilespmem:s13+$0xFFFFFFF0];
	v26 =	vadd.f32 v58, v26;
	v2 =	vadd.f32 v41, v16;
	(erf) = vpow2.f32 v21;
	v0 =	vpop (erf)  }
0x3c7: {  	v30 =	vld [tilespmem:s13+$0x70];
	v63 =	vpop (erf)  }
0x3c8: {  	v16 =	vld [tilespmem:s13+$0xFFFFFEF0];
	v26 =	vadd.f32 v18, v26;
	v2 =	vadd.f32 v9, v2;
	v22 =	vpop (erf)  }
0x3c9: {  	v24 =	vld [tilespmem:s13+$0xFFFFFF70];
	v21 =	vpop (erf)  }
0x3ca: {  	[tilespmem:$0x1F980] =	vst v43;
	v26 =	vadd.f32 v11, v26;
	v2 =	vadd.f32 v12, v2;
	v51 =	vpop (erf)  }
0x3cb: {  	[tilespmem:$0x1F990] =	vst v49;
	v47 =	vpop (erf)  }
0x3cc: {  	v27 =	vmul.f32 $1.442695020e+00, v27;
	[tilespmem:$0x1F9A0] =	vst v50;
	v26 =	vadd.f32 v15, v26;
	v2 =	vadd.f32 v20, v2;
	v57 =	vpop (erf)  }
0x3cd: {  	v29 =	vadd.f32 v36, v33;
	v30 =	vmul.f32 $1.442695020e+00, v30;
	[tilespmem:$0x1F9B0] =	vst v48;
	v16 =	vmul.f32 $1.442695020e+00, v16;
	v1 =	vpop (erf)  }
0x3ce: {  	v24 =	vmul.f32 $1.442695020e+00, v24;
	[tilespmem:$0x1F9C0] =	vst v31;
	v26 =	vadd.f32 v21, v26;
	v2 =	vadd.f32 v22, v2;
	v34 =	vpop (erf)  }
0x3cf: {  	(erf) = vpow2.f32 v16;
	v16 =	vadd.f32 v23, v29;
	v29 =	vadd.f32 v44, v31;
	v31 =	vld [tilespmem:s13+$0xF0];
	[tilespmem:$0x1F9D0] =	vst v5;
	v25 =	vpop (erf)  }
0x3d0: {  	[tilespmem:$0x1F9E0] =	vst v46;
	v46 =	vadd.f32 v62, v46;
	(erf) = vpow2.f32 v24;
	v2 =	vadd.f32 v25, v2  }
0x3d1: {  	v24 =	vadd.f32 v48, v50;
	v59 =	vld [tilespmem:s13+$0x170];
	v29 =	vadd.f32 v45, v29;
	(erf) = vpow2.f32 v27  }
0x3d2: {  	v27 =	vadd.f32 v42, v46;
	v16 =	vadd.f32 v39, v16;
	v28 =	vperm.xlane v2, v32  }
0x3d3: {  	v24 =	vadd.f32 v6, v24;
	v29 =	vadd.f32 v60, v29  }
0x3d4: {  	(erf) = vpow2.f32 v30;
	v2 =	vadd.f32 v2, v28;
	v28 =	vadd.f32 v49, v43  }
0x3d5: {  	v27 =	vadd.f32 v61, v27;
	v16 =	vadd.f32 v10, v16;
	v30 =	vmul.f32 $1.442695020e+00, v31  }
0x3d6: {  	v24 =	vadd.f32 v8, v24;
	v31 =	vmul.f32 $1.442695020e+00, v59;
	v28 =	vadd.f32 v5, v28  }
0x3d7: {  	v29 =	vadd.f32 v4, v29;
	v27 =	vadd.f32 v52, v27;
	(erf) = vpow2.f32 v30  }
0x3d8: {  	v16 =	vadd.f32 v13, v16;
	(erf) = vpow2.f32 v31;
	v28 =	vadd.f32 v53, v28  }
0x3d9: {  	v24 =	vadd.f32 v7, v24;
	v29 =	vadd.f32 v0, v29  }
0x3da: {  	v30 =	vadd.f32 v63, v27;
	v28 =	vadd.f32 v35, v28  }
0x3db: {  	v16 =	vadd.f32 v51, v16;
	v24 =	vadd.f32 v3, v24;
	v31 =	vpop (erf)  }
0x3dc: {  	[tilespmem:$0x1FA10] =	vst v60;
	v60 =	vpop (erf);
	v26 =	vadd.f32 v31, v26;
	v28 =	vadd.f32 v37, v28  }
0x3dd: {  	[tilespmem:$0x1FA30] =	vst v57;
	v46 =	vmov v1;
	v24 =	vadd.f32 v57, v24;
	v57 =	vpop (erf);
	v16 =	vadd.f32 v60, v16  }
0x3de: {  	[tilespmem:$0x1FA00] =	vst v42;
	v29 =	vadd.f32 v1, v29;
	v1 =	vpop (erf);
	v42 =	vperm.xlane v26, v32;
	v28 =	vadd.f32 v47, v28  }
0x3df: {  	v30 =	vadd.f32 v34, v30;
	v24 =	vadd.f32 v1, v24;
	v27 =	vperm.xlane v16, v32  }
0x3e0: {  	[tilespmem:$0x1F9F0] =	vst v45;
	v45 =	vmov v0;
	v26 =	vadd.f32 v26, v42;
	v0 =	vpop (erf);
	v28 =	vadd.f32 v57, v28  }
0x3e1: {  	[tilespmem:$0x1FA40] =	vst v34;
	v16 =	vadd.f32 v16, v27;
	v27 =	vperm.xlane v24, v32;
	v29 =	vadd.f32 v0, v29;
	v59 =	vpop (erf)  }
0x3e2: {  	[tilespmem:$0x1FA70] =	vst v59;
	v30 =	vadd.f32 v59, v30;
	v59 =	vperm.xlane v2, v54;
	v34 =	vperm.xlane v28, v32  }
0x3e3: {  	v24 =	vadd.f32 v24, v27;
	v27 =	vperm.xlane v26, v54;
	v42 =	vperm.xlane v29, v32  }
0x3e4: {  	v2 =	vadd.f32 v2, v59;
	v28 =	vadd.f32 v28, v34;
	v34 =	vperm.xlane v30, v32  }
0x3e5: {  	v26 =	vadd.f32 v26, v27;
	v29 =	vadd.f32 v29, v42;
	v42 =	vperm.xlane v24, v54  }
0x3e6: {  	v30 =	vadd.f32 v30, v34;
	v34 =	vperm.xlane v16, v54;
	v27 =	vperm.xlane v28, v54  }
0x3e7: {  	v59 =	vperm.xlane v2, v55;
	v49 =	vperm.xlane v29, v54;
	v24 =	vadd.f32 v24, v42  }
0x3e8: {  	v16 =	vadd.f32 v16, v34;
	v28 =	vadd.f32 v28, v27;
	v27 =	vperm.xlane v30, v54  }
0x3e9: {  	v2 =	vadd.f32 v2, v59;
	v29 =	vadd.f32 v29, v49;
	v34 =	vperm.xlane v26, v55  }
0x3ea: {  	[tilespmem:$0x1FA60] =	vst v0;
	v0 =	vld [tilespmem:$0x1FA80];
	v59 =	vperm.xlane v24, v55;
	v30 =	vadd.f32 v30, v27;
	v27 =	vperm.xlane v16, v55  }
0x3eb: {  	v54 =	vperm.xlane v28, v55;
	v26 =	vadd.f32 v26, v34;
	v34 =	vperm.xlane v2, v40  }
0x3ec: {  	v24 =	vadd.f32 v24, v59;
	v16 =	vadd.f32 v16, v27;
	v27 =	vperm.xlane v29, v55  }
0x3ed: {  	v28 =	vadd.f32 v28, v54;
	v2 =	vadd.f32 v2, v34;
	v54 =	vperm.xlane v26, v40  }
0x3ee: {  	v29 =	vadd.f32 v29, v27;
	v27 =	vperm.xlane v30, v55;
	v59 =	vperm.xlane v16, v40  }
0x3ef: {  	[tilespmem:$0x1FA50] =	vst v1;
	v1 =	vmul.f32 v14, v0;
	v0 =	vld [tilespmem:$0x1FA90];
	v26 =	vadd.f32 v26, v54;
	(erf) = vrcp.f32 v2  }
0x3f0: {  	v2 =	vperm.xlane v28, v40;
	v30 =	vadd.f32 v30, v27;
	v16 =	vadd.f32 v16, v59  }
0x3f1: {  	(erf) = vrcp.f32 v26  }
0x3f2: {  	[tilespmem:$0x1FA20] =	vst v4;
	s13 =	simm.s32 $0x1B1D0;
	v2 =	vadd.f32 v28, v2;
	(erf) = vrcp.f32 v16;
	v16 =	vperm.xlane v30, v40  }
0x3f3: {  	[tilespmem:s13+$0x220] =	vst v1  }
0x3f4: {  	(erf) = vrcp.f32 v2;
	v2 =	vadd.f32 v30, v16;
	v16 =	vmul.f32 v14, v0;
	v0 =	vld [tilespmem:$0x1FAA0];
	_ =	sdelay $0x3  }
0x3f5: {  	v34 =	vmov v61;
	v61 =	vperm.xlane v24, v40;
	[tilespmem:s13+$0x1B0] =	vst v16  }
0x3f6: {  	v26 =	vperm.xlane v29, v40;
	v1 =	vmul.f32 v14, v0;
	v0 =	vld [tilespmem:$0x1FAB0]  }
0x3f7: {  	v28 =	vadd.f32 v24, v61  }
0x3f8: {  	v26 =	vadd.f32 v29, v26  }
0x3f9: {  	(erf) = vrcp.f32 v28  }
0x3fa: {  	(erf) = vrcp.f32 v26;
	[tilespmem:s13+$0x1C0] =	vst v1  }
0x3fb: {  	(erf) = vrcp.f32 v2;
	v2 =	vmul.f32 v14, v0;
	v0 =	vld [tilespmem:$0x1FAC0];
	_ =	sdelay $0x4  }
0x3fc: {  	v16 =	vmul.f32 v14, v0;
	v0 =	vld [tilespmem:$0x1FAD0];
	_ =	sdelay $0x3  }
0x3fd: {  	[tilespmem:s13+$0x1D0] =	vst v2  }
0x3fe: {  	v26 =	vmul.f32 v14, v0;
	v0 =	vld [tilespmem:$0x1FAE0];
	_ =	sdelay $0x4  }
0x3ff: {  	v2 =	vmul.f32 v14, v0;
	v0 =	vld [tilespmem:$0x1FAF0];
	_ =	sdelay $0x4  }
0x400: {  	v1 =	vmul.f32 v14, v0;
	v0 =	vpop (erf)  }
0x401: {  	[tilespmem:s13+$0x1E0] =	vst v16;
	v5 =	vmul.f32 v0, v56;
	v14 =	vmul.f32 v0, v38  }
0x402: {  	v50 =	vmov v6;
	[tilespmem:s13+$0x1F0] =	vst v26;
	v6 =	vmul.f32 v0, v41;
	v9 =	vmul.f32 v0, v9;
	v26 =	vpop (erf)  }
0x403: {  	v28 =	vmul.f32 v26, v19;
	[tilespmem:s13+$0xFFFFFDC0] =	vst v5;
	v5 =	vmul.f32 v0, v12  }
0x404: {  	v16 =	vmul.f32 v26, v15;
	v15 =	vmul.f32 v26, v21;
	[tilespmem:s13+$0xFFFFFDD0] =	vst v14  }
0x405: {  	v12 =	vmul.f32 v0, v20;
	v14 =	vmul.f32 v0, v22;
	[tilespmem:s13+$0xFFFFFDE0] =	vst v6  }
0x406: {  	v0 =	vmul.f32 v0, v25;
	v6 =	vmul.f32 v26, v17;
	[tilespmem:s13+$0xFFFFFDF0] =	vst v9  }
0x407: {  	v25 =	vmul.f32 v26, v58;
	v20 =	vmul.f32 v26, v18;
	[tilespmem:s13+$0xFFFFFE00] =	vst v5;
	v5 =	vpop (erf)  }
0x408: {  	v22 =	vmul.f32 v26, v11;
	[tilespmem:s13+$0xFFFFFE10] =	vst v12;
	v12 =	vmul.f32 v26, v31;
	v4 =	vpop (erf)  }
0x409: {  	v43 =	vmov v3;
	[tilespmem:s13+$0xFFFFFE20] =	vst v14;
	v14 =	vmul.f32 v5, v33;
	v9 =	vmul.f32 v5, v36;
	v38 =	vpop (erf)  }
0x40a: {  	v24 =	vmov v8;
	[tilespmem:s13+$0xFFFFFE30] =	vst v0;
	v11 =	vmul.f32 v5, v23;
	v3 =	vmul.f32 v5, v39;
	v36 =	vpop (erf)  }
0x40b: {  	s16 =	simm.s32 $0x0;
	s17 =	simm.s32 $0x16590;
	s14 =	simm.s32 $0x1B1D0;
	v27 =	vmov v7;
	[tilespmem:s13+$0xFFFFFE50] =	vst v6;
	v6 =	vmul.f32 v5, v10;
	v0 =	vmul.f32 v5, v13;
	v33 =	vpop (erf)  }
.LBB2_11:
0x40c: {  	v7 =	vld [tilespmem:s17+$0x180]  }
0x40d: {  	v10 =	vld [tilespmem:s17+$0x190]  }
0x40e: {  	v13 =	vld [tilespmem:$0x1F980];
	[tilespmem:s13+$0xFFFFFE90] =	vst v22  }
0x40f: {  	v17 =	vld [tilespmem:$0x1F990];
	[tilespmem:s13+$0xFFFFFEE0] =	vst v14  }
0x410: {  	v18 =	vld [tilespmem:$0x1F9D0];
	[tilespmem:s13+$0xFFFFFE60] =	vst v28  }
0x411: {  	v21 =	vld [tilespmem:s17+$0xFFFFFE10];
	[tilespmem:s13+$0xFFFFFE70] =	vst v25  }
0x412: {  	v29 =	vld [tilespmem:s17+$0x1B0];
	[tilespmem:s13+$0xFFFFFE80] =	vst v20  }
0x413: {  	v28 =	vld [tilespmem:s17+$0xFFFFFE80];
	[tilespmem:s13+$0xFFFFFEA0] =	vst v16  }
0x414: {  	v25 =	vld [tilespmem:s17+$0x1A0];
	[tilespmem:s13+$0xFFFFFEB0] =	vst v15;
	v7 =	vmul.f32 $1.442695020e+00, v7  }
0x415: {  	v20 =	vmul.f32 v4, v18;
	v18 =	vld [tilespmem:s17+$0xFFFFFE90];
	[tilespmem:s13+$0xFFFFFEC0] =	vst v12  }
0x416: {  	v8 =	vmul.f32 v5, v51;
	(erf) = vpow2.f32 v7;
	v7 =	vld [tilespmem:s17+$0xFFFFFF00];
	[tilespmem:s13+$0xFFFFFEF0] =	vst v9  }
0x417: {  	v5 =	vmul.f32 v5, v60;
	v23 =	vmul.f32 v4, v53;
	v15 =	vld [tilespmem:$0x1F9A0];
	[tilespmem:s13+$0xFFFFFF00] =	vst v11  }
0x418: {  	v13 =	vmul.f32 v4, v13;
	v10 =	vmul.f32 $1.442695020e+00, v10;
	v11 =	vld [tilespmem:s17+$0xFFFFFF10];
	[tilespmem:s13+$0xFFFFFF10] =	vst v3  }
0x419: {  	v12 =	vld [tilespmem:$0x1F9B0];
	v19 =	vmul.f32 $1.442695020e+00, v21;
	v14 =	vmul.f32 $1.442695020e+00, v25;
	[tilespmem:s13+$0xFFFFFF20] =	vst v6  }
0x41a: {  	v21 =	vld [tilespmem:s17+$0x1C0];
	v9 =	vmul.f32 $1.442695020e+00, v28;
	(erf) = vpow2.f32 v10;
	[tilespmem:s13+$0xFFFFFF30] =	vst v0  }
0x41b: {  	v10 =	vld [tilespmem:s17+$0x1D0];
	[tilespmem:s13+$0xFFFFFF40] =	vst v8;
	(erf) = vpow2.f32 v19;
	v19 =	vmul.f32 $1.442695020e+00, v29  }
0x41c: {  	[tilespmem:s13+$0xFFFFFF50] =	vst v5;
	(erf) = vpow2.f32 v14;
	v3 =	vmul.f32 $1.442695020e+00, v18;
	v14 =	vld [tilespmem:s17+$0x1E0]  }
0x41d: {  	(erf) = vpow2.f32 v9;
	v0 =	vmul.f32 $1.442695020e+00, v7;
	v7 =	vld [tilespmem:s17+$0x1F0];
	[tilespmem:s13+$0x200] =	vst v2  }
0x41e: {  	v17 =	vmul.f32 v4, v17;
	v6 =	vld [tilespmem:s17+$0xFFFFFF80];
	(erf) = vpow2.f32 v19;
	[tilespmem:s13+$0x210] =	vst v1  }
0x41f: {  	v22 =	vmul.f32 v4, v35;
	(erf) = vpow2.f32 v3;
	v3 =	vld [tilespmem:s17+$0xFFFFFF90];
	[tilespmem:s13+$0xFFFFFF70] =	vst v13  }
0x420: {  	v26 =	vmul.f32 v4, v37;
	v16 =	vmul.f32 v4, v47;
	[tilespmem:s13+$0xFFFFFF80] =	vst v17  }
0x421: {  	v4 =	vmul.f32 v4, v57;
	v9 =	vmul.f32 $1.442695020e+00, v21;
	[tilespmem:s13+$0xFFFFFF90] =	vst v20  }
0x422: {  	v15 =	vmul.f32 v38, v15;
	v12 =	vmul.f32 v38, v12;
	[tilespmem:s13+$0xFFFFFFA0] =	vst v23  }
0x423: {  	v8 =	vmul.f32 $1.442695020e+00, v10;
	[tilespmem:s13+$0xFFFFFFB0] =	vst v22;
	(erf) = vpow2.f32 v9  }
0x424: {  	v5 =	vmul.f32 $1.442695020e+00, v11;
	[tilespmem:s13+$0xFFFFFFC0] =	vst v26;
	v9 =	vld [tilespmem:s17+$0x0];
	(erf) = vpow2.f32 v0  }
0x425: {  	[tilespmem:s13+$0xFFFFFFD0] =	vst v16;
	v0 =	vld [tilespmem:s17+$0x10];
	v10 =	vmul.f32 $1.442695020e+00, v14;
	v13 =	vpop (erf);
	(erf) = vpow2.f32 v8  }
0x426: {  	v6 =	vmul.f32 $1.442695020e+00, v6;
	[tilespmem:s13+$0xFFFFFFE0] =	vst v4;
	v8 =	vld [tilespmem:s17+$0x80];
	(erf) = vpow2.f32 v5;
	v11 =	vpop (erf)  }
0x427: {  	v5 =	vld [tilespmem:s17+$0x90];
	v7 =	vmul.f32 $1.442695020e+00, v7;
	[tilespmem:$0x1F8D0] =	vst v11;
	v11 =	vadd.f32 v11, v13;
	v18 =	vpop (erf);
	(erf) = vpow2.f32 v10  }
0x428: {  	[tilespmem:$0x1F8C0] =	vst v13;
	v3 =	vmul.f32 $1.442695020e+00, v3;
	v10 =	vld [tilespmem:s17+$0x100];
	(erf) = vpow2.f32 v6;
	v13 =	vpop (erf)  }
0x429: {  	v6 =	vmul.f32 $1.442695020e+00, v9;
	v9 =	vld [tilespmem:s17+$0x110];
	[tilespmem:$0x1F8E0] =	vst v13;
	v11 =	vadd.f32 v13, v11;
	v13 =	vpop (erf);
	(erf) = vpow2.f32 v7  }
0x42a: {  	v7 =	vld [tilespmem:s17+$0xFFFFFE00];
	v0 =	vmul.f32 $1.442695020e+00, v0;
	[tilespmem:$0x1F940] =	vst v13;
	(erf) = vpow2.f32 v3;
	v14 =	vpop (erf)  }
0x42b: {  	v3 =	vld [tilespmem:s17+$0xFFFFFE20];
	v8 =	vmul.f32 $1.442695020e+00, v8;
	[tilespmem:$0x1F8F0] =	vst v14;
	v11 =	vadd.f32 v14, v11;
	v14 =	vpop (erf);
	(erf) = vpow2.f32 v6  }
0x42c: {  	v6 =	vld [tilespmem:s17+$0xFFFFFEA0];
	v5 =	vmul.f32 $1.442695020e+00, v5;
	[tilespmem:$0x1F950] =	vst v14;
	v4 =	vadd.f32 v14, v13;
	(erf) = vpow2.f32 v0;
	v13 =	vpop (erf)  }
0x42d: {  	v0 =	vld [tilespmem:s17+$0xFFFFFF20];
	v10 =	vmul.f32 $1.442695020e+00, v10;
	[tilespmem:$0x1F900] =	vst v13;
	v14 =	vadd.f32 v13, v11;
	v13 =	vpop (erf);
	(erf) = vpow2.f32 v8  }
0x42e: {  	[tilespmem:s13+$0x10] =	vst v12;
	v8 =	vld [tilespmem:s17+$0xFFFFFFA0];
	v9 =	vmul.f32 $1.442695020e+00, v9;
	(erf) = vpow2.f32 v5;
	v12 =	vpop (erf)  }
0x42f: {  	[tilespmem:s13+$0x0] =	vst v15;
	v2 =	vmul.f32 $1.442695020e+00, v7;
	v7 =	vadd.f32 v12, v14;
	v11 =	vpop (erf);
	(erf) = vpow2.f32 v10  }
0x430: {  	v5 =	vld [tilespmem:s17+$0x20];
	v1 =	vmul.f32 $1.442695020e+00, v3;
	[tilespmem:$0x1F970] =	vst v11;
	v3 =	vadd.f32 v11, v13;
	(erf) = vpow2.f32 v9;
	v11 =	vpop (erf)  }
0x431: {  	[tilespmem:$0x1F960] =	vst v13;
	v10 =	vld [tilespmem:s17+$0xA0];
	v6 =	vmul.f32 $1.442695020e+00, v6;
	(erf) = vpow2.f32 v2;
	v13 =	vpop (erf)  }
0x432: {  	v9 =	vld [tilespmem:s17+$0x120];
	[tilespmem:$0x1F920] =	vst v11;
	v7 =	vadd.f32 v11, v7;
	v11 =	vmul.f32 $1.442695020e+00, v0;
	(erf) = vpow2.f32 v1;
	v0 =	vpop (erf)  }
0x433: {  	v2 =	vld [tilespmem:s17+$0xFFFFFE30];
	v1 =	vmul.f32 $1.442695020e+00, v8;
	(erf) = vpow2.f32 v6;
	v8 =	vpop (erf)  }
0x434: {  	v14 =	vpop (erf)  }
0x435: {  	[tilespmem:$0x1F910] =	vst v12;
	v12 =	vld [tilespmem:s17+$0xFFFFFEB0];
	v5 =	vmul.f32 $1.442695020e+00, v5;
	v15 =	vpop (erf)  }
0x436: {  	v48 =	vmov v62;
	v28 =	vld [tilespmem:s17+$0xC0];
	(erf) = vpow2.f32 v11;
	v10 =	vmul.f32 $1.442695020e+00, v10;
	v62 =	vpop (erf)  }
0x437: {  	[tilespmem:$0x1F8B0] =	vst v63;
	v25 =	vld [tilespmem:s17+$0xFFFFFF40];
	v7 =	vadd.f32 v0, v7;
	v9 =	vmul.f32 $1.442695020e+00, v9;
	(erf) = vpow2.f32 v1;
	v1 =	vpop (erf)  }
0x438: {  	v17 =	vld [tilespmem:$0x1FFB0];
	[tilespmem:$0x1F980] =	vst v13;
	v16 =	vmul.f32 $1.442695020e+00, v2;
	(erf) = vpow2.f32 v5;
	v2 =	vpop (erf)  }
0x439: {  	v29 =	vld [tilespmem:s17+$0x140];
	[tilespmem:$0x1F990] =	vst v8;
	v8 =	vadd.f32 v8, v13;
	v13 =	vperm.xlane v7, v32;
	(erf) = vpow2.f32 v10;
	v63 =	vpop (erf)  }
0x43a: {  	v6 =	vld [tilespmem:s17+$0xFFFFFF30];
	v5 =	vmul.f32 $1.442695020e+00, v12;
	(erf) = vpow2.f32 v9;
	v55 =	vpop (erf)  }
0x43b: {  	v11 =	vld [tilespmem:s17+$0xFFFFFFB0];
	v7 =	vadd.f32 v7, v13;
	v56 =	vpop (erf);
	(erf) = vpow2.f32 v16  }
0x43c: {  	[tilespmem:$0x1F9A0] =	vst v14;
	v54 =	vpop (erf);
	(erf) = vpow2.f32 v5;
	v5 =	vld [tilespmem:$0x1FFC0]  }
0x43d: {  	[tilespmem:$0x1F9B0] =	vst v15;
	v14 =	vadd.f32 v15, v14;
	v15 =	vld [tilespmem:s17+$0x30];
	v21 =	vperm.xlane v7, v17  }
0x43e: {  	v20 =	vld [tilespmem:s17+$0xB0]  }
0x43f: {  	v28 =	vmul.f32 $1.442695020e+00, v28;
	v13 =	vld [tilespmem:s17+$0x130];
	v6 =	vmul.f32 $1.442695020e+00, v6;
	v7 =	vadd.f32 v7, v21  }
0x440: {  	v25 =	vmul.f32 $1.442695020e+00, v25;
	v29 =	vmul.f32 $1.442695020e+00, v29  }
0x441: {  	v10 =	vld [tilespmem:s17+$0xFFFFFE40];
	v11 =	vmul.f32 $1.442695020e+00, v11;
	v17 =	vperm.xlane v7, v5  }
0x442: {  	v26 =	vld [tilespmem:s17+$0x40];
	v15 =	vmul.f32 $1.442695020e+00, v15;
	v49 =	vpop (erf);
	(erf) = vpow2.f32 v6  }
0x443: {  	v20 =	vmul.f32 $1.442695020e+00, v20;
	v9 =	vld [tilespmem:s17+$0xFFFFFEC0];
	v6 =	vpop (erf);
	(erf) = vpow2.f32 v11;
	v30 =	vadd.f32 v7, v17  }
0x444: {  	v13 =	vmul.f32 $1.442695020e+00, v13;
	v11 =	vld [tilespmem:s17+$0xFFFFFE50];
	v5 =	vpop (erf);
	(erf) = vpow2.f32 v15  }
0x445: {  	v21 =	vld [tilespmem:s17+$0xFFFFFFC0];
	[tilespmem:$0x1F9D0] =	vst v6;
	v8 =	vadd.f32 v6, v8;
	v6 =	vpop (erf);
	(erf) = vpow2.f32 v20;
	v31 =	vperm.xlane v30, v40  }
0x446: {  	v12 =	vadd.f32 v1, v62;
	v10 =	vmul.f32 $1.442695020e+00, v10;
	v15 =	vld [tilespmem:s17+$0xFFFFFED0];
	v7 =	vpop (erf);
	(erf) = vpow2.f32 v13  }
0x447: {  	v26 =	vmul.f32 $1.442695020e+00, v26;
	v22 =	vadd.f32 v63, v2;
	v20 =	vld [tilespmem:s17+$0xFFFFFF50];
	v30 =	vadd.f32 v30, v31  }
0x448: {  	v16 =	vadd.f32 v18, v55;
	v9 =	vmul.f32 $1.442695020e+00, v9;
	v13 =	vld [tilespmem:s17+$0xFFFFFFD0];
	v61 =	vpop (erf);
	(erf) = vpow2.f32 v10  }
0x449: {  	v4 =	vadd.f32 v54, v4;
	v10 =	vmul.f32 $1.442695020e+00, v11;
	v11 =	vld [tilespmem:s17+$0xD0];
	v59 =	vpop (erf);
	(erf) = vrcp.f32 v30  }
0x44a: {  	v3 =	vadd.f32 v49, v3;
	v21 =	vmul.f32 $1.442695020e+00, v21;
	v31 =	vld [tilespmem:s17+$0x50];
	(erf) = vpow2.f32 v9  }
0x44b: {  	v14 =	vadd.f32 v5, v14;
	v15 =	vmul.f32 $1.442695020e+00, v15;
	v58 =	vpop (erf);
	v30 =	vld [tilespmem:s17+$0x150];
	(erf) = vpow2.f32 v25  }
0x44c: {  	v41 =	vadd.f32 v59, v4;
	v4 =	vld [tilespmem:s17+$0xFFFFFEE0];
	v20 =	vmul.f32 $1.442695020e+00, v20;
	v53 =	vpop (erf);
	(erf) = vpow2.f32 v21  }
0x44d: {  	v40 =	vadd.f32 v6, v12;
	v42 =	vmul.f32 $1.442695020e+00, v13;
	v9 =	vld [tilespmem:s17+$0xFFFFFE60];
	v12 =	vpop (erf);
	(erf) = vpow2.f32 v26  }
0x44e: {  	v11 =	vmul.f32 $1.442695020e+00, v11;
	v25 =	vadd.f32 v58, v3;
	v3 =	vld [tilespmem:s17+$0xFFFFFF60];
	v13 =	vpop (erf);
	(erf) = vpow2.f32 v28  }
0x44f: {  	v21 =	vmul.f32 $1.442695020e+00, v31;
	v31 =	vadd.f32 v12, v14;
	v14 =	vpop (erf);
	(erf) = vpow2.f32 v29  }
0x450: {  	v57 =	vld [tilespmem:s17+$0xE0];
	v22 =	vadd.f32 v7, v22;
	v30 =	vmul.f32 $1.442695020e+00, v30;
	(erf) = vpow2.f32 v10  }
0x451: {  	v16 =	vadd.f32 v56, v16;
	v26 =	vld [tilespmem:s17+$0xFFFFFFE0];
	v10 =	vmul.f32 $1.442695020e+00, v4;
	v4 =	vpop (erf);
	(erf) = vpow2.f32 v15  }
0x452: {  	v60 =	vadd.f32 v14, v22;
	v22 =	vld [tilespmem:s17+$0x160];
	v29 =	vmul.f32 $1.442695020e+00, v9;
	(erf) = vpow2.f32 v20;
	v9 =	vpop (erf)  }
0x453: {  	v17 =	vmul.f32 $1.442695020e+00, v3;
	v3 =	vpop (erf);
	(erf) = vpow2.f32 v42  }
0x454: {  	v16 =	vadd.f32 v61, v16;
	v28 =	vld [tilespmem:s17+$0x60];
	v19 =	vmul.f32 v9, v0;
	v0 =	vpop (erf);
	(erf) = vpow2.f32 v21  }
0x455: {  	v57 =	vmul.f32 $1.442695020e+00, v57;
	v35 =	vpop (erf);
	(erf) = vpow2.f32 v11  }
0x456: {  	v15 =	vadd.f32 v4, v16;
	v16 =	vld [tilespmem:s17+$0xFFFFFE70];
	v26 =	vmul.f32 $1.442695020e+00, v26;
	v21 =	vpop (erf);
	(erf) = vpow2.f32 v30  }
0x457: {  	v8 =	vadd.f32 v53, v8;
	v20 =	vld [tilespmem:s17+$0xFFFFFEF0];
	v23 =	vmul.f32 $1.442695020e+00, v22;
	(erf) = vpow2.f32 v29;
	v22 =	vpop (erf)  }
0x458: {  	v47 =	vld [tilespmem:s17+$0xFFFFFF70];
	v37 =	vadd.f32 v3, v41;
	v39 =	vadd.f32 v0, v25;
	(erf) = vpow2.f32 v10;
	v25 =	vpop (erf)  }
0x459: {  	v28 =	vmul.f32 $1.442695020e+00, v28;
	v29 =	vld [tilespmem:s17+$0x170];
	v11 =	vpop (erf);
	(erf) = vpow2.f32 v17  }
0x45a: {  	[tilespmem:$0x1F930] =	vst v18;
	v18 =	vld [tilespmem:s17+$0xFFFFFFF0];
	v51 =	vadd.f32 v13, v40;
	v40 =	vadd.f32 v35, v8;
	v10 =	vpop (erf);
	(erf) = vpow2.f32 v26  }
0x45b: {  	v16 =	vmul.f32 $1.442695020e+00, v16;
	v30 =	vadd.f32 v21, v31;
	v8 =	vpop (erf);
	(erf) = vpow2.f32 v28  }
0x45c: {  	v20 =	vmul.f32 $1.442695020e+00, v20;
	v26 =	vadd.f32 v10, v37;
	v37 =	vpop (erf);
	(erf) = vpow2.f32 v57  }
0x45d: {  	v17 =	vmul.f32 $1.442695020e+00, v47;
	v15 =	vadd.f32 v11, v15;
	v28 =	vpop (erf);
	(erf) = vpow2.f32 v23  }
0x45e: {  	v57 =	vmul.f32 $1.442695020e+00, v29;
	(erf) = vpow2.f32 v16;
	v29 =	vpop (erf)  }
0x45f: {  	v18 =	vmul.f32 $1.442695020e+00, v18;
	v23 =	vadd.f32 v28, v30;
	(erf) = vpow2.f32 v20;
	v30 =	vpop (erf)  }
0x460: {  	v51 =	vadd.f32 v22, v51;
	v20 =	vpop (erf);
	(erf) = vpow2.f32 v17  }
0x461: {  	s13 =	sadd.s32 $0x480, s13;
	v41 =	vadd.f32 v20, v15;
	v15 =	vpop (erf);
	(erf) = vpow2.f32 v18;
	v18 =	vmul.f32 v38, v27  }
0x462: {  	[tilespmem:s13+$0x220] =	vst v19;
	v19 =	vld [tilespmem:s17+$0x70];
	v16 =	vadd.f32 v29, v51;
	v51 =	vmul.f32 v38, v50  }
0x463: {  	v17 =	vmul.f32 v38, v24;
	[tilespmem:s14+$0x40] =	vst v18;
	v18 =	vld [tilespmem:$0x1FA30];
	_ =	sdelay $0x1  }
0x464: {  	[tilespmem:s14+$0x30] =	vst v17;
	v17 =	vmul.f32 v38, v43  }
0x465: {  	v31 =	vld [tilespmem:s17+$0xF0];
	[tilespmem:s14+$0x20] =	vst v51;
	v51 =	vpop (erf)  }
0x466: {  	v47 =	vpop (erf);
	[tilespmem:s14+$0x50] =	vst v17;
	v17 =	vld [tilespmem:$0x1FA50]  }
0x467: {  	v24 =	vpop (erf);
	v18 =	vmul.f32 v38, v18  }
0x468: {  	[tilespmem:$0x1FA30] =	vst v24;
	v23 =	vadd.f32 v24, v23;
	v24 =	vld [tilespmem:$0x1FA10]  }
0x469: {  	[tilespmem:s14+$0x60] =	vst v18;
	v18 =	vld [tilespmem:$0x1F9C0]  }
0x46a: {  	v31 =	vmul.f32 $1.442695020e+00, v31  }
0x46b: {  	v19 =	vmul.f32 $1.442695020e+00, v19;
	v17 =	vmul.f32 v38, v17  }
0x46c: {  	v60 =	vadd.f32 v25, v60;
	v39 =	vadd.f32 v8, v39  }
0x46d: {  	v40 =	vadd.f32 v37, v40;
	(erf) = vpow2.f32 v19;
	[tilespmem:s14+$0x70] =	vst v17;
	v17 =	vld [tilespmem:$0x1F9F0];
	v50 =	vmul.f32 v36, v24  }
0x46e: {  	v19 =	vadd.f32 v51, v39;
	(erf) = vpow2.f32 v31;
	v31 =	vpop (erf);
	v18 =	vmul.f32 v36, v18  }
0x46f: {  	v27 =	vmul.f32 v36, v44;
	v39 =	vadd.f32 v47, v40;
	v40 =	vadd.f32 v31, v16;
	v16 =	vpop (erf);
	[tilespmem:s14+$0xC0] =	vst v50;
	v50 =	vld [tilespmem:$0x1FA00]  }
0x470: {  	v60 =	vadd.f32 v30, v60;
	v42 =	vadd.f32 v15, v26;
	(erf) = vpow2.f32 v57;
	v38 =	vpop (erf);
	[tilespmem:s14+$0x90] =	vst v18;
	v18 =	vld [tilespmem:$0x1FA20]  }
0x471: {  	[tilespmem:s14+$0xA0] =	vst v27;
	v27 =	vld [tilespmem:$0x1FA60];
	v26 =	vpop (erf)  }
0x472: {  	v42 =	vadd.f32 v26, v42;
	v17 =	vmul.f32 v36, v17  }
0x473: {  	v45 =	vmul.f32 v36, v45;
	v44 =	vadd.f32 v16, v60;
	v24 =	vmul.f32 v36, v46  }
0x474: {  	v41 =	vadd.f32 v38, v41;
	v60 =	vpop (erf);
	v46 =	vmul.f32 v33, v48;
	v48 =	vperm.xlane v42, v32;
	[tilespmem:s14+$0xB0] =	vst v17;
	v17 =	vld [tilespmem:$0x1F9E0]  }
0x475: {  	v57 =	vpop (erf);
	v43 =	vmul.f32 v33, v50;
	v18 =	vmul.f32 v36, v18  }
0x476: {  	v19 =	vadd.f32 v60, v19;
	v50 =	vpop (erf);
	v36 =	vmul.f32 v36, v27;
	v27 =	vperm.xlane v41, v32  }
0x477: {  	v39 =	vadd.f32 v57, v39;
	[tilespmem:s14+$0xD0] =	vst v18;
	v18 =	vmul.f32 v33, v34;
	v34 =	vpop (erf)  }
0x478: {  	v27 =	vadd.f32 v41, v27;
	v41 =	vperm.xlane v19, v32;
	[tilespmem:$0x1FA60] =	vst v34;
	v40 =	vadd.f32 v34, v40;
	v34 =	vld [tilespmem:$0x1FFB0]  }
0x479: {  	[tilespmem:$0x1FA50] =	vst v50;
	v23 =	vadd.f32 v50, v23;
	v50 =	vadd.f32 v42, v48;
	v17 =	vmul.f32 v33, v17;
	v48 =	vpop (erf)  }
0x47a: {  	[tilespmem:s14+$0xE0] =	vst v45;
	v42 =	vld [tilespmem:$0x1FFB0];
	v19 =	vadd.f32 v19, v41;
	v41 =	vadd.f32 v48, v44;
	v44 =	vperm.xlane v40, v32  }
0x47b: {  	v45 =	vperm.xlane v39, v32;
	[tilespmem:s14+$0x120] =	vst v17;
	v17 =	vld [tilespmem:$0x1FFB0]  }
0x47c: {  	[tilespmem:s14+$0xF0] =	vst v24;
	v40 =	vadd.f32 v40, v44;
	v44 =	vld [tilespmem:$0x1FFB0]  }
0x47d: {  	v24 =	vperm.xlane v23, v32;
	[tilespmem:s14+$0x100] =	vst v36;
	v36 =	vperm.xlane v27, v34;
	v34 =	vadd.f32 v39, v45;
	v39 =	vld [tilespmem:$0x1FFB0];
	_ =	sdelay $0x1  }
0x47e: {  	[tilespmem:s14+$0x130] =	vst v46;
	v23 =	vadd.f32 v23, v24;
	v24 =	vperm.xlane v41, v32;
	v46 =	vperm.xlane v34, v42;
	v42 =	vld [tilespmem:$0x1FFC0]  }
0x47f: {  	v17 =	vperm.xlane v50, v17  }
0x480: {  	v24 =	vadd.f32 v41, v24;
	v27 =	vadd.f32 v27, v36;
	v36 =	vperm.xlane v23, v44  }
0x481: {  	[tilespmem:s14+$0x150] =	vst v18;
	v45 =	vperm.xlane v19, v39  }
0x482: {  	v17 =	vadd.f32 v50, v17;
	v50 =	vmovc v62;
	v62 =	vperm.xlane v24, v44;
	v23 =	vadd.f32 v23, v36  }
0x483: {  	v39 =	vld [tilespmem:$0x1FFF0];
	v18 =	vadd.f32 v19, v45;
	v19 =	vperm.xlane v40, v44;
	v44 =	vmovc v1;
	v1 =	vperm.xlane v27, v42;
	_ =	sdelay $0x1  }
0x484: {  	v41 =	vperm.xlane v17, v42;
	v1 =	vadd.f32 v27, v1;
	v27 =	vperm.xlane v23, v42  }
0x485: {  	v34 =	vadd.f32 v34, v46;
	v45 =	vmov v2;
	v2 =	vperm.xlane v18, v42  }
0x486: {  	[tilespmem:$0x1F9C0] =	vst v50;
	v50 =	vmov v5;
	v5 =	vadd.f32 v17, v41  }
0x487: {  	v46 =	vperm.xlane v34, v42;
	v2 =	vadd.f32 v18, v2;
	v18 =	vmovc v6;
	v6 =	vperm.xlane v1, v39  }
0x488: {  	v23 =	vadd.f32 v23, v27;
	v27 =	vmov v7;
	v7 =	vperm.xlane v5, v39  }
0x489: {  	[tilespmem:$0x1F9F0] =	vst v18;
	v18 =	vadd.f32 v34, v46;
	v46 =	vadd.f32 v1, v6;
	v6 =	vperm.xlane v2, v39  }
0x48a: {  	v5 =	vadd.f32 v5, v7  }
0x48b: {  	v2 =	vadd.f32 v2, v6;
	(erf) = vrcp.f32 v46  }
0x48c: {  	(erf) = vrcp.f32 v5  }
0x48d: {  	v24 =	vadd.f32 v24, v62;
	(erf) = vrcp.f32 v2;
	v2 =	vld [tilespmem:$0x1F8B0]  }
0x48e: {  	v19 =	vadd.f32 v40, v19  }
0x48f: {  	v17 =	vperm.xlane v24, v42  }
0x490: {  	[tilespmem:$0x1F9E0] =	vst v45;
	v45 =	vperm.xlane v19, v42  }
0x491: {  	v17 =	vadd.f32 v24, v17;
	v24 =	vmov v12;
	v12 =	vperm.xlane v18, v39  }
0x492: {  	v19 =	vadd.f32 v19, v45;
	v2 =	vmul.f32 v33, v2  }
0x493: {  	v7 =	vperm.xlane v23, v39;
	v6 =	vadd.f32 v18, v12;
	v12 =	vperm.xlane v17, v39  }
0x494: {  	v62 =	vmov v63;
	v63 =	vmov v13;
	v13 =	vperm.xlane v19, v39;
	[tilespmem:s14+$0x170] =	vst v2;
	v2 =	vld [tilespmem:$0x1FA70]  }
0x495: {  	v1 =	vmov v22;
	v7 =	vadd.f32 v23, v7;
	v5 =	vmul.f32 v33, v52  }
0x496: {  	[tilespmem:$0x1FA20] =	vst v1;
	v13 =	vadd.f32 v19, v13;
	(erf) = vrcp.f32 v6  }
0x497: {  	v1 =	vadd.f32 v17, v12;
	[tilespmem:s14+$0x160] =	vst v5;
	v5 =	vld [tilespmem:$0x1FA40];
	v12 =	vmov v16;
	(erf) = vrcp.f32 v7  }
0x498: {  	[tilespmem:$0x1FA40] =	vst v12;
	(erf) = vrcp.f32 v13;
	v12 =	vld [tilespmem:$0x1F930]  }
0x499: {  	v6 =	vmov v48;
	(erf) = vrcp.f32 v1;
	v1 =	vld [tilespmem:$0x1F8E0];
	v2 =	vmul.f32 v33, v2  }
0x49a: {  	[tilespmem:$0x1FA70] =	vst v6;
	v6 =	vld [tilespmem:$0x1F8C0]  }
0x49b: {  	[tilespmem:s14+$0x190] =	vst v2;
	v2 =	vld [tilespmem:$0x1F8F0];
	_ =	sdelay $0x1  }
0x49c: {  	v5 =	vmul.f32 v33, v5  }
0x49d: {  	[tilespmem:s14+$0x140] =	vst v43;
	v7 =	vpop (erf)  }
0x49e: {  	[tilespmem:s14+$0x180] =	vst v5;
	v5 =	vld [tilespmem:$0x1F8D0];
	v12 =	vmul.f32 v7, v12;
	v6 =	vmul.f32 v9, v6  }
0x49f: {  	[tilespmem:$0x1FA10] =	vst v63;
	v1 =	vmul.f32 v9, v1;
	v13 =	vmul.f32 v9, v2;
	v2 =	vld [tilespmem:$0x1F900]  }
0x4a0: {  	[tilespmem:s13+$0xFFFFFDD0] =	vst v12;
	v12 =	vld [tilespmem:$0x1F940]  }
0x4a1: {  	[tilespmem:s13+$0x1D0] =	vst v1;
	v1 =	vld [tilespmem:$0x1F920]  }
0x4a2: {  	v34 =	vmov v14;
	v14 =	vmul.f32 v7, v61;
	[tilespmem:s13+$0x1B0] =	vst v6;
	v6 =	vpop (erf)  }
0x4a3: {  	[tilespmem:$0x1FA00] =	vst v27;
	v5 =	vmul.f32 v9, v5;
	v22 =	vmul.f32 v6, v3;
	v3 =	vld [tilespmem:$0x1F960]  }
0x4a4: {  	[tilespmem:s13+$0x1E0] =	vst v13;
	v13 =	vmul.f32 v7, v56;
	v16 =	vmul.f32 v9, v2;
	v2 =	vld [tilespmem:$0x1F910]  }
0x4a5: {  	v11 =	vmul.f32 v7, v11;
	v17 =	vmul.f32 v7, v20;
	[tilespmem:s13+$0xFFFFFDF0] =	vst v14  }
0x4a6: {  	v1 =	vmul.f32 v9, v1;
	[tilespmem:s13+$0xFFFFFDE0] =	vst v13;
	v13 =	vmul.f32 v6, v12;
	v12 =	vld [tilespmem:$0x1F950]  }
0x4a7: {  	v52 =	vmov v25;
	[tilespmem:s13+$0x1C0] =	vst v5;
	v5 =	vpop (erf);
	v25 =	vmul.f32 v6, v54;
	v20 =	vmul.f32 v6, v59  }
0x4a8: {  	s16 =	sadd.s32 $0x8, s16;
	[tilespmem:s13+$0xFFFFFE10] =	vst v11;
	v15 =	vmul.f32 v6, v15;
	v14 =	vmul.f32 v5, v3  }
0x4a9: {  	p0 =	slt.u32 s16, $0x48;
	[tilespmem:s13+$0xFFFFFE20] =	vst v17;
	v3 =	vld [tilespmem:$0x1F970];
	v2 =	vmul.f32 v9, v2;
	v9 =	vmul.f32 v7, v55  }
.Ltmp4:
0x4aa: {  	v43 =	vmovc v28;
	v40 =	vmov v39;
	v11 =	vmul.f32 v5, v49;
	[tilespmem:s13+$0x1F0] =	vst v16;
	v16 =	vmul.f32 v6, v10;
	(pc) =	sbr.rel @p0 .LBB2_11-.Ltmp4, $4  }
0x4ab: {  	v63 =	vmov v30;
	v28 =	vmul.f32 v6, v12;
	[tilespmem:s13+$0xFFFFFDC0] =	vst v9;
	v9 =	vmul.f32 v7, v4;
	v4 =	vpop (erf)  }
0x4ac: {  	v45 =	vmov v29;
	[tilespmem:s13+$0xFFFFFE50] =	vst v13;
	v12 =	vmul.f32 v6, v26;
	v7 =	vmul.f32 v7, v38;
	v38 =	vpop (erf)  }
0x4ad: {  	v27 =	vmov v21;
	v6 =	vmul.f32 v5, v0;
	v0 =	vmul.f32 v5, v8;
	v36 =	vpop (erf);
	[tilespmem:s13+$0xFFFFFE00] =	vst v9  }
0x4ae: {  	s17 =	sadd.s32 $0x400, s17;
	v46 =	vmov v31;
	s14 =	smov.u32 s13;
	v9 =	vmul.f32 v5, v3;
	[tilespmem:s13+$0xFFFFFE30] =	vst v7;
	v3 =	vmul.f32 v5, v58;
	v33 =	vpop (erf)  }
0x4af: {  	[tilespmem:s13+$0xFFFFFE60] =	vst v28  }
0x4b0: {  	[tilespmem:s13+$0xFFFFFE70] =	vst v25  }
0x4b1: {  	[tilespmem:s13+$0xFFFFFE80] =	vst v20  }
0x4b2: {  	[tilespmem:s13+$0xFFFFFE90] =	vst v22  }
0x4b3: {  	[tilespmem:s13+$0xFFFFFEA0] =	vst v16  }
0x4b4: {  	[tilespmem:s13+$0xFFFFFEB0] =	vst v15  }
0x4b5: {  	[tilespmem:s13+$0xFFFFFEC0] =	vst v12  }
0x4b6: {  	[tilespmem:s13+$0xFFFFFEE0] =	vst v14  }
0x4b7: {  	[tilespmem:s13+$0xFFFFFF00] =	vst v11  }
0x4b8: {  	[tilespmem:s13+$0xFFFFFF20] =	vst v6  }
0x4b9: {  	[tilespmem:s13+$0xFFFFFF30] =	vst v0  }
0x4ba: {  	[tilespmem:s13+$0xFFFFFF10] =	vst v3;
	v3 =	vmul.f32 v5, v51  }
0x4bb: {  	[tilespmem:s13+$0xFFFFFEF0] =	vst v9  }
0x4bc: {  	v5 =	vmul.f32 v5, v60;
	v0 =	vld [tilespmem:$0x1F980];
	[tilespmem:s13+$0xFFFFFF40] =	vst v3  }
0x4bd: {  	v3 =	vld [tilespmem:$0x1F990]  }
0x4be: {  	[tilespmem:s13+$0xFFFFFF50] =	vst v5  }
0x4bf: {  	v5 =	vld [tilespmem:$0x1F9D0];
	_ =	sdelay $0x1  }
0x4c0: {  	v0 =	vmul.f32 v4, v0  }
0x4c1: {  	v3 =	vmul.f32 v4, v3  }
0x4c2: {  	[tilespmem:s13+$0xFFFFFF70] =	vst v0;
	v0 =	vmul.f32 v4, v53  }
0x4c3: {  	v5 =	vmul.f32 v4, v5;
	[tilespmem:s13+$0xFFFFFF80] =	vst v3  }
0x4c4: {  	v3 =	vmul.f32 v4, v35;
	[tilespmem:s13+$0xFFFFFFA0] =	vst v0  }
0x4c5: {  	[tilespmem:s13+$0xFFFFFF90] =	vst v5;
	v5 =	vmul.f32 v4, v37  }
0x4c6: {  	v0 =	vmul.f32 v4, v47;
	[tilespmem:s13+$0xFFFFFFB0] =	vst v3  }
0x4c7: {  	[tilespmem:s13+$0xFFFFFFC0] =	vst v5  }
0x4c8: {  	v3 =	vmul.f32 v4, v57;
	v4 =	vld [tilespmem:$0x1F9A0];
	[tilespmem:s13+$0xFFFFFFD0] =	vst v0  }
0x4c9: {  	v0 =	vld [tilespmem:$0x1F9B0];
	_ =	sdelay $0x3  }
0x4ca: {  	[tilespmem:s13+$0xFFFFFFE0] =	vst v3  }
0x4cb: {  	[tilespmem:s13+$0x200] =	vst v2;
	v0 =	vmul.f32 v38, v0  }
0x4cc: {  	[tilespmem:s13+$0x210] =	vst v1;
	v4 =	vmul.f32 v38, v4  }
0x4cd: {  	[tilespmem:s13+$0x10] =	vst v0;
	v0 =	vmul.f32 v38, v50  }
0x4ce: {  	v1 =	vmul.f32 v38, v24;
	[tilespmem:s13+$0x0] =	vst v4  }
0x4cf: {  	[tilespmem:s14+$0x20] =	vst v0;
	v0 =	vmul.f32 v38, v27  }
0x4d0: {  	[tilespmem:s14+$0x30] =	vst v1  }
0x4d1: {  	[tilespmem:s14+$0x40] =	vst v0  }
0x4d2: {  	v0 =	vld [tilespmem:$0x1FA30];
	_ =	sdelay $0x3  }
0x4d3: {  	v1 =	vmul.f32 v38, v43  }
0x4d4: {  	v0 =	vmul.f32 v38, v0  }
0x4d5: {  	[tilespmem:s14+$0x50] =	vst v1  }
0x4d6: {  	v1 =	vld [tilespmem:$0x1FA50];
	[tilespmem:s14+$0x60] =	vst v0  }
0x4d7: {  	v0 =	vld [tilespmem:$0x1F9C0];
	_ =	sdelay $0x3  }
0x4d8: {  	v1 =	vmul.f32 v38, v1  }
0x4d9: {  	v0 =	vmul.f32 v36, v0  }
0x4da: {  	v2 =	vmul.f32 v36, v44;
	[tilespmem:s14+$0x70] =	vst v1  }
0x4db: {  	v1 =	vld [tilespmem:$0x1F9F0];
	[tilespmem:s14+$0x90] =	vst v0  }
0x4dc: {  	v0 =	vld [tilespmem:$0x1FA10];
	[tilespmem:s14+$0xA0] =	vst v2  }
0x4dd: {  	v2 =	vld [tilespmem:$0x1FA20];
	_ =	sdelay $0x2  }
0x4de: {  	v1 =	vmul.f32 v36, v1  }
0x4df: {  	v0 =	vmul.f32 v36, v0  }
0x4e0: {  	[tilespmem:s14+$0xB0] =	vst v1;
	v2 =	vmul.f32 v36, v2  }
0x4e1: {  	[tilespmem:s14+$0xC0] =	vst v0  }
0x4e2: {  	[tilespmem:s14+$0xD0] =	vst v2  }
0x4e3: {  	v2 =	vld [tilespmem:$0x1FA60]  }
0x4e4: {  	v1 =	vmul.f32 v36, v45;
	_ =	sdelay $0x1  }
0x4e5: {  	[tilespmem:s14+$0xE0] =	vst v1  }
0x4e6: {  	v0 =	vmul.f32 v36, v46;
	v1 =	vld [tilespmem:$0x1F9E0]  }
0x4e7: {  	v2 =	vmul.f32 v36, v2  }
0x4e8: {  	[tilespmem:s14+$0xF0] =	vst v0  }
0x4e9: {  	[tilespmem:s14+$0x100] =	vst v2  }
0x4ea: {  	v2 =	vld [tilespmem:$0x1FA00]  }
0x4eb: {  	v1 =	vmul.f32 v33, v1  }
0x4ec: {  	v0 =	vmul.f32 v33, v62  }
0x4ed: {  	[tilespmem:s14+$0x120] =	vst v1;
	v1 =	vmul.f32 v33, v34  }
0x4ee: {  	[tilespmem:s14+$0x130] =	vst v0;
	v0 =	vmul.f32 v33, v52  }
0x4ef: {  	[tilespmem:s14+$0x150] =	vst v1;
	v2 =	vmul.f32 v33, v2  }
0x4f0: {  	v1 =	vmul.f32 v33, v63;
	[tilespmem:s14+$0x160] =	vst v0  }
0x4f1: {  	[tilespmem:s14+$0x140] =	vst v2  }
0x4f2: {  	v0 =	vld [tilespmem:$0x1FA40];
	[tilespmem:s14+$0x170] =	vst v1  }
0x4f3: {  	v1 =	vld [tilespmem:$0x1FA70];
	_ =	sdelay $0x3  }
0x4f4: {  	v0 =	vmul.f32 v33, v0  }
0x4f5: {  	s13 =	smul.u32 $0xA0, s12;
	v1 =	vmul.f32 v33, v1  }
0x4f6: {  	[tilespmem:s14+$0x180] =	vst v0  }
0x4f7: {  	s17 =	sadd.s32 s13, s15;
	[tilespmem:s14+$0x190] =	vst v1  }
0x4f8: {  	[spmem:s4] =	stream.indirect.scatter.add.f32 [tilespmem:s29], [sflag:$0x3], $0x90, s2, s9, $0xb8;
	[tilespmem:$0x1DD30] =	vst v63  }
0x4f9: {  	s16 =	sshll.u32 s17, $0x4;
	_ =	swait.ge [sflag:s30], $0x2D00  }
0x4fa: {  	s16 =	sand.u32 $0x1FFFFF00, s16;
	[sflag:s30] =	ssyncset.done $0x0  }
0x4fb: {  	s16 =	sadd.s32 s1, s16;
	s14 =	sshrl.u32 s17, $0x3;
	[sflag:s30] =	ssyncadd.s32 $0xFFFFD300  }
0x4fc: {  	[tilespmem:s31], [sflag:$0x1] =	stream.linear.gather [hbm4b:s16+s5], $0x2800, $0x38;
	[tilespmem:$0x1DD30] =	vst v63  }
0x4fd: {  	s14 =	sadd.s32 s3, s14  }
0x4fe: {  	[tilespmem:s2], [sflag:$0x1] =	stream.linear.gather [hbm4b:s14+s5], $0x50, $0x38;
	[tilespmem:$0x1DD30] =	vst v63  }
0x4ff: {  	_ =	swait.ge [sflag:s10], $0x2800  }
0x500: {  	[sflag:s10] =	ssyncset.done $0x0  }
0x501: {  	[sflag:s10] =	ssyncadd.s32 $0xFFFFD800  }
0x502: {  	_ =	swait.ge [sflag:s10], $0x50  }
0x503: {  	[sflag:s10] =	ssyncset.done $0x0  }
0x504: {  	s18 =	simm.s32 $0x18990;
	[sflag:s10] =	ssyncadd.s32 $0xFFFFFFB0  }
0x505: {  	v0 =	vld [tilespmem:s18+$0x180]  }
0x506: {  	v1 =	vld [tilespmem:s18+$0x190]  }
0x507: {  	v2 =	vld [tilespmem:s18+$0xFFFFFE10]  }
0x508: {  	v3 =	vld [tilespmem:s18+$0x1A0]  }
0x509: {  	v4 =	vld [tilespmem:s18+$0xFFFFFE80]  }
0x50a: {  	v5 =	vld [tilespmem:s18+$0x1B0];
	v0 =	vmul.f32 $1.442695020e+00, v0  }
0x50b: {  	v7 =	vld [tilespmem:s18+$0x1C0];
	v1 =	vmul.f32 $1.442695020e+00, v1  }
0x50c: {  	v6 =	vld [tilespmem:s18+$0xFFFFFE90];
	v2 =	vmul.f32 $1.442695020e+00, v2;
	(erf) = vpow2.f32 v0  }
0x50d: {  	(erf) = vpow2.f32 v1  }
0x50e: {  	v3 =	vmul.f32 $1.442695020e+00, v3;
	v0 =	vld [tilespmem:s18+$0xFFFFFF00];
	(erf) = vpow2.f32 v2  }
0x50f: {  	v5 =	vmul.f32 $1.442695020e+00, v5;
	v1 =	vmul.f32 $1.442695020e+00, v4;
	v4 =	vld [tilespmem:s18+$0x1D0]  }
0x510: {  	v7 =	vmul.f32 $1.442695020e+00, v7;
	v2 =	vld [tilespmem:s18+$0xFFFFFF10];
	(erf) = vpow2.f32 v3  }
0x511: {  	v3 =	vmul.f32 $1.442695020e+00, v6;
	v6 =	vld [tilespmem:s18+$0x1E0];
	(erf) = vpow2.f32 v1  }
0x512: {  	(erf) = vpow2.f32 v5  }
0x513: {  	v0 =	vmul.f32 $1.442695020e+00, v0  }
0x514: {  	v1 =	vld [tilespmem:s18+$0xFFFFFF80];
	(erf) = vpow2.f32 v3;
	v3 =	vmul.f32 $1.442695020e+00, v4  }
0x515: {  	v5 =	vld [tilespmem:s18+$0x1F0];
	(erf) = vpow2.f32 v7;
	v2 =	vmul.f32 $1.442695020e+00, v2;
	v7 =	vpop (erf)  }
0x516: {  	(erf) = vpow2.f32 v0;
	v0 =	vld [tilespmem:s18+$0xFFFFFF90];
	v4 =	vmul.f32 $1.442695020e+00, v6;
	[tilespmem:$0x1F820] =	vst v7;
	v6 =	vpop (erf)  }
0x517: {  	(erf) = vpow2.f32 v3;
	v3 =	vld [tilespmem:s18+$0x0];
	[tilespmem:$0x1F830] =	vst v6;
	v17 =	vpop (erf)  }
0x518: {  	(erf) = vpow2.f32 v2;
	v6 =	vadd.f32 v6, v7;
	v2 =	vld [tilespmem:s18+$0x10];
	[tilespmem:$0x1F8A0] =	vst v17  }
0x519: {  	v1 =	vmul.f32 $1.442695020e+00, v1;
	(erf) = vpow2.f32 v4;
	v7 =	vpop (erf);
	v4 =	vld [tilespmem:s18+$0x80]  }
0x51a: {  	v5 =	vmul.f32 $1.442695020e+00, v5;
	v6 =	vadd.f32 v7, v6;
	v18 =	vpop (erf)  }
0x51b: {  	v43 =	vld [tilespmem:$0x1FFB0];
	(erf) = vpow2.f32 v1;
	[tilespmem:$0x1F840] =	vst v7;
	v0 =	vmul.f32 $1.442695020e+00, v0;
	v8 =	vpop (erf)  }
0x51c: {  	(erf) = vpow2.f32 v5;
	v1 =	vld [tilespmem:s18+$0x90];
	v6 =	vadd.f32 v8, v6  }
0x51d: {  	v5 =	vld [tilespmem:s18+$0x100];
	[tilespmem:$0x1F850] =	vst v8;
	v23 =	vpop (erf);
	(erf) = vpow2.f32 v0  }
0x51e: {  	v3 =	vmul.f32 $1.442695020e+00, v3;
	v7 =	vld [tilespmem:s18+$0x110];
	v10 =	vpop (erf);
	v0 =	vmul.f32 $1.442695020e+00, v4  }
0x51f: {  	v8 =	vld [tilespmem:s18+$0xFFFFFE00];
	v2 =	vmul.f32 $1.442695020e+00, v2;
	[tilespmem:$0x1F860] =	vst v10;
	v36 =	vpop (erf)  }
0x520: {  	v9 =	vld [tilespmem:s18+$0xFFFFFE20];
	(erf) = vpow2.f32 v3;
	v3 =	vadd.f32 v10, v6;
	v6 =	vpop (erf)  }
0x521: {  	v4 =	vld [tilespmem:s18+$0xFFFFFEA0];
	v1 =	vmul.f32 $1.442695020e+00, v1;
	(erf) = vpow2.f32 v2;
	[tilespmem:$0x1F870] =	vst v6;
	v41 =	vpop (erf)  }
0x522: {  	v5 =	vmul.f32 $1.442695020e+00, v5;
	(erf) = vpow2.f32 v0;
	v3 =	vadd.f32 v6, v3;
	v2 =	vld [tilespmem:s18+$0xFFFFFF20];
	v0 =	vpop (erf)  }
0x523: {  	v6 =	vld [tilespmem:s18+$0xFFFFFFA0];
	v7 =	vmul.f32 $1.442695020e+00, v7;
	(erf) = vpow2.f32 v1;
	[tilespmem:$0x1F880] =	vst v0  }
0x524: {  	v8 =	vmul.f32 $1.442695020e+00, v8;
	(erf) = vpow2.f32 v5;
	v3 =	vadd.f32 v0, v3;
	v31 =	vpop (erf);
	v10 =	vld [tilespmem:s18+$0x20]  }
0x525: {  	v5 =	vmul.f32 $1.442695020e+00, v9;
	(erf) = vpow2.f32 v7;
	v9 =	vld [tilespmem:s18+$0xA0];
	v44 =	vpop (erf)  }
0x526: {  	v4 =	vmul.f32 $1.442695020e+00, v4;
	v7 =	vld [tilespmem:s18+$0x120];
	(erf) = vpow2.f32 v8;
	v3 =	vadd.f32 v44, v3  }
0x527: {  	v8 =	vld [tilespmem:s18+$0xFFFFFE30];
	(erf) = vpow2.f32 v5;
	v2 =	vmul.f32 $1.442695020e+00, v2  }
0x528: {  	v12 =	vld [tilespmem:s18+$0x130];
	(erf) = vpow2.f32 v4;
	v11 =	vperm.xlane v3, v32  }
0x529: {  	v52 =	vpop (erf);
	v6 =	vmul.f32 $1.442695020e+00, v6;
	v4 =	vld [tilespmem:s18+$0xFFFFFF30];
	(erf) = vpow2.f32 v2  }
0x52a: {  	v5 =	vld [tilespmem:s18+$0xFFFFFEB0];
	v48 =	vpop (erf);
	v10 =	vmul.f32 $1.442695020e+00, v10;
	v9 =	vmul.f32 $1.442695020e+00, v9;
	v3 =	vadd.f32 v3, v11  }
0x52b: {  	v54 =	vld [tilespmem:$0x1FFC0];
	v49 =	vpop (erf);
	v7 =	vmul.f32 $1.442695020e+00, v7;
	(erf) = vpow2.f32 v6  }
0x52c: {  	v2 =	vld [tilespmem:s18+$0xFFFFFFB0];
	v42 =	vpop (erf);
	(erf) = vpow2.f32 v10;
	v10 =	vperm.xlane v3, v43  }
0x52d: {  	v6 =	vld [tilespmem:s18+$0x30];
	v8 =	vmul.f32 $1.442695020e+00, v8;
	v12 =	vmul.f32 $1.442695020e+00, v12;
	v55 =	vpop (erf)  }
0x52e: {  	v11 =	vld [tilespmem:s18+$0xB0];
	v46 =	vpop (erf);
	v4 =	vmul.f32 $1.442695020e+00, v4;
	(erf) = vpow2.f32 v9;
	v3 =	vadd.f32 v3, v10  }
0x52f: {  	v9 =	vmul.f32 $1.442695020e+00, v5;
	v62 =	vpop (erf);
	(erf) = vpow2.f32 v7  }
0x530: {  	v7 =	vld [tilespmem:s18+$0xFFFFFE40];
	v1 =	vpop (erf);
	(erf) = vpow2.f32 v8;
	v8 =	vperm.xlane v3, v54  }
0x531: {  	v2 =	vmul.f32 $1.442695020e+00, v2;
	[tilespmem:$0x1F890] =	vst v1;
	(erf) = vpow2.f32 v9  }
0x532: {  	v10 =	vmul.f32 $1.442695020e+00, v6;
	v38 =	vpop (erf);
	v9 =	vld [tilespmem:s18+$0xFFFFFEC0];
	(erf) = vpow2.f32 v4;
	v8 =	vadd.f32 v3, v8  }
0x533: {  	v11 =	vmul.f32 $1.442695020e+00, v11;
	v13 =	vld [tilespmem:s18+$0xFFFFFF40];
	v5 =	vpop (erf);
	(erf) = vpow2.f32 v2  }
0x534: {  	v2 =	vld [tilespmem:s18+$0xFFFFFFC0];
	v19 =	vpop (erf);
	(erf) = vpow2.f32 v10;
	v10 =	vperm.xlane v8, v40  }
0x535: {  	v14 =	vld [tilespmem:s18+$0x40];
	v7 =	vmul.f32 $1.442695020e+00, v7;
	v4 =	vpop (erf);
	(erf) = vpow2.f32 v11  }
0x536: {  	v11 =	vld [tilespmem:s18+$0xC0];
	v50 =	vpop (erf);
	(erf) = vpow2.f32 v12;
	v8 =	vadd.f32 v8, v10  }
0x537: {  	v12 =	vld [tilespmem:s18+$0x140];
	v10 =	vmul.f32 $1.442695020e+00, v9;
	v59 =	vpop (erf);
	(erf) = vpow2.f32 v7  }
0x538: {  	v15 =	vld [tilespmem:s18+$0xFFFFFE50];
	v7 =	vmul.f32 $1.442695020e+00, v13;
	v53 =	vpop (erf);
	(erf) = vrcp.f32 v8  }
0x539: {  	v13 =	vld [tilespmem:s18+$0xFFFFFED0];
	v2 =	vmul.f32 $1.442695020e+00, v2;
	v9 =	vpop (erf);
	(erf) = vpow2.f32 v10  }
0x53a: {  	v14 =	vmul.f32 $1.442695020e+00, v14;
	v10 =	vld [tilespmem:s18+$0xFFFFFF50];
	v33 =	vpop (erf);
	(erf) = vpow2.f32 v7  }
0x53b: {  	v16 =	vld [tilespmem:s18+$0xFFFFFFD0];
	v11 =	vmul.f32 $1.442695020e+00, v11;
	v39 =	vpop (erf);
	(erf) = vpow2.f32 v2  }
0x53c: {  	v12 =	vmul.f32 $1.442695020e+00, v12;
	v2 =	vld [tilespmem:s18+$0x50];
	v34 =	vpop (erf);
	(erf) = vpow2.f32 v14  }
0x53d: {  	v14 =	vmul.f32 $1.442695020e+00, v15;
	v15 =	vld [tilespmem:s18+$0xD0];
	v7 =	vpop (erf);
	(erf) = vpow2.f32 v11  }
0x53e: {  	v11 =	vmul.f32 $1.442695020e+00, v13;
	v13 =	vld [tilespmem:s18+$0x150];
	v60 =	vpop (erf);
	(erf) = vpow2.f32 v12  }
0x53f: {  	v20 =	vld [tilespmem:s18+$0xFFFFFE60];
	v10 =	vmul.f32 $1.442695020e+00, v10;
	v57 =	vpop (erf);
	(erf) = vpow2.f32 v14  }
0x540: {  	v21 =	vld [tilespmem:s18+$0xFFFFFEE0];
	v16 =	vmul.f32 $1.442695020e+00, v16;
	v12 =	vpop (erf);
	(erf) = vpow2.f32 v11  }
0x541: {  	v22 =	vld [tilespmem:s18+$0xFFFFFF60];
	v2 =	vmul.f32 $1.442695020e+00, v2;
	(erf) = vpow2.f32 v10;
	v14 =	vpop (erf)  }
0x542: {  	v24 =	vld [tilespmem:s18+$0xFFFFFFE0];
	v15 =	vmul.f32 $1.442695020e+00, v15;
	v11 =	vpop (erf);
	(erf) = vpow2.f32 v16  }
0x543: {  	v16 =	vld [tilespmem:s18+$0x60];
	v13 =	vmul.f32 $1.442695020e+00, v13;
	v10 =	vpop (erf);
	(erf) = vpow2.f32 v2  }
0x544: {  	v25 =	vld [tilespmem:s18+$0xE0];
	v2 =	vmul.f32 $1.442695020e+00, v20;
	v35 =	vpop (erf);
	(erf) = vpow2.f32 v15  }
0x545: {  	v15 =	vmul.f32 $1.442695020e+00, v21;
	v21 =	vld [tilespmem:s18+$0x160];
	v3 =	vpop (erf);
	(erf) = vpow2.f32 v13  }
0x546: {  	v26 =	vld [tilespmem:s18+$0xFFFFFE70];
	v13 =	vmul.f32 $1.442695020e+00, v22;
	(erf) = vpow2.f32 v2;
	v6 =	vpop (erf)  }
0x547: {  	v2 =	vmul.f32 $1.442695020e+00, v24;
	(erf) = vpow2.f32 v15;
	v63 =	vpop (erf)  }
0x548: {  	v16 =	vmul.f32 $1.442695020e+00, v16;
	v20 =	vpop (erf);
	(erf) = vpow2.f32 v13  }
0x549: {  	v22 =	vmul.f32 $1.442695020e+00, v25;
	v15 =	vpop (erf);
	(erf) = vpow2.f32 v2  }
0x54a: {  	v2 =	vmul.f32 $1.442695020e+00, v21;
	v13 =	vpop (erf);
	(erf) = vpow2.f32 v16  }
0x54b: {  	v21 =	vmul.f32 $1.442695020e+00, v26;
	v16 =	vadd.f32 v17, v1;
	v37 =	vpop (erf);
	(erf) = vpow2.f32 v22  }
0x54c: {  	v1 =	vpop (erf);
	(erf) = vpow2.f32 v2  }
0x54d: {  	v2 =	vadd.f32 v38, v16;
	(erf) = vpow2.f32 v21;
	v45 =	vpop (erf)  }
0x54e: {  	v0 =	vpop (erf)  }
0x54f: {  	v2 =	vadd.f32 v9, v2;
	v22 =	vpop (erf)  }
0x550: {  	v21 =	vpop (erf)  }
0x551: {  	v2 =	vadd.f32 v12, v2;
	v51 =	vpop (erf)  }
0x552: {  	v26 =	vadd.f32 v23, v18;
	v47 =	vpop (erf)  }
0x553: {  	v27 =	vld [tilespmem:s18+$0xFFFFFFF0];
	v2 =	vadd.f32 v20, v2;
	v61 =	vpop (erf)  }
0x554: {  	v30 =	vld [tilespmem:s18+$0x70];
	v26 =	vadd.f32 v5, v26;
	v17 =	vpop (erf)  }
0x555: {  	v16 =	vld [tilespmem:s18+$0xFFFFFEF0];
	v2 =	vadd.f32 v22, v2;
	v56 =	vpop (erf)  }
0x556: {  	v24 =	vld [tilespmem:s18+$0xFFFFFF70];
	[tilespmem:$0x1F720] =	vst v31;
	v26 =	vadd.f32 v33, v26;
	v25 =	vpop (erf)  }
0x557: {  	[tilespmem:$0x1F730] =	vst v52;
	v2 =	vadd.f32 v25, v2  }
0x558: {  	v29 =	vadd.f32 v41, v36;
	[tilespmem:$0x1F740] =	vst v48;
	v26 =	vadd.f32 v11, v26  }
0x559: {  	v58 =	vadd.f32 v62, v46;
	v27 =	vmul.f32 $1.442695020e+00, v27;
	[tilespmem:$0x1F750] =	vst v49;
	v28 =	vperm.xlane v2, v32  }
0x55a: {  	v30 =	vmul.f32 $1.442695020e+00, v30;
	[tilespmem:$0x1F760] =	vst v42;
	v16 =	vmul.f32 $1.442695020e+00, v16;
	v26 =	vadd.f32 v15, v26  }
0x55b: {  	v24 =	vmul.f32 $1.442695020e+00, v24;
	v2 =	vadd.f32 v2, v28;
	v28 =	vadd.f32 v52, v31;
	v31 =	vld [tilespmem:s18+$0xF0];
	[tilespmem:$0x1F770] =	vst v46  }
0x55c: {  	(erf) = vpow2.f32 v16;
	v16 =	vadd.f32 v19, v29;
	v29 =	vadd.f32 v55, v42;
	v46 =	vld [tilespmem:s18+$0x170]  }
0x55d: {  	v26 =	vadd.f32 v21, v26;
	(erf) = vpow2.f32 v24;
	v24 =	vadd.f32 v49, v48  }
0x55e: {  	v29 =	vadd.f32 v59, v29;
	(erf) = vpow2.f32 v27;
	v27 =	vadd.f32 v53, v58  }
0x55f: {  	v16 =	vadd.f32 v39, v16;
	v24 =	vadd.f32 v50, v24;
	(erf) = vpow2.f32 v30  }
0x560: {  	v29 =	vadd.f32 v60, v29;
	v28 =	vadd.f32 v4, v28;
	v30 =	vmul.f32 $1.442695020e+00, v31  }
0x561: {  	v27 =	vadd.f32 v57, v27;
	v24 =	vadd.f32 v7, v24;
	v31 =	vmul.f32 $1.442695020e+00, v46  }
0x562: {  	v16 =	vadd.f32 v10, v16;
	v28 =	vadd.f32 v34, v28;
	(erf) = vpow2.f32 v30  }
0x563: {  	v29 =	vadd.f32 v6, v29;
	v24 =	vadd.f32 v3, v24;
	(erf) = vpow2.f32 v31  }
0x564: {  	v27 =	vadd.f32 v63, v27;
	v28 =	vadd.f32 v35, v28  }
0x565: {  	v16 =	vadd.f32 v13, v16;
	v24 =	vadd.f32 v1, v24  }
0x566: {  	v29 =	vadd.f32 v45, v29;
	v28 =	vadd.f32 v37, v28  }
0x567: {  	v16 =	vadd.f32 v51, v16;
	v24 =	vadd.f32 v61, v24;
	v31 =	vpop (erf)  }
0x568: {  	[tilespmem:$0x1F790] =	vst v60;
	v28 =	vadd.f32 v47, v28;
	v60 =	vpop (erf);
	v26 =	vadd.f32 v31, v26  }
0x569: {  	[tilespmem:$0x1F7A0] =	vst v57;
	v30 =	vadd.f32 v0, v27;
	v57 =	vpop (erf);
	v16 =	vadd.f32 v60, v16  }
0x56a: {  	[tilespmem:$0x1F780] =	vst v53;
	v46 =	vmov v1;
	v1 =	vpop (erf);
	v28 =	vadd.f32 v57, v28;
	v53 =	vperm.xlane v26, v32  }
0x56b: {  	[tilespmem:$0x1F7B0] =	vst v0;
	v30 =	vadd.f32 v56, v30;
	v24 =	vadd.f32 v1, v24;
	v27 =	vperm.xlane v16, v32;
	v0 =	vpop (erf)  }
0x56c: {  	[tilespmem:$0x1F7E0] =	vst v56;
	v29 =	vadd.f32 v17, v29;
	v26 =	vadd.f32 v26, v53;
	v58 =	vperm.xlane v28, v32;
	v56 =	vpop (erf)  }
0x56d: {  	v16 =	vadd.f32 v16, v27;
	v27 =	vperm.xlane v24, v32;
	v30 =	vadd.f32 v56, v30  }
0x56e: {  	[tilespmem:$0x1F7C0] =	vst v61;
	v61 =	vperm.xlane v2, v43;
	v29 =	vadd.f32 v0, v29;
	v28 =	vadd.f32 v28, v58  }
0x56f: {  	[tilespmem:$0x1F810] =	vst v56;
	v24 =	vadd.f32 v24, v27;
	v27 =	vperm.xlane v26, v43;
	v56 =	vperm.xlane v30, v32  }
0x570: {  	v2 =	vadd.f32 v2, v61;
	[tilespmem:$0x1F800] =	vst v0;
	v58 =	vperm.xlane v16, v43;
	v0 =	vperm.xlane v29, v32  }
0x571: {  	v26 =	vadd.f32 v26, v27;
	v27 =	vperm.xlane v28, v43;
	v30 =	vadd.f32 v30, v56  }
0x572: {  	v48 =	vperm.xlane v2, v54;
	v29 =	vadd.f32 v29, v0  }
0x573: {  	v16 =	vadd.f32 v16, v58;
	v28 =	vadd.f32 v28, v27;
	v27 =	vperm.xlane v30, v43  }
0x574: {  	v2 =	vadd.f32 v2, v48;
	v0 =	vperm.xlane v24, v43;
	v61 =	vperm.xlane v29, v43  }
0x575: {  	v43 =	vmovc v55;
	v55 =	vperm.xlane v26, v54;
	v30 =	vadd.f32 v30, v27;
	v27 =	vperm.xlane v16, v54  }
0x576: {  	v24 =	vadd.f32 v24, v0;
	v29 =	vadd.f32 v29, v61  }
0x577: {  	v0 =	vperm.xlane v28, v54;
	v26 =	vadd.f32 v26, v55;
	v16 =	vadd.f32 v16, v27  }
0x578: {  	v53 =	vperm.xlane v2, v40;
	v27 =	vperm.xlane v29, v54  }
0x579: {  	v28 =	vadd.f32 v28, v0;
	v58 =	vperm.xlane v26, v40;
	v0 =	vperm.xlane v16, v40  }
0x57a: {  	v2 =	vadd.f32 v2, v53;
	v29 =	vadd.f32 v29, v27;
	v27 =	vperm.xlane v30, v54  }
0x57b: {  	v26 =	vadd.f32 v26, v58;
	v16 =	vadd.f32 v16, v0;
	v0 =	vld [tilespmem:$0x1F820]  }
0x57c: {  	(erf) = vrcp.f32 v2;
	v2 =	vperm.xlane v28, v40;
	v30 =	vadd.f32 v30, v27  }
0x57d: {  	[tilespmem:$0x1F7F0] =	vst v1;
	v1 =	vmul.f32 v14, v44;
	(erf) = vrcp.f32 v26  }
0x57e: {  	s14 =	simm.s32 $0x1B1D0;
	[tilespmem:$0x1F7D0] =	vst v17;
	v2 =	vadd.f32 v28, v2;
	(erf) = vrcp.f32 v16;
	v16 =	vperm.xlane v30, v40  }
0x57f: {  	v56 =	vperm.xlane v24, v54;
	[tilespmem:s14+$0x220] =	vst v1  }
0x580: {  	(erf) = vrcp.f32 v2;
	v2 =	vadd.f32 v30, v16;
	v16 =	vmul.f32 v14, v0;
	v0 =	vld [tilespmem:$0x1F830];
	_ =	sdelay $0x1  }
0x581: {  	v24 =	vadd.f32 v24, v56;
	_ =	sdelay $0x1  }
0x582: {  	v61 =	vperm.xlane v24, v40;
	[tilespmem:s14+$0x1B0] =	vst v16  }
0x583: {  	v26 =	vperm.xlane v29, v40;
	v1 =	vmul.f32 v14, v0;
	v0 =	vld [tilespmem:$0x1F840]  }
0x584: {  	v28 =	vadd.f32 v24, v61  }
0x585: {  	v26 =	vadd.f32 v29, v26  }
0x586: {  	(erf) = vrcp.f32 v28  }
0x587: {  	(erf) = vrcp.f32 v26;
	[tilespmem:s14+$0x1C0] =	vst v1  }
0x588: {  	(erf) = vrcp.f32 v2;
	v2 =	vmul.f32 v14, v0;
	v0 =	vld [tilespmem:$0x1F850];
	_ =	sdelay $0x4  }
0x589: {  	v16 =	vmul.f32 v14, v0;
	v0 =	vld [tilespmem:$0x1F860];
	_ =	sdelay $0x3  }
0x58a: {  	[tilespmem:s14+$0x1D0] =	vst v2  }
0x58b: {  	v26 =	vmul.f32 v14, v0;
	v0 =	vld [tilespmem:$0x1F870];
	_ =	sdelay $0x4  }
0x58c: {  	v2 =	vmul.f32 v14, v0;
	v0 =	vld [tilespmem:$0x1F880];
	[tilespmem:s14+$0x1E0] =	vst v16  }
0x58d: {  	v42 =	vmov v50;
	v50 =	vmov v3;
	v3 =	vld [tilespmem:$0x1F890];
	_ =	sdelay $0x3  }
0x58e: {  	v1 =	vmul.f32 v14, v0;
	v0 =	vpop (erf)  }
0x58f: {  	v8 =	vmov v5;
	v5 =	vmul.f32 v0, v3;
	v3 =	vld [tilespmem:$0x1F8A0]  }
0x590: {  	v24 =	vmov v6;
	[tilespmem:s14+$0x1F0] =	vst v26;
	v6 =	vmul.f32 v0, v38;
	v26 =	vpop (erf)  }
0x591: {  	v9 =	vmul.f32 v0, v9;
	v28 =	vmul.f32 v26, v23  }
0x592: {  	v16 =	vmul.f32 v26, v15;
	[tilespmem:s14+$0xFFFFFDC0] =	vst v5;
	v5 =	vmul.f32 v0, v12  }
0x593: {  	v15 =	vmul.f32 v26, v21;
	v12 =	vmul.f32 v0, v20;
	[tilespmem:s14+$0xFFFFFDE0] =	vst v6  }
0x594: {  	v6 =	vmul.f32 v26, v18;
	[tilespmem:s14+$0xFFFFFE00] =	vst v5;
	v14 =	vmul.f32 v0, v3  }
0x595: {  	v20 =	vmul.f32 v26, v33;
	[tilespmem:s14+$0xFFFFFE10] =	vst v12;
	v12 =	vmul.f32 v26, v31  }
0x596: {  	v5 =	vpop (erf);
	[tilespmem:s14+$0xFFFFFDD0] =	vst v14;
	v14 =	vmul.f32 v0, v22;
	v0 =	vmul.f32 v0, v25  }
0x597: {  	v52 =	vmov v4;
	[tilespmem:s14+$0xFFFFFDF0] =	vst v9;
	v25 =	vmul.f32 v26, v8;
	v22 =	vmul.f32 v26, v11;
	v4 =	vpop (erf)  }
0x598: {  	[tilespmem:s14+$0xFFFFFE50] =	vst v6;
	v9 =	vmul.f32 v5, v41;
	v11 =	vmul.f32 v5, v19;
	v38 =	vpop (erf)  }
0x599: {  	v44 =	vmov v59;
	v3 =	vmul.f32 v5, v39;
	[tilespmem:s14+$0xFFFFFE20] =	vst v14;
	v14 =	vmul.f32 v5, v36;
	v36 =	vpop (erf)  }
0x59a: {  	s17 =	simm.s32 $0x0;
	s16 =	simm.s32 $0x1B1D0;
	s18 =	simm.s32 $0x18D90;
	v27 =	vmov v7;
	v6 =	vmul.f32 v5, v10;
	[tilespmem:s14+$0xFFFFFE30] =	vst v0;
	v0 =	vmul.f32 v5, v13;
	v33 =	vpop (erf)  }
.LBB2_13:
0x59b: {  	v7 =	vld [tilespmem:s18+$0x180]  }
0x59c: {  	v10 =	vld [tilespmem:s18+$0x190]  }
0x59d: {  	v13 =	vld [tilespmem:$0x1F720];
	[tilespmem:s14+$0xFFFFFE90] =	vst v22  }
0x59e: {  	v17 =	vld [tilespmem:$0x1F730];
	[tilespmem:s14+$0xFFFFFEE0] =	vst v14  }
0x59f: {  	v21 =	vld [tilespmem:s18+$0xFFFFFE10];
	[tilespmem:s14+$0xFFFFFE60] =	vst v28  }
0x5a0: {  	v29 =	vld [tilespmem:s18+$0x1B0];
	[tilespmem:s14+$0xFFFFFE70] =	vst v25  }
0x5a1: {  	[tilespmem:s14+$0xFFFFFE80] =	vst v20;
	v25 =	vld [tilespmem:s18+$0x1A0]  }
0x5a2: {  	v28 =	vld [tilespmem:s18+$0xFFFFFE80];
	[tilespmem:s14+$0xFFFFFEA0] =	vst v16  }
0x5a3: {  	v8 =	vmul.f32 v5, v51;
	[tilespmem:s14+$0xFFFFFEB0] =	vst v15;
	v15 =	vld [tilespmem:$0x1F740];
	v7 =	vmul.f32 $1.442695020e+00, v7  }
0x5a4: {  	v5 =	vmul.f32 v5, v60;
	v23 =	vmul.f32 v4, v34;
	v18 =	vld [tilespmem:s18+$0xFFFFFE90];
	[tilespmem:s14+$0xFFFFFEC0] =	vst v12  }
0x5a5: {  	v22 =	vmul.f32 v4, v35;
	(erf) = vpow2.f32 v7;
	v7 =	vld [tilespmem:s18+$0xFFFFFF00];
	[tilespmem:s14+$0xFFFFFEF0] =	vst v9  }
0x5a6: {  	v12 =	vld [tilespmem:$0x1F750];
	v13 =	vmul.f32 v4, v13;
	v10 =	vmul.f32 $1.442695020e+00, v10;
	[tilespmem:s14+$0xFFFFFF00] =	vst v11  }
0x5a7: {  	v17 =	vmul.f32 v4, v17;
	v19 =	vmul.f32 $1.442695020e+00, v21;
	v11 =	vld [tilespmem:s18+$0xFFFFFF10];
	[tilespmem:s14+$0xFFFFFF10] =	vst v3  }
0x5a8: {  	v21 =	vld [tilespmem:s18+$0x1C0];
	v14 =	vmul.f32 $1.442695020e+00, v25;
	(erf) = vpow2.f32 v10;
	[tilespmem:s14+$0xFFFFFF20] =	vst v6  }
0x5a9: {  	v9 =	vmul.f32 $1.442695020e+00, v28;
	v10 =	vld [tilespmem:s18+$0x1D0];
	[tilespmem:s14+$0xFFFFFF30] =	vst v0;
	(erf) = vpow2.f32 v19  }
0x5aa: {  	v6 =	vld [tilespmem:s18+$0xFFFFFF80];
	[tilespmem:s14+$0xFFFFFF40] =	vst v8;
	v19 =	vmul.f32 $1.442695020e+00, v29;
	(erf) = vpow2.f32 v14  }
0x5ab: {  	v3 =	vmul.f32 $1.442695020e+00, v18;
	[tilespmem:s14+$0xFFFFFF50] =	vst v5;
	v14 =	vld [tilespmem:s18+$0x1E0];
	(erf) = vpow2.f32 v9  }
0x5ac: {  	(erf) = vpow2.f32 v19;
	v0 =	vmul.f32 $1.442695020e+00, v7;
	v7 =	vld [tilespmem:s18+$0x1F0];
	[tilespmem:s14+$0x200] =	vst v2  }
0x5ad: {  	v20 =	vmul.f32 v4, v52;
	(erf) = vpow2.f32 v3;
	v3 =	vld [tilespmem:s18+$0xFFFFFF90];
	[tilespmem:s14+$0xFFFFFF70] =	vst v13  }
0x5ae: {  	v26 =	vmul.f32 v4, v37;
	v16 =	vmul.f32 v4, v47;
	[tilespmem:s14+$0xFFFFFF80] =	vst v17  }
0x5af: {  	v4 =	vmul.f32 v4, v57;
	v9 =	vmul.f32 $1.442695020e+00, v21;
	[tilespmem:s14+$0xFFFFFF90] =	vst v20  }
0x5b0: {  	v15 =	vmul.f32 v38, v15;
	v12 =	vmul.f32 v38, v12;
	[tilespmem:s14+$0xFFFFFFA0] =	vst v23  }
0x5b1: {  	v8 =	vmul.f32 $1.442695020e+00, v10;
	[tilespmem:s14+$0xFFFFFFB0] =	vst v22;
	(erf) = vpow2.f32 v9  }
0x5b2: {  	v5 =	vmul.f32 $1.442695020e+00, v11;
	[tilespmem:s14+$0xFFFFFFC0] =	vst v26;
	v9 =	vld [tilespmem:s18+$0x0];
	(erf) = vpow2.f32 v0  }
0x5b3: {  	[tilespmem:s14+$0xFFFFFFD0] =	vst v16;
	v0 =	vld [tilespmem:s18+$0x10];
	v10 =	vmul.f32 $1.442695020e+00, v14;
	v13 =	vpop (erf);
	(erf) = vpow2.f32 v8  }
0x5b4: {  	v6 =	vmul.f32 $1.442695020e+00, v6;
	[tilespmem:s14+$0xFFFFFFE0] =	vst v4;
	v8 =	vld [tilespmem:s18+$0x80];
	(erf) = vpow2.f32 v5;
	v11 =	vpop (erf)  }
0x5b5: {  	v5 =	vld [tilespmem:s18+$0x90];
	v7 =	vmul.f32 $1.442695020e+00, v7;
	[tilespmem:$0x1F680] =	vst v11;
	v11 =	vadd.f32 v11, v13;
	v18 =	vpop (erf);
	(erf) = vpow2.f32 v10  }
0x5b6: {  	[tilespmem:$0x1F670] =	vst v13;
	v3 =	vmul.f32 $1.442695020e+00, v3;
	v10 =	vld [tilespmem:s18+$0x100];
	(erf) = vpow2.f32 v6;
	v13 =	vpop (erf)  }
0x5b7: {  	v6 =	vmul.f32 $1.442695020e+00, v9;
	v9 =	vld [tilespmem:s18+$0x110];
	[tilespmem:$0x1F690] =	vst v13;
	v11 =	vadd.f32 v13, v11;
	v13 =	vpop (erf);
	(erf) = vpow2.f32 v7  }
0x5b8: {  	v7 =	vld [tilespmem:s18+$0xFFFFFE00];
	v0 =	vmul.f32 $1.442695020e+00, v0;
	[tilespmem:$0x1F6E0] =	vst v13;
	(erf) = vpow2.f32 v3;
	v14 =	vpop (erf)  }
0x5b9: {  	v3 =	vld [tilespmem:s18+$0xFFFFFE20];
	v8 =	vmul.f32 $1.442695020e+00, v8;
	[tilespmem:$0x1F6A0] =	vst v14;
	v11 =	vadd.f32 v14, v11;
	v14 =	vpop (erf);
	(erf) = vpow2.f32 v6  }
0x5ba: {  	v6 =	vld [tilespmem:s18+$0xFFFFFEA0];
	v5 =	vmul.f32 $1.442695020e+00, v5;
	[tilespmem:$0x1F6F0] =	vst v14;
	v4 =	vadd.f32 v14, v13;
	(erf) = vpow2.f32 v0;
	v13 =	vpop (erf)  }
0x5bb: {  	v0 =	vld [tilespmem:s18+$0xFFFFFF20];
	v10 =	vmul.f32 $1.442695020e+00, v10;
	[tilespmem:$0x1F6B0] =	vst v13;
	v14 =	vadd.f32 v13, v11;
	v13 =	vpop (erf);
	(erf) = vpow2.f32 v8  }
0x5bc: {  	[tilespmem:s14+$0x10] =	vst v12;
	v8 =	vld [tilespmem:s18+$0xFFFFFFA0];
	v9 =	vmul.f32 $1.442695020e+00, v9;
	(erf) = vpow2.f32 v5;
	v12 =	vpop (erf)  }
0x5bd: {  	[tilespmem:s14+$0x0] =	vst v15;
	v2 =	vmul.f32 $1.442695020e+00, v7;
	v11 =	vpop (erf);
	(erf) = vpow2.f32 v10  }
0x5be: {  	[tilespmem:s14+$0x210] =	vst v1;
	v5 =	vld [tilespmem:s18+$0x20];
	v1 =	vmul.f32 $1.442695020e+00, v3;
	(erf) = vpow2.f32 v9;
	v49 =	vpop (erf)  }
0x5bf: {  	[tilespmem:$0x1F700] =	vst v13;
	v10 =	vld [tilespmem:s18+$0xA0];
	v3 =	vadd.f32 v11, v13;
	v6 =	vmul.f32 $1.442695020e+00, v6;
	(erf) = vpow2.f32 v2;
	v13 =	vpop (erf)  }
0x5c0: {  	[tilespmem:$0x1F710] =	vst v11;
	v9 =	vld [tilespmem:s18+$0x120];
	v11 =	vmul.f32 $1.442695020e+00, v0;
	(erf) = vpow2.f32 v1;
	v0 =	vpop (erf)  }
0x5c1: {  	v7 =	vadd.f32 v12, v14;
	v2 =	vld [tilespmem:s18+$0xFFFFFE30];
	v1 =	vmul.f32 $1.442695020e+00, v8;
	(erf) = vpow2.f32 v6;
	v8 =	vpop (erf)  }
0x5c2: {  	v14 =	vpop (erf)  }
0x5c3: {  	[tilespmem:$0x1F6C0] =	vst v12;
	v12 =	vld [tilespmem:s18+$0xFFFFFEB0];
	v7 =	vadd.f32 v49, v7;
	v5 =	vmul.f32 $1.442695020e+00, v5;
	v15 =	vpop (erf)  }
0x5c4: {  	v48 =	vmov v62;
	v28 =	vld [tilespmem:s18+$0xC0];
	(erf) = vpow2.f32 v11;
	v10 =	vmul.f32 $1.442695020e+00, v10;
	v62 =	vpop (erf)  }
0x5c5: {  	[tilespmem:$0x1F660] =	vst v63;
	v25 =	vld [tilespmem:s18+$0xFFFFFF40];
	v7 =	vadd.f32 v0, v7;
	v9 =	vmul.f32 $1.442695020e+00, v9;
	(erf) = vpow2.f32 v1;
	v1 =	vpop (erf)  }
0x5c6: {  	v17 =	vld [tilespmem:$0x1FFB0];
	[tilespmem:$0x1F720] =	vst v13;
	v16 =	vmul.f32 $1.442695020e+00, v2;
	(erf) = vpow2.f32 v5;
	v2 =	vpop (erf)  }
0x5c7: {  	v29 =	vld [tilespmem:s18+$0x140];
	[tilespmem:$0x1F730] =	vst v8;
	v8 =	vadd.f32 v8, v13;
	v13 =	vperm.xlane v7, v32;
	(erf) = vpow2.f32 v10;
	v63 =	vpop (erf)  }
0x5c8: {  	v6 =	vld [tilespmem:s18+$0xFFFFFF30];
	v5 =	vmul.f32 $1.442695020e+00, v12;
	(erf) = vpow2.f32 v9;
	v55 =	vpop (erf)  }
0x5c9: {  	v11 =	vld [tilespmem:s18+$0xFFFFFFB0];
	v7 =	vadd.f32 v7, v13;
	v56 =	vpop (erf);
	(erf) = vpow2.f32 v16  }
0x5ca: {  	[tilespmem:$0x1F740] =	vst v14;
	v54 =	vpop (erf);
	(erf) = vpow2.f32 v5;
	v5 =	vld [tilespmem:$0x1FFC0]  }
0x5cb: {  	[tilespmem:$0x1F750] =	vst v15;
	v14 =	vadd.f32 v15, v14;
	v15 =	vld [tilespmem:s18+$0x30];
	v21 =	vperm.xlane v7, v17  }
0x5cc: {  	v20 =	vld [tilespmem:s18+$0xB0]  }
0x5cd: {  	v28 =	vmul.f32 $1.442695020e+00, v28;
	v13 =	vld [tilespmem:s18+$0x130];
	v6 =	vmul.f32 $1.442695020e+00, v6;
	v7 =	vadd.f32 v7, v21  }
0x5ce: {  	v25 =	vmul.f32 $1.442695020e+00, v25;
	v29 =	vmul.f32 $1.442695020e+00, v29  }
0x5cf: {  	v10 =	vld [tilespmem:s18+$0xFFFFFE40];
	v11 =	vmul.f32 $1.442695020e+00, v11;
	v17 =	vperm.xlane v7, v5  }
0x5d0: {  	v26 =	vld [tilespmem:s18+$0x40];
	v15 =	vmul.f32 $1.442695020e+00, v15;
	v53 =	vpop (erf);
	(erf) = vpow2.f32 v6  }
0x5d1: {  	v20 =	vmul.f32 $1.442695020e+00, v20;
	v9 =	vld [tilespmem:s18+$0xFFFFFEC0];
	v6 =	vpop (erf);
	(erf) = vpow2.f32 v11;
	v30 =	vadd.f32 v7, v17  }
0x5d2: {  	v13 =	vmul.f32 $1.442695020e+00, v13;
	v11 =	vld [tilespmem:s18+$0xFFFFFE50];
	v52 =	vmov v6;
	v5 =	vpop (erf);
	(erf) = vpow2.f32 v15  }
0x5d3: {  	v21 =	vld [tilespmem:s18+$0xFFFFFFC0];
	v8 =	vadd.f32 v6, v8;
	v6 =	vpop (erf);
	(erf) = vpow2.f32 v20;
	v31 =	vperm.xlane v30, v40  }
0x5d4: {  	v12 =	vadd.f32 v1, v62;
	v10 =	vmul.f32 $1.442695020e+00, v10;
	v15 =	vld [tilespmem:s18+$0xFFFFFED0];
	v7 =	vpop (erf);
	(erf) = vpow2.f32 v13  }
0x5d5: {  	v26 =	vmul.f32 $1.442695020e+00, v26;
	v22 =	vadd.f32 v63, v2;
	v20 =	vld [tilespmem:s18+$0xFFFFFF50];
	v30 =	vadd.f32 v30, v31  }
0x5d6: {  	v16 =	vadd.f32 v18, v55;
	v9 =	vmul.f32 $1.442695020e+00, v9;
	v13 =	vld [tilespmem:s18+$0xFFFFFFD0];
	v61 =	vpop (erf);
	(erf) = vpow2.f32 v10  }
0x5d7: {  	v4 =	vadd.f32 v54, v4;
	v10 =	vmul.f32 $1.442695020e+00, v11;
	v11 =	vld [tilespmem:s18+$0xD0];
	v59 =	vpop (erf);
	(erf) = vrcp.f32 v30  }
0x5d8: {  	v3 =	vadd.f32 v53, v3;
	v21 =	vmul.f32 $1.442695020e+00, v21;
	v31 =	vld [tilespmem:s18+$0x50];
	(erf) = vpow2.f32 v9  }
0x5d9: {  	v14 =	vadd.f32 v5, v14;
	v15 =	vmul.f32 $1.442695020e+00, v15;
	v58 =	vpop (erf);
	v30 =	vld [tilespmem:s18+$0x150];
	(erf) = vpow2.f32 v25  }
0x5da: {  	v40 =	vadd.f32 v59, v4;
	v4 =	vld [tilespmem:s18+$0xFFFFFEE0];
	v20 =	vmul.f32 $1.442695020e+00, v20;
	v34 =	vpop (erf);
	(erf) = vpow2.f32 v21  }
0x5db: {  	v51 =	vadd.f32 v6, v12;
	v41 =	vmul.f32 $1.442695020e+00, v13;
	v9 =	vld [tilespmem:s18+$0xFFFFFE60];
	v12 =	vpop (erf);
	(erf) = vpow2.f32 v26  }
0x5dc: {  	v11 =	vmul.f32 $1.442695020e+00, v11;
	v25 =	vadd.f32 v58, v3;
	v3 =	vld [tilespmem:s18+$0xFFFFFF60];
	v13 =	vpop (erf);
	(erf) = vpow2.f32 v28  }
0x5dd: {  	v21 =	vmul.f32 $1.442695020e+00, v31;
	v31 =	vadd.f32 v12, v14;
	v14 =	vpop (erf);
	(erf) = vpow2.f32 v29  }
0x5de: {  	v22 =	vadd.f32 v7, v22;
	v30 =	vmul.f32 $1.442695020e+00, v30;
	(erf) = vpow2.f32 v10  }
0x5df: {  	v16 =	vadd.f32 v56, v16;
	v26 =	vld [tilespmem:s18+$0xFFFFFFE0];
	v10 =	vmul.f32 $1.442695020e+00, v4;
	v4 =	vpop (erf);
	(erf) = vpow2.f32 v15  }
0x5e0: {  	v60 =	vadd.f32 v14, v22;
	v22 =	vld [tilespmem:s18+$0x160];
	v29 =	vmul.f32 $1.442695020e+00, v9;
	(erf) = vpow2.f32 v20;
	v9 =	vpop (erf)  }
0x5e1: {  	v17 =	vmul.f32 $1.442695020e+00, v3;
	v3 =	vpop (erf);
	(erf) = vpow2.f32 v41  }
0x5e2: {  	v16 =	vadd.f32 v61, v16;
	v28 =	vld [tilespmem:s18+$0x60];
	v19 =	vmul.f32 v9, v0;
	v0 =	vpop (erf);
	(erf) = vpow2.f32 v21  }
0x5e3: {  	v57 =	vld [tilespmem:s18+$0xE0];
	v35 =	vpop (erf);
	(erf) = vpow2.f32 v11  }
0x5e4: {  	v15 =	vadd.f32 v4, v16;
	v16 =	vld [tilespmem:s18+$0xFFFFFE70];
	v26 =	vmul.f32 $1.442695020e+00, v26;
	v21 =	vpop (erf);
	(erf) = vpow2.f32 v30  }
0x5e5: {  	v8 =	vadd.f32 v34, v8;
	v20 =	vld [tilespmem:s18+$0xFFFFFEF0];
	v23 =	vmul.f32 $1.442695020e+00, v22;
	(erf) = vpow2.f32 v29;
	v22 =	vpop (erf)  }
0x5e6: {  	v47 =	vld [tilespmem:s18+$0xFFFFFF70];
	v37 =	vadd.f32 v3, v40;
	v39 =	vadd.f32 v0, v25;
	(erf) = vpow2.f32 v10;
	v25 =	vpop (erf)  }
0x5e7: {  	v28 =	vmul.f32 $1.442695020e+00, v28;
	v29 =	vld [tilespmem:s18+$0x170];
	v11 =	vpop (erf);
	(erf) = vpow2.f32 v17  }
0x5e8: {  	v57 =	vmul.f32 $1.442695020e+00, v57;
	[tilespmem:$0x1F6D0] =	vst v18;
	v18 =	vld [tilespmem:s18+$0xFFFFFFF0];
	v40 =	vadd.f32 v35, v8;
	v10 =	vpop (erf);
	(erf) = vpow2.f32 v26  }
0x5e9: {  	v16 =	vmul.f32 $1.442695020e+00, v16;
	v30 =	vadd.f32 v21, v31;
	v8 =	vpop (erf);
	(erf) = vpow2.f32 v28  }
0x5ea: {  	v20 =	vmul.f32 $1.442695020e+00, v20;
	v26 =	vadd.f32 v10, v37;
	v37 =	vpop (erf);
	(erf) = vpow2.f32 v57  }
0x5eb: {  	v17 =	vmul.f32 $1.442695020e+00, v47;
	v15 =	vadd.f32 v11, v15;
	v28 =	vpop (erf);
	(erf) = vpow2.f32 v23  }
0x5ec: {  	v57 =	vmul.f32 $1.442695020e+00, v29;
	(erf) = vpow2.f32 v16;
	v29 =	vpop (erf)  }
0x5ed: {  	v18 =	vmul.f32 $1.442695020e+00, v18;
	v23 =	vadd.f32 v28, v30;
	(erf) = vpow2.f32 v20;
	v30 =	vpop (erf)  }
0x5ee: {  	v51 =	vadd.f32 v13, v51;
	v20 =	vpop (erf);
	(erf) = vpow2.f32 v17  }
0x5ef: {  	s14 =	sadd.s32 $0x480, s14;
	v41 =	vadd.f32 v20, v15;
	v15 =	vpop (erf);
	(erf) = vpow2.f32 v18;
	v18 =	vmul.f32 v38, v50  }
0x5f0: {  	[tilespmem:s14+$0x220] =	vst v19;
	v19 =	vld [tilespmem:s18+$0x70]  }
0x5f1: {  	v51 =	vadd.f32 v22, v51;
	[tilespmem:s16+$0x40] =	vst v18;
	v18 =	vld [tilespmem:$0x1F7C0];
	_ =	sdelay $0x1  }
0x5f2: {  	v16 =	vadd.f32 v29, v51;
	v51 =	vmul.f32 v38, v42;
	_ =	sdelay $0x1  }
0x5f3: {  	v31 =	vld [tilespmem:s18+$0xF0];
	v17 =	vmul.f32 v38, v27  }
0x5f4: {  	[tilespmem:s16+$0x20] =	vst v51;
	v18 =	vmul.f32 v38, v18  }
0x5f5: {  	[tilespmem:s16+$0x30] =	vst v17;
	v17 =	vmul.f32 v38, v46;
	v51 =	vpop (erf)  }
0x5f6: {  	v47 =	vpop (erf);
	[tilespmem:s16+$0x60] =	vst v18;
	v18 =	vld [tilespmem:$0x1F760]  }
0x5f7: {  	v42 =	vadd.f32 v15, v26;
	[tilespmem:s16+$0x50] =	vst v17;
	v17 =	vld [tilespmem:$0x1F7F0];
	v26 =	vpop (erf)  }
0x5f8: {  	v19 =	vmul.f32 $1.442695020e+00, v19;
	v31 =	vmul.f32 $1.442695020e+00, v31;
	[tilespmem:$0x1F7C0] =	vst v26;
	v23 =	vadd.f32 v26, v23;
	v26 =	vld [tilespmem:$0x1F790]  }
0x5f9: {  	v60 =	vadd.f32 v25, v60;
	v39 =	vadd.f32 v8, v39  }
0x5fa: {  	v40 =	vadd.f32 v37, v40;
	v27 =	vmul.f32 v36, v43;
	(erf) = vpow2.f32 v19  }
0x5fb: {  	v19 =	vadd.f32 v51, v39;
	(erf) = vpow2.f32 v31;
	v18 =	vmul.f32 v36, v18  }
0x5fc: {  	[tilespmem:s16+$0xA0] =	vst v27;
	v39 =	vadd.f32 v47, v40;
	(erf) = vpow2.f32 v57;
	v31 =	vpop (erf);
	v17 =	vmul.f32 v38, v17  }
0x5fd: {  	v40 =	vadd.f32 v31, v16;
	v16 =	vpop (erf);
	v50 =	vmul.f32 v36, v26;
	[tilespmem:s16+$0x90] =	vst v18;
	v18 =	vmul.f32 v36, v24;
	v24 =	vld [tilespmem:$0x1F7D0]  }
0x5fe: {  	v60 =	vadd.f32 v30, v60;
	v27 =	vld [tilespmem:$0x1F800];
	v38 =	vpop (erf);
	[tilespmem:s16+$0x70] =	vst v17  }
0x5ff: {  	v17 =	vmul.f32 v36, v44;
	v26 =	vpop (erf);
	[tilespmem:s16+$0xC0] =	vst v50;
	v50 =	vld [tilespmem:$0x1F780]  }
0x600: {  	v42 =	vadd.f32 v26, v42  }
0x601: {  	v45 =	vmul.f32 v36, v45;
	v46 =	vmul.f32 v33, v48;
	v41 =	vadd.f32 v38, v41;
	[tilespmem:s16+$0xB0] =	vst v17;
	v17 =	vld [tilespmem:$0x1F770]  }
0x602: {  	v44 =	vadd.f32 v16, v60;
	v60 =	vpop (erf);
	v48 =	vperm.xlane v42, v32;
	v24 =	vmul.f32 v36, v24  }
0x603: {  	v19 =	vadd.f32 v60, v19;
	v57 =	vpop (erf);
	v36 =	vmul.f32 v36, v27;
	v27 =	vperm.xlane v41, v32  }
0x604: {  	v39 =	vadd.f32 v57, v39;
	v43 =	vmul.f32 v33, v50;
	v50 =	vpop (erf)  }
0x605: {  	[tilespmem:$0x1F7F0] =	vst v50;
	v23 =	vadd.f32 v50, v23;
	v50 =	vpop (erf);
	v27 =	vadd.f32 v41, v27;
	v41 =	vperm.xlane v19, v32  }
0x606: {  	v42 =	vadd.f32 v42, v48;
	v17 =	vmul.f32 v33, v17;
	[tilespmem:$0x1F800] =	vst v50;
	v40 =	vadd.f32 v50, v40;
	v48 =	vpop (erf);
	v50 =	vld [tilespmem:$0x1FFB0]  }
0x607: {  	[tilespmem:s16+$0xE0] =	vst v45;
	v19 =	vadd.f32 v19, v41;
	v41 =	vadd.f32 v48, v44;
	v44 =	vld [tilespmem:$0x1FFB0]  }
0x608: {  	[tilespmem:s16+$0x120] =	vst v17;
	v17 =	vld [tilespmem:$0x1FFB0]  }
0x609: {  	v45 =	vperm.xlane v39, v32;
	[tilespmem:s16+$0xD0] =	vst v18  }
0x60a: {  	v18 =	vld [tilespmem:$0x1F7A0];
	[tilespmem:s16+$0x140] =	vst v43  }
0x60b: {  	v39 =	vadd.f32 v39, v45;
	v43 =	vld [tilespmem:$0x1FFB0];
	[tilespmem:s16+$0xF0] =	vst v24;
	v24 =	vperm.xlane v23, v32;
	v45 =	vperm.xlane v19, v50  }
0x60c: {  	[tilespmem:s16+$0x100] =	vst v36;
	v50 =	vld [tilespmem:$0x1FFB0];
	v36 =	vperm.xlane v27, v44;
	v44 =	vperm.xlane v40, v32  }
0x60d: {  	v17 =	vperm.xlane v42, v17  }
0x60e: {  	v23 =	vadd.f32 v23, v24;
	v24 =	vperm.xlane v41, v32;
	v40 =	vadd.f32 v40, v44;
	v44 =	vld [tilespmem:$0x1FFC0]  }
0x60f: {  	v18 =	vmul.f32 v33, v18;
	v17 =	vadd.f32 v42, v17  }
0x610: {  	[tilespmem:s16+$0x130] =	vst v46;
	v24 =	vadd.f32 v41, v24;
	v27 =	vadd.f32 v27, v36;
	v36 =	vperm.xlane v23, v43  }
0x611: {  	[tilespmem:s16+$0x150] =	vst v18;
	v18 =	vadd.f32 v19, v45;
	v46 =	vperm.xlane v39, v50;
	v50 =	vmovc v62;
	v62 =	vmov v2  }
0x612: {  	v45 =	vld [tilespmem:$0x1FFF0];
	[tilespmem:$0x1F760] =	vst v50;
	v50 =	vperm.xlane v24, v43;
	v19 =	vperm.xlane v40, v43;
	v23 =	vadd.f32 v23, v36  }
0x613: {  	[tilespmem:$0x1F770] =	vst v62;
	v39 =	vadd.f32 v39, v46;
	v43 =	vmov v1;
	v1 =	vperm.xlane v27, v44  }
0x614: {  	v62 =	vmovc v63;
	v19 =	vadd.f32 v40, v19;
	v41 =	vperm.xlane v17, v44;
	v63 =	vperm.xlane v23, v44  }
0x615: {  	v24 =	vadd.f32 v24, v50;
	v2 =	vperm.xlane v18, v44;
	v1 =	vadd.f32 v27, v1  }
0x616: {  	v42 =	vmovc v5;
	v40 =	vperm.xlane v39, v44;
	v50 =	vperm.xlane v19, v44;
	v5 =	vadd.f32 v17, v41  }
0x617: {  	v2 =	vadd.f32 v18, v2;
	v17 =	vperm.xlane v24, v44;
	v44 =	vmovc v6;
	v6 =	vperm.xlane v1, v45  }
0x618: {  	v23 =	vadd.f32 v23, v63;
	v63 =	vmov v7;
	v7 =	vperm.xlane v5, v45  }
0x619: {  	v1 =	vadd.f32 v1, v6;
	v6 =	vperm.xlane v2, v45  }
0x61a: {  	v5 =	vadd.f32 v5, v7  }
0x61b: {  	v2 =	vadd.f32 v2, v6;
	(erf) = vrcp.f32 v1  }
0x61c: {  	(erf) = vrcp.f32 v5  }
0x61d: {  	(erf) = vrcp.f32 v2;
	v2 =	vld [tilespmem:$0x1F7B0];
	_ =	sdelay $0x2  }
0x61e: {  	v18 =	vadd.f32 v39, v40  }
0x61f: {  	v5 =	vld [tilespmem:$0x1F660]  }
0x620: {  	v27 =	vmovc v12;
	v17 =	vadd.f32 v24, v17;
	v12 =	vperm.xlane v18, v45;
	v2 =	vmul.f32 v33, v2;
	_ =	sdelay $0x1  }
0x621: {  	v6 =	vadd.f32 v18, v12;
	v12 =	vperm.xlane v17, v45;
	[tilespmem:s16+$0x170] =	vst v2;
	v2 =	vld [tilespmem:$0x1F810]  }
0x622: {  	v19 =	vadd.f32 v19, v50  }
0x623: {  	v5 =	vmul.f32 v33, v5  }
0x624: {  	v24 =	vmov v13;
	v13 =	vperm.xlane v19, v45  }
0x625: {  	v7 =	vperm.xlane v23, v45;
	v1 =	vadd.f32 v17, v12;
	v12 =	vmov v16;
	[tilespmem:s16+$0x160] =	vst v5;
	v5 =	vld [tilespmem:$0x1F7E0]  }
0x626: {  	v14 =	vmovc v14;
	(erf) = vrcp.f32 v6;
	v6 =	vmov v48;
	[tilespmem:$0x1F7E0] =	vst v12;
	v12 =	vld [tilespmem:$0x1F6D0];
	v2 =	vmul.f32 v33, v2  }
0x627: {  	v7 =	vadd.f32 v23, v7;
	[tilespmem:$0x1F810] =	vst v6;
	v6 =	vld [tilespmem:$0x1F670]  }
0x628: {  	v13 =	vadd.f32 v19, v13;
	[tilespmem:s16+$0x190] =	vst v2;
	v2 =	vld [tilespmem:$0x1F6A0]  }
0x629: {  	[tilespmem:$0x1F7A0] =	vst v14;
	v14 =	vmov v31;
	(erf) = vrcp.f32 v7  }
0x62a: {  	[tilespmem:$0x1F7D0] =	vst v14;
	(erf) = vrcp.f32 v13;
	v5 =	vmul.f32 v33, v5  }
0x62b: {  	[tilespmem:$0x1F780] =	vst v63;
	(erf) = vrcp.f32 v1;
	v1 =	vld [tilespmem:$0x1F690]  }
0x62c: {  	v7 =	vpop (erf);
	v6 =	vmul.f32 v9, v6;
	[tilespmem:s16+$0x180] =	vst v5;
	v5 =	vld [tilespmem:$0x1F680]  }
0x62d: {  	[tilespmem:$0x1F790] =	vst v24;
	v17 =	vmov v30;
	v12 =	vmul.f32 v7, v12;
	v13 =	vmul.f32 v9, v2;
	v2 =	vld [tilespmem:$0x1F6B0]  }
0x62e: {  	[tilespmem:$0x1F7B0] =	vst v17  }
0x62f: {  	v14 =	vmul.f32 v7, v61;
	[tilespmem:s14+$0xFFFFFDD0] =	vst v12;
	v12 =	vld [tilespmem:$0x1F6E0]  }
0x630: {  	v1 =	vmul.f32 v9, v1;
	[tilespmem:s14+$0x1B0] =	vst v6;
	v6 =	vpop (erf)  }
0x631: {  	v24 =	vmov v22;
	[tilespmem:s14+$0xFFFFFDF0] =	vst v14;
	v22 =	vmul.f32 v6, v3;
	v3 =	vld [tilespmem:$0x1F700];
	v5 =	vmul.f32 v9, v5  }
0x632: {  	[tilespmem:s14+$0x1E0] =	vst v13;
	v13 =	vmul.f32 v7, v56;
	v16 =	vmul.f32 v9, v2;
	v2 =	vld [tilespmem:$0x1F6C0]  }
0x633: {  	v11 =	vmul.f32 v7, v11;
	v17 =	vmul.f32 v7, v20;
	[tilespmem:s14+$0x1D0] =	vst v1  }
0x634: {  	v1 =	vmul.f32 v9, v49;
	[tilespmem:s14+$0xFFFFFDE0] =	vst v13;
	v13 =	vmul.f32 v6, v12;
	v12 =	vld [tilespmem:$0x1F6F0]  }
0x635: {  	v63 =	vmov v25;
	v25 =	vmul.f32 v6, v54;
	v20 =	vmul.f32 v6, v59;
	[tilespmem:s14+$0x1C0] =	vst v5;
	v5 =	vpop (erf)  }
0x636: {  	s17 =	sadd.s32 $0x8, s17;
	[tilespmem:s14+$0xFFFFFE10] =	vst v11;
	v15 =	vmul.f32 v6, v15;
	v14 =	vmul.f32 v5, v3  }
0x637: {  	p0 =	slt.u32 s17, $0x48;
	[tilespmem:s14+$0xFFFFFE20] =	vst v17;
	v3 =	vld [tilespmem:$0x1F710];
	v2 =	vmul.f32 v9, v2;
	v9 =	vmul.f32 v7, v55  }
.Ltmp5:
0x638: {  	v11 =	vmul.f32 v5, v53;
	[tilespmem:s14+$0x1F0] =	vst v16;
	v16 =	vmul.f32 v6, v10;
	(pc) =	sbr.rel @p0 .LBB2_13-.Ltmp5, $4  }
0x639: {  	v46 =	vmov v28;
	v28 =	vmul.f32 v6, v12;
	[tilespmem:s14+$0xFFFFFDC0] =	vst v9;
	v9 =	vmul.f32 v7, v4;
	v4 =	vpop (erf)  }
0x63a: {  	v40 =	vmov v45;
	[tilespmem:s14+$0xFFFFFE50] =	vst v13;
	v12 =	vmul.f32 v6, v26;
	v7 =	vmul.f32 v7, v38;
	v38 =	vpop (erf)  }
0x63b: {  	v50 =	vmov v21;
	v6 =	vmul.f32 v5, v0;
	v0 =	vmul.f32 v5, v8;
	v36 =	vpop (erf);
	[tilespmem:s14+$0xFFFFFE00] =	vst v9  }
0x63c: {  	s18 =	sadd.s32 $0x400, s18;
	v45 =	vmov v29;
	s16 =	smov.u32 s14;
	v9 =	vmul.f32 v5, v3;
	[tilespmem:s14+$0xFFFFFE30] =	vst v7;
	v3 =	vmul.f32 v5, v58;
	v33 =	vpop (erf)  }
0x63d: {  	[tilespmem:s14+$0xFFFFFE60] =	vst v28  }
0x63e: {  	[tilespmem:s14+$0xFFFFFE70] =	vst v25  }
0x63f: {  	[tilespmem:s14+$0xFFFFFE80] =	vst v20  }
0x640: {  	[tilespmem:s14+$0xFFFFFE90] =	vst v22  }
0x641: {  	[tilespmem:s14+$0xFFFFFEA0] =	vst v16  }
0x642: {  	[tilespmem:s14+$0xFFFFFEB0] =	vst v15  }
0x643: {  	[tilespmem:s14+$0xFFFFFEC0] =	vst v12  }
0x644: {  	[tilespmem:s14+$0xFFFFFEE0] =	vst v14  }
0x645: {  	[tilespmem:s14+$0xFFFFFF00] =	vst v11  }
0x646: {  	[tilespmem:s14+$0xFFFFFF20] =	vst v6  }
0x647: {  	[tilespmem:s14+$0xFFFFFF30] =	vst v0  }
0x648: {  	v31 =	vmul.f32 v5, v51;
	[tilespmem:s14+$0xFFFFFEF0] =	vst v9  }
0x649: {  	[tilespmem:s14+$0xFFFFFF10] =	vst v3  }
0x64a: {  	v32 =	vmul.f32 v5, v60;
	v0 =	vld [tilespmem:$0x1F720];
	[tilespmem:s14+$0xFFFFFF40] =	vst v31  }
0x64b: {  	v39 =	vmul.f32 v4, v52;
	v3 =	vld [tilespmem:$0x1F730]  }
0x64c: {  	v41 =	vmul.f32 v4, v34;
	[tilespmem:s14+$0xFFFFFF50] =	vst v32  }
0x64d: {  	v48 =	vmul.f32 v4, v35;
	[tilespmem:s14+$0xFFFFFF90] =	vst v39  }
0x64e: {  	v49 =	vmul.f32 v4, v37;
	[tilespmem:s14+$0xFFFFFFA0] =	vst v41  }
0x64f: {  	[tilespmem:s14+$0xFFFFFFB0] =	vst v48;
	v0 =	vmul.f32 v4, v0  }
0x650: {  	[tilespmem:s14+$0xFFFFFFC0] =	vst v49;
	v3 =	vmul.f32 v4, v3  }
0x651: {  	v51 =	vmul.f32 v4, v47;
	[tilespmem:s14+$0xFFFFFF70] =	vst v0  }
0x652: {  	[tilespmem:s14+$0xFFFFFF80] =	vst v3  }
0x653: {  	v53 =	vld [tilespmem:$0x1F740];
	[tilespmem:s14+$0xFFFFFFD0] =	vst v51  }
0x654: {  	v0 =	vld [tilespmem:$0x1F750]  }
0x655: {  	v52 =	vmul.f32 v4, v57;
	_ =	sdelay $0x1  }
0x656: {  	[tilespmem:s14+$0xFFFFFFE0] =	vst v52  }
0x657: {  	[tilespmem:s14+$0x200] =	vst v2;
	v4 =	vmul.f32 v38, v53  }
0x658: {  	[tilespmem:s14+$0x210] =	vst v1;
	v0 =	vmul.f32 v38, v0  }
0x659: {  	v54 =	vmul.f32 v38, v42;
	[tilespmem:s14+$0x0] =	vst v4  }
0x65a: {  	v55 =	vmul.f32 v38, v27;
	[tilespmem:s14+$0x10] =	vst v0  }
0x65b: {  	v56 =	vmul.f32 v38, v50;
	[tilespmem:s16+$0x20] =	vst v54  }
0x65c: {  	[tilespmem:s16+$0x30] =	vst v55  }
0x65d: {  	[tilespmem:s16+$0x40] =	vst v56  }
0x65e: {  	v0 =	vld [tilespmem:$0x1F7C0];
	_ =	sdelay $0x3  }
0x65f: {  	v57 =	vmul.f32 v38, v46  }
0x660: {  	v0 =	vmul.f32 v38, v0  }
0x661: {  	[tilespmem:s16+$0x50] =	vst v57  }
0x662: {  	v1 =	vld [tilespmem:$0x1F7F0];
	[tilespmem:s16+$0x60] =	vst v0  }
0x663: {  	v0 =	vld [tilespmem:$0x1F760];
	_ =	sdelay $0x3  }
0x664: {  	v1 =	vmul.f32 v38, v1  }
0x665: {  	v0 =	vmul.f32 v36, v0  }
0x666: {  	[tilespmem:s16+$0x70] =	vst v1  }
0x667: {  	[tilespmem:s16+$0x90] =	vst v0  }
0x668: {  	v0 =	vld [tilespmem:$0x1F790];
	_ =	sdelay $0x2  }
0x669: {  	v58 =	vmul.f32 v36, v43  }
0x66a: {  	v59 =	vmul.f32 v36, v44  }
0x66b: {  	[tilespmem:s16+$0xA0] =	vst v58;
	v0 =	vmul.f32 v36, v0  }
0x66c: {  	v60 =	vmul.f32 v36, v24;
	[tilespmem:s16+$0xB0] =	vst v59  }
0x66d: {  	v61 =	vmul.f32 v36, v45;
	[tilespmem:s16+$0xC0] =	vst v0  }
0x66e: {  	v0 =	vld [tilespmem:$0x1F7D0];
	[tilespmem:s16+$0xD0] =	vst v60  }
0x66f: {  	v2 =	vld [tilespmem:$0x1F800];
	[tilespmem:s16+$0xE0] =	vst v61  }
0x670: {  	v1 =	vld [tilespmem:$0x1F770];
	_ =	sdelay $0x2  }
0x671: {  	v0 =	vmul.f32 v36, v0  }
0x672: {  	v2 =	vmul.f32 v36, v2  }
0x673: {  	v1 =	vmul.f32 v33, v1;
	[tilespmem:s16+$0xF0] =	vst v0  }
0x674: {  	[tilespmem:s16+$0x100] =	vst v2  }
0x675: {  	v2 =	vld [tilespmem:$0x1F780];
	[tilespmem:s16+$0x120] =	vst v1  }
0x676: {  	v1 =	vld [tilespmem:$0x1F7A0];
	_ =	sdelay $0x2  }
0x677: {  	v62 =	vmul.f32 v33, v62  }
0x678: {  	v2 =	vmul.f32 v33, v2  }
0x679: {  	[tilespmem:s16+$0x130] =	vst v62;
	v1 =	vmul.f32 v33, v1  }
0x67a: {  	[tilespmem:s16+$0x140] =	vst v2  }
0x67b: {  	[tilespmem:s16+$0x150] =	vst v1  }
0x67c: {  	v1 =	vld [tilespmem:$0x1F7B0];
	_ =	sdelay $0x3  }
0x67d: {  	v63 =	vmul.f32 v33, v63  }
0x67e: {  	v1 =	vmul.f32 v33, v1  }
0x67f: {  	[tilespmem:s16+$0x160] =	vst v63  }
0x680: {  	v0 =	vld [tilespmem:$0x1F7E0];
	[tilespmem:s16+$0x170] =	vst v1  }
0x681: {  	v1 =	vld [tilespmem:$0x1F810];
	_ =	sdelay $0x3  }
0x682: {  	v0 =	vmul.f32 v33, v0  }
0x683: {  	v1 =	vmul.f32 v33, v1  }
0x684: {  	[tilespmem:s16+$0x180] =	vst v0  }
0x685: {  	s13 =	sadd.s32 s13, s19;
	s12 =	sadd.s32 $0x1, s12;
	[tilespmem:s16+$0x190] =	vst v1  }
0x686: {  	[spmem:s4] =	stream.indirect.scatter.add.f32 [tilespmem:s29], [sflag:$0x3], $0x90, s6, s9, $0xb8;
	[tilespmem:$0x1DD30] =	vst v63  }
0x687: {  	s18 =	sshll.u32 s13, $0x4;
	p0 =	sne.s32 s12, $0x3D;
	_ =	swait.ge [sflag:s30], $0x2D00  }
.Ltmp6:
0x688: {  	s14 =	sand.u32 $0x1FFFFF00, s18;
	[sflag:s30] =	ssyncset.done $0x0;
	(pc) =	sbr.rel @p0 .LBB2_10-.Ltmp6, $4  }
0x689: {  	s13 =	sshrl.u32 s13, $0x3;
	s14 =	sadd.s32 s1, s14;
	[sflag:s30] =	ssyncadd.s32 $0xFFFFD300  }
0x68a: {  	[tilespmem:s0], [sflag:$0x2] =	stream.linear.gather [hbm4b:s14+s5], $0x2800, $0x38;
	[tilespmem:$0x1DD30] =	vst v63  }
0x68b: {  	s13 =	sadd.s32 s3, s13  }
0x68c: {  	[tilespmem:s6], [sflag:$0x2] =	stream.linear.gather [hbm4b:s13+s5], $0x50, $0x38;
	[tilespmem:$0x1DD30] =	vst v63  }
0x68d: {  	_ =	swait.ge [sflag:s7], $0x2800  }
0x68e: {  	[sflag:s7] =	ssyncset.done $0x0  }
0x68f: {  	[sflag:s7] =	ssyncadd.s32 $0xFFFFD800  }
0x690: {  	_ =	swait.ge [sflag:s7], $0x50  }
0x691: {  	[sflag:s7] =	ssyncset.done $0x0  }
0x692: {  	s12 =	simm.s32 $0x16190;
	[sflag:s7] =	ssyncadd.s32 $0xFFFFFFB0  }
0x693: {  	v0 =	vld [tilespmem:s12+$0x180]  }
0x694: {  	v1 =	vld [tilespmem:s12+$0x190]  }
0x695: {  	v2 =	vld [tilespmem:s12+$0xFFFFFE10]  }
0x696: {  	v3 =	vld [tilespmem:s12+$0x1A0]  }
0x697: {  	v4 =	vld [tilespmem:s12+$0xFFFFFE80]  }
0x698: {  	v5 =	vld [tilespmem:s12+$0x1B0];
	v0 =	vmul.f32 $1.442695020e+00, v0  }
0x699: {  	v7 =	vld [tilespmem:s12+$0x1C0];
	v1 =	vmul.f32 $1.442695020e+00, v1  }
0x69a: {  	v6 =	vld [tilespmem:s12+$0xFFFFFE90];
	v2 =	vmul.f32 $1.442695020e+00, v2;
	(erf) = vpow2.f32 v0  }
0x69b: {  	(erf) = vpow2.f32 v1  }
0x69c: {  	v3 =	vmul.f32 $1.442695020e+00, v3;
	v0 =	vld [tilespmem:s12+$0xFFFFFF00];
	(erf) = vpow2.f32 v2  }
0x69d: {  	v5 =	vmul.f32 $1.442695020e+00, v5;
	v1 =	vmul.f32 $1.442695020e+00, v4;
	v4 =	vld [tilespmem:s12+$0x1D0]  }
0x69e: {  	v7 =	vmul.f32 $1.442695020e+00, v7;
	v2 =	vld [tilespmem:s12+$0xFFFFFF10];
	(erf) = vpow2.f32 v3  }
0x69f: {  	v3 =	vmul.f32 $1.442695020e+00, v6;
	v6 =	vld [tilespmem:s12+$0x1E0];
	(erf) = vpow2.f32 v1  }
0x6a0: {  	(erf) = vpow2.f32 v5  }
0x6a1: {  	v0 =	vmul.f32 $1.442695020e+00, v0  }
0x6a2: {  	v1 =	vld [tilespmem:s12+$0xFFFFFF80];
	(erf) = vpow2.f32 v3;
	v3 =	vmul.f32 $1.442695020e+00, v4  }
0x6a3: {  	v5 =	vld [tilespmem:s12+$0x1F0];
	(erf) = vpow2.f32 v7;
	v2 =	vmul.f32 $1.442695020e+00, v2;
	v7 =	vpop (erf)  }
0x6a4: {  	(erf) = vpow2.f32 v0;
	v0 =	vld [tilespmem:s12+$0xFFFFFF90];
	v4 =	vmul.f32 $1.442695020e+00, v6;
	[tilespmem:$0x1F5D0] =	vst v7;
	v6 =	vpop (erf)  }
0x6a5: {  	(erf) = vpow2.f32 v3;
	v3 =	vld [tilespmem:s12+$0x0];
	[tilespmem:$0x1F5E0] =	vst v6;
	v17 =	vpop (erf)  }
0x6a6: {  	(erf) = vpow2.f32 v2;
	v6 =	vadd.f32 v6, v7;
	v2 =	vld [tilespmem:s12+$0x10];
	[tilespmem:$0x1F650] =	vst v17  }
0x6a7: {  	v1 =	vmul.f32 $1.442695020e+00, v1;
	(erf) = vpow2.f32 v4;
	v7 =	vpop (erf);
	v4 =	vld [tilespmem:s12+$0x80]  }
0x6a8: {  	v32 =	vld [tilespmem:$0x1FFE0];
	v5 =	vmul.f32 $1.442695020e+00, v5;
	v6 =	vadd.f32 v7, v6;
	v18 =	vpop (erf)  }
0x6a9: {  	v43 =	vld [tilespmem:$0x1FFB0];
	(erf) = vpow2.f32 v1;
	[tilespmem:$0x1F5F0] =	vst v7;
	v0 =	vmul.f32 $1.442695020e+00, v0;
	v8 =	vpop (erf)  }
0x6aa: {  	(erf) = vpow2.f32 v5;
	v1 =	vld [tilespmem:s12+$0x90];
	v6 =	vadd.f32 v8, v6  }
0x6ab: {  	v5 =	vld [tilespmem:s12+$0x100];
	[tilespmem:$0x1F600] =	vst v8;
	v23 =	vpop (erf);
	(erf) = vpow2.f32 v0  }
0x6ac: {  	v3 =	vmul.f32 $1.442695020e+00, v3;
	v7 =	vld [tilespmem:s12+$0x110];
	v10 =	vpop (erf);
	v0 =	vmul.f32 $1.442695020e+00, v4  }
0x6ad: {  	v8 =	vld [tilespmem:s12+$0xFFFFFE00];
	v2 =	vmul.f32 $1.442695020e+00, v2;
	[tilespmem:$0x1F610] =	vst v10;
	v36 =	vpop (erf)  }
0x6ae: {  	v9 =	vld [tilespmem:s12+$0xFFFFFE20];
	(erf) = vpow2.f32 v3;
	v3 =	vadd.f32 v10, v6;
	v6 =	vpop (erf)  }
0x6af: {  	v4 =	vld [tilespmem:s12+$0xFFFFFEA0];
	v1 =	vmul.f32 $1.442695020e+00, v1;
	(erf) = vpow2.f32 v2;
	[tilespmem:$0x1F620] =	vst v6;
	v41 =	vpop (erf)  }
0x6b0: {  	v5 =	vmul.f32 $1.442695020e+00, v5;
	(erf) = vpow2.f32 v0;
	v3 =	vadd.f32 v6, v3;
	v2 =	vld [tilespmem:s12+$0xFFFFFF20];
	v0 =	vpop (erf)  }
0x6b1: {  	v6 =	vld [tilespmem:s12+$0xFFFFFFA0];
	v7 =	vmul.f32 $1.442695020e+00, v7;
	(erf) = vpow2.f32 v1;
	[tilespmem:$0x1F630] =	vst v0  }
0x6b2: {  	v8 =	vmul.f32 $1.442695020e+00, v8;
	(erf) = vpow2.f32 v5;
	v3 =	vadd.f32 v0, v3;
	v31 =	vpop (erf);
	v10 =	vld [tilespmem:s12+$0x20]  }
0x6b3: {  	v5 =	vmul.f32 $1.442695020e+00, v9;
	(erf) = vpow2.f32 v7;
	v9 =	vld [tilespmem:s12+$0xA0];
	v44 =	vpop (erf)  }
0x6b4: {  	v4 =	vmul.f32 $1.442695020e+00, v4;
	v7 =	vld [tilespmem:s12+$0x120];
	(erf) = vpow2.f32 v8;
	v3 =	vadd.f32 v44, v3  }
0x6b5: {  	v8 =	vld [tilespmem:s12+$0xFFFFFE30];
	(erf) = vpow2.f32 v5;
	v2 =	vmul.f32 $1.442695020e+00, v2  }
0x6b6: {  	v12 =	vld [tilespmem:s12+$0x130];
	(erf) = vpow2.f32 v4;
	v11 =	vperm.xlane v3, v32  }
0x6b7: {  	v52 =	vpop (erf);
	v6 =	vmul.f32 $1.442695020e+00, v6;
	v4 =	vld [tilespmem:s12+$0xFFFFFF30];
	(erf) = vpow2.f32 v2  }
0x6b8: {  	v5 =	vld [tilespmem:s12+$0xFFFFFEB0];
	v48 =	vpop (erf);
	v10 =	vmul.f32 $1.442695020e+00, v10;
	v9 =	vmul.f32 $1.442695020e+00, v9;
	v3 =	vadd.f32 v3, v11  }
0x6b9: {  	v54 =	vld [tilespmem:$0x1FFC0];
	v49 =	vpop (erf);
	v7 =	vmul.f32 $1.442695020e+00, v7;
	(erf) = vpow2.f32 v6  }
0x6ba: {  	v2 =	vld [tilespmem:s12+$0xFFFFFFB0];
	v42 =	vpop (erf);
	(erf) = vpow2.f32 v10;
	v10 =	vperm.xlane v3, v43  }
0x6bb: {  	v6 =	vld [tilespmem:s12+$0x30];
	v8 =	vmul.f32 $1.442695020e+00, v8;
	v12 =	vmul.f32 $1.442695020e+00, v12;
	v55 =	vpop (erf)  }
0x6bc: {  	v11 =	vld [tilespmem:s12+$0xB0];
	v46 =	vpop (erf);
	v4 =	vmul.f32 $1.442695020e+00, v4;
	(erf) = vpow2.f32 v9;
	v3 =	vadd.f32 v3, v10  }
0x6bd: {  	v9 =	vmul.f32 $1.442695020e+00, v5;
	v62 =	vpop (erf);
	(erf) = vpow2.f32 v7  }
0x6be: {  	v7 =	vld [tilespmem:s12+$0xFFFFFE40];
	v1 =	vpop (erf);
	(erf) = vpow2.f32 v8;
	v8 =	vperm.xlane v3, v54  }
0x6bf: {  	v2 =	vmul.f32 $1.442695020e+00, v2;
	[tilespmem:$0x1F640] =	vst v1;
	(erf) = vpow2.f32 v9  }
0x6c0: {  	v10 =	vmul.f32 $1.442695020e+00, v6;
	v38 =	vpop (erf);
	v9 =	vld [tilespmem:s12+$0xFFFFFEC0];
	(erf) = vpow2.f32 v4;
	v8 =	vadd.f32 v3, v8  }
0x6c1: {  	v11 =	vmul.f32 $1.442695020e+00, v11;
	v13 =	vld [tilespmem:s12+$0xFFFFFF40];
	v5 =	vpop (erf);
	(erf) = vpow2.f32 v2  }
0x6c2: {  	v2 =	vld [tilespmem:s12+$0xFFFFFFC0];
	v19 =	vpop (erf);
	(erf) = vpow2.f32 v10;
	v10 =	vperm.xlane v8, v40  }
0x6c3: {  	v14 =	vld [tilespmem:s12+$0x40];
	v7 =	vmul.f32 $1.442695020e+00, v7;
	v4 =	vpop (erf);
	(erf) = vpow2.f32 v11  }
0x6c4: {  	v11 =	vld [tilespmem:s12+$0xC0];
	v50 =	vpop (erf);
	(erf) = vpow2.f32 v12;
	v8 =	vadd.f32 v8, v10  }
0x6c5: {  	v12 =	vld [tilespmem:s12+$0x140];
	v10 =	vmul.f32 $1.442695020e+00, v9;
	v59 =	vpop (erf);
	(erf) = vpow2.f32 v7  }
0x6c6: {  	v15 =	vld [tilespmem:s12+$0xFFFFFE50];
	v7 =	vmul.f32 $1.442695020e+00, v13;
	v53 =	vpop (erf);
	(erf) = vrcp.f32 v8  }
0x6c7: {  	v13 =	vld [tilespmem:s12+$0xFFFFFED0];
	v2 =	vmul.f32 $1.442695020e+00, v2;
	v9 =	vpop (erf);
	(erf) = vpow2.f32 v10  }
0x6c8: {  	v14 =	vmul.f32 $1.442695020e+00, v14;
	v10 =	vld [tilespmem:s12+$0xFFFFFF50];
	v33 =	vpop (erf);
	(erf) = vpow2.f32 v7  }
0x6c9: {  	v16 =	vld [tilespmem:s12+$0xFFFFFFD0];
	v11 =	vmul.f32 $1.442695020e+00, v11;
	v39 =	vpop (erf);
	(erf) = vpow2.f32 v2  }
0x6ca: {  	v12 =	vmul.f32 $1.442695020e+00, v12;
	v2 =	vld [tilespmem:s12+$0x50];
	v34 =	vpop (erf);
	(erf) = vpow2.f32 v14  }
0x6cb: {  	v14 =	vmul.f32 $1.442695020e+00, v15;
	v15 =	vld [tilespmem:s12+$0xD0];
	v7 =	vpop (erf);
	(erf) = vpow2.f32 v11  }
0x6cc: {  	v11 =	vmul.f32 $1.442695020e+00, v13;
	v13 =	vld [tilespmem:s12+$0x150];
	v60 =	vpop (erf);
	(erf) = vpow2.f32 v12  }
0x6cd: {  	v20 =	vld [tilespmem:s12+$0xFFFFFE60];
	v10 =	vmul.f32 $1.442695020e+00, v10;
	v57 =	vpop (erf);
	(erf) = vpow2.f32 v14  }
0x6ce: {  	v21 =	vld [tilespmem:s12+$0xFFFFFEE0];
	v16 =	vmul.f32 $1.442695020e+00, v16;
	v12 =	vpop (erf);
	(erf) = vpow2.f32 v11  }
0x6cf: {  	v22 =	vld [tilespmem:s12+$0xFFFFFF60];
	v2 =	vmul.f32 $1.442695020e+00, v2;
	(erf) = vpow2.f32 v10;
	v14 =	vpop (erf)  }
0x6d0: {  	v24 =	vld [tilespmem:s12+$0xFFFFFFE0];
	v15 =	vmul.f32 $1.442695020e+00, v15;
	v11 =	vpop (erf);
	(erf) = vpow2.f32 v16  }
0x6d1: {  	v16 =	vld [tilespmem:s12+$0x60];
	v13 =	vmul.f32 $1.442695020e+00, v13;
	v10 =	vpop (erf);
	(erf) = vpow2.f32 v2  }
0x6d2: {  	v25 =	vld [tilespmem:s12+$0xE0];
	v2 =	vmul.f32 $1.442695020e+00, v20;
	v35 =	vpop (erf);
	(erf) = vpow2.f32 v15  }
0x6d3: {  	v15 =	vmul.f32 $1.442695020e+00, v21;
	v21 =	vld [tilespmem:s12+$0x160];
	v3 =	vpop (erf);
	(erf) = vpow2.f32 v13  }
0x6d4: {  	v26 =	vld [tilespmem:s12+$0xFFFFFE70];
	v13 =	vmul.f32 $1.442695020e+00, v22;
	(erf) = vpow2.f32 v2;
	v6 =	vpop (erf)  }
0x6d5: {  	v2 =	vmul.f32 $1.442695020e+00, v24;
	(erf) = vpow2.f32 v15;
	v63 =	vpop (erf)  }
0x6d6: {  	v16 =	vmul.f32 $1.442695020e+00, v16;
	v20 =	vpop (erf);
	(erf) = vpow2.f32 v13  }
0x6d7: {  	v22 =	vmul.f32 $1.442695020e+00, v25;
	v15 =	vpop (erf);
	(erf) = vpow2.f32 v2  }
0x6d8: {  	v2 =	vmul.f32 $1.442695020e+00, v21;
	v13 =	vpop (erf);
	(erf) = vpow2.f32 v16  }
0x6d9: {  	v21 =	vmul.f32 $1.442695020e+00, v26;
	v16 =	vadd.f32 v17, v1;
	v37 =	vpop (erf);
	(erf) = vpow2.f32 v22  }
0x6da: {  	v1 =	vpop (erf);
	(erf) = vpow2.f32 v2  }
0x6db: {  	v2 =	vadd.f32 v38, v16;
	(erf) = vpow2.f32 v21;
	v45 =	vpop (erf)  }
0x6dc: {  	v0 =	vpop (erf)  }
0x6dd: {  	v2 =	vadd.f32 v9, v2;
	v22 =	vpop (erf)  }
0x6de: {  	v21 =	vpop (erf)  }
0x6df: {  	v2 =	vadd.f32 v12, v2;
	v51 =	vpop (erf)  }
0x6e0: {  	v26 =	vadd.f32 v23, v18;
	v47 =	vpop (erf)  }
0x6e1: {  	v27 =	vld [tilespmem:s12+$0xFFFFFFF0];
	v2 =	vadd.f32 v20, v2;
	v61 =	vpop (erf)  }
0x6e2: {  	v30 =	vld [tilespmem:s12+$0x70];
	v26 =	vadd.f32 v5, v26;
	v17 =	vpop (erf)  }
0x6e3: {  	v16 =	vld [tilespmem:s12+$0xFFFFFEF0];
	v2 =	vadd.f32 v22, v2;
	v56 =	vpop (erf)  }
0x6e4: {  	v24 =	vld [tilespmem:s12+$0xFFFFFF70];
	[tilespmem:$0x1F4D0] =	vst v31;
	v26 =	vadd.f32 v33, v26;
	v25 =	vpop (erf)  }
0x6e5: {  	[tilespmem:$0x1F4E0] =	vst v52;
	v2 =	vadd.f32 v25, v2  }
0x6e6: {  	v29 =	vadd.f32 v41, v36;
	[tilespmem:$0x1F4F0] =	vst v48;
	v26 =	vadd.f32 v11, v26  }
0x6e7: {  	v58 =	vadd.f32 v62, v46;
	v27 =	vmul.f32 $1.442695020e+00, v27;
	[tilespmem:$0x1F500] =	vst v49;
	v28 =	vperm.xlane v2, v32  }
0x6e8: {  	v30 =	vmul.f32 $1.442695020e+00, v30;
	[tilespmem:$0x1F510] =	vst v42;
	v16 =	vmul.f32 $1.442695020e+00, v16;
	v26 =	vadd.f32 v15, v26  }
0x6e9: {  	v24 =	vmul.f32 $1.442695020e+00, v24;
	v2 =	vadd.f32 v2, v28;
	v28 =	vadd.f32 v52, v31;
	v31 =	vld [tilespmem:s12+$0xF0];
	[tilespmem:$0x1F520] =	vst v46  }
0x6ea: {  	(erf) = vpow2.f32 v16;
	v16 =	vadd.f32 v19, v29;
	v29 =	vadd.f32 v55, v42;
	v46 =	vld [tilespmem:s12+$0x170]  }
0x6eb: {  	v26 =	vadd.f32 v21, v26;
	(erf) = vpow2.f32 v24;
	v24 =	vadd.f32 v49, v48  }
0x6ec: {  	v29 =	vadd.f32 v59, v29;
	(erf) = vpow2.f32 v27;
	v27 =	vadd.f32 v53, v58  }
0x6ed: {  	v16 =	vadd.f32 v39, v16;
	v24 =	vadd.f32 v50, v24;
	(erf) = vpow2.f32 v30  }
0x6ee: {  	v29 =	vadd.f32 v60, v29;
	v28 =	vadd.f32 v4, v28;
	v30 =	vmul.f32 $1.442695020e+00, v31  }
0x6ef: {  	v27 =	vadd.f32 v57, v27;
	v24 =	vadd.f32 v7, v24;
	v31 =	vmul.f32 $1.442695020e+00, v46  }
0x6f0: {  	v16 =	vadd.f32 v10, v16;
	v28 =	vadd.f32 v34, v28;
	(erf) = vpow2.f32 v30  }
0x6f1: {  	v29 =	vadd.f32 v6, v29;
	v24 =	vadd.f32 v3, v24;
	(erf) = vpow2.f32 v31  }
0x6f2: {  	v27 =	vadd.f32 v63, v27;
	v28 =	vadd.f32 v35, v28  }
0x6f3: {  	v16 =	vadd.f32 v13, v16;
	v24 =	vadd.f32 v1, v24  }
0x6f4: {  	v29 =	vadd.f32 v45, v29;
	v28 =	vadd.f32 v37, v28  }
0x6f5: {  	v16 =	vadd.f32 v51, v16;
	v24 =	vadd.f32 v61, v24;
	v31 =	vpop (erf)  }
0x6f6: {  	[tilespmem:$0x1F540] =	vst v60;
	v28 =	vadd.f32 v47, v28;
	v60 =	vpop (erf);
	v26 =	vadd.f32 v31, v26  }
0x6f7: {  	[tilespmem:$0x1F550] =	vst v57;
	v30 =	vadd.f32 v0, v27;
	v57 =	vpop (erf);
	v16 =	vadd.f32 v60, v16  }
0x6f8: {  	[tilespmem:$0x1F530] =	vst v53;
	v46 =	vmov v1;
	v1 =	vpop (erf);
	v28 =	vadd.f32 v57, v28;
	v53 =	vperm.xlane v26, v32  }
0x6f9: {  	[tilespmem:$0x1F560] =	vst v0;
	v30 =	vadd.f32 v56, v30;
	v24 =	vadd.f32 v1, v24;
	v27 =	vperm.xlane v16, v32;
	v0 =	vpop (erf)  }
0x6fa: {  	[tilespmem:$0x1F590] =	vst v56;
	v29 =	vadd.f32 v17, v29;
	v26 =	vadd.f32 v26, v53;
	v58 =	vperm.xlane v28, v32;
	v56 =	vpop (erf)  }
0x6fb: {  	v16 =	vadd.f32 v16, v27;
	v27 =	vperm.xlane v24, v32;
	v30 =	vadd.f32 v56, v30  }
0x6fc: {  	[tilespmem:$0x1F570] =	vst v61;
	v61 =	vperm.xlane v2, v43;
	v29 =	vadd.f32 v0, v29;
	v28 =	vadd.f32 v28, v58  }
0x6fd: {  	[tilespmem:$0x1F5C0] =	vst v56;
	v24 =	vadd.f32 v24, v27;
	v27 =	vperm.xlane v26, v43;
	v56 =	vperm.xlane v30, v32  }
0x6fe: {  	v2 =	vadd.f32 v2, v61;
	[tilespmem:$0x1F5B0] =	vst v0;
	v58 =	vperm.xlane v16, v43;
	v0 =	vperm.xlane v29, v32  }
0x6ff: {  	v26 =	vadd.f32 v26, v27;
	v27 =	vperm.xlane v28, v43;
	v30 =	vadd.f32 v30, v56  }
0x700: {  	v48 =	vperm.xlane v2, v54;
	v29 =	vadd.f32 v29, v0  }
0x701: {  	v16 =	vadd.f32 v16, v58;
	v28 =	vadd.f32 v28, v27;
	v27 =	vperm.xlane v30, v43  }
0x702: {  	v2 =	vadd.f32 v2, v48;
	v0 =	vperm.xlane v24, v43;
	v61 =	vperm.xlane v29, v43  }
0x703: {  	v43 =	vmovc v55;
	v55 =	vperm.xlane v26, v54;
	v30 =	vadd.f32 v30, v27;
	v27 =	vperm.xlane v16, v54  }
0x704: {  	v24 =	vadd.f32 v24, v0;
	v29 =	vadd.f32 v29, v61  }
0x705: {  	v0 =	vperm.xlane v28, v54;
	v26 =	vadd.f32 v26, v55;
	v16 =	vadd.f32 v16, v27  }
0x706: {  	v53 =	vperm.xlane v2, v40;
	v27 =	vperm.xlane v29, v54  }
0x707: {  	v28 =	vadd.f32 v28, v0;
	v58 =	vperm.xlane v26, v40;
	v0 =	vperm.xlane v16, v40  }
0x708: {  	v2 =	vadd.f32 v2, v53;
	v29 =	vadd.f32 v29, v27;
	v27 =	vperm.xlane v30, v54  }
0x709: {  	v26 =	vadd.f32 v26, v58;
	v16 =	vadd.f32 v16, v0;
	v0 =	vld [tilespmem:$0x1F5D0]  }
0x70a: {  	(erf) = vrcp.f32 v2;
	v2 =	vperm.xlane v28, v40;
	v30 =	vadd.f32 v30, v27  }
0x70b: {  	[tilespmem:$0x1F5A0] =	vst v1;
	v1 =	vmul.f32 v14, v44;
	(erf) = vrcp.f32 v26  }
0x70c: {  	[tilespmem:$0x1F580] =	vst v17;
	s12 =	simm.s32 $0x1B1D0;
	v2 =	vadd.f32 v28, v2;
	(erf) = vrcp.f32 v16;
	v16 =	vperm.xlane v30, v40  }
0x70d: {  	v56 =	vperm.xlane v24, v54;
	[tilespmem:s12+$0x220] =	vst v1  }
0x70e: {  	(erf) = vrcp.f32 v2;
	v2 =	vadd.f32 v30, v16;
	v16 =	vmul.f32 v14, v0;
	v0 =	vld [tilespmem:$0x1F5E0];
	_ =	sdelay $0x1  }
0x70f: {  	v24 =	vadd.f32 v24, v56;
	_ =	sdelay $0x1  }
0x710: {  	v61 =	vperm.xlane v24, v40;
	[tilespmem:s12+$0x1B0] =	vst v16  }
0x711: {  	v26 =	vperm.xlane v29, v40;
	v1 =	vmul.f32 v14, v0;
	v0 =	vld [tilespmem:$0x1F5F0]  }
0x712: {  	v28 =	vadd.f32 v24, v61  }
0x713: {  	v26 =	vadd.f32 v29, v26  }
0x714: {  	(erf) = vrcp.f32 v28  }
0x715: {  	(erf) = vrcp.f32 v26;
	[tilespmem:s12+$0x1C0] =	vst v1  }
0x716: {  	(erf) = vrcp.f32 v2;
	v2 =	vmul.f32 v14, v0;
	v0 =	vld [tilespmem:$0x1F600];
	_ =	sdelay $0x4  }
0x717: {  	v16 =	vmul.f32 v14, v0;
	v0 =	vld [tilespmem:$0x1F610];
	_ =	sdelay $0x3  }
0x718: {  	[tilespmem:s12+$0x1D0] =	vst v2  }
0x719: {  	v26 =	vmul.f32 v14, v0;
	v0 =	vld [tilespmem:$0x1F620];
	_ =	sdelay $0x4  }
0x71a: {  	v2 =	vmul.f32 v14, v0;
	v0 =	vld [tilespmem:$0x1F630];
	[tilespmem:s12+$0x1E0] =	vst v16  }
0x71b: {  	v42 =	vmov v50;
	v50 =	vmov v3;
	v3 =	vld [tilespmem:$0x1F640];
	_ =	sdelay $0x3  }
0x71c: {  	v1 =	vmul.f32 v14, v0;
	v0 =	vpop (erf)  }
0x71d: {  	v8 =	vmov v5;
	v5 =	vmul.f32 v0, v3;
	v3 =	vld [tilespmem:$0x1F650]  }
0x71e: {  	v24 =	vmov v6;
	[tilespmem:s12+$0x1F0] =	vst v26;
	v6 =	vmul.f32 v0, v38;
	v26 =	vpop (erf)  }
0x71f: {  	v9 =	vmul.f32 v0, v9;
	v28 =	vmul.f32 v26, v23  }
0x720: {  	v16 =	vmul.f32 v26, v15;
	[tilespmem:s12+$0xFFFFFDC0] =	vst v5;
	v5 =	vmul.f32 v0, v12  }
0x721: {  	v15 =	vmul.f32 v26, v21;
	v12 =	vmul.f32 v0, v20;
	[tilespmem:s12+$0xFFFFFDE0] =	vst v6  }
0x722: {  	v6 =	vmul.f32 v26, v18;
	[tilespmem:s12+$0xFFFFFE00] =	vst v5;
	v14 =	vmul.f32 v0, v3  }
0x723: {  	v20 =	vmul.f32 v26, v33;
	[tilespmem:s12+$0xFFFFFE10] =	vst v12;
	v12 =	vmul.f32 v26, v31  }
0x724: {  	v5 =	vpop (erf);
	[tilespmem:s12+$0xFFFFFDD0] =	vst v14;
	v14 =	vmul.f32 v0, v22;
	v0 =	vmul.f32 v0, v25  }
0x725: {  	v52 =	vmov v4;
	[tilespmem:s12+$0xFFFFFDF0] =	vst v9;
	v25 =	vmul.f32 v26, v8;
	v22 =	vmul.f32 v26, v11;
	v4 =	vpop (erf)  }
0x726: {  	[tilespmem:s12+$0xFFFFFE50] =	vst v6;
	v9 =	vmul.f32 v5, v41;
	v11 =	vmul.f32 v5, v19;
	v38 =	vpop (erf)  }
0x727: {  	v44 =	vmov v59;
	v3 =	vmul.f32 v5, v39;
	[tilespmem:s12+$0xFFFFFE20] =	vst v14;
	v14 =	vmul.f32 v5, v36;
	v36 =	vpop (erf)  }
0x728: {  	s14 =	simm.s32 $0x0;
	s16 =	simm.s32 $0x16590;
	s13 =	simm.s32 $0x1B1D0;
	v27 =	vmov v7;
	v6 =	vmul.f32 v5, v10;
	[tilespmem:s12+$0xFFFFFE30] =	vst v0;
	v0 =	vmul.f32 v5, v13;
	v33 =	vpop (erf)  }
.LBB2_16:
0x729: {  	v7 =	vld [tilespmem:s16+$0x180]  }
0x72a: {  	v10 =	vld [tilespmem:s16+$0x190]  }
0x72b: {  	v13 =	vld [tilespmem:$0x1F4D0];
	[tilespmem:s12+$0xFFFFFE90] =	vst v22  }
0x72c: {  	v17 =	vld [tilespmem:$0x1F4E0];
	[tilespmem:s12+$0xFFFFFEE0] =	vst v14  }
0x72d: {  	v21 =	vld [tilespmem:s16+$0xFFFFFE10];
	[tilespmem:s12+$0xFFFFFE60] =	vst v28  }
0x72e: {  	v29 =	vld [tilespmem:s16+$0x1B0];
	[tilespmem:s12+$0xFFFFFE70] =	vst v25  }
0x72f: {  	[tilespmem:s12+$0xFFFFFE80] =	vst v20;
	v25 =	vld [tilespmem:s16+$0x1A0]  }
0x730: {  	v28 =	vld [tilespmem:s16+$0xFFFFFE80];
	[tilespmem:s12+$0xFFFFFEA0] =	vst v16  }
0x731: {  	v8 =	vmul.f32 v5, v51;
	[tilespmem:s12+$0xFFFFFEB0] =	vst v15;
	v15 =	vld [tilespmem:$0x1F4F0];
	v7 =	vmul.f32 $1.442695020e+00, v7  }
0x732: {  	v5 =	vmul.f32 v5, v60;
	v23 =	vmul.f32 v4, v34;
	v18 =	vld [tilespmem:s16+$0xFFFFFE90];
	[tilespmem:s12+$0xFFFFFEC0] =	vst v12  }
0x733: {  	v22 =	vmul.f32 v4, v35;
	(erf) = vpow2.f32 v7;
	v7 =	vld [tilespmem:s16+$0xFFFFFF00];
	[tilespmem:s12+$0xFFFFFEF0] =	vst v9  }
0x734: {  	v12 =	vld [tilespmem:$0x1F500];
	v13 =	vmul.f32 v4, v13;
	v10 =	vmul.f32 $1.442695020e+00, v10;
	[tilespmem:s12+$0xFFFFFF00] =	vst v11  }
0x735: {  	v17 =	vmul.f32 v4, v17;
	v19 =	vmul.f32 $1.442695020e+00, v21;
	v11 =	vld [tilespmem:s16+$0xFFFFFF10];
	[tilespmem:s12+$0xFFFFFF10] =	vst v3  }
0x736: {  	v21 =	vld [tilespmem:s16+$0x1C0];
	v14 =	vmul.f32 $1.442695020e+00, v25;
	(erf) = vpow2.f32 v10;
	[tilespmem:s12+$0xFFFFFF20] =	vst v6  }
0x737: {  	v9 =	vmul.f32 $1.442695020e+00, v28;
	v10 =	vld [tilespmem:s16+$0x1D0];
	[tilespmem:s12+$0xFFFFFF30] =	vst v0;
	(erf) = vpow2.f32 v19  }
0x738: {  	v6 =	vld [tilespmem:s16+$0xFFFFFF80];
	[tilespmem:s12+$0xFFFFFF40] =	vst v8;
	v19 =	vmul.f32 $1.442695020e+00, v29;
	(erf) = vpow2.f32 v14  }
0x739: {  	v3 =	vmul.f32 $1.442695020e+00, v18;
	[tilespmem:s12+$0xFFFFFF50] =	vst v5;
	v14 =	vld [tilespmem:s16+$0x1E0];
	(erf) = vpow2.f32 v9  }
0x73a: {  	(erf) = vpow2.f32 v19;
	v0 =	vmul.f32 $1.442695020e+00, v7;
	v7 =	vld [tilespmem:s16+$0x1F0];
	[tilespmem:s12+$0x200] =	vst v2  }
0x73b: {  	v20 =	vmul.f32 v4, v52;
	(erf) = vpow2.f32 v3;
	v3 =	vld [tilespmem:s16+$0xFFFFFF90];
	[tilespmem:s12+$0xFFFFFF70] =	vst v13  }
0x73c: {  	v26 =	vmul.f32 v4, v37;
	v16 =	vmul.f32 v4, v47;
	[tilespmem:s12+$0xFFFFFF80] =	vst v17  }
0x73d: {  	v4 =	vmul.f32 v4, v57;
	v9 =	vmul.f32 $1.442695020e+00, v21;
	[tilespmem:s12+$0xFFFFFF90] =	vst v20  }
0x73e: {  	v15 =	vmul.f32 v38, v15;
	v12 =	vmul.f32 v38, v12;
	[tilespmem:s12+$0xFFFFFFA0] =	vst v23  }
0x73f: {  	v8 =	vmul.f32 $1.442695020e+00, v10;
	[tilespmem:s12+$0xFFFFFFB0] =	vst v22;
	(erf) = vpow2.f32 v9  }
0x740: {  	v5 =	vmul.f32 $1.442695020e+00, v11;
	[tilespmem:s12+$0xFFFFFFC0] =	vst v26;
	v9 =	vld [tilespmem:s16+$0x0];
	(erf) = vpow2.f32 v0  }
0x741: {  	[tilespmem:s12+$0xFFFFFFD0] =	vst v16;
	v0 =	vld [tilespmem:s16+$0x10];
	v10 =	vmul.f32 $1.442695020e+00, v14;
	v13 =	vpop (erf);
	(erf) = vpow2.f32 v8  }
0x742: {  	v6 =	vmul.f32 $1.442695020e+00, v6;
	[tilespmem:s12+$0xFFFFFFE0] =	vst v4;
	v8 =	vld [tilespmem:s16+$0x80];
	(erf) = vpow2.f32 v5;
	v11 =	vpop (erf)  }
0x743: {  	v5 =	vld [tilespmem:s16+$0x90];
	v7 =	vmul.f32 $1.442695020e+00, v7;
	[tilespmem:$0x1F430] =	vst v11;
	v11 =	vadd.f32 v11, v13;
	v18 =	vpop (erf);
	(erf) = vpow2.f32 v10  }
0x744: {  	[tilespmem:$0x1F420] =	vst v13;
	v3 =	vmul.f32 $1.442695020e+00, v3;
	v10 =	vld [tilespmem:s16+$0x100];
	(erf) = vpow2.f32 v6;
	v13 =	vpop (erf)  }
0x745: {  	v6 =	vmul.f32 $1.442695020e+00, v9;
	v9 =	vld [tilespmem:s16+$0x110];
	[tilespmem:$0x1F440] =	vst v13;
	v11 =	vadd.f32 v13, v11;
	v13 =	vpop (erf);
	(erf) = vpow2.f32 v7  }
0x746: {  	v7 =	vld [tilespmem:s16+$0xFFFFFE00];
	v0 =	vmul.f32 $1.442695020e+00, v0;
	[tilespmem:$0x1F490] =	vst v13;
	(erf) = vpow2.f32 v3;
	v14 =	vpop (erf)  }
0x747: {  	v3 =	vld [tilespmem:s16+$0xFFFFFE20];
	v8 =	vmul.f32 $1.442695020e+00, v8;
	[tilespmem:$0x1F450] =	vst v14;
	v11 =	vadd.f32 v14, v11;
	v14 =	vpop (erf);
	(erf) = vpow2.f32 v6  }
0x748: {  	v6 =	vld [tilespmem:s16+$0xFFFFFEA0];
	v5 =	vmul.f32 $1.442695020e+00, v5;
	[tilespmem:$0x1F4A0] =	vst v14;
	v4 =	vadd.f32 v14, v13;
	(erf) = vpow2.f32 v0;
	v13 =	vpop (erf)  }
0x749: {  	v0 =	vld [tilespmem:s16+$0xFFFFFF20];
	v10 =	vmul.f32 $1.442695020e+00, v10;
	[tilespmem:$0x1F460] =	vst v13;
	v14 =	vadd.f32 v13, v11;
	v13 =	vpop (erf);
	(erf) = vpow2.f32 v8  }
0x74a: {  	[tilespmem:s12+$0x10] =	vst v12;
	v8 =	vld [tilespmem:s16+$0xFFFFFFA0];
	v9 =	vmul.f32 $1.442695020e+00, v9;
	(erf) = vpow2.f32 v5;
	v12 =	vpop (erf)  }
0x74b: {  	[tilespmem:s12+$0x0] =	vst v15;
	v2 =	vmul.f32 $1.442695020e+00, v7;
	v11 =	vpop (erf);
	(erf) = vpow2.f32 v10  }
0x74c: {  	[tilespmem:s12+$0x210] =	vst v1;
	v5 =	vld [tilespmem:s16+$0x20];
	v1 =	vmul.f32 $1.442695020e+00, v3;
	(erf) = vpow2.f32 v9;
	v49 =	vpop (erf)  }
0x74d: {  	[tilespmem:$0x1F4B0] =	vst v13;
	v10 =	vld [tilespmem:s16+$0xA0];
	v3 =	vadd.f32 v11, v13;
	v6 =	vmul.f32 $1.442695020e+00, v6;
	(erf) = vpow2.f32 v2;
	v13 =	vpop (erf)  }
0x74e: {  	[tilespmem:$0x1F4C0] =	vst v11;
	v9 =	vld [tilespmem:s16+$0x120];
	v11 =	vmul.f32 $1.442695020e+00, v0;
	(erf) = vpow2.f32 v1;
	v0 =	vpop (erf)  }
0x74f: {  	v7 =	vadd.f32 v12, v14;
	v2 =	vld [tilespmem:s16+$0xFFFFFE30];
	v1 =	vmul.f32 $1.442695020e+00, v8;
	(erf) = vpow2.f32 v6;
	v8 =	vpop (erf)  }
0x750: {  	v14 =	vpop (erf)  }
0x751: {  	[tilespmem:$0x1F470] =	vst v12;
	v12 =	vld [tilespmem:s16+$0xFFFFFEB0];
	v7 =	vadd.f32 v49, v7;
	v5 =	vmul.f32 $1.442695020e+00, v5;
	v15 =	vpop (erf)  }
0x752: {  	v48 =	vmov v62;
	v28 =	vld [tilespmem:s16+$0xC0];
	(erf) = vpow2.f32 v11;
	v10 =	vmul.f32 $1.442695020e+00, v10;
	v62 =	vpop (erf)  }
0x753: {  	[tilespmem:$0x1F410] =	vst v63;
	v25 =	vld [tilespmem:s16+$0xFFFFFF40];
	v7 =	vadd.f32 v0, v7;
	v9 =	vmul.f32 $1.442695020e+00, v9;
	(erf) = vpow2.f32 v1;
	v1 =	vpop (erf)  }
0x754: {  	v17 =	vld [tilespmem:$0x1FFB0];
	[tilespmem:$0x1F4D0] =	vst v13;
	v16 =	vmul.f32 $1.442695020e+00, v2;
	(erf) = vpow2.f32 v5;
	v2 =	vpop (erf)  }
0x755: {  	v29 =	vld [tilespmem:s16+$0x140];
	[tilespmem:$0x1F4E0] =	vst v8;
	v8 =	vadd.f32 v8, v13;
	v13 =	vperm.xlane v7, v32;
	(erf) = vpow2.f32 v10;
	v63 =	vpop (erf)  }
0x756: {  	v6 =	vld [tilespmem:s16+$0xFFFFFF30];
	v5 =	vmul.f32 $1.442695020e+00, v12;
	(erf) = vpow2.f32 v9;
	v55 =	vpop (erf)  }
0x757: {  	v11 =	vld [tilespmem:s16+$0xFFFFFFB0];
	v7 =	vadd.f32 v7, v13;
	v56 =	vpop (erf);
	(erf) = vpow2.f32 v16  }
0x758: {  	[tilespmem:$0x1F4F0] =	vst v14;
	v54 =	vpop (erf);
	(erf) = vpow2.f32 v5;
	v5 =	vld [tilespmem:$0x1FFC0]  }
0x759: {  	[tilespmem:$0x1F500] =	vst v15;
	v14 =	vadd.f32 v15, v14;
	v15 =	vld [tilespmem:s16+$0x30];
	v21 =	vperm.xlane v7, v17  }
0x75a: {  	v20 =	vld [tilespmem:s16+$0xB0]  }
0x75b: {  	v28 =	vmul.f32 $1.442695020e+00, v28;
	v13 =	vld [tilespmem:s16+$0x130];
	v6 =	vmul.f32 $1.442695020e+00, v6;
	v7 =	vadd.f32 v7, v21  }
0x75c: {  	v25 =	vmul.f32 $1.442695020e+00, v25;
	v29 =	vmul.f32 $1.442695020e+00, v29  }
0x75d: {  	v10 =	vld [tilespmem:s16+$0xFFFFFE40];
	v11 =	vmul.f32 $1.442695020e+00, v11;
	v17 =	vperm.xlane v7, v5  }
0x75e: {  	v26 =	vld [tilespmem:s16+$0x40];
	v15 =	vmul.f32 $1.442695020e+00, v15;
	v53 =	vpop (erf);
	(erf) = vpow2.f32 v6  }
0x75f: {  	v20 =	vmul.f32 $1.442695020e+00, v20;
	v9 =	vld [tilespmem:s16+$0xFFFFFEC0];
	v6 =	vpop (erf);
	(erf) = vpow2.f32 v11;
	v30 =	vadd.f32 v7, v17  }
0x760: {  	v13 =	vmul.f32 $1.442695020e+00, v13;
	v11 =	vld [tilespmem:s16+$0xFFFFFE50];
	v52 =	vmov v6;
	v5 =	vpop (erf);
	(erf) = vpow2.f32 v15  }
0x761: {  	v21 =	vld [tilespmem:s16+$0xFFFFFFC0];
	v8 =	vadd.f32 v6, v8;
	v6 =	vpop (erf);
	(erf) = vpow2.f32 v20;
	v31 =	vperm.xlane v30, v40  }
0x762: {  	v12 =	vadd.f32 v1, v62;
	v10 =	vmul.f32 $1.442695020e+00, v10;
	v15 =	vld [tilespmem:s16+$0xFFFFFED0];
	v7 =	vpop (erf);
	(erf) = vpow2.f32 v13  }
0x763: {  	v26 =	vmul.f32 $1.442695020e+00, v26;
	v22 =	vadd.f32 v63, v2;
	v20 =	vld [tilespmem:s16+$0xFFFFFF50];
	v30 =	vadd.f32 v30, v31  }
0x764: {  	v16 =	vadd.f32 v18, v55;
	v9 =	vmul.f32 $1.442695020e+00, v9;
	v13 =	vld [tilespmem:s16+$0xFFFFFFD0];
	v61 =	vpop (erf);
	(erf) = vpow2.f32 v10  }
0x765: {  	v4 =	vadd.f32 v54, v4;
	v10 =	vmul.f32 $1.442695020e+00, v11;
	v11 =	vld [tilespmem:s16+$0xD0];
	v59 =	vpop (erf);
	(erf) = vrcp.f32 v30  }
0x766: {  	v3 =	vadd.f32 v53, v3;
	v21 =	vmul.f32 $1.442695020e+00, v21;
	v31 =	vld [tilespmem:s16+$0x50];
	(erf) = vpow2.f32 v9  }
0x767: {  	v14 =	vadd.f32 v5, v14;
	v15 =	vmul.f32 $1.442695020e+00, v15;
	v58 =	vpop (erf);
	v30 =	vld [tilespmem:s16+$0x150];
	(erf) = vpow2.f32 v25  }
0x768: {  	v40 =	vadd.f32 v59, v4;
	v4 =	vld [tilespmem:s16+$0xFFFFFEE0];
	v20 =	vmul.f32 $1.442695020e+00, v20;
	v34 =	vpop (erf);
	(erf) = vpow2.f32 v21  }
0x769: {  	v51 =	vadd.f32 v6, v12;
	v41 =	vmul.f32 $1.442695020e+00, v13;
	v9 =	vld [tilespmem:s16+$0xFFFFFE60];
	v12 =	vpop (erf);
	(erf) = vpow2.f32 v26  }
0x76a: {  	v11 =	vmul.f32 $1.442695020e+00, v11;
	v25 =	vadd.f32 v58, v3;
	v3 =	vld [tilespmem:s16+$0xFFFFFF60];
	v13 =	vpop (erf);
	(erf) = vpow2.f32 v28  }
0x76b: {  	v21 =	vmul.f32 $1.442695020e+00, v31;
	v31 =	vadd.f32 v12, v14;
	v14 =	vpop (erf);
	(erf) = vpow2.f32 v29  }
0x76c: {  	v22 =	vadd.f32 v7, v22;
	v30 =	vmul.f32 $1.442695020e+00, v30;
	(erf) = vpow2.f32 v10  }
0x76d: {  	v16 =	vadd.f32 v56, v16;
	v26 =	vld [tilespmem:s16+$0xFFFFFFE0];
	v10 =	vmul.f32 $1.442695020e+00, v4;
	v4 =	vpop (erf);
	(erf) = vpow2.f32 v15  }
0x76e: {  	v60 =	vadd.f32 v14, v22;
	v22 =	vld [tilespmem:s16+$0x160];
	v29 =	vmul.f32 $1.442695020e+00, v9;
	(erf) = vpow2.f32 v20;
	v9 =	vpop (erf)  }
0x76f: {  	v17 =	vmul.f32 $1.442695020e+00, v3;
	v3 =	vpop (erf);
	(erf) = vpow2.f32 v41  }
0x770: {  	v16 =	vadd.f32 v61, v16;
	v28 =	vld [tilespmem:s16+$0x60];
	v19 =	vmul.f32 v9, v0;
	v0 =	vpop (erf);
	(erf) = vpow2.f32 v21  }
0x771: {  	v57 =	vld [tilespmem:s16+$0xE0];
	v35 =	vpop (erf);
	(erf) = vpow2.f32 v11  }
0x772: {  	v15 =	vadd.f32 v4, v16;
	v16 =	vld [tilespmem:s16+$0xFFFFFE70];
	v26 =	vmul.f32 $1.442695020e+00, v26;
	v21 =	vpop (erf);
	(erf) = vpow2.f32 v30  }
0x773: {  	v8 =	vadd.f32 v34, v8;
	v20 =	vld [tilespmem:s16+$0xFFFFFEF0];
	v23 =	vmul.f32 $1.442695020e+00, v22;
	(erf) = vpow2.f32 v29;
	v22 =	vpop (erf)  }
0x774: {  	v47 =	vld [tilespmem:s16+$0xFFFFFF70];
	v37 =	vadd.f32 v3, v40;
	v39 =	vadd.f32 v0, v25;
	(erf) = vpow2.f32 v10;
	v25 =	vpop (erf)  }
0x775: {  	v28 =	vmul.f32 $1.442695020e+00, v28;
	v29 =	vld [tilespmem:s16+$0x170];
	v11 =	vpop (erf);
	(erf) = vpow2.f32 v17  }
0x776: {  	v57 =	vmul.f32 $1.442695020e+00, v57;
	[tilespmem:$0x1F480] =	vst v18;
	v18 =	vld [tilespmem:s16+$0xFFFFFFF0];
	v40 =	vadd.f32 v35, v8;
	v10 =	vpop (erf);
	(erf) = vpow2.f32 v26  }
0x777: {  	v16 =	vmul.f32 $1.442695020e+00, v16;
	v30 =	vadd.f32 v21, v31;
	v8 =	vpop (erf);
	(erf) = vpow2.f32 v28  }
0x778: {  	v20 =	vmul.f32 $1.442695020e+00, v20;
	v26 =	vadd.f32 v10, v37;
	v37 =	vpop (erf);
	(erf) = vpow2.f32 v57  }
0x779: {  	v17 =	vmul.f32 $1.442695020e+00, v47;
	v15 =	vadd.f32 v11, v15;
	v28 =	vpop (erf);
	(erf) = vpow2.f32 v23  }
0x77a: {  	v57 =	vmul.f32 $1.442695020e+00, v29;
	(erf) = vpow2.f32 v16;
	v29 =	vpop (erf)  }
0x77b: {  	v18 =	vmul.f32 $1.442695020e+00, v18;
	v23 =	vadd.f32 v28, v30;
	(erf) = vpow2.f32 v20;
	v30 =	vpop (erf)  }
0x77c: {  	v51 =	vadd.f32 v13, v51;
	v20 =	vpop (erf);
	(erf) = vpow2.f32 v17  }
0x77d: {  	s12 =	sadd.s32 $0x480, s12;
	v41 =	vadd.f32 v20, v15;
	v15 =	vpop (erf);
	(erf) = vpow2.f32 v18;
	v18 =	vmul.f32 v38, v50  }
0x77e: {  	[tilespmem:s12+$0x220] =	vst v19;
	v19 =	vld [tilespmem:s16+$0x70]  }
0x77f: {  	v51 =	vadd.f32 v22, v51;
	[tilespmem:s13+$0x40] =	vst v18;
	v18 =	vld [tilespmem:$0x1F570];
	_ =	sdelay $0x1  }
0x780: {  	v16 =	vadd.f32 v29, v51;
	v51 =	vmul.f32 v38, v42;
	_ =	sdelay $0x1  }
0x781: {  	v31 =	vld [tilespmem:s16+$0xF0];
	v17 =	vmul.f32 v38, v27  }
0x782: {  	[tilespmem:s13+$0x20] =	vst v51;
	v18 =	vmul.f32 v38, v18  }
0x783: {  	[tilespmem:s13+$0x30] =	vst v17;
	v17 =	vmul.f32 v38, v46;
	v51 =	vpop (erf)  }
0x784: {  	v47 =	vpop (erf);
	[tilespmem:s13+$0x60] =	vst v18;
	v18 =	vld [tilespmem:$0x1F510]  }
0x785: {  	v42 =	vadd.f32 v15, v26;
	[tilespmem:s13+$0x50] =	vst v17;
	v17 =	vld [tilespmem:$0x1F5A0];
	v26 =	vpop (erf)  }
0x786: {  	v19 =	vmul.f32 $1.442695020e+00, v19;
	v31 =	vmul.f32 $1.442695020e+00, v31;
	[tilespmem:$0x1F570] =	vst v26;
	v23 =	vadd.f32 v26, v23;
	v26 =	vld [tilespmem:$0x1F540]  }
0x787: {  	v60 =	vadd.f32 v25, v60;
	v39 =	vadd.f32 v8, v39  }
0x788: {  	v40 =	vadd.f32 v37, v40;
	v27 =	vmul.f32 v36, v43;
	(erf) = vpow2.f32 v19  }
0x789: {  	v19 =	vadd.f32 v51, v39;
	(erf) = vpow2.f32 v31;
	v18 =	vmul.f32 v36, v18  }
0x78a: {  	[tilespmem:s13+$0xA0] =	vst v27;
	v39 =	vadd.f32 v47, v40;
	(erf) = vpow2.f32 v57;
	v31 =	vpop (erf);
	v17 =	vmul.f32 v38, v17  }
0x78b: {  	v40 =	vadd.f32 v31, v16;
	v16 =	vpop (erf);
	v50 =	vmul.f32 v36, v26;
	[tilespmem:s13+$0x90] =	vst v18;
	v18 =	vmul.f32 v36, v24;
	v24 =	vld [tilespmem:$0x1F580]  }
0x78c: {  	v60 =	vadd.f32 v30, v60;
	v27 =	vld [tilespmem:$0x1F5B0];
	v38 =	vpop (erf);
	[tilespmem:s13+$0x70] =	vst v17  }
0x78d: {  	v17 =	vmul.f32 v36, v44;
	v26 =	vpop (erf);
	[tilespmem:s13+$0xC0] =	vst v50;
	v50 =	vld [tilespmem:$0x1F530]  }
0x78e: {  	v42 =	vadd.f32 v26, v42  }
0x78f: {  	v45 =	vmul.f32 v36, v45;
	v46 =	vmul.f32 v33, v48;
	v41 =	vadd.f32 v38, v41;
	[tilespmem:s13+$0xB0] =	vst v17;
	v17 =	vld [tilespmem:$0x1F520]  }
0x790: {  	v44 =	vadd.f32 v16, v60;
	v60 =	vpop (erf);
	v48 =	vperm.xlane v42, v32;
	v24 =	vmul.f32 v36, v24  }
0x791: {  	v19 =	vadd.f32 v60, v19;
	v57 =	vpop (erf);
	v36 =	vmul.f32 v36, v27;
	v27 =	vperm.xlane v41, v32  }
0x792: {  	v39 =	vadd.f32 v57, v39;
	v43 =	vmul.f32 v33, v50;
	v50 =	vpop (erf)  }
0x793: {  	[tilespmem:$0x1F5A0] =	vst v50;
	v23 =	vadd.f32 v50, v23;
	v50 =	vpop (erf);
	v27 =	vadd.f32 v41, v27;
	v41 =	vperm.xlane v19, v32  }
0x794: {  	v42 =	vadd.f32 v42, v48;
	v17 =	vmul.f32 v33, v17;
	[tilespmem:$0x1F5B0] =	vst v50;
	v40 =	vadd.f32 v50, v40;
	v48 =	vpop (erf);
	v50 =	vld [tilespmem:$0x1FFB0]  }
0x795: {  	[tilespmem:s13+$0xE0] =	vst v45;
	v19 =	vadd.f32 v19, v41;
	v41 =	vadd.f32 v48, v44;
	v44 =	vld [tilespmem:$0x1FFB0]  }
0x796: {  	[tilespmem:s13+$0x120] =	vst v17;
	v17 =	vld [tilespmem:$0x1FFB0]  }
0x797: {  	v45 =	vperm.xlane v39, v32;
	[tilespmem:s13+$0xD0] =	vst v18  }
0x798: {  	v18 =	vld [tilespmem:$0x1F550];
	[tilespmem:s13+$0x140] =	vst v43  }
0x799: {  	v39 =	vadd.f32 v39, v45;
	v43 =	vld [tilespmem:$0x1FFB0];
	[tilespmem:s13+$0xF0] =	vst v24;
	v24 =	vperm.xlane v23, v32;
	v45 =	vperm.xlane v19, v50  }
0x79a: {  	[tilespmem:s13+$0x100] =	vst v36;
	v50 =	vld [tilespmem:$0x1FFB0];
	v36 =	vperm.xlane v27, v44;
	v44 =	vperm.xlane v40, v32  }
0x79b: {  	v17 =	vperm.xlane v42, v17  }
0x79c: {  	v23 =	vadd.f32 v23, v24;
	v24 =	vperm.xlane v41, v32;
	v40 =	vadd.f32 v40, v44;
	v44 =	vld [tilespmem:$0x1FFC0]  }
0x79d: {  	v18 =	vmul.f32 v33, v18;
	v17 =	vadd.f32 v42, v17  }
0x79e: {  	[tilespmem:s13+$0x130] =	vst v46;
	v24 =	vadd.f32 v41, v24;
	v27 =	vadd.f32 v27, v36;
	v36 =	vperm.xlane v23, v43  }
0x79f: {  	[tilespmem:s13+$0x150] =	vst v18;
	v18 =	vadd.f32 v19, v45;
	v46 =	vperm.xlane v39, v50;
	v50 =	vmovc v62;
	v62 =	vmov v2  }
0x7a0: {  	v45 =	vld [tilespmem:$0x1FFF0];
	[tilespmem:$0x1F510] =	vst v50;
	v50 =	vperm.xlane v24, v43;
	v19 =	vperm.xlane v40, v43;
	v23 =	vadd.f32 v23, v36  }
0x7a1: {  	[tilespmem:$0x1F520] =	vst v62;
	v39 =	vadd.f32 v39, v46;
	v43 =	vmov v1;
	v1 =	vperm.xlane v27, v44  }
0x7a2: {  	v62 =	vmovc v63;
	v19 =	vadd.f32 v40, v19;
	v41 =	vperm.xlane v17, v44;
	v63 =	vperm.xlane v23, v44  }
0x7a3: {  	v24 =	vadd.f32 v24, v50;
	v2 =	vperm.xlane v18, v44;
	v1 =	vadd.f32 v27, v1  }
0x7a4: {  	v42 =	vmovc v5;
	v40 =	vperm.xlane v39, v44;
	v50 =	vperm.xlane v19, v44;
	v5 =	vadd.f32 v17, v41  }
0x7a5: {  	v2 =	vadd.f32 v18, v2;
	v17 =	vperm.xlane v24, v44;
	v44 =	vmovc v6;
	v6 =	vperm.xlane v1, v45  }
0x7a6: {  	v23 =	vadd.f32 v23, v63;
	v63 =	vmov v7;
	v7 =	vperm.xlane v5, v45  }
0x7a7: {  	v1 =	vadd.f32 v1, v6;
	v6 =	vperm.xlane v2, v45  }
0x7a8: {  	v5 =	vadd.f32 v5, v7  }
0x7a9: {  	v2 =	vadd.f32 v2, v6;
	(erf) = vrcp.f32 v1  }
0x7aa: {  	(erf) = vrcp.f32 v5  }
0x7ab: {  	(erf) = vrcp.f32 v2;
	v2 =	vld [tilespmem:$0x1F560];
	_ =	sdelay $0x2  }
0x7ac: {  	v18 =	vadd.f32 v39, v40  }
0x7ad: {  	v5 =	vld [tilespmem:$0x1F410]  }
0x7ae: {  	v27 =	vmovc v12;
	v17 =	vadd.f32 v24, v17;
	v12 =	vperm.xlane v18, v45;
	v2 =	vmul.f32 v33, v2;
	_ =	sdelay $0x1  }
0x7af: {  	v6 =	vadd.f32 v18, v12;
	v12 =	vperm.xlane v17, v45;
	[tilespmem:s13+$0x170] =	vst v2;
	v2 =	vld [tilespmem:$0x1F5C0]  }
0x7b0: {  	v19 =	vadd.f32 v19, v50  }
0x7b1: {  	v5 =	vmul.f32 v33, v5  }
0x7b2: {  	v24 =	vmov v13;
	v13 =	vperm.xlane v19, v45  }
0x7b3: {  	v7 =	vperm.xlane v23, v45;
	v1 =	vadd.f32 v17, v12;
	v12 =	vmov v16;
	[tilespmem:s13+$0x160] =	vst v5;
	v5 =	vld [tilespmem:$0x1F590]  }
0x7b4: {  	v14 =	vmovc v14;
	(erf) = vrcp.f32 v6;
	v6 =	vmov v48;
	[tilespmem:$0x1F590] =	vst v12;
	v12 =	vld [tilespmem:$0x1F480];
	v2 =	vmul.f32 v33, v2  }
0x7b5: {  	v7 =	vadd.f32 v23, v7;
	[tilespmem:$0x1F5C0] =	vst v6;
	v6 =	vld [tilespmem:$0x1F420]  }
0x7b6: {  	v13 =	vadd.f32 v19, v13;
	[tilespmem:s13+$0x190] =	vst v2;
	v2 =	vld [tilespmem:$0x1F450]  }
0x7b7: {  	[tilespmem:$0x1F550] =	vst v14;
	v14 =	vmov v31;
	(erf) = vrcp.f32 v7  }
0x7b8: {  	[tilespmem:$0x1F580] =	vst v14;
	(erf) = vrcp.f32 v13;
	v5 =	vmul.f32 v33, v5  }
0x7b9: {  	[tilespmem:$0x1F530] =	vst v63;
	(erf) = vrcp.f32 v1;
	v1 =	vld [tilespmem:$0x1F440]  }
0x7ba: {  	v7 =	vpop (erf);
	v6 =	vmul.f32 v9, v6;
	[tilespmem:s13+$0x180] =	vst v5;
	v5 =	vld [tilespmem:$0x1F430]  }
0x7bb: {  	[tilespmem:$0x1F540] =	vst v24;
	v17 =	vmov v30;
	v12 =	vmul.f32 v7, v12;
	v13 =	vmul.f32 v9, v2;
	v2 =	vld [tilespmem:$0x1F460]  }
0x7bc: {  	[tilespmem:$0x1F560] =	vst v17  }
0x7bd: {  	v14 =	vmul.f32 v7, v61;
	[tilespmem:s12+$0xFFFFFDD0] =	vst v12;
	v12 =	vld [tilespmem:$0x1F490]  }
0x7be: {  	v1 =	vmul.f32 v9, v1;
	[tilespmem:s12+$0x1B0] =	vst v6;
	v6 =	vpop (erf)  }
0x7bf: {  	v24 =	vmov v22;
	[tilespmem:s12+$0xFFFFFDF0] =	vst v14;
	v22 =	vmul.f32 v6, v3;
	v3 =	vld [tilespmem:$0x1F4B0];
	v5 =	vmul.f32 v9, v5  }
0x7c0: {  	[tilespmem:s12+$0x1E0] =	vst v13;
	v13 =	vmul.f32 v7, v56;
	v16 =	vmul.f32 v9, v2;
	v2 =	vld [tilespmem:$0x1F470]  }
0x7c1: {  	v11 =	vmul.f32 v7, v11;
	v17 =	vmul.f32 v7, v20;
	[tilespmem:s12+$0x1D0] =	vst v1  }
0x7c2: {  	v1 =	vmul.f32 v9, v49;
	[tilespmem:s12+$0xFFFFFDE0] =	vst v13;
	v13 =	vmul.f32 v6, v12;
	v12 =	vld [tilespmem:$0x1F4A0]  }
0x7c3: {  	v63 =	vmov v25;
	v25 =	vmul.f32 v6, v54;
	v20 =	vmul.f32 v6, v59;
	[tilespmem:s12+$0x1C0] =	vst v5;
	v5 =	vpop (erf)  }
0x7c4: {  	s14 =	sadd.s32 $0x8, s14;
	[tilespmem:s12+$0xFFFFFE10] =	vst v11;
	v15 =	vmul.f32 v6, v15;
	v14 =	vmul.f32 v5, v3  }
0x7c5: {  	p0 =	slt.u32 s14, $0x48;
	[tilespmem:s12+$0xFFFFFE20] =	vst v17;
	v3 =	vld [tilespmem:$0x1F4C0];
	v2 =	vmul.f32 v9, v2;
	v9 =	vmul.f32 v7, v55  }
.Ltmp7:
0x7c6: {  	v11 =	vmul.f32 v5, v53;
	[tilespmem:s12+$0x1F0] =	vst v16;
	v16 =	vmul.f32 v6, v10;
	(pc) =	sbr.rel @p0 .LBB2_16-.Ltmp7, $4  }
0x7c7: {  	v46 =	vmov v28;
	v28 =	vmul.f32 v6, v12;
	[tilespmem:s12+$0xFFFFFDC0] =	vst v9;
	v9 =	vmul.f32 v7, v4;
	v4 =	vpop (erf)  }
0x7c8: {  	v40 =	vmov v45;
	[tilespmem:s12+$0xFFFFFE50] =	vst v13;
	v12 =	vmul.f32 v6, v26;
	v7 =	vmul.f32 v7, v38;
	v38 =	vpop (erf)  }
0x7c9: {  	v50 =	vmov v21;
	v6 =	vmul.f32 v5, v0;
	v0 =	vmul.f32 v5, v8;
	v36 =	vpop (erf);
	[tilespmem:s12+$0xFFFFFE00] =	vst v9  }
0x7ca: {  	s16 =	sadd.s32 $0x400, s16;
	v45 =	vmov v29;
	s13 =	smov.u32 s12;
	v9 =	vmul.f32 v5, v3;
	[tilespmem:s12+$0xFFFFFE30] =	vst v7;
	v3 =	vmul.f32 v5, v58;
	v33 =	vpop (erf)  }
0x7cb: {  	[tilespmem:s12+$0xFFFFFE60] =	vst v28  }
0x7cc: {  	[tilespmem:s12+$0xFFFFFE70] =	vst v25  }
0x7cd: {  	[tilespmem:s12+$0xFFFFFE80] =	vst v20  }
0x7ce: {  	[tilespmem:s12+$0xFFFFFE90] =	vst v22  }
0x7cf: {  	[tilespmem:s12+$0xFFFFFEA0] =	vst v16  }
0x7d0: {  	[tilespmem:s12+$0xFFFFFEB0] =	vst v15  }
0x7d1: {  	[tilespmem:s12+$0xFFFFFEC0] =	vst v12  }
0x7d2: {  	[tilespmem:s12+$0xFFFFFEE0] =	vst v14  }
0x7d3: {  	[tilespmem:s12+$0xFFFFFF00] =	vst v11  }
0x7d4: {  	[tilespmem:s12+$0xFFFFFF20] =	vst v6  }
0x7d5: {  	[tilespmem:s12+$0xFFFFFF30] =	vst v0  }
0x7d6: {  	[tilespmem:s12+$0xFFFFFF10] =	vst v3;
	v3 =	vmul.f32 v5, v51  }
0x7d7: {  	[tilespmem:s12+$0xFFFFFEF0] =	vst v9  }
0x7d8: {  	v5 =	vmul.f32 v5, v60;
	v0 =	vld [tilespmem:$0x1F4D0];
	[tilespmem:s12+$0xFFFFFF40] =	vst v3  }
0x7d9: {  	v3 =	vld [tilespmem:$0x1F4E0]  }
0x7da: {  	[tilespmem:s12+$0xFFFFFF50] =	vst v5;
	v5 =	vmul.f32 v4, v52;
	_ =	sdelay $0x1  }
0x7db: {  	[tilespmem:s12+$0xFFFFFF90] =	vst v5;
	v5 =	vmul.f32 v4, v37  }
0x7dc: {  	v0 =	vmul.f32 v4, v0  }
0x7dd: {  	[tilespmem:s12+$0xFFFFFFC0] =	vst v5;
	v3 =	vmul.f32 v4, v3  }
0x7de: {  	[tilespmem:s12+$0xFFFFFF70] =	vst v0;
	v0 =	vmul.f32 v4, v34  }
0x7df: {  	[tilespmem:s12+$0xFFFFFF80] =	vst v3;
	v3 =	vmul.f32 v4, v35  }
0x7e0: {  	[tilespmem:s12+$0xFFFFFFA0] =	vst v0;
	v0 =	vmul.f32 v4, v47  }
0x7e1: {  	[tilespmem:s12+$0xFFFFFFB0] =	vst v3  }
0x7e2: {  	v3 =	vmul.f32 v4, v57;
	v4 =	vld [tilespmem:$0x1F4F0];
	[tilespmem:s12+$0xFFFFFFD0] =	vst v0  }
0x7e3: {  	v0 =	vld [tilespmem:$0x1F500];
	_ =	sdelay $0x3  }
0x7e4: {  	[tilespmem:s12+$0xFFFFFFE0] =	vst v3  }
0x7e5: {  	[tilespmem:s12+$0x200] =	vst v2;
	v0 =	vmul.f32 v38, v0  }
0x7e6: {  	[tilespmem:s12+$0x210] =	vst v1;
	v4 =	vmul.f32 v38, v4  }
0x7e7: {  	[tilespmem:s12+$0x10] =	vst v0;
	v0 =	vmul.f32 v38, v42  }
0x7e8: {  	v1 =	vmul.f32 v38, v27;
	[tilespmem:s12+$0x0] =	vst v4  }
0x7e9: {  	[tilespmem:s13+$0x20] =	vst v0;
	v0 =	vmul.f32 v38, v50  }
0x7ea: {  	[tilespmem:s13+$0x30] =	vst v1  }
0x7eb: {  	[tilespmem:s13+$0x40] =	vst v0  }
0x7ec: {  	v0 =	vld [tilespmem:$0x1F570];
	_ =	sdelay $0x3  }
0x7ed: {  	v1 =	vmul.f32 v38, v46  }
0x7ee: {  	v0 =	vmul.f32 v38, v0  }
0x7ef: {  	[tilespmem:s13+$0x50] =	vst v1  }
0x7f0: {  	v1 =	vld [tilespmem:$0x1F5A0];
	[tilespmem:s13+$0x60] =	vst v0  }
0x7f1: {  	v0 =	vld [tilespmem:$0x1F510];
	_ =	sdelay $0x3  }
0x7f2: {  	v1 =	vmul.f32 v38, v1  }
0x7f3: {  	v0 =	vmul.f32 v36, v0  }
0x7f4: {  	[tilespmem:s13+$0x70] =	vst v1  }
0x7f5: {  	[tilespmem:s13+$0x90] =	vst v0  }
0x7f6: {  	v0 =	vld [tilespmem:$0x1F540];
	_ =	sdelay $0x2  }
0x7f7: {  	v2 =	vmul.f32 v36, v43  }
0x7f8: {  	v1 =	vmul.f32 v36, v44  }
0x7f9: {  	[tilespmem:s13+$0xA0] =	vst v2;
	v0 =	vmul.f32 v36, v0  }
0x7fa: {  	v2 =	vmul.f32 v36, v24;
	[tilespmem:s13+$0xB0] =	vst v1  }
0x7fb: {  	v1 =	vmul.f32 v36, v45;
	[tilespmem:s13+$0xC0] =	vst v0  }
0x7fc: {  	v0 =	vld [tilespmem:$0x1F580];
	[tilespmem:s13+$0xD0] =	vst v2  }
0x7fd: {  	v2 =	vld [tilespmem:$0x1F5B0];
	[tilespmem:s13+$0xE0] =	vst v1  }
0x7fe: {  	v1 =	vld [tilespmem:$0x1F520];
	_ =	sdelay $0x2  }
0x7ff: {  	v0 =	vmul.f32 v36, v0  }
0x800: {  	v2 =	vmul.f32 v36, v2  }
0x801: {  	v1 =	vmul.f32 v33, v1;
	[tilespmem:s13+$0xF0] =	vst v0  }
0x802: {  	[tilespmem:s13+$0x100] =	vst v2  }
0x803: {  	v2 =	vld [tilespmem:$0x1F530];
	[tilespmem:s13+$0x120] =	vst v1  }
0x804: {  	v1 =	vld [tilespmem:$0x1F550];
	_ =	sdelay $0x2  }
0x805: {  	v0 =	vmul.f32 v33, v62  }
0x806: {  	v2 =	vmul.f32 v33, v2  }
0x807: {  	[tilespmem:s13+$0x130] =	vst v0;
	v1 =	vmul.f32 v33, v1  }
0x808: {  	[tilespmem:s13+$0x140] =	vst v2  }
0x809: {  	[tilespmem:s13+$0x150] =	vst v1  }
0x80a: {  	v1 =	vld [tilespmem:$0x1F560];
	_ =	sdelay $0x3  }
0x80b: {  	v0 =	vmul.f32 v33, v63  }
0x80c: {  	v1 =	vmul.f32 v33, v1  }
0x80d: {  	[tilespmem:s13+$0x160] =	vst v0  }
0x80e: {  	v0 =	vld [tilespmem:$0x1F590];
	[tilespmem:s13+$0x170] =	vst v1  }
0x80f: {  	v1 =	vld [tilespmem:$0x1F5C0];
	_ =	sdelay $0x3  }
0x810: {  	v0 =	vmul.f32 v33, v0  }
0x811: {  	v1 =	vmul.f32 v33, v1  }
0x812: {  	[tilespmem:s13+$0x180] =	vst v0  }
0x813: {  	[tilespmem:s13+$0x190] =	vst v1  }
0x814: {  	[spmem:s4] =	stream.indirect.scatter.add.f32 [tilespmem:s29], [sflag:$0x3], $0x90, s2, s9, $0xb8;
	[tilespmem:$0x1DD30] =	vst v63  }
0x815: {  	_ =	swait.ge [sflag:s30], $0x2D00  }
0x816: {  	[sflag:s30] =	ssyncset.done $0x0  }
0x817: {  	[sflag:s30] =	ssyncadd.s32 $0xFFFFD300  }
0x818: {  	[tilespmem:s31], [sflag:$0x1] =	stream.linear.gather [hbm4b:s24+s5], $0x2800, $0x38;
	[tilespmem:$0x1DD30] =	vst v63  }
0x819: {  	_ = 	snop  }
0x81a: {  	[tilespmem:s2], [sflag:$0x1] =	stream.linear.gather [hbm4b:s25+s5], $0x50, $0x38;
	[tilespmem:$0x1DD30] =	vst v63  }
0x81b: {  	_ =	swait.ge [sflag:s10], $0x2800  }
0x81c: {  	[sflag:s10] =	ssyncset.done $0x0  }
0x81d: {  	[sflag:s10] =	ssyncadd.s32 $0xFFFFD800  }
0x81e: {  	_ =	swait.ge [sflag:s10], $0x50  }
0x81f: {  	[sflag:s10] =	ssyncset.done $0x0  }
0x820: {  	s18 =	simm.s32 $0x18990;
	[sflag:s10] =	ssyncadd.s32 $0xFFFFFFB0  }
0x821: {  	v0 =	vld [tilespmem:s18+$0x180]  }
0x822: {  	v1 =	vld [tilespmem:s18+$0x190]  }
0x823: {  	v2 =	vld [tilespmem:s18+$0xFFFFFE10]  }
0x824: {  	v3 =	vld [tilespmem:s18+$0x1A0]  }
0x825: {  	v4 =	vld [tilespmem:s18+$0xFFFFFE80]  }
0x826: {  	v5 =	vld [tilespmem:s18+$0x1B0];
	v0 =	vmul.f32 $1.442695020e+00, v0  }
0x827: {  	v7 =	vld [tilespmem:s18+$0x1C0];
	v1 =	vmul.f32 $1.442695020e+00, v1  }
0x828: {  	v6 =	vld [tilespmem:s18+$0xFFFFFE90];
	v2 =	vmul.f32 $1.442695020e+00, v2;
	(erf) = vpow2.f32 v0  }
0x829: {  	(erf) = vpow2.f32 v1  }
0x82a: {  	v3 =	vmul.f32 $1.442695020e+00, v3;
	v0 =	vld [tilespmem:s18+$0xFFFFFF00];
	(erf) = vpow2.f32 v2  }
0x82b: {  	v5 =	vmul.f32 $1.442695020e+00, v5;
	v1 =	vmul.f32 $1.442695020e+00, v4;
	v4 =	vld [tilespmem:s18+$0x1D0]  }
0x82c: {  	v7 =	vmul.f32 $1.442695020e+00, v7;
	v2 =	vld [tilespmem:s18+$0xFFFFFF10];
	(erf) = vpow2.f32 v3  }
0x82d: {  	v3 =	vmul.f32 $1.442695020e+00, v6;
	v6 =	vld [tilespmem:s18+$0x1E0];
	(erf) = vpow2.f32 v1  }
0x82e: {  	(erf) = vpow2.f32 v5  }
0x82f: {  	v0 =	vmul.f32 $1.442695020e+00, v0  }
0x830: {  	v1 =	vld [tilespmem:s18+$0xFFFFFF80];
	(erf) = vpow2.f32 v3;
	v3 =	vmul.f32 $1.442695020e+00, v4  }
0x831: {  	v5 =	vld [tilespmem:s18+$0x1F0];
	(erf) = vpow2.f32 v7;
	v2 =	vmul.f32 $1.442695020e+00, v2;
	v7 =	vpop (erf)  }
0x832: {  	(erf) = vpow2.f32 v0;
	v0 =	vld [tilespmem:s18+$0xFFFFFF90];
	v4 =	vmul.f32 $1.442695020e+00, v6;
	[tilespmem:$0x1F380] =	vst v7;
	v6 =	vpop (erf)  }
0x833: {  	(erf) = vpow2.f32 v3;
	v3 =	vld [tilespmem:s18+$0x0];
	[tilespmem:$0x1F390] =	vst v6;
	v17 =	vpop (erf)  }
0x834: {  	(erf) = vpow2.f32 v2;
	v6 =	vadd.f32 v6, v7;
	v2 =	vld [tilespmem:s18+$0x10];
	[tilespmem:$0x1F400] =	vst v17  }
0x835: {  	v1 =	vmul.f32 $1.442695020e+00, v1;
	(erf) = vpow2.f32 v4;
	v7 =	vpop (erf);
	v4 =	vld [tilespmem:s18+$0x80]  }
0x836: {  	v5 =	vmul.f32 $1.442695020e+00, v5;
	v6 =	vadd.f32 v7, v6;
	v18 =	vpop (erf)  }
0x837: {  	v43 =	vld [tilespmem:$0x1FFB0];
	(erf) = vpow2.f32 v1;
	[tilespmem:$0x1F3A0] =	vst v7;
	v0 =	vmul.f32 $1.442695020e+00, v0;
	v8 =	vpop (erf)  }
0x838: {  	(erf) = vpow2.f32 v5;
	v1 =	vld [tilespmem:s18+$0x90];
	v6 =	vadd.f32 v8, v6  }
0x839: {  	v5 =	vld [tilespmem:s18+$0x100];
	[tilespmem:$0x1F3B0] =	vst v8;
	v23 =	vpop (erf);
	(erf) = vpow2.f32 v0  }
0x83a: {  	v3 =	vmul.f32 $1.442695020e+00, v3;
	v7 =	vld [tilespmem:s18+$0x110];
	v10 =	vpop (erf);
	v0 =	vmul.f32 $1.442695020e+00, v4  }
0x83b: {  	v8 =	vld [tilespmem:s18+$0xFFFFFE00];
	v2 =	vmul.f32 $1.442695020e+00, v2;
	[tilespmem:$0x1F3C0] =	vst v10;
	v36 =	vpop (erf)  }
0x83c: {  	v9 =	vld [tilespmem:s18+$0xFFFFFE20];
	(erf) = vpow2.f32 v3;
	v3 =	vadd.f32 v10, v6;
	v6 =	vpop (erf)  }
0x83d: {  	v4 =	vld [tilespmem:s18+$0xFFFFFEA0];
	v1 =	vmul.f32 $1.442695020e+00, v1;
	(erf) = vpow2.f32 v2;
	[tilespmem:$0x1F3D0] =	vst v6;
	v41 =	vpop (erf)  }
0x83e: {  	v5 =	vmul.f32 $1.442695020e+00, v5;
	(erf) = vpow2.f32 v0;
	v3 =	vadd.f32 v6, v3;
	v2 =	vld [tilespmem:s18+$0xFFFFFF20];
	v0 =	vpop (erf)  }
0x83f: {  	v6 =	vld [tilespmem:s18+$0xFFFFFFA0];
	v7 =	vmul.f32 $1.442695020e+00, v7;
	(erf) = vpow2.f32 v1;
	[tilespmem:$0x1F3E0] =	vst v0  }
0x840: {  	v8 =	vmul.f32 $1.442695020e+00, v8;
	(erf) = vpow2.f32 v5;
	v3 =	vadd.f32 v0, v3;
	v31 =	vpop (erf);
	v10 =	vld [tilespmem:s18+$0x20]  }
0x841: {  	v5 =	vmul.f32 $1.442695020e+00, v9;
	(erf) = vpow2.f32 v7;
	v9 =	vld [tilespmem:s18+$0xA0];
	v44 =	vpop (erf)  }
0x842: {  	v4 =	vmul.f32 $1.442695020e+00, v4;
	v7 =	vld [tilespmem:s18+$0x120];
	(erf) = vpow2.f32 v8;
	v3 =	vadd.f32 v44, v3  }
0x843: {  	v8 =	vld [tilespmem:s18+$0xFFFFFE30];
	(erf) = vpow2.f32 v5;
	v2 =	vmul.f32 $1.442695020e+00, v2  }
0x844: {  	v12 =	vld [tilespmem:s18+$0x130];
	(erf) = vpow2.f32 v4;
	v11 =	vperm.xlane v3, v32  }
0x845: {  	v52 =	vpop (erf);
	v6 =	vmul.f32 $1.442695020e+00, v6;
	v4 =	vld [tilespmem:s18+$0xFFFFFF30];
	(erf) = vpow2.f32 v2  }
0x846: {  	v5 =	vld [tilespmem:s18+$0xFFFFFEB0];
	v48 =	vpop (erf);
	v10 =	vmul.f32 $1.442695020e+00, v10;
	v9 =	vmul.f32 $1.442695020e+00, v9;
	v3 =	vadd.f32 v3, v11  }
0x847: {  	v54 =	vld [tilespmem:$0x1FFC0];
	v49 =	vpop (erf);
	v7 =	vmul.f32 $1.442695020e+00, v7;
	(erf) = vpow2.f32 v6  }
0x848: {  	v2 =	vld [tilespmem:s18+$0xFFFFFFB0];
	v42 =	vpop (erf);
	(erf) = vpow2.f32 v10;
	v10 =	vperm.xlane v3, v43  }
0x849: {  	v6 =	vld [tilespmem:s18+$0x30];
	v8 =	vmul.f32 $1.442695020e+00, v8;
	v12 =	vmul.f32 $1.442695020e+00, v12;
	v55 =	vpop (erf)  }
0x84a: {  	v11 =	vld [tilespmem:s18+$0xB0];
	v46 =	vpop (erf);
	v4 =	vmul.f32 $1.442695020e+00, v4;
	(erf) = vpow2.f32 v9;
	v3 =	vadd.f32 v3, v10  }
0x84b: {  	v9 =	vmul.f32 $1.442695020e+00, v5;
	v62 =	vpop (erf);
	(erf) = vpow2.f32 v7  }
0x84c: {  	v7 =	vld [tilespmem:s18+$0xFFFFFE40];
	v1 =	vpop (erf);
	(erf) = vpow2.f32 v8;
	v8 =	vperm.xlane v3, v54  }
0x84d: {  	v2 =	vmul.f32 $1.442695020e+00, v2;
	[tilespmem:$0x1F3F0] =	vst v1;
	(erf) = vpow2.f32 v9  }
0x84e: {  	v10 =	vmul.f32 $1.442695020e+00, v6;
	v38 =	vpop (erf);
	v9 =	vld [tilespmem:s18+$0xFFFFFEC0];
	(erf) = vpow2.f32 v4;
	v8 =	vadd.f32 v3, v8  }
0x84f: {  	v11 =	vmul.f32 $1.442695020e+00, v11;
	v13 =	vld [tilespmem:s18+$0xFFFFFF40];
	v5 =	vpop (erf);
	(erf) = vpow2.f32 v2  }
0x850: {  	v2 =	vld [tilespmem:s18+$0xFFFFFFC0];
	v19 =	vpop (erf);
	(erf) = vpow2.f32 v10;
	v10 =	vperm.xlane v8, v40  }
0x851: {  	v14 =	vld [tilespmem:s18+$0x40];
	v7 =	vmul.f32 $1.442695020e+00, v7;
	v4 =	vpop (erf);
	(erf) = vpow2.f32 v11  }
0x852: {  	v11 =	vld [tilespmem:s18+$0xC0];
	v50 =	vpop (erf);
	(erf) = vpow2.f32 v12;
	v8 =	vadd.f32 v8, v10  }
0x853: {  	v12 =	vld [tilespmem:s18+$0x140];
	v10 =	vmul.f32 $1.442695020e+00, v9;
	v59 =	vpop (erf);
	(erf) = vpow2.f32 v7  }
0x854: {  	v15 =	vld [tilespmem:s18+$0xFFFFFE50];
	v7 =	vmul.f32 $1.442695020e+00, v13;
	v53 =	vpop (erf);
	(erf) = vrcp.f32 v8  }
0x855: {  	v13 =	vld [tilespmem:s18+$0xFFFFFED0];
	v2 =	vmul.f32 $1.442695020e+00, v2;
	v9 =	vpop (erf);
	(erf) = vpow2.f32 v10  }
0x856: {  	v14 =	vmul.f32 $1.442695020e+00, v14;
	v10 =	vld [tilespmem:s18+$0xFFFFFF50];
	v33 =	vpop (erf);
	(erf) = vpow2.f32 v7  }
0x857: {  	v16 =	vld [tilespmem:s18+$0xFFFFFFD0];
	v11 =	vmul.f32 $1.442695020e+00, v11;
	v39 =	vpop (erf);
	(erf) = vpow2.f32 v2  }
0x858: {  	v12 =	vmul.f32 $1.442695020e+00, v12;
	v2 =	vld [tilespmem:s18+$0x50];
	v34 =	vpop (erf);
	(erf) = vpow2.f32 v14  }
0x859: {  	v14 =	vmul.f32 $1.442695020e+00, v15;
	v15 =	vld [tilespmem:s18+$0xD0];
	v7 =	vpop (erf);
	(erf) = vpow2.f32 v11  }
0x85a: {  	v11 =	vmul.f32 $1.442695020e+00, v13;
	v13 =	vld [tilespmem:s18+$0x150];
	v60 =	vpop (erf);
	(erf) = vpow2.f32 v12  }
0x85b: {  	v20 =	vld [tilespmem:s18+$0xFFFFFE60];
	v10 =	vmul.f32 $1.442695020e+00, v10;
	v57 =	vpop (erf);
	(erf) = vpow2.f32 v14  }
0x85c: {  	v21 =	vld [tilespmem:s18+$0xFFFFFEE0];
	v16 =	vmul.f32 $1.442695020e+00, v16;
	v12 =	vpop (erf);
	(erf) = vpow2.f32 v11  }
0x85d: {  	v22 =	vld [tilespmem:s18+$0xFFFFFF60];
	v2 =	vmul.f32 $1.442695020e+00, v2;
	(erf) = vpow2.f32 v10;
	v14 =	vpop (erf)  }
0x85e: {  	v24 =	vld [tilespmem:s18+$0xFFFFFFE0];
	v15 =	vmul.f32 $1.442695020e+00, v15;
	v11 =	vpop (erf);
	(erf) = vpow2.f32 v16  }
0x85f: {  	v16 =	vld [tilespmem:s18+$0x60];
	v13 =	vmul.f32 $1.442695020e+00, v13;
	v10 =	vpop (erf);
	(erf) = vpow2.f32 v2  }
0x860: {  	v25 =	vld [tilespmem:s18+$0xE0];
	v2 =	vmul.f32 $1.442695020e+00, v20;
	v35 =	vpop (erf);
	(erf) = vpow2.f32 v15  }
0x861: {  	v15 =	vmul.f32 $1.442695020e+00, v21;
	v21 =	vld [tilespmem:s18+$0x160];
	v3 =	vpop (erf);
	(erf) = vpow2.f32 v13  }
0x862: {  	v26 =	vld [tilespmem:s18+$0xFFFFFE70];
	v13 =	vmul.f32 $1.442695020e+00, v22;
	(erf) = vpow2.f32 v2;
	v6 =	vpop (erf)  }
0x863: {  	v2 =	vmul.f32 $1.442695020e+00, v24;
	(erf) = vpow2.f32 v15;
	v63 =	vpop (erf)  }
0x864: {  	v16 =	vmul.f32 $1.442695020e+00, v16;
	v20 =	vpop (erf);
	(erf) = vpow2.f32 v13  }
0x865: {  	v22 =	vmul.f32 $1.442695020e+00, v25;
	v15 =	vpop (erf);
	(erf) = vpow2.f32 v2  }
0x866: {  	v2 =	vmul.f32 $1.442695020e+00, v21;
	v13 =	vpop (erf);
	(erf) = vpow2.f32 v16  }
0x867: {  	v21 =	vmul.f32 $1.442695020e+00, v26;
	v16 =	vadd.f32 v17, v1;
	v37 =	vpop (erf);
	(erf) = vpow2.f32 v22  }
0x868: {  	v1 =	vpop (erf);
	(erf) = vpow2.f32 v2  }
0x869: {  	v2 =	vadd.f32 v38, v16;
	(erf) = vpow2.f32 v21;
	v45 =	vpop (erf)  }
0x86a: {  	v0 =	vpop (erf)  }
0x86b: {  	v2 =	vadd.f32 v9, v2;
	v22 =	vpop (erf)  }
0x86c: {  	v21 =	vpop (erf)  }
0x86d: {  	v2 =	vadd.f32 v12, v2;
	v51 =	vpop (erf)  }
0x86e: {  	v26 =	vadd.f32 v23, v18;
	v47 =	vpop (erf)  }
0x86f: {  	v27 =	vld [tilespmem:s18+$0xFFFFFFF0];
	v2 =	vadd.f32 v20, v2;
	v61 =	vpop (erf)  }
0x870: {  	v30 =	vld [tilespmem:s18+$0x70];
	v26 =	vadd.f32 v5, v26;
	v17 =	vpop (erf)  }
0x871: {  	v16 =	vld [tilespmem:s18+$0xFFFFFEF0];
	v2 =	vadd.f32 v22, v2;
	v56 =	vpop (erf)  }
0x872: {  	v24 =	vld [tilespmem:s18+$0xFFFFFF70];
	[tilespmem:$0x1F280] =	vst v31;
	v26 =	vadd.f32 v33, v26;
	v25 =	vpop (erf)  }
0x873: {  	[tilespmem:$0x1F290] =	vst v52;
	v2 =	vadd.f32 v25, v2  }
0x874: {  	v29 =	vadd.f32 v41, v36;
	[tilespmem:$0x1F2A0] =	vst v48;
	v26 =	vadd.f32 v11, v26  }
0x875: {  	v58 =	vadd.f32 v62, v46;
	v27 =	vmul.f32 $1.442695020e+00, v27;
	[tilespmem:$0x1F2B0] =	vst v49;
	v28 =	vperm.xlane v2, v32  }
0x876: {  	v30 =	vmul.f32 $1.442695020e+00, v30;
	[tilespmem:$0x1F2C0] =	vst v42;
	v16 =	vmul.f32 $1.442695020e+00, v16;
	v26 =	vadd.f32 v15, v26  }
0x877: {  	v24 =	vmul.f32 $1.442695020e+00, v24;
	v2 =	vadd.f32 v2, v28;
	v28 =	vadd.f32 v52, v31;
	v31 =	vld [tilespmem:s18+$0xF0];
	[tilespmem:$0x1F2D0] =	vst v46  }
0x878: {  	(erf) = vpow2.f32 v16;
	v16 =	vadd.f32 v19, v29;
	v29 =	vadd.f32 v55, v42;
	v46 =	vld [tilespmem:s18+$0x170]  }
0x879: {  	v26 =	vadd.f32 v21, v26;
	(erf) = vpow2.f32 v24;
	v24 =	vadd.f32 v49, v48  }
0x87a: {  	v29 =	vadd.f32 v59, v29;
	(erf) = vpow2.f32 v27;
	v27 =	vadd.f32 v53, v58  }
0x87b: {  	v16 =	vadd.f32 v39, v16;
	v24 =	vadd.f32 v50, v24;
	(erf) = vpow2.f32 v30  }
0x87c: {  	v29 =	vadd.f32 v60, v29;
	v28 =	vadd.f32 v4, v28;
	v30 =	vmul.f32 $1.442695020e+00, v31  }
0x87d: {  	v27 =	vadd.f32 v57, v27;
	v24 =	vadd.f32 v7, v24;
	v31 =	vmul.f32 $1.442695020e+00, v46  }
0x87e: {  	v16 =	vadd.f32 v10, v16;
	v28 =	vadd.f32 v34, v28;
	(erf) = vpow2.f32 v30  }
0x87f: {  	v29 =	vadd.f32 v6, v29;
	v24 =	vadd.f32 v3, v24;
	(erf) = vpow2.f32 v31  }
0x880: {  	v27 =	vadd.f32 v63, v27;
	v28 =	vadd.f32 v35, v28  }
0x881: {  	v16 =	vadd.f32 v13, v16;
	v24 =	vadd.f32 v1, v24  }
0x882: {  	v29 =	vadd.f32 v45, v29;
	v28 =	vadd.f32 v37, v28  }
0x883: {  	v16 =	vadd.f32 v51, v16;
	v24 =	vadd.f32 v61, v24;
	v31 =	vpop (erf)  }
0x884: {  	[tilespmem:$0x1F2F0] =	vst v60;
	v28 =	vadd.f32 v47, v28;
	v60 =	vpop (erf);
	v26 =	vadd.f32 v31, v26  }
0x885: {  	[tilespmem:$0x1F300] =	vst v57;
	v30 =	vadd.f32 v0, v27;
	v57 =	vpop (erf);
	v16 =	vadd.f32 v60, v16  }
0x886: {  	[tilespmem:$0x1F2E0] =	vst v53;
	v46 =	vmov v1;
	v1 =	vpop (erf);
	v28 =	vadd.f32 v57, v28;
	v53 =	vperm.xlane v26, v32  }
0x887: {  	[tilespmem:$0x1F310] =	vst v0;
	v30 =	vadd.f32 v56, v30;
	v24 =	vadd.f32 v1, v24;
	v27 =	vperm.xlane v16, v32;
	v0 =	vpop (erf)  }
0x888: {  	[tilespmem:$0x1F340] =	vst v56;
	v29 =	vadd.f32 v17, v29;
	v26 =	vadd.f32 v26, v53;
	v58 =	vperm.xlane v28, v32;
	v56 =	vpop (erf)  }
0x889: {  	v16 =	vadd.f32 v16, v27;
	v27 =	vperm.xlane v24, v32;
	v30 =	vadd.f32 v56, v30  }
0x88a: {  	[tilespmem:$0x1F320] =	vst v61;
	v61 =	vperm.xlane v2, v43;
	v29 =	vadd.f32 v0, v29;
	v28 =	vadd.f32 v28, v58  }
0x88b: {  	[tilespmem:$0x1F370] =	vst v56;
	v24 =	vadd.f32 v24, v27;
	v27 =	vperm.xlane v26, v43;
	v56 =	vperm.xlane v30, v32  }
0x88c: {  	v2 =	vadd.f32 v2, v61;
	[tilespmem:$0x1F360] =	vst v0;
	v58 =	vperm.xlane v16, v43;
	v0 =	vperm.xlane v29, v32  }
0x88d: {  	v26 =	vadd.f32 v26, v27;
	v27 =	vperm.xlane v28, v43;
	v30 =	vadd.f32 v30, v56  }
0x88e: {  	v48 =	vperm.xlane v2, v54;
	v29 =	vadd.f32 v29, v0  }
0x88f: {  	v16 =	vadd.f32 v16, v58;
	v28 =	vadd.f32 v28, v27;
	v27 =	vperm.xlane v30, v43  }
0x890: {  	v2 =	vadd.f32 v2, v48;
	v0 =	vperm.xlane v24, v43;
	v61 =	vperm.xlane v29, v43  }
0x891: {  	v43 =	vmovc v55;
	v55 =	vperm.xlane v26, v54;
	v30 =	vadd.f32 v30, v27;
	v27 =	vperm.xlane v16, v54  }
0x892: {  	v24 =	vadd.f32 v24, v0;
	v29 =	vadd.f32 v29, v61  }
0x893: {  	v0 =	vperm.xlane v28, v54;
	v26 =	vadd.f32 v26, v55;
	v16 =	vadd.f32 v16, v27  }
0x894: {  	v53 =	vperm.xlane v2, v40;
	v27 =	vperm.xlane v29, v54  }
0x895: {  	v28 =	vadd.f32 v28, v0;
	v58 =	vperm.xlane v26, v40;
	v0 =	vperm.xlane v16, v40  }
0x896: {  	v2 =	vadd.f32 v2, v53;
	v29 =	vadd.f32 v29, v27;
	v27 =	vperm.xlane v30, v54  }
0x897: {  	v26 =	vadd.f32 v26, v58;
	v16 =	vadd.f32 v16, v0;
	v0 =	vld [tilespmem:$0x1F380]  }
0x898: {  	(erf) = vrcp.f32 v2;
	v2 =	vperm.xlane v28, v40;
	v30 =	vadd.f32 v30, v27  }
0x899: {  	[tilespmem:$0x1F350] =	vst v1;
	v1 =	vmul.f32 v14, v44;
	(erf) = vrcp.f32 v26  }
0x89a: {  	s12 =	simm.s32 $0x1B1D0;
	[tilespmem:$0x1F330] =	vst v17;
	v2 =	vadd.f32 v28, v2;
	(erf) = vrcp.f32 v16;
	v16 =	vperm.xlane v30, v40  }
0x89b: {  	v56 =	vperm.xlane v24, v54;
	[tilespmem:s12+$0x220] =	vst v1  }
0x89c: {  	(erf) = vrcp.f32 v2;
	v2 =	vadd.f32 v30, v16;
	v16 =	vmul.f32 v14, v0;
	v0 =	vld [tilespmem:$0x1F390];
	_ =	sdelay $0x1  }
0x89d: {  	v24 =	vadd.f32 v24, v56;
	_ =	sdelay $0x1  }
0x89e: {  	v61 =	vperm.xlane v24, v40;
	[tilespmem:s12+$0x1B0] =	vst v16  }
0x89f: {  	v26 =	vperm.xlane v29, v40;
	v1 =	vmul.f32 v14, v0;
	v0 =	vld [tilespmem:$0x1F3A0]  }
0x8a0: {  	v28 =	vadd.f32 v24, v61  }
0x8a1: {  	v26 =	vadd.f32 v29, v26  }
0x8a2: {  	(erf) = vrcp.f32 v28  }
0x8a3: {  	(erf) = vrcp.f32 v26;
	[tilespmem:s12+$0x1C0] =	vst v1  }
0x8a4: {  	(erf) = vrcp.f32 v2;
	v2 =	vmul.f32 v14, v0;
	v0 =	vld [tilespmem:$0x1F3B0];
	_ =	sdelay $0x4  }
0x8a5: {  	v16 =	vmul.f32 v14, v0;
	v0 =	vld [tilespmem:$0x1F3C0];
	_ =	sdelay $0x3  }
0x8a6: {  	[tilespmem:s12+$0x1D0] =	vst v2  }
0x8a7: {  	v26 =	vmul.f32 v14, v0;
	v0 =	vld [tilespmem:$0x1F3D0];
	_ =	sdelay $0x4  }
0x8a8: {  	v2 =	vmul.f32 v14, v0;
	v0 =	vld [tilespmem:$0x1F3E0];
	[tilespmem:s12+$0x1E0] =	vst v16  }
0x8a9: {  	v42 =	vmov v50;
	v50 =	vmov v3;
	v3 =	vld [tilespmem:$0x1F3F0];
	_ =	sdelay $0x3  }
0x8aa: {  	v1 =	vmul.f32 v14, v0;
	v0 =	vpop (erf)  }
0x8ab: {  	v8 =	vmov v5;
	v5 =	vmul.f32 v0, v3;
	v3 =	vld [tilespmem:$0x1F400]  }
0x8ac: {  	v24 =	vmov v6;
	[tilespmem:s12+$0x1F0] =	vst v26;
	v6 =	vmul.f32 v0, v38;
	v26 =	vpop (erf)  }
0x8ad: {  	v9 =	vmul.f32 v0, v9;
	v28 =	vmul.f32 v26, v23  }
0x8ae: {  	v16 =	vmul.f32 v26, v15;
	[tilespmem:s12+$0xFFFFFDC0] =	vst v5;
	v5 =	vmul.f32 v0, v12  }
0x8af: {  	v15 =	vmul.f32 v26, v21;
	v12 =	vmul.f32 v0, v20;
	[tilespmem:s12+$0xFFFFFDE0] =	vst v6  }
0x8b0: {  	v6 =	vmul.f32 v26, v18;
	[tilespmem:s12+$0xFFFFFE00] =	vst v5;
	v14 =	vmul.f32 v0, v3  }
0x8b1: {  	v20 =	vmul.f32 v26, v33;
	[tilespmem:s12+$0xFFFFFE10] =	vst v12;
	v12 =	vmul.f32 v26, v31  }
0x8b2: {  	v5 =	vpop (erf);
	[tilespmem:s12+$0xFFFFFDD0] =	vst v14;
	v14 =	vmul.f32 v0, v22;
	v0 =	vmul.f32 v0, v25  }
0x8b3: {  	v52 =	vmov v4;
	[tilespmem:s12+$0xFFFFFDF0] =	vst v9;
	v25 =	vmul.f32 v26, v8;
	v22 =	vmul.f32 v26, v11;
	v4 =	vpop (erf)  }
0x8b4: {  	[tilespmem:s12+$0xFFFFFE50] =	vst v6;
	v9 =	vmul.f32 v5, v41;
	v11 =	vmul.f32 v5, v19;
	v38 =	vpop (erf)  }
0x8b5: {  	v44 =	vmov v59;
	v3 =	vmul.f32 v5, v39;
	[tilespmem:s12+$0xFFFFFE20] =	vst v14;
	v14 =	vmul.f32 v5, v36;
	v36 =	vpop (erf)  }
0x8b6: {  	s14 =	simm.s32 $0x0;
	s16 =	simm.s32 $0x18D90;
	s13 =	simm.s32 $0x1B1D0;
	v27 =	vmov v7;
	v6 =	vmul.f32 v5, v10;
	[tilespmem:s12+$0xFFFFFE30] =	vst v0;
	v0 =	vmul.f32 v5, v13;
	v33 =	vpop (erf)  }
.LBB2_18:
0x8b7: {  	v7 =	vld [tilespmem:s16+$0x180]  }
0x8b8: {  	v10 =	vld [tilespmem:s16+$0x190]  }
0x8b9: {  	v13 =	vld [tilespmem:$0x1F280];
	[tilespmem:s12+$0xFFFFFE90] =	vst v22  }
0x8ba: {  	v17 =	vld [tilespmem:$0x1F290];
	[tilespmem:s12+$0xFFFFFEE0] =	vst v14  }
0x8bb: {  	v21 =	vld [tilespmem:s16+$0xFFFFFE10];
	[tilespmem:s12+$0xFFFFFE60] =	vst v28  }
0x8bc: {  	v29 =	vld [tilespmem:s16+$0x1B0];
	[tilespmem:s12+$0xFFFFFE70] =	vst v25  }
0x8bd: {  	[tilespmem:s12+$0xFFFFFE80] =	vst v20;
	v25 =	vld [tilespmem:s16+$0x1A0]  }
0x8be: {  	v28 =	vld [tilespmem:s16+$0xFFFFFE80];
	[tilespmem:s12+$0xFFFFFEA0] =	vst v16  }
0x8bf: {  	v8 =	vmul.f32 v5, v51;
	[tilespmem:s12+$0xFFFFFEB0] =	vst v15;
	v15 =	vld [tilespmem:$0x1F2A0];
	v7 =	vmul.f32 $1.442695020e+00, v7  }
0x8c0: {  	v5 =	vmul.f32 v5, v60;
	v23 =	vmul.f32 v4, v34;
	v18 =	vld [tilespmem:s16+$0xFFFFFE90];
	[tilespmem:s12+$0xFFFFFEC0] =	vst v12  }
0x8c1: {  	v22 =	vmul.f32 v4, v35;
	(erf) = vpow2.f32 v7;
	v7 =	vld [tilespmem:s16+$0xFFFFFF00];
	[tilespmem:s12+$0xFFFFFEF0] =	vst v9  }
0x8c2: {  	v12 =	vld [tilespmem:$0x1F2B0];
	v13 =	vmul.f32 v4, v13;
	v10 =	vmul.f32 $1.442695020e+00, v10;
	[tilespmem:s12+$0xFFFFFF00] =	vst v11  }
0x8c3: {  	v17 =	vmul.f32 v4, v17;
	v19 =	vmul.f32 $1.442695020e+00, v21;
	v11 =	vld [tilespmem:s16+$0xFFFFFF10];
	[tilespmem:s12+$0xFFFFFF10] =	vst v3  }
0x8c4: {  	v21 =	vld [tilespmem:s16+$0x1C0];
	v14 =	vmul.f32 $1.442695020e+00, v25;
	(erf) = vpow2.f32 v10;
	[tilespmem:s12+$0xFFFFFF20] =	vst v6  }
0x8c5: {  	v9 =	vmul.f32 $1.442695020e+00, v28;
	v10 =	vld [tilespmem:s16+$0x1D0];
	[tilespmem:s12+$0xFFFFFF30] =	vst v0;
	(erf) = vpow2.f32 v19  }
0x8c6: {  	v6 =	vld [tilespmem:s16+$0xFFFFFF80];
	[tilespmem:s12+$0xFFFFFF40] =	vst v8;
	v19 =	vmul.f32 $1.442695020e+00, v29;
	(erf) = vpow2.f32 v14  }
0x8c7: {  	v3 =	vmul.f32 $1.442695020e+00, v18;
	[tilespmem:s12+$0xFFFFFF50] =	vst v5;
	v14 =	vld [tilespmem:s16+$0x1E0];
	(erf) = vpow2.f32 v9  }
0x8c8: {  	(erf) = vpow2.f32 v19;
	v0 =	vmul.f32 $1.442695020e+00, v7;
	v7 =	vld [tilespmem:s16+$0x1F0];
	[tilespmem:s12+$0x200] =	vst v2  }
0x8c9: {  	v20 =	vmul.f32 v4, v52;
	(erf) = vpow2.f32 v3;
	v3 =	vld [tilespmem:s16+$0xFFFFFF90];
	[tilespmem:s12+$0xFFFFFF70] =	vst v13  }
0x8ca: {  	v26 =	vmul.f32 v4, v37;
	v16 =	vmul.f32 v4, v47;
	[tilespmem:s12+$0xFFFFFF80] =	vst v17  }
0x8cb: {  	v4 =	vmul.f32 v4, v57;
	v9 =	vmul.f32 $1.442695020e+00, v21;
	[tilespmem:s12+$0xFFFFFF90] =	vst v20  }
0x8cc: {  	v15 =	vmul.f32 v38, v15;
	v12 =	vmul.f32 v38, v12;
	[tilespmem:s12+$0xFFFFFFA0] =	vst v23  }
0x8cd: {  	v8 =	vmul.f32 $1.442695020e+00, v10;
	[tilespmem:s12+$0xFFFFFFB0] =	vst v22;
	(erf) = vpow2.f32 v9  }
0x8ce: {  	v5 =	vmul.f32 $1.442695020e+00, v11;
	[tilespmem:s12+$0xFFFFFFC0] =	vst v26;
	v9 =	vld [tilespmem:s16+$0x0];
	(erf) = vpow2.f32 v0  }
0x8cf: {  	[tilespmem:s12+$0xFFFFFFD0] =	vst v16;
	v0 =	vld [tilespmem:s16+$0x10];
	v10 =	vmul.f32 $1.442695020e+00, v14;
	v13 =	vpop (erf);
	(erf) = vpow2.f32 v8  }
0x8d0: {  	v6 =	vmul.f32 $1.442695020e+00, v6;
	[tilespmem:s12+$0xFFFFFFE0] =	vst v4;
	v8 =	vld [tilespmem:s16+$0x80];
	(erf) = vpow2.f32 v5;
	v11 =	vpop (erf)  }
0x8d1: {  	v5 =	vld [tilespmem:s16+$0x90];
	v7 =	vmul.f32 $1.442695020e+00, v7;
	[tilespmem:$0x1F1E0] =	vst v11;
	v11 =	vadd.f32 v11, v13;
	v18 =	vpop (erf);
	(erf) = vpow2.f32 v10  }
0x8d2: {  	[tilespmem:$0x1F1D0] =	vst v13;
	v3 =	vmul.f32 $1.442695020e+00, v3;
	v10 =	vld [tilespmem:s16+$0x100];
	(erf) = vpow2.f32 v6;
	v13 =	vpop (erf)  }
0x8d3: {  	v6 =	vmul.f32 $1.442695020e+00, v9;
	v9 =	vld [tilespmem:s16+$0x110];
	[tilespmem:$0x1F1F0] =	vst v13;
	v11 =	vadd.f32 v13, v11;
	v13 =	vpop (erf);
	(erf) = vpow2.f32 v7  }
0x8d4: {  	v7 =	vld [tilespmem:s16+$0xFFFFFE00];
	v0 =	vmul.f32 $1.442695020e+00, v0;
	[tilespmem:$0x1F240] =	vst v13;
	(erf) = vpow2.f32 v3;
	v14 =	vpop (erf)  }
0x8d5: {  	v3 =	vld [tilespmem:s16+$0xFFFFFE20];
	v8 =	vmul.f32 $1.442695020e+00, v8;
	[tilespmem:$0x1F200] =	vst v14;
	v11 =	vadd.f32 v14, v11;
	v14 =	vpop (erf);
	(erf) = vpow2.f32 v6  }
0x8d6: {  	v6 =	vld [tilespmem:s16+$0xFFFFFEA0];
	v5 =	vmul.f32 $1.442695020e+00, v5;
	[tilespmem:$0x1F250] =	vst v14;
	v4 =	vadd.f32 v14, v13;
	(erf) = vpow2.f32 v0;
	v13 =	vpop (erf)  }
0x8d7: {  	v0 =	vld [tilespmem:s16+$0xFFFFFF20];
	v10 =	vmul.f32 $1.442695020e+00, v10;
	[tilespmem:$0x1F210] =	vst v13;
	v14 =	vadd.f32 v13, v11;
	v13 =	vpop (erf);
	(erf) = vpow2.f32 v8  }
0x8d8: {  	[tilespmem:s12+$0x10] =	vst v12;
	v8 =	vld [tilespmem:s16+$0xFFFFFFA0];
	v9 =	vmul.f32 $1.442695020e+00, v9;
	(erf) = vpow2.f32 v5;
	v12 =	vpop (erf)  }
0x8d9: {  	[tilespmem:s12+$0x0] =	vst v15;
	v2 =	vmul.f32 $1.442695020e+00, v7;
	v11 =	vpop (erf);
	(erf) = vpow2.f32 v10  }
0x8da: {  	[tilespmem:s12+$0x210] =	vst v1;
	v5 =	vld [tilespmem:s16+$0x20];
	v1 =	vmul.f32 $1.442695020e+00, v3;
	(erf) = vpow2.f32 v9;
	v49 =	vpop (erf)  }
0x8db: {  	[tilespmem:$0x1F260] =	vst v13;
	v10 =	vld [tilespmem:s16+$0xA0];
	v3 =	vadd.f32 v11, v13;
	v6 =	vmul.f32 $1.442695020e+00, v6;
	(erf) = vpow2.f32 v2;
	v13 =	vpop (erf)  }
0x8dc: {  	[tilespmem:$0x1F270] =	vst v11;
	v9 =	vld [tilespmem:s16+$0x120];
	v11 =	vmul.f32 $1.442695020e+00, v0;
	(erf) = vpow2.f32 v1;
	v0 =	vpop (erf)  }
0x8dd: {  	v7 =	vadd.f32 v12, v14;
	v2 =	vld [tilespmem:s16+$0xFFFFFE30];
	v1 =	vmul.f32 $1.442695020e+00, v8;
	(erf) = vpow2.f32 v6;
	v8 =	vpop (erf)  }
0x8de: {  	v14 =	vpop (erf)  }
0x8df: {  	[tilespmem:$0x1F220] =	vst v12;
	v12 =	vld [tilespmem:s16+$0xFFFFFEB0];
	v7 =	vadd.f32 v49, v7;
	v5 =	vmul.f32 $1.442695020e+00, v5;
	v15 =	vpop (erf)  }
0x8e0: {  	v48 =	vmov v62;
	v28 =	vld [tilespmem:s16+$0xC0];
	(erf) = vpow2.f32 v11;
	v10 =	vmul.f32 $1.442695020e+00, v10;
	v62 =	vpop (erf)  }
0x8e1: {  	[tilespmem:$0x1F1C0] =	vst v63;
	v25 =	vld [tilespmem:s16+$0xFFFFFF40];
	v7 =	vadd.f32 v0, v7;
	v9 =	vmul.f32 $1.442695020e+00, v9;
	(erf) = vpow2.f32 v1;
	v1 =	vpop (erf)  }
0x8e2: {  	v17 =	vld [tilespmem:$0x1FFB0];
	[tilespmem:$0x1F280] =	vst v13;
	v16 =	vmul.f32 $1.442695020e+00, v2;
	(erf) = vpow2.f32 v5;
	v2 =	vpop (erf)  }
0x8e3: {  	v29 =	vld [tilespmem:s16+$0x140];
	[tilespmem:$0x1F290] =	vst v8;
	v8 =	vadd.f32 v8, v13;
	v13 =	vperm.xlane v7, v32;
	(erf) = vpow2.f32 v10;
	v63 =	vpop (erf)  }
0x8e4: {  	v6 =	vld [tilespmem:s16+$0xFFFFFF30];
	v5 =	vmul.f32 $1.442695020e+00, v12;
	(erf) = vpow2.f32 v9;
	v55 =	vpop (erf)  }
0x8e5: {  	v11 =	vld [tilespmem:s16+$0xFFFFFFB0];
	v7 =	vadd.f32 v7, v13;
	v56 =	vpop (erf);
	(erf) = vpow2.f32 v16  }
0x8e6: {  	[tilespmem:$0x1F2A0] =	vst v14;
	v54 =	vpop (erf);
	(erf) = vpow2.f32 v5;
	v5 =	vld [tilespmem:$0x1FFC0]  }
0x8e7: {  	[tilespmem:$0x1F2B0] =	vst v15;
	v14 =	vadd.f32 v15, v14;
	v15 =	vld [tilespmem:s16+$0x30];
	v21 =	vperm.xlane v7, v17  }
0x8e8: {  	v20 =	vld [tilespmem:s16+$0xB0]  }
0x8e9: {  	v28 =	vmul.f32 $1.442695020e+00, v28;
	v13 =	vld [tilespmem:s16+$0x130];
	v6 =	vmul.f32 $1.442695020e+00, v6;
	v7 =	vadd.f32 v7, v21  }
0x8ea: {  	v25 =	vmul.f32 $1.442695020e+00, v25;
	v29 =	vmul.f32 $1.442695020e+00, v29  }
0x8eb: {  	v10 =	vld [tilespmem:s16+$0xFFFFFE40];
	v11 =	vmul.f32 $1.442695020e+00, v11;
	v17 =	vperm.xlane v7, v5  }
0x8ec: {  	v26 =	vld [tilespmem:s16+$0x40];
	v15 =	vmul.f32 $1.442695020e+00, v15;
	v53 =	vpop (erf);
	(erf) = vpow2.f32 v6  }
0x8ed: {  	v20 =	vmul.f32 $1.442695020e+00, v20;
	v9 =	vld [tilespmem:s16+$0xFFFFFEC0];
	v6 =	vpop (erf);
	(erf) = vpow2.f32 v11;
	v30 =	vadd.f32 v7, v17  }
0x8ee: {  	v13 =	vmul.f32 $1.442695020e+00, v13;
	v11 =	vld [tilespmem:s16+$0xFFFFFE50];
	v52 =	vmov v6;
	v5 =	vpop (erf);
	(erf) = vpow2.f32 v15  }
0x8ef: {  	v21 =	vld [tilespmem:s16+$0xFFFFFFC0];
	v8 =	vadd.f32 v6, v8;
	v6 =	vpop (erf);
	(erf) = vpow2.f32 v20;
	v31 =	vperm.xlane v30, v40  }
0x8f0: {  	v12 =	vadd.f32 v1, v62;
	v10 =	vmul.f32 $1.442695020e+00, v10;
	v15 =	vld [tilespmem:s16+$0xFFFFFED0];
	v7 =	vpop (erf);
	(erf) = vpow2.f32 v13  }
0x8f1: {  	v26 =	vmul.f32 $1.442695020e+00, v26;
	v22 =	vadd.f32 v63, v2;
	v20 =	vld [tilespmem:s16+$0xFFFFFF50];
	v30 =	vadd.f32 v30, v31  }
0x8f2: {  	v16 =	vadd.f32 v18, v55;
	v9 =	vmul.f32 $1.442695020e+00, v9;
	v13 =	vld [tilespmem:s16+$0xFFFFFFD0];
	v61 =	vpop (erf);
	(erf) = vpow2.f32 v10  }
0x8f3: {  	v4 =	vadd.f32 v54, v4;
	v10 =	vmul.f32 $1.442695020e+00, v11;
	v11 =	vld [tilespmem:s16+$0xD0];
	v59 =	vpop (erf);
	(erf) = vrcp.f32 v30  }
0x8f4: {  	v3 =	vadd.f32 v53, v3;
	v21 =	vmul.f32 $1.442695020e+00, v21;
	v31 =	vld [tilespmem:s16+$0x50];
	(erf) = vpow2.f32 v9  }
0x8f5: {  	v14 =	vadd.f32 v5, v14;
	v15 =	vmul.f32 $1.442695020e+00, v15;
	v58 =	vpop (erf);
	v30 =	vld [tilespmem:s16+$0x150];
	(erf) = vpow2.f32 v25  }
0x8f6: {  	v40 =	vadd.f32 v59, v4;
	v4 =	vld [tilespmem:s16+$0xFFFFFEE0];
	v20 =	vmul.f32 $1.442695020e+00, v20;
	v34 =	vpop (erf);
	(erf) = vpow2.f32 v21  }
0x8f7: {  	v51 =	vadd.f32 v6, v12;
	v41 =	vmul.f32 $1.442695020e+00, v13;
	v9 =	vld [tilespmem:s16+$0xFFFFFE60];
	v12 =	vpop (erf);
	(erf) = vpow2.f32 v26  }
0x8f8: {  	v11 =	vmul.f32 $1.442695020e+00, v11;
	v25 =	vadd.f32 v58, v3;
	v3 =	vld [tilespmem:s16+$0xFFFFFF60];
	v13 =	vpop (erf);
	(erf) = vpow2.f32 v28  }
0x8f9: {  	v21 =	vmul.f32 $1.442695020e+00, v31;
	v31 =	vadd.f32 v12, v14;
	v14 =	vpop (erf);
	(erf) = vpow2.f32 v29  }
0x8fa: {  	v22 =	vadd.f32 v7, v22;
	v30 =	vmul.f32 $1.442695020e+00, v30;
	(erf) = vpow2.f32 v10  }
0x8fb: {  	v16 =	vadd.f32 v56, v16;
	v26 =	vld [tilespmem:s16+$0xFFFFFFE0];
	v10 =	vmul.f32 $1.442695020e+00, v4;
	v4 =	vpop (erf);
	(erf) = vpow2.f32 v15  }
0x8fc: {  	v60 =	vadd.f32 v14, v22;
	v22 =	vld [tilespmem:s16+$0x160];
	v29 =	vmul.f32 $1.442695020e+00, v9;
	(erf) = vpow2.f32 v20;
	v9 =	vpop (erf)  }
0x8fd: {  	v17 =	vmul.f32 $1.442695020e+00, v3;
	v3 =	vpop (erf);
	(erf) = vpow2.f32 v41  }
0x8fe: {  	v16 =	vadd.f32 v61, v16;
	v28 =	vld [tilespmem:s16+$0x60];
	v19 =	vmul.f32 v9, v0;
	v0 =	vpop (erf);
	(erf) = vpow2.f32 v21  }
0x8ff: {  	v57 =	vld [tilespmem:s16+$0xE0];
	v35 =	vpop (erf);
	(erf) = vpow2.f32 v11  }
0x900: {  	v15 =	vadd.f32 v4, v16;
	v16 =	vld [tilespmem:s16+$0xFFFFFE70];
	v26 =	vmul.f32 $1.442695020e+00, v26;
	v21 =	vpop (erf);
	(erf) = vpow2.f32 v30  }
0x901: {  	v8 =	vadd.f32 v34, v8;
	v20 =	vld [tilespmem:s16+$0xFFFFFEF0];
	v23 =	vmul.f32 $1.442695020e+00, v22;
	(erf) = vpow2.f32 v29;
	v22 =	vpop (erf)  }
0x902: {  	v47 =	vld [tilespmem:s16+$0xFFFFFF70];
	v37 =	vadd.f32 v3, v40;
	v39 =	vadd.f32 v0, v25;
	(erf) = vpow2.f32 v10;
	v25 =	vpop (erf)  }
0x903: {  	v28 =	vmul.f32 $1.442695020e+00, v28;
	v29 =	vld [tilespmem:s16+$0x170];
	v11 =	vpop (erf);
	(erf) = vpow2.f32 v17  }
0x904: {  	v57 =	vmul.f32 $1.442695020e+00, v57;
	[tilespmem:$0x1F230] =	vst v18;
	v18 =	vld [tilespmem:s16+$0xFFFFFFF0];
	v40 =	vadd.f32 v35, v8;
	v10 =	vpop (erf);
	(erf) = vpow2.f32 v26  }
0x905: {  	v16 =	vmul.f32 $1.442695020e+00, v16;
	v30 =	vadd.f32 v21, v31;
	v8 =	vpop (erf);
	(erf) = vpow2.f32 v28  }
0x906: {  	v20 =	vmul.f32 $1.442695020e+00, v20;
	v26 =	vadd.f32 v10, v37;
	v37 =	vpop (erf);
	(erf) = vpow2.f32 v57  }
0x907: {  	v17 =	vmul.f32 $1.442695020e+00, v47;
	v15 =	vadd.f32 v11, v15;
	v28 =	vpop (erf);
	(erf) = vpow2.f32 v23  }
0x908: {  	v57 =	vmul.f32 $1.442695020e+00, v29;
	(erf) = vpow2.f32 v16;
	v29 =	vpop (erf)  }
0x909: {  	v18 =	vmul.f32 $1.442695020e+00, v18;
	v23 =	vadd.f32 v28, v30;
	(erf) = vpow2.f32 v20;
	v30 =	vpop (erf)  }
0x90a: {  	v51 =	vadd.f32 v13, v51;
	v20 =	vpop (erf);
	(erf) = vpow2.f32 v17  }
0x90b: {  	s12 =	sadd.s32 $0x480, s12;
	v41 =	vadd.f32 v20, v15;
	v15 =	vpop (erf);
	(erf) = vpow2.f32 v18;
	v18 =	vmul.f32 v38, v50  }
0x90c: {  	[tilespmem:s12+$0x220] =	vst v19;
	v19 =	vld [tilespmem:s16+$0x70]  }
0x90d: {  	v51 =	vadd.f32 v22, v51;
	[tilespmem:s13+$0x40] =	vst v18;
	v18 =	vld [tilespmem:$0x1F320];
	_ =	sdelay $0x1  }
0x90e: {  	v16 =	vadd.f32 v29, v51;
	v51 =	vmul.f32 v38, v42;
	_ =	sdelay $0x1  }
0x90f: {  	v31 =	vld [tilespmem:s16+$0xF0];
	v17 =	vmul.f32 v38, v27  }
0x910: {  	[tilespmem:s13+$0x20] =	vst v51;
	v18 =	vmul.f32 v38, v18  }
0x911: {  	[tilespmem:s13+$0x30] =	vst v17;
	v17 =	vmul.f32 v38, v46;
	v51 =	vpop (erf)  }
0x912: {  	v47 =	vpop (erf);
	[tilespmem:s13+$0x60] =	vst v18;
	v18 =	vld [tilespmem:$0x1F2C0]  }
0x913: {  	v42 =	vadd.f32 v15, v26;
	[tilespmem:s13+$0x50] =	vst v17;
	v17 =	vld [tilespmem:$0x1F350];
	v26 =	vpop (erf)  }
0x914: {  	v19 =	vmul.f32 $1.442695020e+00, v19;
	v31 =	vmul.f32 $1.442695020e+00, v31;
	[tilespmem:$0x1F320] =	vst v26;
	v23 =	vadd.f32 v26, v23;
	v26 =	vld [tilespmem:$0x1F2F0]  }
0x915: {  	v60 =	vadd.f32 v25, v60;
	v39 =	vadd.f32 v8, v39  }
0x916: {  	v40 =	vadd.f32 v37, v40;
	v27 =	vmul.f32 v36, v43;
	(erf) = vpow2.f32 v19  }
0x917: {  	v19 =	vadd.f32 v51, v39;
	(erf) = vpow2.f32 v31;
	v18 =	vmul.f32 v36, v18  }
0x918: {  	[tilespmem:s13+$0xA0] =	vst v27;
	v39 =	vadd.f32 v47, v40;
	(erf) = vpow2.f32 v57;
	v31 =	vpop (erf);
	v17 =	vmul.f32 v38, v17  }
0x919: {  	v40 =	vadd.f32 v31, v16;
	v16 =	vpop (erf);
	v50 =	vmul.f32 v36, v26;
	[tilespmem:s13+$0x90] =	vst v18;
	v18 =	vmul.f32 v36, v24;
	v24 =	vld [tilespmem:$0x1F330]  }
0x91a: {  	v60 =	vadd.f32 v30, v60;
	v27 =	vld [tilespmem:$0x1F360];
	v38 =	vpop (erf);
	[tilespmem:s13+$0x70] =	vst v17  }
0x91b: {  	v17 =	vmul.f32 v36, v44;
	v26 =	vpop (erf);
	[tilespmem:s13+$0xC0] =	vst v50;
	v50 =	vld [tilespmem:$0x1F2E0]  }
0x91c: {  	v42 =	vadd.f32 v26, v42  }
0x91d: {  	v45 =	vmul.f32 v36, v45;
	v46 =	vmul.f32 v33, v48;
	v41 =	vadd.f32 v38, v41;
	[tilespmem:s13+$0xB0] =	vst v17;
	v17 =	vld [tilespmem:$0x1F2D0]  }
0x91e: {  	v44 =	vadd.f32 v16, v60;
	v60 =	vpop (erf);
	v48 =	vperm.xlane v42, v32;
	v24 =	vmul.f32 v36, v24  }
0x91f: {  	v19 =	vadd.f32 v60, v19;
	v57 =	vpop (erf);
	v36 =	vmul.f32 v36, v27;
	v27 =	vperm.xlane v41, v32  }
0x920: {  	v39 =	vadd.f32 v57, v39;
	v43 =	vmul.f32 v33, v50;
	v50 =	vpop (erf)  }
0x921: {  	[tilespmem:$0x1F350] =	vst v50;
	v23 =	vadd.f32 v50, v23;
	v50 =	vpop (erf);
	v27 =	vadd.f32 v41, v27;
	v41 =	vperm.xlane v19, v32  }
0x922: {  	v42 =	vadd.f32 v42, v48;
	v17 =	vmul.f32 v33, v17;
	[tilespmem:$0x1F360] =	vst v50;
	v40 =	vadd.f32 v50, v40;
	v48 =	vpop (erf);
	v50 =	vld [tilespmem:$0x1FFB0]  }
0x923: {  	[tilespmem:s13+$0xE0] =	vst v45;
	v19 =	vadd.f32 v19, v41;
	v41 =	vadd.f32 v48, v44;
	v44 =	vld [tilespmem:$0x1FFB0]  }
0x924: {  	[tilespmem:s13+$0x120] =	vst v17;
	v17 =	vld [tilespmem:$0x1FFB0]  }
0x925: {  	v45 =	vperm.xlane v39, v32;
	[tilespmem:s13+$0xD0] =	vst v18  }
0x926: {  	v18 =	vld [tilespmem:$0x1F300];
	[tilespmem:s13+$0x140] =	vst v43  }
0x927: {  	v39 =	vadd.f32 v39, v45;
	v43 =	vld [tilespmem:$0x1FFB0];
	[tilespmem:s13+$0xF0] =	vst v24;
	v24 =	vperm.xlane v23, v32;
	v45 =	vperm.xlane v19, v50  }
0x928: {  	[tilespmem:s13+$0x100] =	vst v36;
	v50 =	vld [tilespmem:$0x1FFB0];
	v36 =	vperm.xlane v27, v44;
	v44 =	vperm.xlane v40, v32  }
0x929: {  	v17 =	vperm.xlane v42, v17  }
0x92a: {  	v23 =	vadd.f32 v23, v24;
	v24 =	vperm.xlane v41, v32;
	v40 =	vadd.f32 v40, v44;
	v44 =	vld [tilespmem:$0x1FFC0]  }
0x92b: {  	v18 =	vmul.f32 v33, v18;
	v17 =	vadd.f32 v42, v17  }
0x92c: {  	[tilespmem:s13+$0x130] =	vst v46;
	v24 =	vadd.f32 v41, v24;
	v27 =	vadd.f32 v27, v36;
	v36 =	vperm.xlane v23, v43  }
0x92d: {  	[tilespmem:s13+$0x150] =	vst v18;
	v18 =	vadd.f32 v19, v45;
	v46 =	vperm.xlane v39, v50;
	v50 =	vmovc v62;
	v62 =	vmov v2  }
0x92e: {  	v45 =	vld [tilespmem:$0x1FFF0];
	[tilespmem:$0x1F2C0] =	vst v50;
	v50 =	vperm.xlane v24, v43;
	v19 =	vperm.xlane v40, v43;
	v23 =	vadd.f32 v23, v36  }
0x92f: {  	[tilespmem:$0x1F2D0] =	vst v62;
	v39 =	vadd.f32 v39, v46;
	v43 =	vmov v1;
	v1 =	vperm.xlane v27, v44  }
0x930: {  	v62 =	vmovc v63;
	v19 =	vadd.f32 v40, v19;
	v41 =	vperm.xlane v17, v44;
	v63 =	vperm.xlane v23, v44  }
0x931: {  	v24 =	vadd.f32 v24, v50;
	v2 =	vperm.xlane v18, v44;
	v1 =	vadd.f32 v27, v1  }
0x932: {  	v42 =	vmovc v5;
	v40 =	vperm.xlane v39, v44;
	v50 =	vperm.xlane v19, v44;
	v5 =	vadd.f32 v17, v41  }
0x933: {  	v2 =	vadd.f32 v18, v2;
	v17 =	vperm.xlane v24, v44;
	v44 =	vmovc v6;
	v6 =	vperm.xlane v1, v45  }
0x934: {  	v23 =	vadd.f32 v23, v63;
	v63 =	vmov v7;
	v7 =	vperm.xlane v5, v45  }
0x935: {  	v1 =	vadd.f32 v1, v6;
	v6 =	vperm.xlane v2, v45  }
0x936: {  	v5 =	vadd.f32 v5, v7  }
0x937: {  	v2 =	vadd.f32 v2, v6;
	(erf) = vrcp.f32 v1  }
0x938: {  	(erf) = vrcp.f32 v5  }
0x939: {  	(erf) = vrcp.f32 v2;
	v2 =	vld [tilespmem:$0x1F310];
	_ =	sdelay $0x2  }
0x93a: {  	v18 =	vadd.f32 v39, v40  }
0x93b: {  	v5 =	vld [tilespmem:$0x1F1C0]  }
0x93c: {  	v27 =	vmovc v12;
	v17 =	vadd.f32 v24, v17;
	v12 =	vperm.xlane v18, v45;
	v2 =	vmul.f32 v33, v2;
	_ =	sdelay $0x1  }
0x93d: {  	v6 =	vadd.f32 v18, v12;
	v12 =	vperm.xlane v17, v45;
	[tilespmem:s13+$0x170] =	vst v2;
	v2 =	vld [tilespmem:$0x1F370]  }
0x93e: {  	v19 =	vadd.f32 v19, v50  }
0x93f: {  	v5 =	vmul.f32 v33, v5  }
0x940: {  	v24 =	vmov v13;
	v13 =	vperm.xlane v19, v45  }
0x941: {  	v7 =	vperm.xlane v23, v45;
	v1 =	vadd.f32 v17, v12;
	v12 =	vmov v16;
	[tilespmem:s13+$0x160] =	vst v5;
	v5 =	vld [tilespmem:$0x1F340]  }
0x942: {  	v14 =	vmovc v14;
	(erf) = vrcp.f32 v6;
	v6 =	vmov v48;
	[tilespmem:$0x1F340] =	vst v12;
	v12 =	vld [tilespmem:$0x1F230];
	v2 =	vmul.f32 v33, v2  }
0x943: {  	v7 =	vadd.f32 v23, v7;
	[tilespmem:$0x1F370] =	vst v6;
	v6 =	vld [tilespmem:$0x1F1D0]  }
0x944: {  	v13 =	vadd.f32 v19, v13;
	[tilespmem:s13+$0x190] =	vst v2;
	v2 =	vld [tilespmem:$0x1F200]  }
0x945: {  	[tilespmem:$0x1F300] =	vst v14;
	v14 =	vmov v31;
	(erf) = vrcp.f32 v7  }
0x946: {  	[tilespmem:$0x1F330] =	vst v14;
	(erf) = vrcp.f32 v13;
	v5 =	vmul.f32 v33, v5  }
0x947: {  	[tilespmem:$0x1F2E0] =	vst v63;
	(erf) = vrcp.f32 v1;
	v1 =	vld [tilespmem:$0x1F1F0]  }
0x948: {  	v7 =	vpop (erf);
	v6 =	vmul.f32 v9, v6;
	[tilespmem:s13+$0x180] =	vst v5;
	v5 =	vld [tilespmem:$0x1F1E0]  }
0x949: {  	[tilespmem:$0x1F2F0] =	vst v24;
	v17 =	vmov v30;
	v12 =	vmul.f32 v7, v12;
	v13 =	vmul.f32 v9, v2;
	v2 =	vld [tilespmem:$0x1F210]  }
0x94a: {  	[tilespmem:$0x1F310] =	vst v17  }
0x94b: {  	v14 =	vmul.f32 v7, v61;
	[tilespmem:s12+$0xFFFFFDD0] =	vst v12;
	v12 =	vld [tilespmem:$0x1F240]  }
0x94c: {  	v1 =	vmul.f32 v9, v1;
	[tilespmem:s12+$0x1B0] =	vst v6;
	v6 =	vpop (erf)  }
0x94d: {  	v24 =	vmov v22;
	[tilespmem:s12+$0xFFFFFDF0] =	vst v14;
	v22 =	vmul.f32 v6, v3;
	v3 =	vld [tilespmem:$0x1F260];
	v5 =	vmul.f32 v9, v5  }
0x94e: {  	[tilespmem:s12+$0x1E0] =	vst v13;
	v13 =	vmul.f32 v7, v56;
	v16 =	vmul.f32 v9, v2;
	v2 =	vld [tilespmem:$0x1F220]  }
0x94f: {  	v11 =	vmul.f32 v7, v11;
	v17 =	vmul.f32 v7, v20;
	[tilespmem:s12+$0x1D0] =	vst v1  }
0x950: {  	v1 =	vmul.f32 v9, v49;
	[tilespmem:s12+$0xFFFFFDE0] =	vst v13;
	v13 =	vmul.f32 v6, v12;
	v12 =	vld [tilespmem:$0x1F250]  }
0x951: {  	v63 =	vmov v25;
	v25 =	vmul.f32 v6, v54;
	v20 =	vmul.f32 v6, v59;
	[tilespmem:s12+$0x1C0] =	vst v5;
	v5 =	vpop (erf)  }
0x952: {  	s14 =	sadd.s32 $0x8, s14;
	[tilespmem:s12+$0xFFFFFE10] =	vst v11;
	v15 =	vmul.f32 v6, v15;
	v14 =	vmul.f32 v5, v3  }
0x953: {  	p0 =	slt.u32 s14, $0x48;
	[tilespmem:s12+$0xFFFFFE20] =	vst v17;
	v3 =	vld [tilespmem:$0x1F270];
	v2 =	vmul.f32 v9, v2;
	v9 =	vmul.f32 v7, v55  }
.Ltmp8:
0x954: {  	v11 =	vmul.f32 v5, v53;
	[tilespmem:s12+$0x1F0] =	vst v16;
	v16 =	vmul.f32 v6, v10;
	(pc) =	sbr.rel @p0 .LBB2_18-.Ltmp8, $4  }
0x955: {  	v46 =	vmov v28;
	v28 =	vmul.f32 v6, v12;
	[tilespmem:s12+$0xFFFFFDC0] =	vst v9;
	v9 =	vmul.f32 v7, v4;
	v4 =	vpop (erf)  }
0x956: {  	v40 =	vmov v45;
	[tilespmem:s12+$0xFFFFFE50] =	vst v13;
	v12 =	vmul.f32 v6, v26;
	v7 =	vmul.f32 v7, v38;
	v38 =	vpop (erf)  }
0x957: {  	v50 =	vmov v21;
	v6 =	vmul.f32 v5, v0;
	v0 =	vmul.f32 v5, v8;
	v36 =	vpop (erf);
	[tilespmem:s12+$0xFFFFFE00] =	vst v9  }
0x958: {  	s16 =	sadd.s32 $0x400, s16;
	v45 =	vmov v29;
	s13 =	smov.u32 s12;
	v9 =	vmul.f32 v5, v3;
	[tilespmem:s12+$0xFFFFFE30] =	vst v7;
	v3 =	vmul.f32 v5, v58;
	v33 =	vpop (erf)  }
0x959: {  	[tilespmem:s12+$0xFFFFFE60] =	vst v28  }
0x95a: {  	[tilespmem:s12+$0xFFFFFE70] =	vst v25  }
0x95b: {  	[tilespmem:s12+$0xFFFFFE80] =	vst v20  }
0x95c: {  	[tilespmem:s12+$0xFFFFFE90] =	vst v22  }
0x95d: {  	[tilespmem:s12+$0xFFFFFEA0] =	vst v16  }
0x95e: {  	[tilespmem:s12+$0xFFFFFEB0] =	vst v15  }
0x95f: {  	[tilespmem:s12+$0xFFFFFEC0] =	vst v12  }
0x960: {  	[tilespmem:s12+$0xFFFFFEE0] =	vst v14  }
0x961: {  	[tilespmem:s12+$0xFFFFFF00] =	vst v11  }
0x962: {  	[tilespmem:s12+$0xFFFFFF20] =	vst v6  }
0x963: {  	[tilespmem:s12+$0xFFFFFF30] =	vst v0  }
0x964: {  	[tilespmem:s12+$0xFFFFFF10] =	vst v3;
	v3 =	vmul.f32 v5, v51  }
0x965: {  	[tilespmem:s12+$0xFFFFFEF0] =	vst v9  }
0x966: {  	v5 =	vmul.f32 v5, v60;
	v0 =	vld [tilespmem:$0x1F280];
	[tilespmem:s12+$0xFFFFFF40] =	vst v3  }
0x967: {  	v3 =	vld [tilespmem:$0x1F290]  }
0x968: {  	[tilespmem:s12+$0xFFFFFF50] =	vst v5;
	v5 =	vmul.f32 v4, v52;
	_ =	sdelay $0x1  }
0x969: {  	[tilespmem:s12+$0xFFFFFF90] =	vst v5;
	v5 =	vmul.f32 v4, v37  }
0x96a: {  	v0 =	vmul.f32 v4, v0  }
0x96b: {  	[tilespmem:s12+$0xFFFFFFC0] =	vst v5;
	v3 =	vmul.f32 v4, v3  }
0x96c: {  	[tilespmem:s12+$0xFFFFFF70] =	vst v0;
	v0 =	vmul.f32 v4, v34  }
0x96d: {  	[tilespmem:s12+$0xFFFFFF80] =	vst v3;
	v3 =	vmul.f32 v4, v35  }
0x96e: {  	[tilespmem:s12+$0xFFFFFFA0] =	vst v0;
	v0 =	vmul.f32 v4, v47  }
0x96f: {  	[tilespmem:s12+$0xFFFFFFB0] =	vst v3  }
0x970: {  	v3 =	vmul.f32 v4, v57;
	v4 =	vld [tilespmem:$0x1F2A0];
	[tilespmem:s12+$0xFFFFFFD0] =	vst v0  }
0x971: {  	v0 =	vld [tilespmem:$0x1F2B0];
	_ =	sdelay $0x3  }
0x972: {  	[tilespmem:s12+$0xFFFFFFE0] =	vst v3  }
0x973: {  	[tilespmem:s12+$0x200] =	vst v2;
	v0 =	vmul.f32 v38, v0  }
0x974: {  	[tilespmem:s12+$0x210] =	vst v1;
	v4 =	vmul.f32 v38, v4  }
0x975: {  	[tilespmem:s12+$0x10] =	vst v0;
	v0 =	vmul.f32 v38, v42  }
0x976: {  	v1 =	vmul.f32 v38, v27;
	[tilespmem:s12+$0x0] =	vst v4  }
0x977: {  	[tilespmem:s13+$0x20] =	vst v0;
	v0 =	vmul.f32 v38, v50  }
0x978: {  	[tilespmem:s13+$0x30] =	vst v1  }
0x979: {  	[tilespmem:s13+$0x40] =	vst v0  }
0x97a: {  	v0 =	vld [tilespmem:$0x1F320];
	_ =	sdelay $0x3  }
0x97b: {  	v1 =	vmul.f32 v38, v46  }
0x97c: {  	v0 =	vmul.f32 v38, v0  }
0x97d: {  	[tilespmem:s13+$0x50] =	vst v1  }
0x97e: {  	v1 =	vld [tilespmem:$0x1F350];
	[tilespmem:s13+$0x60] =	vst v0  }
0x97f: {  	v0 =	vld [tilespmem:$0x1F2C0];
	_ =	sdelay $0x3  }
0x980: {  	v1 =	vmul.f32 v38, v1  }
0x981: {  	v0 =	vmul.f32 v36, v0  }
0x982: {  	[tilespmem:s13+$0x70] =	vst v1  }
0x983: {  	[tilespmem:s13+$0x90] =	vst v0  }
0x984: {  	v0 =	vld [tilespmem:$0x1F2F0];
	_ =	sdelay $0x2  }
0x985: {  	v2 =	vmul.f32 v36, v43  }
0x986: {  	v1 =	vmul.f32 v36, v44  }
0x987: {  	[tilespmem:s13+$0xA0] =	vst v2;
	v0 =	vmul.f32 v36, v0  }
0x988: {  	v2 =	vmul.f32 v36, v24;
	[tilespmem:s13+$0xB0] =	vst v1  }
0x989: {  	v1 =	vmul.f32 v36, v45;
	[tilespmem:s13+$0xC0] =	vst v0  }
0x98a: {  	v0 =	vld [tilespmem:$0x1F330];
	[tilespmem:s13+$0xD0] =	vst v2  }
0x98b: {  	v2 =	vld [tilespmem:$0x1F360];
	[tilespmem:s13+$0xE0] =	vst v1  }
0x98c: {  	v1 =	vld [tilespmem:$0x1F2D0];
	_ =	sdelay $0x2  }
0x98d: {  	v0 =	vmul.f32 v36, v0  }
0x98e: {  	v2 =	vmul.f32 v36, v2  }
0x98f: {  	v1 =	vmul.f32 v33, v1;
	[tilespmem:s13+$0xF0] =	vst v0  }
0x990: {  	[tilespmem:s13+$0x100] =	vst v2  }
0x991: {  	v2 =	vld [tilespmem:$0x1F2E0];
	[tilespmem:s13+$0x120] =	vst v1  }
0x992: {  	v1 =	vld [tilespmem:$0x1F300];
	_ =	sdelay $0x2  }
0x993: {  	v0 =	vmul.f32 v33, v62  }
0x994: {  	v2 =	vmul.f32 v33, v2  }
0x995: {  	[tilespmem:s13+$0x130] =	vst v0;
	v1 =	vmul.f32 v33, v1  }
0x996: {  	[tilespmem:s13+$0x140] =	vst v2  }
0x997: {  	[tilespmem:s13+$0x150] =	vst v1  }
0x998: {  	v1 =	vld [tilespmem:$0x1F310];
	_ =	sdelay $0x3  }
0x999: {  	v0 =	vmul.f32 v33, v63  }
0x99a: {  	v1 =	vmul.f32 v33, v1  }
0x99b: {  	[tilespmem:s13+$0x160] =	vst v0  }
0x99c: {  	v0 =	vld [tilespmem:$0x1F340];
	[tilespmem:s13+$0x170] =	vst v1  }
0x99d: {  	v1 =	vld [tilespmem:$0x1F370];
	_ =	sdelay $0x3  }
0x99e: {  	v0 =	vmul.f32 v33, v0  }
0x99f: {  	v1 =	vmul.f32 v33, v1  }
0x9a0: {  	[tilespmem:s13+$0x180] =	vst v0  }
0x9a1: {  	[tilespmem:s13+$0x190] =	vst v1  }
0x9a2: {  	[spmem:s4] =	stream.indirect.scatter.add.f32 [tilespmem:s29], [sflag:$0x3], $0x90, s6, s9, $0xb8;
	[tilespmem:$0x1DD30] =	vst v63  }
0x9a3: {  	_ =	swait.ge [sflag:s30], $0x2D00  }
0x9a4: {  	[sflag:s30] =	ssyncset.done $0x0  }
0x9a5: {  	[sflag:s30] =	ssyncadd.s32 $0xFFFFD300  }
0x9a6: {  	_ =	swait.ge [sflag:s7], $0x2800  }
0x9a7: {  	[sflag:s7] =	ssyncset.done $0x0  }
0x9a8: {  	[sflag:s7] =	ssyncadd.s32 $0xFFFFD800  }
0x9a9: {  	_ =	swait.ge [sflag:s7], $0x50  }
0x9aa: {  	[sflag:s7] =	ssyncset.done $0x0  }
0x9ab: {  	s18 =	simm.s32 $0x16190;
	[sflag:s7] =	ssyncadd.s32 $0xFFFFFFB0  }
0x9ac: {  	v0 =	vld [tilespmem:s18+$0x180]  }
0x9ad: {  	v1 =	vld [tilespmem:s18+$0x190]  }
0x9ae: {  	v2 =	vld [tilespmem:s18+$0xFFFFFE10]  }
0x9af: {  	v3 =	vld [tilespmem:s18+$0x1A0]  }
0x9b0: {  	v4 =	vld [tilespmem:s18+$0xFFFFFE80]  }
0x9b1: {  	v5 =	vld [tilespmem:s18+$0x1B0];
	v0 =	vmul.f32 $1.442695020e+00, v0  }
0x9b2: {  	v7 =	vld [tilespmem:s18+$0x1C0];
	v1 =	vmul.f32 $1.442695020e+00, v1  }
0x9b3: {  	v6 =	vld [tilespmem:s18+$0xFFFFFE90];
	v2 =	vmul.f32 $1.442695020e+00, v2;
	(erf) = vpow2.f32 v0  }
0x9b4: {  	(erf) = vpow2.f32 v1  }
0x9b5: {  	v3 =	vmul.f32 $1.442695020e+00, v3;
	v0 =	vld [tilespmem:s18+$0xFFFFFF00];
	(erf) = vpow2.f32 v2  }
0x9b6: {  	v5 =	vmul.f32 $1.442695020e+00, v5;
	v1 =	vmul.f32 $1.442695020e+00, v4;
	v4 =	vld [tilespmem:s18+$0x1D0]  }
0x9b7: {  	v7 =	vmul.f32 $1.442695020e+00, v7;
	v2 =	vld [tilespmem:s18+$0xFFFFFF10];
	(erf) = vpow2.f32 v3  }
0x9b8: {  	v3 =	vmul.f32 $1.442695020e+00, v6;
	v6 =	vld [tilespmem:s18+$0x1E0];
	(erf) = vpow2.f32 v1  }
0x9b9: {  	(erf) = vpow2.f32 v5  }
0x9ba: {  	v0 =	vmul.f32 $1.442695020e+00, v0  }
0x9bb: {  	v1 =	vld [tilespmem:s18+$0xFFFFFF80];
	(erf) = vpow2.f32 v3;
	v3 =	vmul.f32 $1.442695020e+00, v4  }
0x9bc: {  	v5 =	vld [tilespmem:s18+$0x1F0];
	(erf) = vpow2.f32 v7;
	v2 =	vmul.f32 $1.442695020e+00, v2;
	v7 =	vpop (erf)  }
0x9bd: {  	(erf) = vpow2.f32 v0;
	v0 =	vld [tilespmem:s18+$0xFFFFFF90];
	v4 =	vmul.f32 $1.442695020e+00, v6;
	[tilespmem:$0x1F130] =	vst v7;
	v6 =	vpop (erf)  }
0x9be: {  	(erf) = vpow2.f32 v3;
	v3 =	vld [tilespmem:s18+$0x0];
	[tilespmem:$0x1F140] =	vst v6;
	v17 =	vpop (erf)  }
0x9bf: {  	(erf) = vpow2.f32 v2;
	v6 =	vadd.f32 v6, v7;
	v2 =	vld [tilespmem:s18+$0x10];
	[tilespmem:$0x1F1B0] =	vst v17  }
0x9c0: {  	v1 =	vmul.f32 $1.442695020e+00, v1;
	(erf) = vpow2.f32 v4;
	v7 =	vpop (erf);
	v4 =	vld [tilespmem:s18+$0x80]  }
0x9c1: {  	v5 =	vmul.f32 $1.442695020e+00, v5;
	v6 =	vadd.f32 v7, v6;
	v18 =	vpop (erf)  }
0x9c2: {  	v43 =	vld [tilespmem:$0x1FFB0];
	(erf) = vpow2.f32 v1;
	[tilespmem:$0x1F150] =	vst v7;
	v0 =	vmul.f32 $1.442695020e+00, v0;
	v8 =	vpop (erf)  }
0x9c3: {  	(erf) = vpow2.f32 v5;
	v1 =	vld [tilespmem:s18+$0x90];
	v6 =	vadd.f32 v8, v6  }
0x9c4: {  	v5 =	vld [tilespmem:s18+$0x100];
	[tilespmem:$0x1F160] =	vst v8;
	v23 =	vpop (erf);
	(erf) = vpow2.f32 v0  }
0x9c5: {  	v3 =	vmul.f32 $1.442695020e+00, v3;
	v7 =	vld [tilespmem:s18+$0x110];
	v10 =	vpop (erf);
	v0 =	vmul.f32 $1.442695020e+00, v4  }
0x9c6: {  	v8 =	vld [tilespmem:s18+$0xFFFFFE00];
	v2 =	vmul.f32 $1.442695020e+00, v2;
	[tilespmem:$0x1F170] =	vst v10;
	v36 =	vpop (erf)  }
0x9c7: {  	v9 =	vld [tilespmem:s18+$0xFFFFFE20];
	(erf) = vpow2.f32 v3;
	v3 =	vadd.f32 v10, v6;
	v6 =	vpop (erf)  }
0x9c8: {  	v4 =	vld [tilespmem:s18+$0xFFFFFEA0];
	v1 =	vmul.f32 $1.442695020e+00, v1;
	(erf) = vpow2.f32 v2;
	[tilespmem:$0x1F180] =	vst v6;
	v41 =	vpop (erf)  }
0x9c9: {  	v5 =	vmul.f32 $1.442695020e+00, v5;
	(erf) = vpow2.f32 v0;
	v3 =	vadd.f32 v6, v3;
	v2 =	vld [tilespmem:s18+$0xFFFFFF20];
	v0 =	vpop (erf)  }
0x9ca: {  	v6 =	vld [tilespmem:s18+$0xFFFFFFA0];
	v7 =	vmul.f32 $1.442695020e+00, v7;
	(erf) = vpow2.f32 v1;
	[tilespmem:$0x1F190] =	vst v0  }
0x9cb: {  	v8 =	vmul.f32 $1.442695020e+00, v8;
	(erf) = vpow2.f32 v5;
	v3 =	vadd.f32 v0, v3;
	v31 =	vpop (erf);
	v10 =	vld [tilespmem:s18+$0x20]  }
0x9cc: {  	v5 =	vmul.f32 $1.442695020e+00, v9;
	(erf) = vpow2.f32 v7;
	v9 =	vld [tilespmem:s18+$0xA0];
	v44 =	vpop (erf)  }
0x9cd: {  	v4 =	vmul.f32 $1.442695020e+00, v4;
	v7 =	vld [tilespmem:s18+$0x120];
	(erf) = vpow2.f32 v8;
	v3 =	vadd.f32 v44, v3  }
0x9ce: {  	v8 =	vld [tilespmem:s18+$0xFFFFFE30];
	(erf) = vpow2.f32 v5;
	v2 =	vmul.f32 $1.442695020e+00, v2  }
0x9cf: {  	v12 =	vld [tilespmem:s18+$0x130];
	(erf) = vpow2.f32 v4;
	v11 =	vperm.xlane v3, v32  }
0x9d0: {  	v52 =	vpop (erf);
	v6 =	vmul.f32 $1.442695020e+00, v6;
	v4 =	vld [tilespmem:s18+$0xFFFFFF30];
	(erf) = vpow2.f32 v2  }
0x9d1: {  	v5 =	vld [tilespmem:s18+$0xFFFFFEB0];
	v48 =	vpop (erf);
	v10 =	vmul.f32 $1.442695020e+00, v10;
	v9 =	vmul.f32 $1.442695020e+00, v9;
	v3 =	vadd.f32 v3, v11  }
0x9d2: {  	v54 =	vld [tilespmem:$0x1FFC0];
	v49 =	vpop (erf);
	v7 =	vmul.f32 $1.442695020e+00, v7;
	(erf) = vpow2.f32 v6  }
0x9d3: {  	v2 =	vld [tilespmem:s18+$0xFFFFFFB0];
	v42 =	vpop (erf);
	(erf) = vpow2.f32 v10;
	v10 =	vperm.xlane v3, v43  }
0x9d4: {  	v6 =	vld [tilespmem:s18+$0x30];
	v8 =	vmul.f32 $1.442695020e+00, v8;
	v12 =	vmul.f32 $1.442695020e+00, v12;
	v55 =	vpop (erf)  }
0x9d5: {  	v11 =	vld [tilespmem:s18+$0xB0];
	v46 =	vpop (erf);
	v4 =	vmul.f32 $1.442695020e+00, v4;
	(erf) = vpow2.f32 v9;
	v3 =	vadd.f32 v3, v10  }
0x9d6: {  	v9 =	vmul.f32 $1.442695020e+00, v5;
	v62 =	vpop (erf);
	(erf) = vpow2.f32 v7  }
0x9d7: {  	v7 =	vld [tilespmem:s18+$0xFFFFFE40];
	v1 =	vpop (erf);
	(erf) = vpow2.f32 v8;
	v8 =	vperm.xlane v3, v54  }
0x9d8: {  	v2 =	vmul.f32 $1.442695020e+00, v2;
	[tilespmem:$0x1F1A0] =	vst v1;
	(erf) = vpow2.f32 v9  }
0x9d9: {  	v10 =	vmul.f32 $1.442695020e+00, v6;
	v38 =	vpop (erf);
	v9 =	vld [tilespmem:s18+$0xFFFFFEC0];
	(erf) = vpow2.f32 v4;
	v8 =	vadd.f32 v3, v8  }
0x9da: {  	v11 =	vmul.f32 $1.442695020e+00, v11;
	v13 =	vld [tilespmem:s18+$0xFFFFFF40];
	v5 =	vpop (erf);
	(erf) = vpow2.f32 v2  }
0x9db: {  	v2 =	vld [tilespmem:s18+$0xFFFFFFC0];
	v19 =	vpop (erf);
	(erf) = vpow2.f32 v10;
	v10 =	vperm.xlane v8, v40  }
0x9dc: {  	v14 =	vld [tilespmem:s18+$0x40];
	v7 =	vmul.f32 $1.442695020e+00, v7;
	v4 =	vpop (erf);
	(erf) = vpow2.f32 v11  }
0x9dd: {  	v11 =	vld [tilespmem:s18+$0xC0];
	v50 =	vpop (erf);
	(erf) = vpow2.f32 v12;
	v8 =	vadd.f32 v8, v10  }
0x9de: {  	v12 =	vld [tilespmem:s18+$0x140];
	v10 =	vmul.f32 $1.442695020e+00, v9;
	v59 =	vpop (erf);
	(erf) = vpow2.f32 v7  }
0x9df: {  	v15 =	vld [tilespmem:s18+$0xFFFFFE50];
	v7 =	vmul.f32 $1.442695020e+00, v13;
	v53 =	vpop (erf);
	(erf) = vrcp.f32 v8  }
0x9e0: {  	v13 =	vld [tilespmem:s18+$0xFFFFFED0];
	v2 =	vmul.f32 $1.442695020e+00, v2;
	v9 =	vpop (erf);
	(erf) = vpow2.f32 v10  }
0x9e1: {  	v14 =	vmul.f32 $1.442695020e+00, v14;
	v10 =	vld [tilespmem:s18+$0xFFFFFF50];
	v33 =	vpop (erf);
	(erf) = vpow2.f32 v7  }
0x9e2: {  	v16 =	vld [tilespmem:s18+$0xFFFFFFD0];
	v11 =	vmul.f32 $1.442695020e+00, v11;
	v39 =	vpop (erf);
	(erf) = vpow2.f32 v2  }
0x9e3: {  	v12 =	vmul.f32 $1.442695020e+00, v12;
	v2 =	vld [tilespmem:s18+$0x50];
	v34 =	vpop (erf);
	(erf) = vpow2.f32 v14  }
0x9e4: {  	v14 =	vmul.f32 $1.442695020e+00, v15;
	v15 =	vld [tilespmem:s18+$0xD0];
	v7 =	vpop (erf);
	(erf) = vpow2.f32 v11  }
0x9e5: {  	v11 =	vmul.f32 $1.442695020e+00, v13;
	v13 =	vld [tilespmem:s18+$0x150];
	v60 =	vpop (erf);
	(erf) = vpow2.f32 v12  }
0x9e6: {  	v20 =	vld [tilespmem:s18+$0xFFFFFE60];
	v10 =	vmul.f32 $1.442695020e+00, v10;
	v57 =	vpop (erf);
	(erf) = vpow2.f32 v14  }
0x9e7: {  	v21 =	vld [tilespmem:s18+$0xFFFFFEE0];
	v16 =	vmul.f32 $1.442695020e+00, v16;
	v12 =	vpop (erf);
	(erf) = vpow2.f32 v11  }
0x9e8: {  	v22 =	vld [tilespmem:s18+$0xFFFFFF60];
	v2 =	vmul.f32 $1.442695020e+00, v2;
	(erf) = vpow2.f32 v10;
	v14 =	vpop (erf)  }
0x9e9: {  	v24 =	vld [tilespmem:s18+$0xFFFFFFE0];
	v15 =	vmul.f32 $1.442695020e+00, v15;
	v11 =	vpop (erf);
	(erf) = vpow2.f32 v16  }
0x9ea: {  	v16 =	vld [tilespmem:s18+$0x60];
	v13 =	vmul.f32 $1.442695020e+00, v13;
	v10 =	vpop (erf);
	(erf) = vpow2.f32 v2  }
0x9eb: {  	v25 =	vld [tilespmem:s18+$0xE0];
	v2 =	vmul.f32 $1.442695020e+00, v20;
	v35 =	vpop (erf);
	(erf) = vpow2.f32 v15  }
0x9ec: {  	v15 =	vmul.f32 $1.442695020e+00, v21;
	v21 =	vld [tilespmem:s18+$0x160];
	v3 =	vpop (erf);
	(erf) = vpow2.f32 v13  }
0x9ed: {  	v26 =	vld [tilespmem:s18+$0xFFFFFE70];
	v13 =	vmul.f32 $1.442695020e+00, v22;
	(erf) = vpow2.f32 v2;
	v6 =	vpop (erf)  }
0x9ee: {  	v2 =	vmul.f32 $1.442695020e+00, v24;
	(erf) = vpow2.f32 v15;
	v63 =	vpop (erf)  }
0x9ef: {  	v16 =	vmul.f32 $1.442695020e+00, v16;
	v20 =	vpop (erf);
	(erf) = vpow2.f32 v13  }
0x9f0: {  	v22 =	vmul.f32 $1.442695020e+00, v25;
	v15 =	vpop (erf);
	(erf) = vpow2.f32 v2  }
0x9f1: {  	v2 =	vmul.f32 $1.442695020e+00, v21;
	v13 =	vpop (erf);
	(erf) = vpow2.f32 v16  }
0x9f2: {  	v21 =	vmul.f32 $1.442695020e+00, v26;
	v16 =	vadd.f32 v17, v1;
	v37 =	vpop (erf);
	(erf) = vpow2.f32 v22  }
0x9f3: {  	v1 =	vpop (erf);
	(erf) = vpow2.f32 v2  }
0x9f4: {  	v2 =	vadd.f32 v38, v16;
	(erf) = vpow2.f32 v21;
	v45 =	vpop (erf)  }
0x9f5: {  	v0 =	vpop (erf)  }
0x9f6: {  	v2 =	vadd.f32 v9, v2;
	v22 =	vpop (erf)  }
0x9f7: {  	v21 =	vpop (erf)  }
0x9f8: {  	v2 =	vadd.f32 v12, v2;
	v51 =	vpop (erf)  }
0x9f9: {  	v26 =	vadd.f32 v23, v18;
	v47 =	vpop (erf)  }
0x9fa: {  	v27 =	vld [tilespmem:s18+$0xFFFFFFF0];
	v2 =	vadd.f32 v20, v2;
	v61 =	vpop (erf)  }
0x9fb: {  	v30 =	vld [tilespmem:s18+$0x70];
	v26 =	vadd.f32 v5, v26;
	v17 =	vpop (erf)  }
0x9fc: {  	v16 =	vld [tilespmem:s18+$0xFFFFFEF0];
	v2 =	vadd.f32 v22, v2;
	v56 =	vpop (erf)  }
0x9fd: {  	v24 =	vld [tilespmem:s18+$0xFFFFFF70];
	[tilespmem:$0x1F030] =	vst v31;
	v26 =	vadd.f32 v33, v26;
	v25 =	vpop (erf)  }
0x9fe: {  	[tilespmem:$0x1F040] =	vst v52;
	v2 =	vadd.f32 v25, v2  }
0x9ff: {  	v29 =	vadd.f32 v41, v36;
	[tilespmem:$0x1F050] =	vst v48;
	v26 =	vadd.f32 v11, v26  }
0xa00: {  	v58 =	vadd.f32 v62, v46;
	v27 =	vmul.f32 $1.442695020e+00, v27;
	[tilespmem:$0x1F060] =	vst v49;
	v28 =	vperm.xlane v2, v32  }
0xa01: {  	v30 =	vmul.f32 $1.442695020e+00, v30;
	[tilespmem:$0x1F070] =	vst v42;
	v16 =	vmul.f32 $1.442695020e+00, v16;
	v26 =	vadd.f32 v15, v26  }
0xa02: {  	v24 =	vmul.f32 $1.442695020e+00, v24;
	v2 =	vadd.f32 v2, v28;
	v28 =	vadd.f32 v52, v31;
	v31 =	vld [tilespmem:s18+$0xF0];
	[tilespmem:$0x1F080] =	vst v46  }
0xa03: {  	(erf) = vpow2.f32 v16;
	v16 =	vadd.f32 v19, v29;
	v29 =	vadd.f32 v55, v42;
	v46 =	vld [tilespmem:s18+$0x170]  }
0xa04: {  	v26 =	vadd.f32 v21, v26;
	(erf) = vpow2.f32 v24;
	v24 =	vadd.f32 v49, v48  }
0xa05: {  	v29 =	vadd.f32 v59, v29;
	(erf) = vpow2.f32 v27;
	v27 =	vadd.f32 v53, v58  }
0xa06: {  	v16 =	vadd.f32 v39, v16;
	v24 =	vadd.f32 v50, v24;
	(erf) = vpow2.f32 v30  }
0xa07: {  	v29 =	vadd.f32 v60, v29;
	v28 =	vadd.f32 v4, v28;
	v30 =	vmul.f32 $1.442695020e+00, v31  }
0xa08: {  	v27 =	vadd.f32 v57, v27;
	v24 =	vadd.f32 v7, v24;
	v31 =	vmul.f32 $1.442695020e+00, v46  }
0xa09: {  	v16 =	vadd.f32 v10, v16;
	v28 =	vadd.f32 v34, v28;
	(erf) = vpow2.f32 v30  }
0xa0a: {  	v29 =	vadd.f32 v6, v29;
	v24 =	vadd.f32 v3, v24;
	(erf) = vpow2.f32 v31  }
0xa0b: {  	v27 =	vadd.f32 v63, v27;
	v28 =	vadd.f32 v35, v28  }
0xa0c: {  	v16 =	vadd.f32 v13, v16;
	v24 =	vadd.f32 v1, v24  }
0xa0d: {  	v29 =	vadd.f32 v45, v29;
	v28 =	vadd.f32 v37, v28  }
0xa0e: {  	v16 =	vadd.f32 v51, v16;
	v24 =	vadd.f32 v61, v24;
	v31 =	vpop (erf)  }
0xa0f: {  	[tilespmem:$0x1F0A0] =	vst v60;
	v28 =	vadd.f32 v47, v28;
	v60 =	vpop (erf);
	v26 =	vadd.f32 v31, v26  }
0xa10: {  	[tilespmem:$0x1F0B0] =	vst v57;
	v30 =	vadd.f32 v0, v27;
	v57 =	vpop (erf);
	v16 =	vadd.f32 v60, v16  }
0xa11: {  	[tilespmem:$0x1F090] =	vst v53;
	v46 =	vmov v1;
	v1 =	vpop (erf);
	v28 =	vadd.f32 v57, v28;
	v53 =	vperm.xlane v26, v32  }
0xa12: {  	[tilespmem:$0x1F0C0] =	vst v0;
	v30 =	vadd.f32 v56, v30;
	v24 =	vadd.f32 v1, v24;
	v27 =	vperm.xlane v16, v32;
	v0 =	vpop (erf)  }
0xa13: {  	[tilespmem:$0x1F0F0] =	vst v56;
	v29 =	vadd.f32 v17, v29;
	v26 =	vadd.f32 v26, v53;
	v58 =	vperm.xlane v28, v32;
	v56 =	vpop (erf)  }
0xa14: {  	v16 =	vadd.f32 v16, v27;
	v27 =	vperm.xlane v24, v32;
	v30 =	vadd.f32 v56, v30  }
0xa15: {  	[tilespmem:$0x1F0D0] =	vst v61;
	v61 =	vperm.xlane v2, v43;
	v29 =	vadd.f32 v0, v29;
	v28 =	vadd.f32 v28, v58  }
0xa16: {  	[tilespmem:$0x1F120] =	vst v56;
	v24 =	vadd.f32 v24, v27;
	v27 =	vperm.xlane v26, v43;
	v56 =	vperm.xlane v30, v32  }
0xa17: {  	v2 =	vadd.f32 v2, v61;
	[tilespmem:$0x1F110] =	vst v0;
	v58 =	vperm.xlane v16, v43;
	v0 =	vperm.xlane v29, v32  }
0xa18: {  	v26 =	vadd.f32 v26, v27;
	v27 =	vperm.xlane v28, v43;
	v30 =	vadd.f32 v30, v56  }
0xa19: {  	v48 =	vperm.xlane v2, v54;
	v29 =	vadd.f32 v29, v0  }
0xa1a: {  	v16 =	vadd.f32 v16, v58;
	v28 =	vadd.f32 v28, v27;
	v27 =	vperm.xlane v30, v43  }
0xa1b: {  	v2 =	vadd.f32 v2, v48;
	v0 =	vperm.xlane v24, v43;
	v61 =	vperm.xlane v29, v43  }
0xa1c: {  	v43 =	vmovc v55;
	v55 =	vperm.xlane v26, v54;
	v30 =	vadd.f32 v30, v27;
	v27 =	vperm.xlane v16, v54  }
0xa1d: {  	v24 =	vadd.f32 v24, v0;
	v29 =	vadd.f32 v29, v61  }
0xa1e: {  	v0 =	vperm.xlane v28, v54;
	v26 =	vadd.f32 v26, v55;
	v16 =	vadd.f32 v16, v27  }
0xa1f: {  	v53 =	vperm.xlane v2, v40;
	v27 =	vperm.xlane v29, v54  }
0xa20: {  	v28 =	vadd.f32 v28, v0;
	v58 =	vperm.xlane v26, v40;
	v0 =	vperm.xlane v16, v40  }
0xa21: {  	v2 =	vadd.f32 v2, v53;
	v29 =	vadd.f32 v29, v27;
	v27 =	vperm.xlane v30, v54  }
0xa22: {  	v26 =	vadd.f32 v26, v58;
	v16 =	vadd.f32 v16, v0;
	v0 =	vld [tilespmem:$0x1F130]  }
0xa23: {  	(erf) = vrcp.f32 v2;
	v2 =	vperm.xlane v28, v40;
	v30 =	vadd.f32 v30, v27  }
0xa24: {  	[tilespmem:$0x1F100] =	vst v1;
	v1 =	vmul.f32 v14, v44;
	(erf) = vrcp.f32 v26  }
0xa25: {  	s12 =	simm.s32 $0x1B1D0;
	[tilespmem:$0x1F0E0] =	vst v17;
	v2 =	vadd.f32 v28, v2;
	(erf) = vrcp.f32 v16;
	v16 =	vperm.xlane v30, v40  }
0xa26: {  	v56 =	vperm.xlane v24, v54;
	[tilespmem:s12+$0x220] =	vst v1  }
0xa27: {  	(erf) = vrcp.f32 v2;
	v2 =	vadd.f32 v30, v16;
	v16 =	vmul.f32 v14, v0;
	v0 =	vld [tilespmem:$0x1F140];
	_ =	sdelay $0x1  }
0xa28: {  	v24 =	vadd.f32 v24, v56;
	_ =	sdelay $0x1  }
0xa29: {  	v61 =	vperm.xlane v24, v40;
	[tilespmem:s12+$0x1B0] =	vst v16  }
0xa2a: {  	v26 =	vperm.xlane v29, v40;
	v1 =	vmul.f32 v14, v0;
	v0 =	vld [tilespmem:$0x1F150]  }
0xa2b: {  	v28 =	vadd.f32 v24, v61  }
0xa2c: {  	v26 =	vadd.f32 v29, v26  }
0xa2d: {  	(erf) = vrcp.f32 v28  }
0xa2e: {  	(erf) = vrcp.f32 v26;
	[tilespmem:s12+$0x1C0] =	vst v1  }
0xa2f: {  	(erf) = vrcp.f32 v2;
	v2 =	vmul.f32 v14, v0;
	v0 =	vld [tilespmem:$0x1F160];
	_ =	sdelay $0x4  }
0xa30: {  	v16 =	vmul.f32 v14, v0;
	v0 =	vld [tilespmem:$0x1F170];
	_ =	sdelay $0x3  }
0xa31: {  	[tilespmem:s12+$0x1D0] =	vst v2  }
0xa32: {  	v26 =	vmul.f32 v14, v0;
	v0 =	vld [tilespmem:$0x1F180];
	_ =	sdelay $0x4  }
0xa33: {  	v2 =	vmul.f32 v14, v0;
	v0 =	vld [tilespmem:$0x1F190];
	[tilespmem:s12+$0x1E0] =	vst v16  }
0xa34: {  	v42 =	vmov v50;
	v50 =	vmov v3;
	v3 =	vld [tilespmem:$0x1F1A0];
	_ =	sdelay $0x3  }
0xa35: {  	v1 =	vmul.f32 v14, v0;
	v0 =	vpop (erf)  }
0xa36: {  	v8 =	vmov v5;
	v5 =	vmul.f32 v0, v3;
	v3 =	vld [tilespmem:$0x1F1B0]  }
0xa37: {  	v24 =	vmov v6;
	[tilespmem:s12+$0x1F0] =	vst v26;
	v6 =	vmul.f32 v0, v38;
	v26 =	vpop (erf)  }
0xa38: {  	v9 =	vmul.f32 v0, v9;
	v28 =	vmul.f32 v26, v23  }
0xa39: {  	v16 =	vmul.f32 v26, v15;
	[tilespmem:s12+$0xFFFFFDC0] =	vst v5;
	v5 =	vmul.f32 v0, v12  }
0xa3a: {  	v15 =	vmul.f32 v26, v21;
	v12 =	vmul.f32 v0, v20;
	[tilespmem:s12+$0xFFFFFDE0] =	vst v6  }
0xa3b: {  	v6 =	vmul.f32 v26, v18;
	[tilespmem:s12+$0xFFFFFE00] =	vst v5;
	v14 =	vmul.f32 v0, v3  }
0xa3c: {  	v20 =	vmul.f32 v26, v33;
	[tilespmem:s12+$0xFFFFFE10] =	vst v12;
	v12 =	vmul.f32 v26, v31  }
0xa3d: {  	v5 =	vpop (erf);
	[tilespmem:s12+$0xFFFFFDD0] =	vst v14;
	v14 =	vmul.f32 v0, v22;
	v0 =	vmul.f32 v0, v25  }
0xa3e: {  	v52 =	vmov v4;
	[tilespmem:s12+$0xFFFFFDF0] =	vst v9;
	v25 =	vmul.f32 v26, v8;
	v22 =	vmul.f32 v26, v11;
	v4 =	vpop (erf)  }
0xa3f: {  	[tilespmem:s12+$0xFFFFFE50] =	vst v6;
	v9 =	vmul.f32 v5, v41;
	v11 =	vmul.f32 v5, v19;
	v38 =	vpop (erf)  }
0xa40: {  	v44 =	vmov v59;
	v3 =	vmul.f32 v5, v39;
	[tilespmem:s12+$0xFFFFFE20] =	vst v14;
	v14 =	vmul.f32 v5, v36;
	v36 =	vpop (erf)  }
0xa41: {  	s14 =	simm.s32 $0x0;
	s16 =	simm.s32 $0x16590;
	s13 =	simm.s32 $0x1B1D0;
	v27 =	vmov v7;
	v6 =	vmul.f32 v5, v10;
	[tilespmem:s12+$0xFFFFFE30] =	vst v0;
	v0 =	vmul.f32 v5, v13;
	v33 =	vpop (erf)  }
.LBB2_20:
0xa42: {  	v7 =	vld [tilespmem:s16+$0x180]  }
0xa43: {  	v10 =	vld [tilespmem:s16+$0x190]  }
0xa44: {  	v13 =	vld [tilespmem:$0x1F030];
	[tilespmem:s12+$0xFFFFFE90] =	vst v22  }
0xa45: {  	v17 =	vld [tilespmem:$0x1F040];
	[tilespmem:s12+$0xFFFFFEE0] =	vst v14  }
0xa46: {  	v21 =	vld [tilespmem:s16+$0xFFFFFE10];
	[tilespmem:s12+$0xFFFFFE60] =	vst v28  }
0xa47: {  	v29 =	vld [tilespmem:s16+$0x1B0];
	[tilespmem:s12+$0xFFFFFE70] =	vst v25  }
0xa48: {  	[tilespmem:s12+$0xFFFFFE80] =	vst v20;
	v25 =	vld [tilespmem:s16+$0x1A0]  }
0xa49: {  	v28 =	vld [tilespmem:s16+$0xFFFFFE80];
	[tilespmem:s12+$0xFFFFFEA0] =	vst v16  }
0xa4a: {  	v8 =	vmul.f32 v5, v51;
	[tilespmem:s12+$0xFFFFFEB0] =	vst v15;
	v15 =	vld [tilespmem:$0x1F050];
	v7 =	vmul.f32 $1.442695020e+00, v7  }
0xa4b: {  	v5 =	vmul.f32 v5, v60;
	v23 =	vmul.f32 v4, v34;
	v18 =	vld [tilespmem:s16+$0xFFFFFE90];
	[tilespmem:s12+$0xFFFFFEC0] =	vst v12  }
0xa4c: {  	v22 =	vmul.f32 v4, v35;
	(erf) = vpow2.f32 v7;
	v7 =	vld [tilespmem:s16+$0xFFFFFF00];
	[tilespmem:s12+$0xFFFFFEF0] =	vst v9  }
0xa4d: {  	v12 =	vld [tilespmem:$0x1F060];
	v13 =	vmul.f32 v4, v13;
	v10 =	vmul.f32 $1.442695020e+00, v10;
	[tilespmem:s12+$0xFFFFFF00] =	vst v11  }
0xa4e: {  	v17 =	vmul.f32 v4, v17;
	v19 =	vmul.f32 $1.442695020e+00, v21;
	v11 =	vld [tilespmem:s16+$0xFFFFFF10];
	[tilespmem:s12+$0xFFFFFF10] =	vst v3  }
0xa4f: {  	v21 =	vld [tilespmem:s16+$0x1C0];
	v14 =	vmul.f32 $1.442695020e+00, v25;
	(erf) = vpow2.f32 v10;
	[tilespmem:s12+$0xFFFFFF20] =	vst v6  }
0xa50: {  	v9 =	vmul.f32 $1.442695020e+00, v28;
	v10 =	vld [tilespmem:s16+$0x1D0];
	[tilespmem:s12+$0xFFFFFF30] =	vst v0;
	(erf) = vpow2.f32 v19  }
0xa51: {  	v6 =	vld [tilespmem:s16+$0xFFFFFF80];
	[tilespmem:s12+$0xFFFFFF40] =	vst v8;
	v19 =	vmul.f32 $1.442695020e+00, v29;
	(erf) = vpow2.f32 v14  }
0xa52: {  	v3 =	vmul.f32 $1.442695020e+00, v18;
	[tilespmem:s12+$0xFFFFFF50] =	vst v5;
	v14 =	vld [tilespmem:s16+$0x1E0];
	(erf) = vpow2.f32 v9  }
0xa53: {  	(erf) = vpow2.f32 v19;
	v0 =	vmul.f32 $1.442695020e+00, v7;
	v7 =	vld [tilespmem:s16+$0x1F0];
	[tilespmem:s12+$0x200] =	vst v2  }
0xa54: {  	v20 =	vmul.f32 v4, v52;
	(erf) = vpow2.f32 v3;
	v3 =	vld [tilespmem:s16+$0xFFFFFF90];
	[tilespmem:s12+$0xFFFFFF70] =	vst v13  }
0xa55: {  	v26 =	vmul.f32 v4, v37;
	v16 =	vmul.f32 v4, v47;
	[tilespmem:s12+$0xFFFFFF80] =	vst v17  }
0xa56: {  	v4 =	vmul.f32 v4, v57;
	v9 =	vmul.f32 $1.442695020e+00, v21;
	[tilespmem:s12+$0xFFFFFF90] =	vst v20  }
0xa57: {  	v15 =	vmul.f32 v38, v15;
	v12 =	vmul.f32 v38, v12;
	[tilespmem:s12+$0xFFFFFFA0] =	vst v23  }
0xa58: {  	v8 =	vmul.f32 $1.442695020e+00, v10;
	[tilespmem:s12+$0xFFFFFFB0] =	vst v22;
	(erf) = vpow2.f32 v9  }
0xa59: {  	v5 =	vmul.f32 $1.442695020e+00, v11;
	[tilespmem:s12+$0xFFFFFFC0] =	vst v26;
	v9 =	vld [tilespmem:s16+$0x0];
	(erf) = vpow2.f32 v0  }
0xa5a: {  	[tilespmem:s12+$0xFFFFFFD0] =	vst v16;
	v0 =	vld [tilespmem:s16+$0x10];
	v10 =	vmul.f32 $1.442695020e+00, v14;
	v13 =	vpop (erf);
	(erf) = vpow2.f32 v8  }
0xa5b: {  	v6 =	vmul.f32 $1.442695020e+00, v6;
	[tilespmem:s12+$0xFFFFFFE0] =	vst v4;
	v8 =	vld [tilespmem:s16+$0x80];
	(erf) = vpow2.f32 v5;
	v11 =	vpop (erf)  }
0xa5c: {  	v5 =	vld [tilespmem:s16+$0x90];
	v7 =	vmul.f32 $1.442695020e+00, v7;
	[tilespmem:$0x1EF90] =	vst v11;
	v11 =	vadd.f32 v11, v13;
	v18 =	vpop (erf);
	(erf) = vpow2.f32 v10  }
0xa5d: {  	[tilespmem:$0x1EF80] =	vst v13;
	v3 =	vmul.f32 $1.442695020e+00, v3;
	v10 =	vld [tilespmem:s16+$0x100];
	(erf) = vpow2.f32 v6;
	v13 =	vpop (erf)  }
0xa5e: {  	v6 =	vmul.f32 $1.442695020e+00, v9;
	v9 =	vld [tilespmem:s16+$0x110];
	[tilespmem:$0x1EFA0] =	vst v13;
	v11 =	vadd.f32 v13, v11;
	v13 =	vpop (erf);
	(erf) = vpow2.f32 v7  }
0xa5f: {  	v7 =	vld [tilespmem:s16+$0xFFFFFE00];
	v0 =	vmul.f32 $1.442695020e+00, v0;
	[tilespmem:$0x1EFF0] =	vst v13;
	(erf) = vpow2.f32 v3;
	v14 =	vpop (erf)  }
0xa60: {  	v3 =	vld [tilespmem:s16+$0xFFFFFE20];
	v8 =	vmul.f32 $1.442695020e+00, v8;
	[tilespmem:$0x1EFB0] =	vst v14;
	v11 =	vadd.f32 v14, v11;
	v14 =	vpop (erf);
	(erf) = vpow2.f32 v6  }
0xa61: {  	v6 =	vld [tilespmem:s16+$0xFFFFFEA0];
	v5 =	vmul.f32 $1.442695020e+00, v5;
	[tilespmem:$0x1F000] =	vst v14;
	v4 =	vadd.f32 v14, v13;
	(erf) = vpow2.f32 v0;
	v13 =	vpop (erf)  }
0xa62: {  	v0 =	vld [tilespmem:s16+$0xFFFFFF20];
	v10 =	vmul.f32 $1.442695020e+00, v10;
	[tilespmem:$0x1EFC0] =	vst v13;
	v14 =	vadd.f32 v13, v11;
	v13 =	vpop (erf);
	(erf) = vpow2.f32 v8  }
0xa63: {  	[tilespmem:s12+$0x10] =	vst v12;
	v8 =	vld [tilespmem:s16+$0xFFFFFFA0];
	v9 =	vmul.f32 $1.442695020e+00, v9;
	(erf) = vpow2.f32 v5;
	v12 =	vpop (erf)  }
0xa64: {  	[tilespmem:s12+$0x0] =	vst v15;
	v2 =	vmul.f32 $1.442695020e+00, v7;
	v11 =	vpop (erf);
	(erf) = vpow2.f32 v10  }
0xa65: {  	[tilespmem:s12+$0x210] =	vst v1;
	v5 =	vld [tilespmem:s16+$0x20];
	v1 =	vmul.f32 $1.442695020e+00, v3;
	(erf) = vpow2.f32 v9;
	v49 =	vpop (erf)  }
0xa66: {  	[tilespmem:$0x1F010] =	vst v13;
	v10 =	vld [tilespmem:s16+$0xA0];
	v3 =	vadd.f32 v11, v13;
	v6 =	vmul.f32 $1.442695020e+00, v6;
	(erf) = vpow2.f32 v2;
	v13 =	vpop (erf)  }
0xa67: {  	[tilespmem:$0x1F020] =	vst v11;
	v9 =	vld [tilespmem:s16+$0x120];
	v11 =	vmul.f32 $1.442695020e+00, v0;
	(erf) = vpow2.f32 v1;
	v0 =	vpop (erf)  }
0xa68: {  	v7 =	vadd.f32 v12, v14;
	v2 =	vld [tilespmem:s16+$0xFFFFFE30];
	v1 =	vmul.f32 $1.442695020e+00, v8;
	(erf) = vpow2.f32 v6;
	v8 =	vpop (erf)  }
0xa69: {  	v14 =	vpop (erf)  }
0xa6a: {  	[tilespmem:$0x1EFD0] =	vst v12;
	v12 =	vld [tilespmem:s16+$0xFFFFFEB0];
	v7 =	vadd.f32 v49, v7;
	v5 =	vmul.f32 $1.442695020e+00, v5;
	v15 =	vpop (erf)  }
0xa6b: {  	v48 =	vmov v62;
	v28 =	vld [tilespmem:s16+$0xC0];
	(erf) = vpow2.f32 v11;
	v10 =	vmul.f32 $1.442695020e+00, v10;
	v62 =	vpop (erf)  }
0xa6c: {  	[tilespmem:$0x1EF70] =	vst v63;
	v25 =	vld [tilespmem:s16+$0xFFFFFF40];
	v7 =	vadd.f32 v0, v7;
	v9 =	vmul.f32 $1.442695020e+00, v9;
	(erf) = vpow2.f32 v1;
	v1 =	vpop (erf)  }
0xa6d: {  	v17 =	vld [tilespmem:$0x1FFB0];
	[tilespmem:$0x1F030] =	vst v13;
	v16 =	vmul.f32 $1.442695020e+00, v2;
	(erf) = vpow2.f32 v5;
	v2 =	vpop (erf)  }
0xa6e: {  	v29 =	vld [tilespmem:s16+$0x140];
	[tilespmem:$0x1F040] =	vst v8;
	v8 =	vadd.f32 v8, v13;
	v13 =	vperm.xlane v7, v32;
	(erf) = vpow2.f32 v10;
	v63 =	vpop (erf)  }
0xa6f: {  	v6 =	vld [tilespmem:s16+$0xFFFFFF30];
	v5 =	vmul.f32 $1.442695020e+00, v12;
	(erf) = vpow2.f32 v9;
	v55 =	vpop (erf)  }
0xa70: {  	v11 =	vld [tilespmem:s16+$0xFFFFFFB0];
	v7 =	vadd.f32 v7, v13;
	v56 =	vpop (erf);
	(erf) = vpow2.f32 v16  }
0xa71: {  	[tilespmem:$0x1F050] =	vst v14;
	v54 =	vpop (erf);
	(erf) = vpow2.f32 v5;
	v5 =	vld [tilespmem:$0x1FFC0]  }
0xa72: {  	[tilespmem:$0x1F060] =	vst v15;
	v14 =	vadd.f32 v15, v14;
	v15 =	vld [tilespmem:s16+$0x30];
	v21 =	vperm.xlane v7, v17  }
0xa73: {  	v20 =	vld [tilespmem:s16+$0xB0]  }
0xa74: {  	v28 =	vmul.f32 $1.442695020e+00, v28;
	v13 =	vld [tilespmem:s16+$0x130];
	v6 =	vmul.f32 $1.442695020e+00, v6;
	v7 =	vadd.f32 v7, v21  }
0xa75: {  	v25 =	vmul.f32 $1.442695020e+00, v25;
	v29 =	vmul.f32 $1.442695020e+00, v29  }
0xa76: {  	v10 =	vld [tilespmem:s16+$0xFFFFFE40];
	v11 =	vmul.f32 $1.442695020e+00, v11;
	v17 =	vperm.xlane v7, v5  }
0xa77: {  	v26 =	vld [tilespmem:s16+$0x40];
	v15 =	vmul.f32 $1.442695020e+00, v15;
	v53 =	vpop (erf);
	(erf) = vpow2.f32 v6  }
0xa78: {  	v20 =	vmul.f32 $1.442695020e+00, v20;
	v9 =	vld [tilespmem:s16+$0xFFFFFEC0];
	v6 =	vpop (erf);
	(erf) = vpow2.f32 v11;
	v30 =	vadd.f32 v7, v17  }
0xa79: {  	v13 =	vmul.f32 $1.442695020e+00, v13;
	v11 =	vld [tilespmem:s16+$0xFFFFFE50];
	v52 =	vmov v6;
	v5 =	vpop (erf);
	(erf) = vpow2.f32 v15  }
0xa7a: {  	v21 =	vld [tilespmem:s16+$0xFFFFFFC0];
	v8 =	vadd.f32 v6, v8;
	v6 =	vpop (erf);
	(erf) = vpow2.f32 v20;
	v31 =	vperm.xlane v30, v40  }
0xa7b: {  	v12 =	vadd.f32 v1, v62;
	v10 =	vmul.f32 $1.442695020e+00, v10;
	v15 =	vld [tilespmem:s16+$0xFFFFFED0];
	v7 =	vpop (erf);
	(erf) = vpow2.f32 v13  }
0xa7c: {  	v26 =	vmul.f32 $1.442695020e+00, v26;
	v22 =	vadd.f32 v63, v2;
	v20 =	vld [tilespmem:s16+$0xFFFFFF50];
	v30 =	vadd.f32 v30, v31  }
0xa7d: {  	v16 =	vadd.f32 v18, v55;
	v9 =	vmul.f32 $1.442695020e+00, v9;
	v13 =	vld [tilespmem:s16+$0xFFFFFFD0];
	v61 =	vpop (erf);
	(erf) = vpow2.f32 v10  }
0xa7e: {  	v4 =	vadd.f32 v54, v4;
	v10 =	vmul.f32 $1.442695020e+00, v11;
	v11 =	vld [tilespmem:s16+$0xD0];
	v59 =	vpop (erf);
	(erf) = vrcp.f32 v30  }
0xa7f: {  	v3 =	vadd.f32 v53, v3;
	v21 =	vmul.f32 $1.442695020e+00, v21;
	v31 =	vld [tilespmem:s16+$0x50];
	(erf) = vpow2.f32 v9  }
0xa80: {  	v14 =	vadd.f32 v5, v14;
	v15 =	vmul.f32 $1.442695020e+00, v15;
	v58 =	vpop (erf);
	v30 =	vld [tilespmem:s16+$0x150];
	(erf) = vpow2.f32 v25  }
0xa81: {  	v40 =	vadd.f32 v59, v4;
	v4 =	vld [tilespmem:s16+$0xFFFFFEE0];
	v20 =	vmul.f32 $1.442695020e+00, v20;
	v34 =	vpop (erf);
	(erf) = vpow2.f32 v21  }
0xa82: {  	v51 =	vadd.f32 v6, v12;
	v41 =	vmul.f32 $1.442695020e+00, v13;
	v9 =	vld [tilespmem:s16+$0xFFFFFE60];
	v12 =	vpop (erf);
	(erf) = vpow2.f32 v26  }
0xa83: {  	v11 =	vmul.f32 $1.442695020e+00, v11;
	v25 =	vadd.f32 v58, v3;
	v3 =	vld [tilespmem:s16+$0xFFFFFF60];
	v13 =	vpop (erf);
	(erf) = vpow2.f32 v28  }
0xa84: {  	v21 =	vmul.f32 $1.442695020e+00, v31;
	v31 =	vadd.f32 v12, v14;
	v14 =	vpop (erf);
	(erf) = vpow2.f32 v29  }
0xa85: {  	v22 =	vadd.f32 v7, v22;
	v30 =	vmul.f32 $1.442695020e+00, v30;
	(erf) = vpow2.f32 v10  }
0xa86: {  	v16 =	vadd.f32 v56, v16;
	v26 =	vld [tilespmem:s16+$0xFFFFFFE0];
	v10 =	vmul.f32 $1.442695020e+00, v4;
	v4 =	vpop (erf);
	(erf) = vpow2.f32 v15  }
0xa87: {  	v60 =	vadd.f32 v14, v22;
	v22 =	vld [tilespmem:s16+$0x160];
	v29 =	vmul.f32 $1.442695020e+00, v9;
	(erf) = vpow2.f32 v20;
	v9 =	vpop (erf)  }
0xa88: {  	v17 =	vmul.f32 $1.442695020e+00, v3;
	v3 =	vpop (erf);
	(erf) = vpow2.f32 v41  }
0xa89: {  	v16 =	vadd.f32 v61, v16;
	v28 =	vld [tilespmem:s16+$0x60];
	v19 =	vmul.f32 v9, v0;
	v0 =	vpop (erf);
	(erf) = vpow2.f32 v21  }
0xa8a: {  	v57 =	vld [tilespmem:s16+$0xE0];
	v35 =	vpop (erf);
	(erf) = vpow2.f32 v11  }
0xa8b: {  	v15 =	vadd.f32 v4, v16;
	v16 =	vld [tilespmem:s16+$0xFFFFFE70];
	v26 =	vmul.f32 $1.442695020e+00, v26;
	v21 =	vpop (erf);
	(erf) = vpow2.f32 v30  }
0xa8c: {  	v8 =	vadd.f32 v34, v8;
	v20 =	vld [tilespmem:s16+$0xFFFFFEF0];
	v23 =	vmul.f32 $1.442695020e+00, v22;
	(erf) = vpow2.f32 v29;
	v22 =	vpop (erf)  }
0xa8d: {  	v47 =	vld [tilespmem:s16+$0xFFFFFF70];
	v37 =	vadd.f32 v3, v40;
	v39 =	vadd.f32 v0, v25;
	(erf) = vpow2.f32 v10;
	v25 =	vpop (erf)  }
0xa8e: {  	v28 =	vmul.f32 $1.442695020e+00, v28;
	v29 =	vld [tilespmem:s16+$0x170];
	v11 =	vpop (erf);
	(erf) = vpow2.f32 v17  }
0xa8f: {  	v57 =	vmul.f32 $1.442695020e+00, v57;
	[tilespmem:$0x1EFE0] =	vst v18;
	v18 =	vld [tilespmem:s16+$0xFFFFFFF0];
	v40 =	vadd.f32 v35, v8;
	v10 =	vpop (erf);
	(erf) = vpow2.f32 v26  }
0xa90: {  	v16 =	vmul.f32 $1.442695020e+00, v16;
	v30 =	vadd.f32 v21, v31;
	v8 =	vpop (erf);
	(erf) = vpow2.f32 v28  }
0xa91: {  	v20 =	vmul.f32 $1.442695020e+00, v20;
	v26 =	vadd.f32 v10, v37;
	v37 =	vpop (erf);
	(erf) = vpow2.f32 v57  }
0xa92: {  	v17 =	vmul.f32 $1.442695020e+00, v47;
	v15 =	vadd.f32 v11, v15;
	v28 =	vpop (erf);
	(erf) = vpow2.f32 v23  }
0xa93: {  	v57 =	vmul.f32 $1.442695020e+00, v29;
	(erf) = vpow2.f32 v16;
	v29 =	vpop (erf)  }
0xa94: {  	v18 =	vmul.f32 $1.442695020e+00, v18;
	v23 =	vadd.f32 v28, v30;
	(erf) = vpow2.f32 v20;
	v30 =	vpop (erf)  }
0xa95: {  	v51 =	vadd.f32 v13, v51;
	v20 =	vpop (erf);
	(erf) = vpow2.f32 v17  }
0xa96: {  	s12 =	sadd.s32 $0x480, s12;
	v41 =	vadd.f32 v20, v15;
	v15 =	vpop (erf);
	(erf) = vpow2.f32 v18;
	v18 =	vmul.f32 v38, v50  }
0xa97: {  	[tilespmem:s12+$0x220] =	vst v19;
	v19 =	vld [tilespmem:s16+$0x70]  }
0xa98: {  	v51 =	vadd.f32 v22, v51;
	[tilespmem:s13+$0x40] =	vst v18;
	v18 =	vld [tilespmem:$0x1F0D0];
	_ =	sdelay $0x1  }
0xa99: {  	v16 =	vadd.f32 v29, v51;
	v51 =	vmul.f32 v38, v42;
	_ =	sdelay $0x1  }
0xa9a: {  	v31 =	vld [tilespmem:s16+$0xF0];
	v17 =	vmul.f32 v38, v27  }
0xa9b: {  	[tilespmem:s13+$0x20] =	vst v51;
	v18 =	vmul.f32 v38, v18  }
0xa9c: {  	[tilespmem:s13+$0x30] =	vst v17;
	v17 =	vmul.f32 v38, v46;
	v51 =	vpop (erf)  }
0xa9d: {  	v47 =	vpop (erf);
	[tilespmem:s13+$0x60] =	vst v18;
	v18 =	vld [tilespmem:$0x1F070]  }
0xa9e: {  	v42 =	vadd.f32 v15, v26;
	[tilespmem:s13+$0x50] =	vst v17;
	v17 =	vld [tilespmem:$0x1F100];
	v26 =	vpop (erf)  }
0xa9f: {  	v19 =	vmul.f32 $1.442695020e+00, v19;
	v31 =	vmul.f32 $1.442695020e+00, v31;
	[tilespmem:$0x1F0D0] =	vst v26;
	v23 =	vadd.f32 v26, v23;
	v26 =	vld [tilespmem:$0x1F0A0]  }
0xaa0: {  	v60 =	vadd.f32 v25, v60;
	v39 =	vadd.f32 v8, v39  }
0xaa1: {  	v40 =	vadd.f32 v37, v40;
	v27 =	vmul.f32 v36, v43;
	(erf) = vpow2.f32 v19  }
0xaa2: {  	v19 =	vadd.f32 v51, v39;
	(erf) = vpow2.f32 v31;
	v18 =	vmul.f32 v36, v18  }
0xaa3: {  	[tilespmem:s13+$0xA0] =	vst v27;
	v39 =	vadd.f32 v47, v40;
	(erf) = vpow2.f32 v57;
	v31 =	vpop (erf);
	v17 =	vmul.f32 v38, v17  }
0xaa4: {  	v40 =	vadd.f32 v31, v16;
	v16 =	vpop (erf);
	v50 =	vmul.f32 v36, v26;
	[tilespmem:s13+$0x90] =	vst v18;
	v18 =	vmul.f32 v36, v24;
	v24 =	vld [tilespmem:$0x1F0E0]  }
0xaa5: {  	v60 =	vadd.f32 v30, v60;
	v27 =	vld [tilespmem:$0x1F110];
	v38 =	vpop (erf);
	[tilespmem:s13+$0x70] =	vst v17  }
0xaa6: {  	v17 =	vmul.f32 v36, v44;
	v26 =	vpop (erf);
	[tilespmem:s13+$0xC0] =	vst v50;
	v50 =	vld [tilespmem:$0x1F090]  }
0xaa7: {  	v42 =	vadd.f32 v26, v42  }
0xaa8: {  	v45 =	vmul.f32 v36, v45;
	v46 =	vmul.f32 v33, v48;
	v41 =	vadd.f32 v38, v41;
	[tilespmem:s13+$0xB0] =	vst v17;
	v17 =	vld [tilespmem:$0x1F080]  }
0xaa9: {  	v44 =	vadd.f32 v16, v60;
	v60 =	vpop (erf);
	v48 =	vperm.xlane v42, v32;
	v24 =	vmul.f32 v36, v24  }
0xaaa: {  	v19 =	vadd.f32 v60, v19;
	v57 =	vpop (erf);
	v36 =	vmul.f32 v36, v27;
	v27 =	vperm.xlane v41, v32  }
0xaab: {  	v39 =	vadd.f32 v57, v39;
	v43 =	vmul.f32 v33, v50;
	v50 =	vpop (erf)  }
0xaac: {  	[tilespmem:$0x1F100] =	vst v50;
	v23 =	vadd.f32 v50, v23;
	v50 =	vpop (erf);
	v27 =	vadd.f32 v41, v27;
	v41 =	vperm.xlane v19, v32  }
0xaad: {  	v42 =	vadd.f32 v42, v48;
	v17 =	vmul.f32 v33, v17;
	[tilespmem:$0x1F110] =	vst v50;
	v40 =	vadd.f32 v50, v40;
	v48 =	vpop (erf);
	v50 =	vld [tilespmem:$0x1FFB0]  }
0xaae: {  	[tilespmem:s13+$0xE0] =	vst v45;
	v19 =	vadd.f32 v19, v41;
	v41 =	vadd.f32 v48, v44;
	v44 =	vld [tilespmem:$0x1FFB0]  }
0xaaf: {  	[tilespmem:s13+$0x120] =	vst v17;
	v17 =	vld [tilespmem:$0x1FFB0]  }
0xab0: {  	v45 =	vperm.xlane v39, v32;
	[tilespmem:s13+$0xD0] =	vst v18  }
0xab1: {  	v18 =	vld [tilespmem:$0x1F0B0];
	[tilespmem:s13+$0x140] =	vst v43  }
0xab2: {  	v39 =	vadd.f32 v39, v45;
	v43 =	vld [tilespmem:$0x1FFB0];
	[tilespmem:s13+$0xF0] =	vst v24;
	v24 =	vperm.xlane v23, v32;
	v45 =	vperm.xlane v19, v50  }
0xab3: {  	[tilespmem:s13+$0x100] =	vst v36;
	v50 =	vld [tilespmem:$0x1FFB0];
	v36 =	vperm.xlane v27, v44;
	v44 =	vperm.xlane v40, v32  }
0xab4: {  	v17 =	vperm.xlane v42, v17  }
0xab5: {  	v23 =	vadd.f32 v23, v24;
	v24 =	vperm.xlane v41, v32;
	v40 =	vadd.f32 v40, v44;
	v44 =	vld [tilespmem:$0x1FFC0]  }
0xab6: {  	v18 =	vmul.f32 v33, v18;
	v17 =	vadd.f32 v42, v17  }
0xab7: {  	[tilespmem:s13+$0x130] =	vst v46;
	v24 =	vadd.f32 v41, v24;
	v27 =	vadd.f32 v27, v36;
	v36 =	vperm.xlane v23, v43  }
0xab8: {  	[tilespmem:s13+$0x150] =	vst v18;
	v18 =	vadd.f32 v19, v45;
	v46 =	vperm.xlane v39, v50;
	v50 =	vmovc v62;
	v62 =	vmov v2  }
0xab9: {  	v45 =	vld [tilespmem:$0x1FFF0];
	[tilespmem:$0x1F070] =	vst v50;
	v50 =	vperm.xlane v24, v43;
	v19 =	vperm.xlane v40, v43;
	v23 =	vadd.f32 v23, v36  }
0xaba: {  	[tilespmem:$0x1F080] =	vst v62;
	v39 =	vadd.f32 v39, v46;
	v43 =	vmov v1;
	v1 =	vperm.xlane v27, v44  }
0xabb: {  	v62 =	vmovc v63;
	v19 =	vadd.f32 v40, v19;
	v41 =	vperm.xlane v17, v44;
	v63 =	vperm.xlane v23, v44  }
0xabc: {  	v24 =	vadd.f32 v24, v50;
	v2 =	vperm.xlane v18, v44;
	v1 =	vadd.f32 v27, v1  }
0xabd: {  	v42 =	vmovc v5;
	v40 =	vperm.xlane v39, v44;
	v50 =	vperm.xlane v19, v44;
	v5 =	vadd.f32 v17, v41  }
0xabe: {  	v2 =	vadd.f32 v18, v2;
	v17 =	vperm.xlane v24, v44;
	v44 =	vmovc v6;
	v6 =	vperm.xlane v1, v45  }
0xabf: {  	v23 =	vadd.f32 v23, v63;
	v63 =	vmov v7;
	v7 =	vperm.xlane v5, v45  }
0xac0: {  	v1 =	vadd.f32 v1, v6;
	v6 =	vperm.xlane v2, v45  }
0xac1: {  	v5 =	vadd.f32 v5, v7  }
0xac2: {  	v2 =	vadd.f32 v2, v6;
	(erf) = vrcp.f32 v1  }
0xac3: {  	(erf) = vrcp.f32 v5  }
0xac4: {  	(erf) = vrcp.f32 v2;
	v2 =	vld [tilespmem:$0x1F0C0];
	_ =	sdelay $0x2  }
0xac5: {  	v18 =	vadd.f32 v39, v40  }
0xac6: {  	v5 =	vld [tilespmem:$0x1EF70]  }
0xac7: {  	v27 =	vmovc v12;
	v17 =	vadd.f32 v24, v17;
	v12 =	vperm.xlane v18, v45;
	v2 =	vmul.f32 v33, v2;
	_ =	sdelay $0x1  }
0xac8: {  	v6 =	vadd.f32 v18, v12;
	v12 =	vperm.xlane v17, v45;
	[tilespmem:s13+$0x170] =	vst v2;
	v2 =	vld [tilespmem:$0x1F120]  }
0xac9: {  	v19 =	vadd.f32 v19, v50  }
0xaca: {  	v5 =	vmul.f32 v33, v5  }
0xacb: {  	v24 =	vmov v13;
	v13 =	vperm.xlane v19, v45  }
0xacc: {  	v7 =	vperm.xlane v23, v45;
	v1 =	vadd.f32 v17, v12;
	v12 =	vmov v16;
	[tilespmem:s13+$0x160] =	vst v5;
	v5 =	vld [tilespmem:$0x1F0F0]  }
0xacd: {  	v14 =	vmovc v14;
	(erf) = vrcp.f32 v6;
	v6 =	vmov v48;
	[tilespmem:$0x1F0F0] =	vst v12;
	v12 =	vld [tilespmem:$0x1EFE0];
	v2 =	vmul.f32 v33, v2  }
0xace: {  	v7 =	vadd.f32 v23, v7;
	[tilespmem:$0x1F120] =	vst v6;
	v6 =	vld [tilespmem:$0x1EF80]  }
0xacf: {  	v13 =	vadd.f32 v19, v13;
	[tilespmem:s13+$0x190] =	vst v2;
	v2 =	vld [tilespmem:$0x1EFB0]  }
0xad0: {  	[tilespmem:$0x1F0B0] =	vst v14;
	v14 =	vmov v31;
	(erf) = vrcp.f32 v7  }
0xad1: {  	[tilespmem:$0x1F0E0] =	vst v14;
	(erf) = vrcp.f32 v13;
	v5 =	vmul.f32 v33, v5  }
0xad2: {  	[tilespmem:$0x1F090] =	vst v63;
	(erf) = vrcp.f32 v1;
	v1 =	vld [tilespmem:$0x1EFA0]  }
0xad3: {  	v7 =	vpop (erf);
	v6 =	vmul.f32 v9, v6;
	[tilespmem:s13+$0x180] =	vst v5;
	v5 =	vld [tilespmem:$0x1EF90]  }
0xad4: {  	[tilespmem:$0x1F0A0] =	vst v24;
	v17 =	vmov v30;
	v12 =	vmul.f32 v7, v12;
	v13 =	vmul.f32 v9, v2;
	v2 =	vld [tilespmem:$0x1EFC0]  }
0xad5: {  	[tilespmem:$0x1F0C0] =	vst v17  }
0xad6: {  	v14 =	vmul.f32 v7, v61;
	[tilespmem:s12+$0xFFFFFDD0] =	vst v12;
	v12 =	vld [tilespmem:$0x1EFF0]  }
0xad7: {  	v1 =	vmul.f32 v9, v1;
	[tilespmem:s12+$0x1B0] =	vst v6;
	v6 =	vpop (erf)  }
0xad8: {  	v24 =	vmov v22;
	[tilespmem:s12+$0xFFFFFDF0] =	vst v14;
	v22 =	vmul.f32 v6, v3;
	v3 =	vld [tilespmem:$0x1F010];
	v5 =	vmul.f32 v9, v5  }
0xad9: {  	[tilespmem:s12+$0x1E0] =	vst v13;
	v13 =	vmul.f32 v7, v56;
	v16 =	vmul.f32 v9, v2;
	v2 =	vld [tilespmem:$0x1EFD0]  }
0xada: {  	v11 =	vmul.f32 v7, v11;
	v17 =	vmul.f32 v7, v20;
	[tilespmem:s12+$0x1D0] =	vst v1  }
0xadb: {  	v1 =	vmul.f32 v9, v49;
	[tilespmem:s12+$0xFFFFFDE0] =	vst v13;
	v13 =	vmul.f32 v6, v12;
	v12 =	vld [tilespmem:$0x1F000]  }
0xadc: {  	v63 =	vmov v25;
	v25 =	vmul.f32 v6, v54;
	v20 =	vmul.f32 v6, v59;
	[tilespmem:s12+$0x1C0] =	vst v5;
	v5 =	vpop (erf)  }
0xadd: {  	s14 =	sadd.s32 $0x8, s14;
	[tilespmem:s12+$0xFFFFFE10] =	vst v11;
	v15 =	vmul.f32 v6, v15;
	v14 =	vmul.f32 v5, v3  }
0xade: {  	p0 =	slt.u32 s14, $0x48;
	[tilespmem:s12+$0xFFFFFE20] =	vst v17;
	v3 =	vld [tilespmem:$0x1F020];
	v2 =	vmul.f32 v9, v2;
	v9 =	vmul.f32 v7, v55  }
.Ltmp9:
0xadf: {  	v11 =	vmul.f32 v5, v53;
	[tilespmem:s12+$0x1F0] =	vst v16;
	v16 =	vmul.f32 v6, v10;
	(pc) =	sbr.rel @p0 .LBB2_20-.Ltmp9, $4  }
0xae0: {  	v46 =	vmov v28;
	v28 =	vmul.f32 v6, v12;
	[tilespmem:s12+$0xFFFFFDC0] =	vst v9;
	v9 =	vmul.f32 v7, v4;
	v4 =	vpop (erf)  }
0xae1: {  	v40 =	vmov v45;
	[tilespmem:s12+$0xFFFFFE50] =	vst v13;
	v12 =	vmul.f32 v6, v26;
	v7 =	vmul.f32 v7, v38;
	v38 =	vpop (erf)  }
0xae2: {  	v50 =	vmov v21;
	v6 =	vmul.f32 v5, v0;
	v0 =	vmul.f32 v5, v8;
	v36 =	vpop (erf);
	[tilespmem:s12+$0xFFFFFE00] =	vst v9  }
0xae3: {  	s16 =	sadd.s32 $0x400, s16;
	v45 =	vmov v29;
	s13 =	smov.u32 s12;
	v9 =	vmul.f32 v5, v3;
	[tilespmem:s12+$0xFFFFFE30] =	vst v7;
	v3 =	vmul.f32 v5, v58;
	v33 =	vpop (erf)  }
0xae4: {  	[tilespmem:s12+$0xFFFFFE60] =	vst v28  }
0xae5: {  	[tilespmem:s12+$0xFFFFFE70] =	vst v25  }
0xae6: {  	[tilespmem:s12+$0xFFFFFE80] =	vst v20  }
0xae7: {  	[tilespmem:s12+$0xFFFFFE90] =	vst v22  }
0xae8: {  	[tilespmem:s12+$0xFFFFFEA0] =	vst v16  }
0xae9: {  	[tilespmem:s12+$0xFFFFFEB0] =	vst v15  }
0xaea: {  	[tilespmem:s12+$0xFFFFFEC0] =	vst v12  }
0xaeb: {  	[tilespmem:s12+$0xFFFFFEE0] =	vst v14  }
0xaec: {  	[tilespmem:s12+$0xFFFFFF00] =	vst v11  }
0xaed: {  	[tilespmem:s12+$0xFFFFFF20] =	vst v6  }
0xaee: {  	[tilespmem:s12+$0xFFFFFF30] =	vst v0  }
0xaef: {  	[tilespmem:s12+$0xFFFFFF10] =	vst v3;
	v3 =	vmul.f32 v5, v51  }
0xaf0: {  	[tilespmem:s12+$0xFFFFFEF0] =	vst v9  }
0xaf1: {  	v0 =	vld [tilespmem:$0x1F030];
	[tilespmem:s12+$0xFFFFFF40] =	vst v3  }
0xaf2: {  	v5 =	vmul.f32 v5, v60;
	v3 =	vld [tilespmem:$0x1F040];
	_ =	sdelay $0x1  }
0xaf3: {  	[tilespmem:s12+$0xFFFFFF50] =	vst v5;
	v5 =	vmul.f32 v4, v52  }
0xaf4: {  	v52 =	vmul.f32 v4, v34  }
0xaf5: {  	[tilespmem:s12+$0xFFFFFF90] =	vst v5;
	v5 =	vmul.f32 v4, v37  }
0xaf6: {  	[tilespmem:s12+$0xFFFFFFA0] =	vst v52;
	v3 =	vmul.f32 v4, v3  }
0xaf7: {  	v0 =	vmul.f32 v4, v0;
	[tilespmem:s12+$0xFFFFFFC0] =	vst v5  }
0xaf8: {  	[tilespmem:s12+$0xFFFFFF80] =	vst v3;
	v3 =	vmul.f32 v4, v35  }
0xaf9: {  	v53 =	vmul.f32 v4, v47;
	[tilespmem:s12+$0xFFFFFF70] =	vst v0  }
0xafa: {  	[tilespmem:s12+$0xFFFFFFB0] =	vst v3  }
0xafb: {  	v3 =	vmul.f32 v4, v57;
	v4 =	vld [tilespmem:$0x1F050];
	[tilespmem:s12+$0xFFFFFFD0] =	vst v53  }
0xafc: {  	v0 =	vld [tilespmem:$0x1F060];
	_ =	sdelay $0x2  }
0xafd: {  	[tilespmem:s12+$0xFFFFFFE0] =	vst v3  }
0xafe: {  	[tilespmem:s12+$0x200] =	vst v2;
	v4 =	vmul.f32 v38, v4  }
0xaff: {  	[tilespmem:s12+$0x210] =	vst v1;
	v0 =	vmul.f32 v38, v0  }
0xb00: {  	v54 =	vmul.f32 v38, v42;
	[tilespmem:s12+$0x0] =	vst v4  }
0xb01: {  	v55 =	vmul.f32 v38, v27;
	[tilespmem:s12+$0x10] =	vst v0  }
0xb02: {  	v56 =	vmul.f32 v38, v50;
	[tilespmem:s13+$0x20] =	vst v54  }
0xb03: {  	[tilespmem:s13+$0x30] =	vst v55  }
0xb04: {  	[tilespmem:s13+$0x40] =	vst v56  }
0xb05: {  	v0 =	vld [tilespmem:$0x1F0D0];
	_ =	sdelay $0x3  }
0xb06: {  	v57 =	vmul.f32 v38, v46  }
0xb07: {  	v0 =	vmul.f32 v38, v0  }
0xb08: {  	[tilespmem:s13+$0x50] =	vst v57  }
0xb09: {  	v1 =	vld [tilespmem:$0x1F100];
	[tilespmem:s13+$0x60] =	vst v0  }
0xb0a: {  	v0 =	vld [tilespmem:$0x1F070];
	_ =	sdelay $0x3  }
0xb0b: {  	v1 =	vmul.f32 v38, v1  }
0xb0c: {  	v0 =	vmul.f32 v36, v0  }
0xb0d: {  	[tilespmem:s13+$0x70] =	vst v1  }
0xb0e: {  	[tilespmem:s13+$0x90] =	vst v0  }
0xb0f: {  	v0 =	vld [tilespmem:$0x1F0A0];
	_ =	sdelay $0x2  }
0xb10: {  	v58 =	vmul.f32 v36, v43  }
0xb11: {  	v59 =	vmul.f32 v36, v44  }
0xb12: {  	[tilespmem:s13+$0xA0] =	vst v58;
	v0 =	vmul.f32 v36, v0  }
0xb13: {  	v60 =	vmul.f32 v36, v24;
	[tilespmem:s13+$0xB0] =	vst v59  }
0xb14: {  	v61 =	vmul.f32 v36, v45;
	[tilespmem:s13+$0xC0] =	vst v0  }
0xb15: {  	v0 =	vld [tilespmem:$0x1F0E0];
	[tilespmem:s13+$0xD0] =	vst v60  }
0xb16: {  	v2 =	vld [tilespmem:$0x1F110];
	[tilespmem:s13+$0xE0] =	vst v61  }
0xb17: {  	v1 =	vld [tilespmem:$0x1F080];
	_ =	sdelay $0x2  }
0xb18: {  	v0 =	vmul.f32 v36, v0  }
0xb19: {  	v2 =	vmul.f32 v36, v2  }
0xb1a: {  	v1 =	vmul.f32 v33, v1;
	[tilespmem:s13+$0xF0] =	vst v0  }
0xb1b: {  	[tilespmem:s13+$0x100] =	vst v2  }
0xb1c: {  	v2 =	vld [tilespmem:$0x1F090];
	[tilespmem:s13+$0x120] =	vst v1  }
0xb1d: {  	v1 =	vld [tilespmem:$0x1F0B0];
	_ =	sdelay $0x2  }
0xb1e: {  	v62 =	vmul.f32 v33, v62  }
0xb1f: {  	v2 =	vmul.f32 v33, v2  }
0xb20: {  	[tilespmem:s13+$0x130] =	vst v62;
	v1 =	vmul.f32 v33, v1  }
0xb21: {  	[tilespmem:s13+$0x140] =	vst v2  }
0xb22: {  	[tilespmem:s13+$0x150] =	vst v1  }
0xb23: {  	v1 =	vld [tilespmem:$0x1F0C0];
	_ =	sdelay $0x3  }
0xb24: {  	v63 =	vmul.f32 v33, v63  }
0xb25: {  	v1 =	vmul.f32 v33, v1  }
0xb26: {  	[tilespmem:s13+$0x160] =	vst v63  }
0xb27: {  	v0 =	vld [tilespmem:$0x1F0F0];
	[tilespmem:s13+$0x170] =	vst v1  }
0xb28: {  	v1 =	vld [tilespmem:$0x1F120];
	_ =	sdelay $0x3  }
0xb29: {  	v0 =	vmul.f32 v33, v0  }
0xb2a: {  	v1 =	vmul.f32 v33, v1  }
0xb2b: {  	[tilespmem:s13+$0x180] =	vst v0  }
0xb2c: {  	[tilespmem:s13+$0x190] =	vst v1  }
0xb2d: {  	[spmem:s4] =	stream.indirect.scatter.add.f32 [tilespmem:s29], [sflag:$0x3], $0x90, s2, s9, $0xb8;
	[tilespmem:$0x1DD30] =	vst v63  }
0xb2e: {  	_ =	swait.ge [sflag:s30], $0x2D00  }
0xb2f: {  	s17 =	stileid.u32;
	[sflag:s30] =	ssyncset.done $0x0  }
0xb30: {  	s18 =	sshrl.u32 s8, $0x3;
	s12 =	sshll.u32 s17, $0x6;
	[sflag:s30] =	ssyncadd.s32 $0xFFFFD300  }
0xb31: {  	s11 =	sadd.s32 $0x1, s11;
	s12 =	sor.u32 $0x1C03, s12;
	[bflag:$0x0] =	sbarrier.arrive $0xFFFF  }
0xb32: {  	[hbm:s26], [sflag:s12] =	dma.local [spmem:s18], $0x2BF2  }
0xb33: {  	p0 =	sne.s32 s11, s28;
	_ =	swait.ge [sflag:s30], $0x2BF2  }
.Ltmp10:
0xb34: {  	v5 =	vld [tilespmem:$0x1FFD0];
	(pc) =	sbr.rel @p0 .LBB2_1-.Ltmp10, $3  }
0xb35: {  	_ =	sdelay $0x1  }
0xb36: {  	[sflag:s30] =	ssyncset.done $0x0  }
0xb37: {  	v7 =	vimm.f32 $0.0e+00;
	[sflag:s30] =	ssyncadd.s32 $0xFFFFD40E  }
0xb38: {  	_ =	sfence.sel $0x180000  }
0xb39: {  	[bflag:$0x0] =	sbarrier.arrive $0xFFFF  }
0xb3a: {  	_ =	strace $0x90000047  }
0xb3b: {  	s0 =	stileid.u32;
	[bflag:$0x2] =	sbarrier.arrive $0xFFFF  }
0xb3c: {  	p0 =	sne.s32 s0, $0x0;
	s0 =	rddreg [dreg:$0x4]  }
0xb3d: {  	s0 =	sadd.s32 @!p0 $0x100000, s0  }
0xb3e: {  	[sflag:s0] =	ssyncadd.tile.s32 @!p0 $0x1;
	_ =	shalt  }
.Lfunc_end2:
_tile_overlayer_lowered:
.L_overlay_start_2:
0xb3f: {  	(tag) =	ssettag $0x2  }
0xb40: {  	s0 =	rddreg [dreg:$0x0];
	s2 =	stileid.u32  }
0xb41: {  	s1 =	rddreg [dreg:$0x1];
	p0 =	sne.s32 s2, $0x0  }
0xb42: {  	s3 =	rddreg [dreg:$0x2];
	[bflag:$0x3] =	sbarrier.arrive $0xFFFF;
	s2 =	simm.s32 @!p0 $0x1C03  }
0xb43: {  	[timem:s3], [sflag:s2] =	dma.local @!p0 [hbm:s0], s1  }
0xb44: {  	s0 =	simm.s32 @!p0 $0x3  }
0xb45: {  	_ =	swait.ge @!p0 [sflag:s0], s1  }
0xb46: {  	s1 =	ssub.s32 @!p0 $0x0, s1;
	[sflag:s0] =	ssyncset.done @!p0 $0x0  }
0xb47: {  	[sflag:s0] =	ssyncadd.s32 @!p0 s1  }
0xb48: {  	[bflag:$0x3] =	sbarrier.arrive $0xFFFF  }
0xb49: {  	_ =	shalt  }

</sc_bundles>
